<compile_context>
chip_gen: v7x
topology: tpu7x:2x2x1
jax: 0.10.2.dev20260603
libtpu: 0.0.44.dev20260713+nightly
codegen_flags: <defaults>
</compile_context>

<pallas_src>
import functools

import jax
import jax.numpy as jnp
from jax import lax
from jax.experimental import pallas as pl
from jax.experimental.pallas import tpu as pltpu
from jax.experimental.pallas import tpu_sc as plsc

_NC, _NS, _L = 2, 16, 16
_NW = _NC * _NS
_MAX_SLIP = 0.4
_MAX_GUESS = 0.4
_T_INV = 1.0 / 50.0
_SW = 8


def _sigmoid(x):
    return 1.0 / (1.0 + jnp.exp(-x))


def _make_sc_kernel(B, H, S, C):
    RPW = B // _NW
    NCHUNK = RPW // C
    NPAIR = NCHUNK // 2
    GRP = C // _L
    HB = H // _L
    OFF_W1 = 3 * H
    OFF_B1 = OFF_W1 + 48
    OFF_W2 = OFF_B1 + 16
    OFF_B2 = OFF_W2 + 16
    WPACK = OFF_B2 + 16

    mesh = plsc.VectorSubcoreMesh(core_axis_name="c", subcore_axis_name="s",
                                  num_cores=_NC, num_subcores=_NS)

    bufset = (
        [pltpu.VMEM((C,), jnp.int32)] * 4
        + [pltpu.VMEM((C, H), jnp.float32),
           pltpu.VMEM((C, S, H), jnp.float32),
           pltpu.VMEM((C, H), jnp.float32)]
        + [pltpu.VMEM((C, _SW), jnp.float32)] * 7
        + [pltpu.VMEM((C,), jnp.float32)]
    )
    NBUF = len(bufset)

    @functools.partial(
        pl.kernel,
        out_type=jax.ShapeDtypeStruct((B,), jnp.float32),
        mesh=mesh,
        scratch_types=(
            bufset + bufset + [
                pltpu.VMEM((WPACK,), jnp.float32),
                pltpu.VMEM((_L, _L + 1), jnp.float32),
                pltpu.VMEM((_L, _L + 1), jnp.float32),
                pltpu.VMEM((3, _L), jnp.float32),
                pltpu.SemaphoreType.DMA,
                pltpu.SemaphoreType.DMA,
            ]
        ),
        compiler_params=pltpu.CompilerParams(
            needs_layout_passes=False, use_tc_tiling_on_sc=False),
    )
    def k(user, item, knowledge, theta_t, a0_t, a1_t, a2_t, sl_t, gu_t,
          w0_t, w1_t, q_t, wpack, out, *scratch):
        buf_a = scratch[:NBUF]
        buf_b = scratch[NBUF:2 * NBUF]
        wp_v, st0_v, st1_v, fb_v, sem_a, sem_b = scratch[2 * NBUF:]
        wid = lax.axis_index("s") * _NC + lax.axis_index("c")
        pltpu.sync_copy(wpack, wp_v)
        lanes = lax.iota(jnp.int32, _L)
        z16 = jnp.zeros((_L,), jnp.int32)
        o16 = jnp.ones((_L,), jnp.int32)
        aw = [[wp_v[pl.ds(j * H + kk * _L, _L)] for kk in range(HB)]
              for j in range(3)]
        w1c = [wp_v[pl.ds(OFF_W1 + 16 * kk, 16)] for kk in range(3)]
        b1v = wp_v[pl.ds(OFF_B1, 16)]
        w2v = wp_v[pl.ds(OFF_W2, 16)]
        b2s = wp_v[pl.ds(OFF_B2, 16)][0]
        fzero = jnp.zeros((_L,), jnp.float32)

        def descs(chunk, bufs, sem):
            (idx_u, idx_i, uridx, iridx, th_v, q_v, kn_v,
             a0v, a1v, a2v, slv, guv, w0v, w1v, out_v) = bufs
            base = wid * RPW + chunk * C
            return (
                (theta_t.at[idx_u], th_v),
                (q_t.at[idx_i], q_v),
                (knowledge.at[pl.ds(base, C)], kn_v),
                (a0_t.at[uridx], a0v),
                (a1_t.at[uridx], a1v),
                (a2_t.at[uridx], a2v),
                (sl_t.at[iridx], slv),
                (gu_t.at[iridx], guv),
                (w0_t.at[iridx], w0v),
                (w1_t.at[iridx], w1v),
            )

        def fire(chunk, bufs, sem):
            (idx_u, idx_i, uridx, iridx) = bufs[:4]
            base = wid * RPW + chunk * C
            pltpu.sync_copy(user.at[pl.ds(base, C)], idx_u)
            pltpu.sync_copy(item.at[pl.ds(base, C)], idx_i)
            for g in range(GRP):
                sl_ = pl.ds(g * _L, _L)
                uridx[sl_] = lax.shift_right_logical(idx_u[sl_], 3)
                iridx[sl_] = lax.shift_right_logical(idx_i[sl_], 3)
            for src, dst in descs(chunk, bufs, sem):
                pltpu.async_copy(src, dst, sem)

        def drain(chunk, bufs, sem):
            for src, dst in descs(chunk, bufs, sem):
                pltpu.make_async_copy(src, dst, sem).wait()

        def compute(chunk, bufs):
            (idx_u, idx_i, uridx, iridx, th_v, q_v, kn_v,
             a0v, a1v, a2v, slv, guv, w0v, w1v, out_v) = bufs
            base = wid * RPW + chunk * C

            def group(g, _):
                r0 = g * _L
                ridx = r0 + lanes
                ou = jnp.bitwise_and(idx_u[pl.ds(r0, _L)], 7)
                oi = jnp.bitwise_and(idx_i[pl.ds(r0, _L)], 7)
                a0 = plsc.load_gather(a0v, [ridx, ou])
                a1 = plsc.load_gather(a1v, [ridx, ou])
                a2 = plsc.load_gather(a2v, [ridx, ou])
                acc = fzero
                for j in range(16):
                    hj = w1c[0][j] * a0 + w1c[1][j] * a1 + w1c[2][j] * a2 + b1v[j]
                    acc = acc + w2v[j] * jnp.maximum(hj, 0.0)
                af = _sigmoid(acc + b2s)
                fb_v[0, pl.ds(0, _L)] = af * a0
                fb_v[1, pl.ds(0, _L)] = af * a1
                fb_v[2, pl.ds(0, _L)] = af * a2

                @plsc.parallel_loop(0, _L, 1, unroll=2)
                def _row(r):
                    row = r0 + r
                    rv = jnp.full((_L,), r, jnp.int32)
                    s0 = plsc.load_gather(fb_v, [z16, rv])
                    s1 = plsc.load_gather(fb_v, [o16, rv])
                    s2 = plsc.load_gather(fb_v, [z16 + 2, rv])
                    m0p = fzero
                    m1p = fzero
                    for kk in range(HB):
                        c0 = kk * _L
                        th = (th_v[row, pl.ds(c0, _L)]
                              + s0 * aw[0][kk] + s1 * aw[1][kk] + s2 * aw[2][kk])
                        sg = _sigmoid(th) - 0.5
                        kq = kn_v[row, pl.ds(c0, _L)] * sg
                        m0p = m0p + kq * _sigmoid(q_v[row, 0, pl.ds(c0, _L)])
                        m1p = m1p + kq * _sigmoid(q_v[row, 1, pl.ds(c0, _L)])
                    st0_v[r, pl.ds(0, _L)] = m0p
                    st1_v[r, pl.ds(0, _L)] = m1p

                m0 = fzero
                m1 = fzero
                for j in range(_L):
                    jj = jnp.full((_L,), j, jnp.int32)
                    m0 = m0 + plsc.load_gather(st0_v, [lanes, jj])
                    m1 = m1 + plsc.load_gather(st1_v, [lanes, jj])
                p0 = _sigmoid(m0 * _T_INV)
                p1 = _sigmoid(m1 * _T_INV)
                slip = _sigmoid(plsc.load_gather(slv, [ridx, oi])) * _MAX_SLIP
                guess = _sigmoid(plsc.load_gather(guv, [ridx, oi])) * _MAX_GUESS
                w0 = plsc.load_gather(w0v, [ridx, oi])
                w1 = plsc.load_gather(w1v, [ridx, oi])
                sp0 = _sigmoid(w0 - w1)
                span = 1.0 - slip - guess
                cc0 = guess + span * p0
                cc1 = guess + span * p1
                out_v[pl.ds(r0, _L)] = cc1 + sp0 * (cc0 - cc1)
                return 0

            lax.fori_loop(0, GRP, group, 0)
            pltpu.sync_copy(out_v, out.at[pl.ds(base, C)])

        fire(0, buf_a, sem_a)

        def pair_body(i, _):
            c0 = 2 * i
            c1 = c0 + 1
            fire(c1, buf_b, sem_b)
            drain(c0, buf_a, sem_a)
            compute(c0, buf_a)

            @pl.when(c0 + 2 < NCHUNK)
            def _fire_next():
                fire(c0 + 2, buf_a, sem_a)

            drain(c1, buf_b, sem_b)
            compute(c1, buf_b)
            return 0

        lax.fori_loop(0, NPAIR, pair_body, 0)

    return k


def kernel(user, item, knowledge, theta_table, affect_table, slip_table,
           guess_table, strategy_weights, strategy_q, affect_weight,
           W1, b1, W2, b2):
    B = user.shape[0]
    H = theta_table.shape[1]
    S = strategy_weights.shape[1]
    I = slip_table.shape[0]
    cols8 = lambda t, j: t[:, j].reshape(t.shape[0] // _SW, _SW)
    a0_t = cols8(affect_table, 0)
    a1_t = cols8(affect_table, 1)
    a2_t = cols8(affect_table, 2)
    sl_t = slip_table.reshape(I // _SW, _SW)
    gu_t = guess_table.reshape(I // _SW, _SW)
    w0_t = cols8(strategy_weights, 0)
    w1_t = cols8(strategy_weights, 1)
    wpack = jnp.concatenate([
        affect_weight.reshape(-1),
        W1.T.reshape(-1),
        b1.reshape(-1),
        W2.reshape(-1),
        b2.reshape(-1),
        jnp.zeros((15,), jnp.float32),
    ])
    k = _make_sc_kernel(B, H, S, 64)
    return k(user.astype(jnp.int32), item.astype(jnp.int32), knowledge,
             theta_table, a0_t, a1_t, a2_t, sl_t, gu_t, w0_t, w1_t,
             strategy_q, wpack)

# --- scband reference (transcript-rebuilt; emitter-appended) ---
"""Pipeline reference for scband-mfnet-affect-28054726377710 (READ-ONLY COPY).

The authoritative reference and input builder live on the scoring server;
editing this copy changes nothing except your own understanding.
"""

import jax, jax.numpy as jnp
import numpy as np

USER_NUM = 100000
ITEM_NUM = 100000
HIDDEN = 128
S = 2
MAX_SLIP = 0.4
MAX_GUESS = 0.4
BATCH = 16384
# step=0 in the torch module -> t = max((sin(0)+1)/2*100, 1e-6) = 50.0 (training branch)
T_TEMP = 50.0


def setup_inputs(seed: int = 0) -> dict:
    key = jax.random.key(seed)
    ks = jax.random.split(key, 14)
    user = jax.random.randint(ks[0], (BATCH,), 0, USER_NUM, dtype=jnp.int64 if jax.config.jax_enable_x64 else jnp.int32)
    item = jax.random.randint(ks[1], (BATCH,), 0, ITEM_NUM, dtype=jnp.int64 if jax.config.jax_enable_x64 else jnp.int32)
    knowledge = jax.random.uniform(ks[2], (BATCH, HIDDEN), dtype=jnp.float32)
    theta_table = jax.random.normal(ks[3], (USER_NUM, HIDDEN), dtype=jnp.float32)
    affect_table = jax.random.normal(ks[4], (USER_NUM, 3), dtype=jnp.float32)
    slip_table = jax.random.normal(ks[5], (ITEM_NUM, 1), dtype=jnp.float32)
    guess_table = jax.random.normal(ks[6], (ITEM_NUM, 1), dtype=jnp.float32)
    strategy_weights = jax.random.normal(ks[7], (ITEM_NUM, S), dtype=jnp.float32)
    strategy_q = jax.random.normal(ks[8], (ITEM_NUM, S, HIDDEN), dtype=jnp.float32) * 0.01
    affect_weight = jax.random.normal(ks[9], (3, HIDDEN), dtype=jnp.float32) * 0.01
    W1 = jax.random.normal(ks[10], (16, 3), dtype=jnp.float32) * (1.0 / np.sqrt(3.0))
    b1 = jnp.zeros((16,), dtype=jnp.float32)
    W2 = jax.random.normal(ks[11], (1, 16), dtype=jnp.float32) * (1.0 / np.sqrt(16.0))
    b2 = jnp.zeros((1,), dtype=jnp.float32)
    return {"user": user, "item": item, "knowledge": knowledge,
            "theta_table": theta_table, "affect_table": affect_table,
            "slip_table": slip_table, "guess_table": guess_table,
            "strategy_weights": strategy_weights, "strategy_q": strategy_q,
            "affect_weight": affect_weight, "W1": W1, "b1": b1, "W2": W2, "b2": b2}


def reference(user, item, knowledge, theta_table, affect_table, slip_table, guess_table,
              strategy_weights, strategy_q, affect_weight, W1, b1, W2, b2):
    # embedding gathers
    base_theta = jnp.take(theta_table, user, axis=0)            # (B, H)
    affect_state = jnp.take(affect_table, user, axis=0)         # (B, 3)
    # affect modulator MLP: Linear(3,16) -> ReLU -> Linear(16,1) -> Sigmoid
    h = jax.nn.relu(affect_state @ W1.T + b1)
    affect_factor = jax.nn.sigmoid(h @ W2.T + b2)               # (B, 1)
    affect_influence = affect_state @ affect_weight             # (B, H)
    theta = base_theta + affect_influence * affect_factor
    slip = jnp.squeeze(jax.nn.sigmoid(jnp.take(slip_table, item, axis=0)) * MAX_SLIP)
    guess = jnp.squeeze(jax.nn.sigmoid(jnp.take(guess_table, item, axis=0)) * MAX_GUESS)
    strategy_probs = jax.nn.softmax(jnp.take(strategy_weights, item, axis=0), axis=1)  # (B, S)
    # torch.gather on dim 0 with expanded indices == row gather
    q_matrices = jax.nn.sigmoid(jnp.take(strategy_q, item, axis=0))  # (B, S, H)
    # mastery per strategy: sum over knowledge dim
    mastery = jnp.sum(knowledge[:, None, :] * q_matrices * (jax.nn.sigmoid(theta)[:, None, :] - 0.5), axis=2)  # (B, S)
    # correct_probs[:, s] = sum([1-slip, guess] * softmax([n_s, 0] / t), dim=1)
    logits = jnp.stack([mastery, jnp.zeros_like(mastery)], axis=-1) / T_TEMP  # (B, S, 2)
    sm = jax.nn.softmax(logits, axis=-1)
    w = jnp.stack([1.0 - slip, guess], axis=-1)                 # (B, 2)
    correct_probs = jnp.sum(w[:, None, :] * sm, axis=-1)        # (B, S)
    return jnp.sum(strategy_probs * correct_probs, axis=1)      # (B,)

if __name__ == "__main__":
    import jax
    _d = setup_inputs()
    print(jax.jit(kernel)(*tuple(_d.values())))

</pallas_src>

<mosaic_0001>
#map = affine_map<(d0, d1) -> (0)>
#map1 = affine_map<(d0, d1) -> (0, 0)>
#map2 = affine_map<(d0, d1) -> (0, 0, 0)>
module attributes {stable_mosaic.version = 14 : i64} {
  func.func @k(%arg0: i32, %arg1: i32, %arg2: memref<16384xi32, #tpu.memory_space<hbm>>, %arg3: memref<16384xi32, #tpu.memory_space<hbm>>, %arg4: memref<16384x128xf32, #tpu.memory_space<hbm>>, %arg5: memref<100000x128xf32, #tpu.memory_space<hbm>>, %arg6: memref<12500x8xf32, #tpu.memory_space<hbm>>, %arg7: memref<12500x8xf32, #tpu.memory_space<hbm>>, %arg8: memref<12500x8xf32, #tpu.memory_space<hbm>>, %arg9: memref<12500x8xf32, #tpu.memory_space<hbm>>, %arg10: memref<12500x8xf32, #tpu.memory_space<hbm>>, %arg11: memref<12500x8xf32, #tpu.memory_space<hbm>>, %arg12: memref<12500x8xf32, #tpu.memory_space<hbm>>, %arg13: memref<100000x2x128xf32, #tpu.memory_space<hbm>>, %arg14: memref<480xf32, #tpu.memory_space<hbm>>, %arg15: memref<16384xf32, #tpu.memory_space<hbm>>, %arg16: memref<64xi32, #tpu.memory_space<vmem>>, %arg17: memref<64xi32, #tpu.memory_space<vmem>>, %arg18: memref<64xi32, #tpu.memory_space<vmem>>, %arg19: memref<64xi32, #tpu.memory_space<vmem>>, %arg20: memref<64x128xf32, #tpu.memory_space<vmem>>, %arg21: memref<64x2x128xf32, #tpu.memory_space<vmem>>, %arg22: memref<64x128xf32, #tpu.memory_space<vmem>>, %arg23: memref<64x8xf32, #tpu.memory_space<vmem>>, %arg24: memref<64x8xf32, #tpu.memory_space<vmem>>, %arg25: memref<64x8xf32, #tpu.memory_space<vmem>>, %arg26: memref<64x8xf32, #tpu.memory_space<vmem>>, %arg27: memref<64x8xf32, #tpu.memory_space<vmem>>, %arg28: memref<64x8xf32, #tpu.memory_space<vmem>>, %arg29: memref<64x8xf32, #tpu.memory_space<vmem>>, %arg30: memref<64xf32, #tpu.memory_space<vmem>>, %arg31: memref<64xi32, #tpu.memory_space<vmem>>, %arg32: memref<64xi32, #tpu.memory_space<vmem>>, %arg33: memref<64xi32, #tpu.memory_space<vmem>>, %arg34: memref<64xi32, #tpu.memory_space<vmem>>, %arg35: memref<64x128xf32, #tpu.memory_space<vmem>>, %arg36: memref<64x2x128xf32, #tpu.memory_space<vmem>>, %arg37: memref<64x128xf32, #tpu.memory_space<vmem>>, %arg38: memref<64x8xf32, #tpu.memory_space<vmem>>, %arg39: memref<64x8xf32, #tpu.memory_space<vmem>>, %arg40: memref<64x8xf32, #tpu.memory_space<vmem>>, %arg41: memref<64x8xf32, #tpu.memory_space<vmem>>, %arg42: memref<64x8xf32, #tpu.memory_space<vmem>>, %arg43: memref<64x8xf32, #tpu.memory_space<vmem>>, %arg44: memref<64x8xf32, #tpu.memory_space<vmem>>, %arg45: memref<64xf32, #tpu.memory_space<vmem>>, %arg46: memref<480xf32, #tpu.memory_space<vmem>>, %arg47: memref<16x17xf32, #tpu.memory_space<vmem>>, %arg48: memref<16x17xf32, #tpu.memory_space<vmem>>, %arg49: memref<3x16xf32, #tpu.memory_space<vmem>>, %arg50: memref<!tpu.dma_semaphore, #tpu.memory_space<semaphore_mem>>, %arg51: memref<!tpu.dma_semaphore, #tpu.memory_space<semaphore_mem>>) attributes {dimension_semantics = [#tpu.dimension_semantics<core_parallel>, #tpu.dimension_semantics<subcore_parallel>], iteration_bounds = array<i64: 2, 16>, scalar_prefetch = 0 : i64, scratch_operands = 36 : i64, tpu.core_type = #tpu.core_type<sc_vector_subcore>, window_params = [{transform_indices = #map}, {transform_indices = #map}, {transform_indices = #map1}, {transform_indices = #map1}, {transform_indices = #map1}, {transform_indices = #map1}, {transform_indices = #map1}, {transform_indices = #map1}, {transform_indices = #map1}, {transform_indices = #map1}, {transform_indices = #map1}, {transform_indices = #map2}, {transform_indices = #map}, {transform_indices = #map}]} {
    %mul3A = arith.constant 2 : i32
    %mul3A_0 = arith.muli %arg1, %mul3A : i32
    %add3A = arith.addi %mul3A_0, %arg0 : i32
    "tpu.region"() ({
      %run_scoped3A = tpu.sem_alloc : memref<!tpu.dma_semaphore, #tpu.memory_space<semaphore_mem>>
      tpu.enqueue_dma source(%arg14 : memref<480xf32, #tpu.memory_space<hbm>>) target(%arg46 : memref<480xf32, #tpu.memory_space<vmem>>) target_semaphore(%run_scoped3A : memref<!tpu.dma_semaphore, #tpu.memory_space<semaphore_mem>>)
      tpu.wait_dma2 semaphore(%run_scoped3A : memref<!tpu.dma_semaphore, #tpu.memory_space<semaphore_mem>>) src(%arg14 : memref<480xf32, #tpu.memory_space<hbm>>) dst(%arg46 : memref<480xf32, #tpu.memory_space<vmem>>)
      tpu.yield
    }) : () -> ()
    %iota3A = tpu.iota {dimensions = array<i32: 0>} : vector<16xi32>
    %broadcast_in_dim3A = arith.constant 0 : i32
    %broadcast_in_dim3A_1 = vector.broadcast %broadcast_in_dim3A : i32 to vector<16xi32>
    %broadcast_in_dim3A_2 = arith.constant 1 : i32
    %broadcast_in_dim3A_3 = vector.broadcast %broadcast_in_dim3A_2 : i32 to vector<16xi32>
    %get3A = arith.constant 0 : index
    %get3A_4 = tpu.vector_load %arg46[%get3A] {strides = array<i32>} : memref<480xf32, #tpu.memory_space<vmem>>, vector<16xf32>,
    %get3A_5 = arith.constant 16 : index
    %get3A_6 = tpu.vector_load %arg46[%get3A_5] {strides = array<i32>} : memref<480xf32, #tpu.memory_space<vmem>>, vector<16xf32>,
    %get3A_7 = arith.constant 32 : index
    %get3A_8 = tpu.vector_load %arg46[%get3A_7] {strides = array<i32>} : memref<480xf32, #tpu.memory_space<vmem>>, vector<16xf32>,
    %get3A_9 = arith.constant 48 : index
    %get3A_10 = tpu.vector_load %arg46[%get3A_9] {strides = array<i32>} : memref<480xf32, #tpu.memory_space<vmem>>, vector<16xf32>,
    %get3A_11 = arith.constant 64 : index
    %get3A_12 = tpu.vector_load %arg46[%get3A_11] {strides = array<i32>} : memref<480xf32, #tpu.memory_space<vmem>>, vector<16xf32>,
    %get3A_13 = arith.constant 80 : index
    %get3A_14 = tpu.vector_load %arg46[%get3A_13] {strides = array<i32>} : memref<480xf32, #tpu.memory_space<vmem>>, vector<16xf32>,
    %get3A_15 = arith.constant 96 : index
    %get3A_16 = tpu.vector_load %arg46[%get3A_15] {strides = array<i32>} : memref<480xf32, #tpu.memory_space<vmem>>, vector<16xf32>,
    %get3A_17 = arith.constant 112 : index
    %get3A_18 = tpu.vector_load %arg46[%get3A_17] {strides = array<i32>} : memref<480xf32, #tpu.memory_space<vmem>>, vector<16xf32>,
    %get3A_19 = arith.constant 128 : index
    %get3A_20 = tpu.vector_load %arg46[%get3A_19] {strides = array<i32>} : memref<480xf32, #tpu.memory_space<vmem>>, vector<16xf32>,
    %get3A_21 = arith.constant 144 : index
    %get3A_22 = tpu.vector_load %arg46[%get3A_21] {strides = array<i32>} : memref<480xf32, #tpu.memory_space<vmem>>, vector<16xf32>,
    %get3A_23 = arith.constant 160 : index
    %get3A_24 = tpu.vector_load %arg46[%get3A_23] {strides = array<i32>} : memref<480xf32, #tpu.memory_space<vmem>>, vector<16xf32>,
    %get3A_25 = arith.constant 176 : index
    %get3A_26 = tpu.vector_load %arg46[%get3A_25] {strides = array<i32>} : memref<480xf32, #tpu.memory_space<vmem>>, vector<16xf32>,
    %get3A_27 = arith.constant 192 : index
    %get3A_28 = tpu.vector_load %arg46[%get3A_27] {strides = array<i32>} : memref<480xf32, #tpu.memory_space<vmem>>, vector<16xf32>,
    %get3A_29 = arith.constant 208 : index
    %get3A_30 = tpu.vector_load %arg46[%get3A_29] {strides = array<i32>} : memref<480xf32, #tpu.memory_space<vmem>>, vector<16xf32>,
    %get3A_31 = arith.constant 224 : index
    %get3A_32 = tpu.vector_load %arg46[%get3A_31] {strides = array<i32>} : memref<480xf32, #tpu.memory_space<vmem>>, vector<16xf32>,
    %get3A_33 = arith.constant 240 : index
    %get3A_34 = tpu.vector_load %arg46[%get3A_33] {strides = array<i32>} : memref<480xf32, #tpu.memory_space<vmem>>, vector<16xf32>,
    %get3A_35 = arith.constant 256 : index
    %get3A_36 = tpu.vector_load %arg46[%get3A_35] {strides = array<i32>} : memref<480xf32, #tpu.memory_space<vmem>>, vector<16xf32>,
    %get3A_37 = arith.constant 272 : index
    %get3A_38 = tpu.vector_load %arg46[%get3A_37] {strides = array<i32>} : memref<480xf32, #tpu.memory_space<vmem>>, vector<16xf32>,
    %get3A_39 = arith.constant 288 : index
    %get3A_40 = tpu.vector_load %arg46[%get3A_39] {strides = array<i32>} : memref<480xf32, #tpu.memory_space<vmem>>, vector<16xf32>,
    %get3A_41 = arith.constant 304 : index
    %get3A_42 = tpu.vector_load %arg46[%get3A_41] {strides = array<i32>} : memref<480xf32, #tpu.memory_space<vmem>>, vector<16xf32>,
    %get3A_43 = arith.constant 320 : index
    %get3A_44 = tpu.vector_load %arg46[%get3A_43] {strides = array<i32>} : memref<480xf32, #tpu.memory_space<vmem>>, vector<16xf32>,
    %get3A_45 = arith.constant 336 : index
    %get3A_46 = tpu.vector_load %arg46[%get3A_45] {strides = array<i32>} : memref<480xf32, #tpu.memory_space<vmem>>, vector<16xf32>,
    %get3A_47 = arith.constant 352 : index
    %get3A_48 = tpu.vector_load %arg46[%get3A_47] {strides = array<i32>} : memref<480xf32, #tpu.memory_space<vmem>>, vector<16xf32>,
    %get3A_49 = arith.constant 368 : index
    %get3A_50 = tpu.vector_load %arg46[%get3A_49] {strides = array<i32>} : memref<480xf32, #tpu.memory_space<vmem>>, vector<16xf32>,
    %get3A_51 = arith.constant 384 : index
    %get3A_52 = tpu.vector_load %arg46[%get3A_51] {strides = array<i32>} : memref<480xf32, #tpu.memory_space<vmem>>, vector<16xf32>,
    %get3A_53 = arith.constant 400 : index
    %get3A_54 = tpu.vector_load %arg46[%get3A_53] {strides = array<i32>} : memref<480xf32, #tpu.memory_space<vmem>>, vector<16xf32>,
    %get3A_55 = arith.constant 416 : index
    %get3A_56 = tpu.vector_load %arg46[%get3A_55] {strides = array<i32>} : memref<480xf32, #tpu.memory_space<vmem>>, vector<16xf32>,
    %get3A_57 = arith.constant 432 : index
    %get3A_58 = tpu.vector_load %arg46[%get3A_57] {strides = array<i32>} : memref<480xf32, #tpu.memory_space<vmem>>, vector<16xf32>,
    %get3A_59 = arith.constant 448 : index
    %get3A_60 = tpu.vector_load %arg46[%get3A_59] {strides = array<i32>} : memref<480xf32, #tpu.memory_space<vmem>>, vector<16xf32>,
    %get3A_61 = arith.constant 464 : index
    %get3A_62 = tpu.vector_load %arg46[%get3A_61] {strides = array<i32>} : memref<480xf32, #tpu.memory_space<vmem>>, vector<16xf32>,
    %slice3A = vector.extract_strided_slice %get3A_62 {offsets = [0], sizes = [1], strides = [1]} : vector<16xf32> to vector<1xf32>
    %squeeze3A = vector.extract %slice3A[0] : f32 from vector<1xf32>
    %broadcast_in_dim3A_63 = arith.constant 0.000000e+00 : f32
    %broadcast_in_dim3A_64 = vector.broadcast %broadcast_in_dim3A_63 : f32 to vector<16xf32>
    %mul3A_65 = arith.constant 512 : i32
    %mul3A_66 = arith.muli %add3A, %mul3A_65 : i32
    %add3A_67 = arith.constant 0 : i32
    %add3A_68 = arith.addi %mul3A_66, %add3A_67 : i32
    "tpu.region"() ({
      %run_scoped3A = tpu.sem_alloc : memref<!tpu.dma_semaphore, #tpu.memory_space<semaphore_mem>>
      %dma_start3A_164 = tpu.memref_slice %arg2[%add3A_68] : memref<16384xi32, #tpu.memory_space<hbm>> -> memref<64xi32, #tpu.memory_space<hbm>>
      %dma_start3A_165 = tpu.memref_slice %arg2[%add3A_68] : memref<16384xi32, #tpu.memory_space<hbm>> -> memref<64xi32, #tpu.memory_space<hbm>>
      tpu.enqueue_dma source(%dma_start3A_165 : memref<64xi32, #tpu.memory_space<hbm>>) target(%arg16 : memref<64xi32, #tpu.memory_space<vmem>>) target_semaphore(%run_scoped3A : memref<!tpu.dma_semaphore, #tpu.memory_space<semaphore_mem>>)
      %dma_wait3A = tpu.memref_slice %arg2[%add3A_68] : memref<16384xi32, #tpu.memory_space<hbm>> -> memref<64xi32, #tpu.memory_space<hbm>>
      %dma_wait3A_166 = tpu.memref_slice %arg2[%add3A_68] : memref<16384xi32, #tpu.memory_space<hbm>> -> memref<64xi32, #tpu.memory_space<hbm>>
      tpu.wait_dma2 semaphore(%run_scoped3A : memref<!tpu.dma_semaphore, #tpu.memory_space<semaphore_mem>>) src(%dma_wait3A_166 : memref<64xi32, #tpu.memory_space<hbm>>) dst(%arg16 : memref<64xi32, #tpu.memory_space<vmem>>)
      tpu.yield
    }) : () -> ()
    "tpu.region"() ({
      %run_scoped3A = tpu.sem_alloc : memref<!tpu.dma_semaphore, #tpu.memory_space<semaphore_mem>>
      %dma_start3A_164 = tpu.memref_slice %arg3[%add3A_68] : memref<16384xi32, #tpu.memory_space<hbm>> -> memref<64xi32, #tpu.memory_space<hbm>>
      %dma_start3A_165 = tpu.memref_slice %arg3[%add3A_68] : memref<16384xi32, #tpu.memory_space<hbm>> -> memref<64xi32, #tpu.memory_space<hbm>>
      tpu.enqueue_dma source(%dma_start3A_165 : memref<64xi32, #tpu.memory_space<hbm>>) target(%arg17 : memref<64xi32, #tpu.memory_space<vmem>>) target_semaphore(%run_scoped3A : memref<!tpu.dma_semaphore, #tpu.memory_space<semaphore_mem>>)
      %dma_wait3A = tpu.memref_slice %arg3[%add3A_68] : memref<16384xi32, #tpu.memory_space<hbm>> -> memref<64xi32, #tpu.memory_space<hbm>>
      %dma_wait3A_166 = tpu.memref_slice %arg3[%add3A_68] : memref<16384xi32, #tpu.memory_space<hbm>> -> memref<64xi32, #tpu.memory_space<hbm>>
      tpu.wait_dma2 semaphore(%run_scoped3A : memref<!tpu.dma_semaphore, #tpu.memory_space<semaphore_mem>>) src(%dma_wait3A_166 : memref<64xi32, #tpu.memory_space<hbm>>) dst(%arg17 : memref<64xi32, #tpu.memory_space<vmem>>)
      tpu.yield
    }) : () -> ()
    %get3A_69 = arith.constant 0 : index
    %get3A_70 = tpu.vector_load %arg16[%get3A_69] {strides = array<i32>} : memref<64xi32, #tpu.memory_space<vmem>>, vector<16xi32>,
    %shift_right_logical3A = arith.constant 3 : i32
    %shift_right_logical3A_71 = vector.broadcast %shift_right_logical3A : i32 to vector<16xi32>
    %shift_right_logical3A_72 = arith.shrui %get3A_70, %shift_right_logical3A_71 : vector<16xi32>
    %swap3A = arith.constant 0 : index
    %swap3A_73 = tpu.vector_load %arg18[%swap3A] {strides = array<i32>} : memref<64xi32, #tpu.memory_space<vmem>>, vector<16xi32>,
    tpu.vector_store %arg18[%swap3A], %shift_right_logical3A_72 {strides = array<i32>} : memref<64xi32, #tpu.memory_space<vmem>>, vector<16xi32>,
    %get3A_74 = arith.constant 0 : index
    %get3A_75 = tpu.vector_load %arg17[%get3A_74] {strides = array<i32>} : memref<64xi32, #tpu.memory_space<vmem>>, vector<16xi32>,
    %shift_right_logical3A_76 = arith.constant 3 : i32
    %shift_right_logical3A_77 = vector.broadcast %shift_right_logical3A_76 : i32 to vector<16xi32>
    %shift_right_logical3A_78 = arith.shrui %get3A_75, %shift_right_logical3A_77 : vector<16xi32>
    %swap3A_79 = arith.constant 0 : index
    %swap3A_80 = tpu.vector_load %arg19[%swap3A_79] {strides = array<i32>} : memref<64xi32, #tpu.memory_space<vmem>>, vector<16xi32>,
    tpu.vector_store %arg19[%swap3A_79], %shift_right_logical3A_78 {strides = array<i32>} : memref<64xi32, #tpu.memory_space<vmem>>, vector<16xi32>,
    %get3A_81 = arith.constant 16 : index
    %get3A_82 = tpu.vector_load %arg16[%get3A_81] {strides = array<i32>} : memref<64xi32, #tpu.memory_space<vmem>>, vector<16xi32>,
    %shift_right_logical3A_83 = arith.constant 3 : i32
    %shift_right_logical3A_84 = vector.broadcast %shift_right_logical3A_83 : i32 to vector<16xi32>
    %shift_right_logical3A_85 = arith.shrui %get3A_82, %shift_right_logical3A_84 : vector<16xi32>
    %swap3A_86 = arith.constant 16 : index
    %swap3A_87 = tpu.vector_load %arg18[%swap3A_86] {strides = array<i32>} : memref<64xi32, #tpu.memory_space<vmem>>, vector<16xi32>,
    tpu.vector_store %arg18[%swap3A_86], %shift_right_logical3A_85 {strides = array<i32>} : memref<64xi32, #tpu.memory_space<vmem>>, vector<16xi32>,
    %get3A_88 = arith.constant 16 : index
    %get3A_89 = tpu.vector_load %arg17[%get3A_88] {strides = array<i32>} : memref<64xi32, #tpu.memory_space<vmem>>, vector<16xi32>,
    %shift_right_logical3A_90 = arith.constant 3 : i32
    %shift_right_logical3A_91 = vector.broadcast %shift_right_logical3A_90 : i32 to vector<16xi32>
    %shift_right_logical3A_92 = arith.shrui %get3A_89, %shift_right_logical3A_91 : vector<16xi32>
    %swap3A_93 = arith.constant 16 : index
    %swap3A_94 = tpu.vector_load %arg19[%swap3A_93] {strides = array<i32>} : memref<64xi32, #tpu.memory_space<vmem>>, vector<16xi32>,
    tpu.vector_store %arg19[%swap3A_93], %shift_right_logical3A_92 {strides = array<i32>} : memref<64xi32, #tpu.memory_space<vmem>>, vector<16xi32>,
    %get3A_95 = arith.constant 32 : index
    %get3A_96 = tpu.vector_load %arg16[%get3A_95] {strides = array<i32>} : memref<64xi32, #tpu.memory_space<vmem>>, vector<16xi32>,
    %shift_right_logical3A_97 = arith.constant 3 : i32
    %shift_right_logical3A_98 = vector.broadcast %shift_right_logical3A_97 : i32 to vector<16xi32>
    %shift_right_logical3A_99 = arith.shrui %get3A_96, %shift_right_logical3A_98 : vector<16xi32>
    %swap3A_100 = arith.constant 32 : index
    %swap3A_101 = tpu.vector_load %arg18[%swap3A_100] {strides = array<i32>} : memref<64xi32, #tpu.memory_space<vmem>>, vector<16xi32>,
    tpu.vector_store %arg18[%swap3A_100], %shift_right_logical3A_99 {strides = array<i32>} : memref<64xi32, #tpu.memory_space<vmem>>, vector<16xi32>,
    %get3A_102 = arith.constant 32 : index
    %get3A_103 = tpu.vector_load %arg17[%get3A_102] {strides = array<i32>} : memref<64xi32, #tpu.memory_space<vmem>>, vector<16xi32>,
    %shift_right_logical3A_104 = arith.constant 3 : i32
    %shift_right_logical3A_105 = vector.broadcast %shift_right_logical3A_104 : i32 to vector<16xi32>
    %shift_right_logical3A_106 = arith.shrui %get3A_103, %shift_right_logical3A_105 : vector<16xi32>
    %swap3A_107 = arith.constant 32 : index
    %swap3A_108 = tpu.vector_load %arg19[%swap3A_107] {strides = array<i32>} : memref<64xi32, #tpu.memory_space<vmem>>, vector<16xi32>,
    tpu.vector_store %arg19[%swap3A_107], %shift_right_logical3A_106 {strides = array<i32>} : memref<64xi32, #tpu.memory_space<vmem>>, vector<16xi32>,
    %get3A_109 = arith.constant 48 : index
    %get3A_110 = tpu.vector_load %arg16[%get3A_109] {strides = array<i32>} : memref<64xi32, #tpu.memory_space<vmem>>, vector<16xi32>,
    %shift_right_logical3A_111 = arith.constant 3 : i32
    %shift_right_logical3A_112 = vector.broadcast %shift_right_logical3A_111 : i32 to vector<16xi32>
    %shift_right_logical3A_113 = arith.shrui %get3A_110, %shift_right_logical3A_112 : vector<16xi32>
    %swap3A_114 = arith.constant 48 : index
    %swap3A_115 = tpu.vector_load %arg18[%swap3A_114] {strides = array<i32>} : memref<64xi32, #tpu.memory_space<vmem>>, vector<16xi32>,
    tpu.vector_store %arg18[%swap3A_114], %shift_right_logical3A_113 {strides = array<i32>} : memref<64xi32, #tpu.memory_space<vmem>>, vector<16xi32>,
    %get3A_116 = arith.constant 48 : index
    %get3A_117 = tpu.vector_load %arg17[%get3A_116] {strides = array<i32>} : memref<64xi32, #tpu.memory_space<vmem>>, vector<16xi32>,
    %shift_right_logical3A_118 = arith.constant 3 : i32
    %shift_right_logical3A_119 = vector.broadcast %shift_right_logical3A_118 : i32 to vector<16xi32>
    %shift_right_logical3A_120 = arith.shrui %get3A_117, %shift_right_logical3A_119 : vector<16xi32>
    %swap3A_121 = arith.constant 48 : index
    %swap3A_122 = tpu.vector_load %arg19[%swap3A_121] {strides = array<i32>} : memref<64xi32, #tpu.memory_space<vmem>>, vector<16xi32>,
    tpu.vector_store %arg19[%swap3A_121], %shift_right_logical3A_120 {strides = array<i32>} : memref<64xi32, #tpu.memory_space<vmem>>, vector<16xi32>,
    %mul3A_123 = arith.constant 512 : i32
    %mul3A_124 = arith.muli %add3A, %mul3A_123 : i32
    %add3A_125 = arith.constant 0 : i32
    %add3A_126 = arith.addi %mul3A_124, %add3A_125 : i32
    %dma_start3A = arith.constant 0 : i32
    %dma_start3A_127 = arith.constant 0 : i32
    %dma_start3A_128 = tpu.memref_slice %arg5[%dma_start3A, %dma_start3A_127] : memref<100000x128xf32, #tpu.memory_space<hbm>> -> memref<100000x128xf32, #tpu.memory_space<hbm>>
    tpu.enqueue_indirect_dma source(%dma_start3A_128 : memref<100000x128xf32, #tpu.memory_space<hbm>>) target(%arg20 : memref<64x128xf32, #tpu.memory_space<vmem>>) offsets(%arg16 : memref<64xi32, #tpu.memory_space<vmem>>) semaphore(%arg50 : memref<!tpu.dma_semaphore, #tpu.memory_space<semaphore_mem>>)
    %dma_start3A_129 = arith.constant 0 : i32
    %dma_start3A_130 = arith.constant 0 : i32
    %dma_start3A_131 = arith.constant 0 : i32
    %dma_start3A_132 = tpu.memref_slice %arg13[%dma_start3A_129, %dma_start3A_130, %dma_start3A_131] : memref<100000x2x128xf32, #tpu.memory_space<hbm>> -> memref<100000x2x128xf32, #tpu.memory_space<hbm>>
    tpu.enqueue_indirect_dma source(%dma_start3A_132 : memref<100000x2x128xf32, #tpu.memory_space<hbm>>) target(%arg21 : memref<64x2x128xf32, #tpu.memory_space<vmem>>) offsets(%arg17 : memref<64xi32, #tpu.memory_space<vmem>>) semaphore(%arg50 : memref<!tpu.dma_semaphore, #tpu.memory_space<semaphore_mem>>)
    %dma_start3A_133 = arith.constant 0 : i32
    %dma_start3A_134 = tpu.memref_slice %arg4[%add3A_126, %dma_start3A_133] : memref<16384x128xf32, #tpu.memory_space<hbm>> -> memref<64x128xf32, #tpu.memory_space<hbm>>
    %dma_start3A_135 = arith.constant 0 : i32
    %dma_start3A_136 = tpu.memref_slice %arg4[%add3A_126, %dma_start3A_135] : memref<16384x128xf32, #tpu.memory_space<hbm>> -> memref<64x128xf32, #tpu.memory_space<hbm>>
    tpu.enqueue_dma source(%dma_start3A_136 : memref<64x128xf32, #tpu.memory_space<hbm>>) target(%arg22 : memref<64x128xf32, #tpu.memory_space<vmem>>) target_semaphore(%arg50 : memref<!tpu.dma_semaphore, #tpu.memory_space<semaphore_mem>>)
    %dma_start3A_137 = arith.constant 0 : i32
    %dma_start3A_138 = arith.constant 0 : i32
    %dma_start3A_139 = tpu.memref_slice %arg6[%dma_start3A_137, %dma_start3A_138] : memref<12500x8xf32, #tpu.memory_space<hbm>> -> memref<12500x8xf32, #tpu.memory_space<hbm>>
    tpu.enqueue_indirect_dma source(%dma_start3A_139 : memref<12500x8xf32, #tpu.memory_space<hbm>>) target(%arg23 : memref<64x8xf32, #tpu.memory_space<vmem>>) offsets(%arg18 : memref<64xi32, #tpu.memory_space<vmem>>) semaphore(%arg50 : memref<!tpu.dma_semaphore, #tpu.memory_space<semaphore_mem>>)
    %dma_start3A_140 = arith.constant 0 : i32
    %dma_start3A_141 = arith.constant 0 : i32
    %dma_start3A_142 = tpu.memref_slice %arg7[%dma_start3A_140, %dma_start3A_141] : memref<12500x8xf32, #tpu.memory_space<hbm>> -> memref<12500x8xf32, #tpu.memory_space<hbm>>
    tpu.enqueue_indirect_dma source(%dma_start3A_142 : memref<12500x8xf32, #tpu.memory_space<hbm>>) target(%arg24 : memref<64x8xf32, #tpu.memory_space<vmem>>) offsets(%arg18 : memref<64xi32, #tpu.memory_space<vmem>>) semaphore(%arg50 : memref<!tpu.dma_semaphore, #tpu.memory_space<semaphore_mem>>)
    %dma_start3A_143 = arith.constant 0 : i32
    %dma_start3A_144 = arith.constant 0 : i32
    %dma_start3A_145 = tpu.memref_slice %arg8[%dma_start3A_143, %dma_start3A_144] : memref<12500x8xf32, #tpu.memory_space<hbm>> -> memref<12500x8xf32, #tpu.memory_space<hbm>>
    tpu.enqueue_indirect_dma source(%dma_start3A_145 : memref<12500x8xf32, #tpu.memory_space<hbm>>) target(%arg25 : memref<64x8xf32, #tpu.memory_space<vmem>>) offsets(%arg18 : memref<64xi32, #tpu.memory_space<vmem>>) semaphore(%arg50 : memref<!tpu.dma_semaphore, #tpu.memory_space<semaphore_mem>>)
    %dma_start3A_146 = arith.constant 0 : i32
    %dma_start3A_147 = arith.constant 0 : i32
    %dma_start3A_148 = tpu.memref_slice %arg9[%dma_start3A_146, %dma_start3A_147] : memref<12500x8xf32, #tpu.memory_space<hbm>> -> memref<12500x8xf32, #tpu.memory_space<hbm>>
    tpu.enqueue_indirect_dma source(%dma_start3A_148 : memref<12500x8xf32, #tpu.memory_space<hbm>>) target(%arg26 : memref<64x8xf32, #tpu.memory_space<vmem>>) offsets(%arg19 : memref<64xi32, #tpu.memory_space<vmem>>) semaphore(%arg50 : memref<!tpu.dma_semaphore, #tpu.memory_space<semaphore_mem>>)
    %dma_start3A_149 = arith.constant 0 : i32
    %dma_start3A_150 = arith.constant 0 : i32
    %dma_start3A_151 = tpu.memref_slice %arg10[%dma_start3A_149, %dma_start3A_150] : memref<12500x8xf32, #tpu.memory_space<hbm>> -> memref<12500x8xf32, #tpu.memory_space<hbm>>
    tpu.enqueue_indirect_dma source(%dma_start3A_151 : memref<12500x8xf32, #tpu.memory_space<hbm>>) target(%arg27 : memref<64x8xf32, #tpu.memory_space<vmem>>) offsets(%arg19 : memref<64xi32, #tpu.memory_space<vmem>>) semaphore(%arg50 : memref<!tpu.dma_semaphore, #tpu.memory_space<semaphore_mem>>)
    %dma_start3A_152 = arith.constant 0 : i32
    %dma_start3A_153 = arith.constant 0 : i32
    %dma_start3A_154 = tpu.memref_slice %arg11[%dma_start3A_152, %dma_start3A_153] : memref<12500x8xf32, #tpu.memory_space<hbm>> -> memref<12500x8xf32, #tpu.memory_space<hbm>>
    tpu.enqueue_indirect_dma source(%dma_start3A_154 : memref<12500x8xf32, #tpu.memory_space<hbm>>) target(%arg28 : memref<64x8xf32, #tpu.memory_space<vmem>>) offsets(%arg19 : memref<64xi32, #tpu.memory_space<vmem>>) semaphore(%arg50 : memref<!tpu.dma_semaphore, #tpu.memory_space<semaphore_mem>>)
    %dma_start3A_155 = arith.constant 0 : i32
    %dma_start3A_156 = arith.constant 0 : i32
    %dma_start3A_157 = tpu.memref_slice %arg12[%dma_start3A_155, %dma_start3A_156] : memref<12500x8xf32, #tpu.memory_space<hbm>> -> memref<12500x8xf32, #tpu.memory_space<hbm>>
    tpu.enqueue_indirect_dma source(%dma_start3A_157 : memref<12500x8xf32, #tpu.memory_space<hbm>>) target(%arg29 : memref<64x8xf32, #tpu.memory_space<vmem>>) offsets(%arg19 : memref<64xi32, #tpu.memory_space<vmem>>) semaphore(%arg50 : memref<!tpu.dma_semaphore, #tpu.memory_space<semaphore_mem>>)
    %scan3A = arith.constant 0 : i32
    %scan3A_158 = arith.constant 0 : i32
    %scan3A_159 = arith.constant 4 : i32
    %scan3A_160 = arith.addi %scan3A_158, %scan3A_159 : i32
    %scan3A_161 = arith.constant 1 : i32
    %scan3A_162 = scf.for %scan3A_164 = %scan3A_158 to %scan3A_160 step %scan3A_161 iter_args(%scan3A_165 = %scan3A) -> (i32)  : i32 {
      %mul3A_166 = arith.constant 2 : i32
      %mul3A_167 = arith.muli %mul3A_166, %scan3A_164 : i32
      %add3A_168 = arith.constant 1 : i32
      %add3A_169 = arith.addi %mul3A_167, %add3A_168 : i32
      %mul3A_170 = arith.constant 512 : i32
      %mul3A_171 = arith.muli %add3A, %mul3A_170 : i32
      %mul3A_172 = arith.constant 64 : i32
      %mul3A_173 = arith.muli %add3A_169, %mul3A_172 : i32
      %add3A_174 = arith.addi %mul3A_171, %mul3A_173 : i32
      "tpu.region"() ({
        %run_scoped3A = tpu.sem_alloc : memref<!tpu.dma_semaphore, #tpu.memory_space<semaphore_mem>>
        %dma_start3A_370 = tpu.memref_slice %arg2[%add3A_174] : memref<16384xi32, #tpu.memory_space<hbm>> -> memref<64xi32, #tpu.memory_space<hbm>>
        %dma_start3A_371 = tpu.memref_slice %arg2[%add3A_174] : memref<16384xi32, #tpu.memory_space<hbm>> -> memref<64xi32, #tpu.memory_space<hbm>>
        tpu.enqueue_dma source(%dma_start3A_371 : memref<64xi32, #tpu.memory_space<hbm>>) target(%arg31 : memref<64xi32, #tpu.memory_space<vmem>>) target_semaphore(%run_scoped3A : memref<!tpu.dma_semaphore, #tpu.memory_space<semaphore_mem>>)
        %dma_wait3A_372 = tpu.memref_slice %arg2[%add3A_174] : memref<16384xi32, #tpu.memory_space<hbm>> -> memref<64xi32, #tpu.memory_space<hbm>>
        %dma_wait3A_373 = tpu.memref_slice %arg2[%add3A_174] : memref<16384xi32, #tpu.memory_space<hbm>> -> memref<64xi32, #tpu.memory_space<hbm>>
        tpu.wait_dma2 semaphore(%run_scoped3A : memref<!tpu.dma_semaphore, #tpu.memory_space<semaphore_mem>>) src(%dma_wait3A_373 : memref<64xi32, #tpu.memory_space<hbm>>) dst(%arg31 : memref<64xi32, #tpu.memory_space<vmem>>)
        tpu.yield
      }) : () -> ()
      "tpu.region"() ({
        %run_scoped3A = tpu.sem_alloc : memref<!tpu.dma_semaphore, #tpu.memory_space<semaphore_mem>>
        %dma_start3A_370 = tpu.memref_slice %arg3[%add3A_174] : memref<16384xi32, #tpu.memory_space<hbm>> -> memref<64xi32, #tpu.memory_space<hbm>>
        %dma_start3A_371 = tpu.memref_slice %arg3[%add3A_174] : memref<16384xi32, #tpu.memory_space<hbm>> -> memref<64xi32, #tpu.memory_space<hbm>>
        tpu.enqueue_dma source(%dma_start3A_371 : memref<64xi32, #tpu.memory_space<hbm>>) target(%arg32 : memref<64xi32, #tpu.memory_space<vmem>>) target_semaphore(%run_scoped3A : memref<!tpu.dma_semaphore, #tpu.memory_space<semaphore_mem>>)
        %dma_wait3A_372 = tpu.memref_slice %arg3[%add3A_174] : memref<16384xi32, #tpu.memory_space<hbm>> -> memref<64xi32, #tpu.memory_space<hbm>>
        %dma_wait3A_373 = tpu.memref_slice %arg3[%add3A_174] : memref<16384xi32, #tpu.memory_space<hbm>> -> memref<64xi32, #tpu.memory_space<hbm>>
        tpu.wait_dma2 semaphore(%run_scoped3A : memref<!tpu.dma_semaphore, #tpu.memory_space<semaphore_mem>>) src(%dma_wait3A_373 : memref<64xi32, #tpu.memory_space<hbm>>) dst(%arg32 : memref<64xi32, #tpu.memory_space<vmem>>)
        tpu.yield
      }) : () -> ()
      %get3A_175 = arith.constant 0 : index
      %get3A_176 = tpu.vector_load %arg31[%get3A_175] {strides = array<i32>} : memref<64xi32, #tpu.memory_space<vmem>>, vector<16xi32>,
      %shift_right_logical3A_177 = arith.constant 3 : i32
      %shift_right_logical3A_178 = vector.broadcast %shift_right_logical3A_177 : i32 to vector<16xi32>
      %shift_right_logical3A_179 = arith.shrui %get3A_176, %shift_right_logical3A_178 : vector<16xi32>
      %swap3A_180 = arith.constant 0 : index
      %swap3A_181 = tpu.vector_load %arg33[%swap3A_180] {strides = array<i32>} : memref<64xi32, #tpu.memory_space<vmem>>, vector<16xi32>,
      tpu.vector_store %arg33[%swap3A_180], %shift_right_logical3A_179 {strides = array<i32>} : memref<64xi32, #tpu.memory_space<vmem>>, vector<16xi32>,
      %get3A_182 = arith.constant 0 : index
      %get3A_183 = tpu.vector_load %arg32[%get3A_182] {strides = array<i32>} : memref<64xi32, #tpu.memory_space<vmem>>, vector<16xi32>,
      %shift_right_logical3A_184 = arith.constant 3 : i32
      %shift_right_logical3A_185 = vector.broadcast %shift_right_logical3A_184 : i32 to vector<16xi32>
      %shift_right_logical3A_186 = arith.shrui %get3A_183, %shift_right_logical3A_185 : vector<16xi32>
      %swap3A_187 = arith.constant 0 : index
      %swap3A_188 = tpu.vector_load %arg34[%swap3A_187] {strides = array<i32>} : memref<64xi32, #tpu.memory_space<vmem>>, vector<16xi32>,
      tpu.vector_store %arg34[%swap3A_187], %shift_right_logical3A_186 {strides = array<i32>} : memref<64xi32, #tpu.memory_space<vmem>>, vector<16xi32>,
      %get3A_189 = arith.constant 16 : index
      %get3A_190 = tpu.vector_load %arg31[%get3A_189] {strides = array<i32>} : memref<64xi32, #tpu.memory_space<vmem>>, vector<16xi32>,
      %shift_right_logical3A_191 = arith.constant 3 : i32
      %shift_right_logical3A_192 = vector.broadcast %shift_right_logical3A_191 : i32 to vector<16xi32>
      %shift_right_logical3A_193 = arith.shrui %get3A_190, %shift_right_logical3A_192 : vector<16xi32>
      %swap3A_194 = arith.constant 16 : index
      %swap3A_195 = tpu.vector_load %arg33[%swap3A_194] {strides = array<i32>} : memref<64xi32, #tpu.memory_space<vmem>>, vector<16xi32>,
      tpu.vector_store %arg33[%swap3A_194], %shift_right_logical3A_193 {strides = array<i32>} : memref<64xi32, #tpu.memory_space<vmem>>, vector<16xi32>,
      %get3A_196 = arith.constant 16 : index
      %get3A_197 = tpu.vector_load %arg32[%get3A_196] {strides = array<i32>} : memref<64xi32, #tpu.memory_space<vmem>>, vector<16xi32>,
      %shift_right_logical3A_198 = arith.constant 3 : i32
      %shift_right_logical3A_199 = vector.broadcast %shift_right_logical3A_198 : i32 to vector<16xi32>
      %shift_right_logical3A_200 = arith.shrui %get3A_197, %shift_right_logical3A_199 : vector<16xi32>
      %swap3A_201 = arith.constant 16 : index
      %swap3A_202 = tpu.vector_load %arg34[%swap3A_201] {strides = array<i32>} : memref<64xi32, #tpu.memory_space<vmem>>, vector<16xi32>,
      tpu.vector_store %arg34[%swap3A_201], %shift_right_logical3A_200 {strides = array<i32>} : memref<64xi32, #tpu.memory_space<vmem>>, vector<16xi32>,
      %get3A_203 = arith.constant 32 : index
      %get3A_204 = tpu.vector_load %arg31[%get3A_203] {strides = array<i32>} : memref<64xi32, #tpu.memory_space<vmem>>, vector<16xi32>,
      %shift_right_logical3A_205 = arith.constant 3 : i32
      %shift_right_logical3A_206 = vector.broadcast %shift_right_logical3A_205 : i32 to vector<16xi32>
      %shift_right_logical3A_207 = arith.shrui %get3A_204, %shift_right_logical3A_206 : vector<16xi32>
      %swap3A_208 = arith.constant 32 : index
      %swap3A_209 = tpu.vector_load %arg33[%swap3A_208] {strides = array<i32>} : memref<64xi32, #tpu.memory_space<vmem>>, vector<16xi32>,
      tpu.vector_store %arg33[%swap3A_208], %shift_right_logical3A_207 {strides = array<i32>} : memref<64xi32, #tpu.memory_space<vmem>>, vector<16xi32>,
      %get3A_210 = arith.constant 32 : index
      %get3A_211 = tpu.vector_load %arg32[%get3A_210] {strides = array<i32>} : memref<64xi32, #tpu.memory_space<vmem>>, vector<16xi32>,
      %shift_right_logical3A_212 = arith.constant 3 : i32
      %shift_right_logical3A_213 = vector.broadcast %shift_right_logical3A_212 : i32 to vector<16xi32>
      %shift_right_logical3A_214 = arith.shrui %get3A_211, %shift_right_logical3A_213 : vector<16xi32>
      %swap3A_215 = arith.constant 32 : index
      %swap3A_216 = tpu.vector_load %arg34[%swap3A_215] {strides = array<i32>} : memref<64xi32, #tpu.memory_space<vmem>>, vector<16xi32>,
      tpu.vector_store %arg34[%swap3A_215], %shift_right_logical3A_214 {strides = array<i32>} : memref<64xi32, #tpu.memory_space<vmem>>, vector<16xi32>,
      %get3A_217 = arith.constant 48 : index
      %get3A_218 = tpu.vector_load %arg31[%get3A_217] {strides = array<i32>} : memref<64xi32, #tpu.memory_space<vmem>>, vector<16xi32>,
      %shift_right_logical3A_219 = arith.constant 3 : i32
      %shift_right_logical3A_220 = vector.broadcast %shift_right_logical3A_219 : i32 to vector<16xi32>
      %shift_right_logical3A_221 = arith.shrui %get3A_218, %shift_right_logical3A_220 : vector<16xi32>
      %swap3A_222 = arith.constant 48 : index
      %swap3A_223 = tpu.vector_load %arg33[%swap3A_222] {strides = array<i32>} : memref<64xi32, #tpu.memory_space<vmem>>, vector<16xi32>,
      tpu.vector_store %arg33[%swap3A_222], %shift_right_logical3A_221 {strides = array<i32>} : memref<64xi32, #tpu.memory_space<vmem>>, vector<16xi32>,
      %get3A_224 = arith.constant 48 : index
      %get3A_225 = tpu.vector_load %arg32[%get3A_224] {strides = array<i32>} : memref<64xi32, #tpu.memory_space<vmem>>, vector<16xi32>,
      %shift_right_logical3A_226 = arith.constant 3 : i32
      %shift_right_logical3A_227 = vector.broadcast %shift_right_logical3A_226 : i32 to vector<16xi32>
      %shift_right_logical3A_228 = arith.shrui %get3A_225, %shift_right_logical3A_227 : vector<16xi32>
      %swap3A_229 = arith.constant 48 : index
      %swap3A_230 = tpu.vector_load %arg34[%swap3A_229] {strides = array<i32>} : memref<64xi32, #tpu.memory_space<vmem>>, vector<16xi32>,
      tpu.vector_store %arg34[%swap3A_229], %shift_right_logical3A_228 {strides = array<i32>} : memref<64xi32, #tpu.memory_space<vmem>>, vector<16xi32>,
      %mul3A_231 = arith.constant 512 : i32
      %mul3A_232 = arith.muli %add3A, %mul3A_231 : i32
      %mul3A_233 = arith.constant 64 : i32
      %mul3A_234 = arith.muli %add3A_169, %mul3A_233 : i32
      %add3A_235 = arith.addi %mul3A_232, %mul3A_234 : i32
      %dma_start3A_236 = arith.constant 0 : i32
      %dma_start3A_237 = arith.constant 0 : i32
      %dma_start3A_238 = tpu.memref_slice %arg5[%dma_start3A_236, %dma_start3A_237] : memref<100000x128xf32, #tpu.memory_space<hbm>> -> memref<100000x128xf32, #tpu.memory_space<hbm>>
      tpu.enqueue_indirect_dma source(%dma_start3A_238 : memref<100000x128xf32, #tpu.memory_space<hbm>>) target(%arg35 : memref<64x128xf32, #tpu.memory_space<vmem>>) offsets(%arg31 : memref<64xi32, #tpu.memory_space<vmem>>) semaphore(%arg51 : memref<!tpu.dma_semaphore, #tpu.memory_space<semaphore_mem>>)
      %dma_start3A_239 = arith.constant 0 : i32
      %dma_start3A_240 = arith.constant 0 : i32
      %dma_start3A_241 = arith.constant 0 : i32
      %dma_start3A_242 = tpu.memref_slice %arg13[%dma_start3A_239, %dma_start3A_240, %dma_start3A_241] : memref<100000x2x128xf32, #tpu.memory_space<hbm>> -> memref<100000x2x128xf32, #tpu.memory_space<hbm>>
      tpu.enqueue_indirect_dma source(%dma_start3A_242 : memref<100000x2x128xf32, #tpu.memory_space<hbm>>) target(%arg36 : memref<64x2x128xf32, #tpu.memory_space<vmem>>) offsets(%arg32 : memref<64xi32, #tpu.memory_space<vmem>>) semaphore(%arg51 : memref<!tpu.dma_semaphore, #tpu.memory_space<semaphore_mem>>)
      %dma_start3A_243 = arith.constant 0 : i32
      %dma_start3A_244 = tpu.memref_slice %arg4[%add3A_235, %dma_start3A_243] : memref<16384x128xf32, #tpu.memory_space<hbm>> -> memref<64x128xf32, #tpu.memory_space<hbm>>
      %dma_start3A_245 = arith.constant 0 : i32
      %dma_start3A_246 = tpu.memref_slice %arg4[%add3A_235, %dma_start3A_245] : memref<16384x128xf32, #tpu.memory_space<hbm>> -> memref<64x128xf32, #tpu.memory_space<hbm>>
      tpu.enqueue_dma source(%dma_start3A_246 : memref<64x128xf32, #tpu.memory_space<hbm>>) target(%arg37 : memref<64x128xf32, #tpu.memory_space<vmem>>) target_semaphore(%arg51 : memref<!tpu.dma_semaphore, #tpu.memory_space<semaphore_mem>>)
      %dma_start3A_247 = arith.constant 0 : i32
      %dma_start3A_248 = arith.constant 0 : i32
      %dma_start3A_249 = tpu.memref_slice %arg6[%dma_start3A_247, %dma_start3A_248] : memref<12500x8xf32, #tpu.memory_space<hbm>> -> memref<12500x8xf32, #tpu.memory_space<hbm>>
      tpu.enqueue_indirect_dma source(%dma_start3A_249 : memref<12500x8xf32, #tpu.memory_space<hbm>>) target(%arg38 : memref<64x8xf32, #tpu.memory_space<vmem>>) offsets(%arg33 : memref<64xi32, #tpu.memory_space<vmem>>) semaphore(%arg51 : memref<!tpu.dma_semaphore, #tpu.memory_space<semaphore_mem>>)
      %dma_start3A_250 = arith.constant 0 : i32
      %dma_start3A_251 = arith.constant 0 : i32
      %dma_start3A_252 = tpu.memref_slice %arg7[%dma_start3A_250, %dma_start3A_251] : memref<12500x8xf32, #tpu.memory_space<hbm>> -> memref<12500x8xf32, #tpu.memory_space<hbm>>
      tpu.enqueue_indirect_dma source(%dma_start3A_252 : memref<12500x8xf32, #tpu.memory_space<hbm>>) target(%arg39 : memref<64x8xf32, #tpu.memory_space<vmem>>) offsets(%arg33 : memref<64xi32, #tpu.memory_space<vmem>>) semaphore(%arg51 : memref<!tpu.dma_semaphore, #tpu.memory_space<semaphore_mem>>)
      %dma_start3A_253 = arith.constant 0 : i32
      %dma_start3A_254 = arith.constant 0 : i32
      %dma_start3A_255 = tpu.memref_slice %arg8[%dma_start3A_253, %dma_start3A_254] : memref<12500x8xf32, #tpu.memory_space<hbm>> -> memref<12500x8xf32, #tpu.memory_space<hbm>>
      tpu.enqueue_indirect_dma source(%dma_start3A_255 : memref<12500x8xf32, #tpu.memory_space<hbm>>) target(%arg40 : memref<64x8xf32, #tpu.memory_space<vmem>>) offsets(%arg33 : memref<64xi32, #tpu.memory_space<vmem>>) semaphore(%arg51 : memref<!tpu.dma_semaphore, #tpu.memory_space<semaphore_mem>>)
      %dma_start3A_256 = arith.constant 0 : i32
      %dma_start3A_257 = arith.constant 0 : i32
      %dma_start3A_258 = tpu.memref_slice %arg9[%dma_start3A_256, %dma_start3A_257] : memref<12500x8xf32, #tpu.memory_space<hbm>> -> memref<12500x8xf32, #tpu.memory_space<hbm>>
      tpu.enqueue_indirect_dma source(%dma_start3A_258 : memref<12500x8xf32, #tpu.memory_space<hbm>>) target(%arg41 : memref<64x8xf32, #tpu.memory_space<vmem>>) offsets(%arg34 : memref<64xi32, #tpu.memory_space<vmem>>) semaphore(%arg51 : memref<!tpu.dma_semaphore, #tpu.memory_space<semaphore_mem>>)
      %dma_start3A_259 = arith.constant 0 : i32
      %dma_start3A_260 = arith.constant 0 : i32
      %dma_start3A_261 = tpu.memref_slice %arg10[%dma_start3A_259, %dma_start3A_260] : memref<12500x8xf32, #tpu.memory_space<hbm>> -> memref<12500x8xf32, #tpu.memory_space<hbm>>
      tpu.enqueue_indirect_dma source(%dma_start3A_261 : memref<12500x8xf32, #tpu.memory_space<hbm>>) target(%arg42 : memref<64x8xf32, #tpu.memory_space<vmem>>) offsets(%arg34 : memref<64xi32, #tpu.memory_space<vmem>>) semaphore(%arg51 : memref<!tpu.dma_semaphore, #tpu.memory_space<semaphore_mem>>)
      %dma_start3A_262 = arith.constant 0 : i32
      %dma_start3A_263 = arith.constant 0 : i32
      %dma_start3A_264 = tpu.memref_slice %arg11[%dma_start3A_262, %dma_start3A_263] : memref<12500x8xf32, #tpu.memory_space<hbm>> -> memref<12500x8xf32, #tpu.memory_space<hbm>>
      tpu.enqueue_indirect_dma source(%dma_start3A_264 : memref<12500x8xf32, #tpu.memory_space<hbm>>) target(%arg43 : memref<64x8xf32, #tpu.memory_space<vmem>>) offsets(%arg34 : memref<64xi32, #tpu.memory_space<vmem>>) semaphore(%arg51 : memref<!tpu.dma_semaphore, #tpu.memory_space<semaphore_mem>>)
      %dma_start3A_265 = arith.constant 0 : i32
      %dma_start3A_266 = arith.constant 0 : i32
      %dma_start3A_267 = tpu.memref_slice %arg12[%dma_start3A_265, %dma_start3A_266] : memref<12500x8xf32, #tpu.memory_space<hbm>> -> memref<12500x8xf32, #tpu.memory_space<hbm>>
      tpu.enqueue_indirect_dma source(%dma_start3A_267 : memref<12500x8xf32, #tpu.memory_space<hbm>>) target(%arg44 : memref<64x8xf32, #tpu.memory_space<vmem>>) offsets(%arg34 : memref<64xi32, #tpu.memory_space<vmem>>) semaphore(%arg51 : memref<!tpu.dma_semaphore, #tpu.memory_space<semaphore_mem>>)
      %mul3A_268 = arith.constant 512 : i32
      %mul3A_269 = arith.muli %add3A, %mul3A_268 : i32
      %mul3A_270 = arith.constant 64 : i32
      %mul3A_271 = arith.muli %mul3A_167, %mul3A_270 : i32
      %add3A_272 = arith.addi %mul3A_269, %mul3A_271 : i32
      %dma_wait3A = arith.constant 0 : i32
      %dma_wait3A_273 = arith.constant 0 : i32
      %dma_wait3A_274 = tpu.memref_slice %arg5[%dma_wait3A, %dma_wait3A_273] : memref<100000x128xf32, #tpu.memory_space<hbm>> -> memref<100000x128xf32, #tpu.memory_space<hbm>>
      tpu.wait_indirect_dma semaphore(%arg50 : memref<!tpu.dma_semaphore, #tpu.memory_space<semaphore_mem>>) src(%dma_wait3A_274 : memref<100000x128xf32, #tpu.memory_space<hbm>>) dst(%arg20 : memref<64x128xf32, #tpu.memory_space<vmem>>)
      %dma_wait3A_275 = arith.constant 0 : i32
      %dma_wait3A_276 = arith.constant 0 : i32
      %dma_wait3A_277 = arith.constant 0 : i32
      %dma_wait3A_278 = tpu.memref_slice %arg13[%dma_wait3A_275, %dma_wait3A_276, %dma_wait3A_277] : memref<100000x2x128xf32, #tpu.memory_space<hbm>> -> memref<100000x2x128xf32, #tpu.memory_space<hbm>>
      tpu.wait_indirect_dma semaphore(%arg50 : memref<!tpu.dma_semaphore, #tpu.memory_space<semaphore_mem>>) src(%dma_wait3A_278 : memref<100000x2x128xf32, #tpu.memory_space<hbm>>) dst(%arg21 : memref<64x2x128xf32, #tpu.memory_space<vmem>>)
      %dma_wait3A_279 = arith.constant 0 : i32
      %dma_wait3A_280 = tpu.memref_slice %arg4[%add3A_272, %dma_wait3A_279] : memref<16384x128xf32, #tpu.memory_space<hbm>> -> memref<64x128xf32, #tpu.memory_space<hbm>>
      %dma_wait3A_281 = arith.constant 0 : i32
      %dma_wait3A_282 = tpu.memref_slice %arg4[%add3A_272, %dma_wait3A_281] : memref<16384x128xf32, #tpu.memory_space<hbm>> -> memref<64x128xf32, #tpu.memory_space<hbm>>
      tpu.wait_dma2 semaphore(%arg50 : memref<!tpu.dma_semaphore, #tpu.memory_space<semaphore_mem>>) src(%dma_wait3A_282 : memref<64x128xf32, #tpu.memory_space<hbm>>) dst(%arg22 : memref<64x128xf32, #tpu.memory_space<vmem>>)
      %dma_wait3A_283 = arith.constant 0 : i32
      %dma_wait3A_284 = arith.constant 0 : i32
      %dma_wait3A_285 = tpu.memref_slice %arg6[%dma_wait3A_283, %dma_wait3A_284] : memref<12500x8xf32, #tpu.memory_space<hbm>> -> memref<12500x8xf32, #tpu.memory_space<hbm>>
      tpu.wait_indirect_dma semaphore(%arg50 : memref<!tpu.dma_semaphore, #tpu.memory_space<semaphore_mem>>) src(%dma_wait3A_285 : memref<12500x8xf32, #tpu.memory_space<hbm>>) dst(%arg23 : memref<64x8xf32, #tpu.memory_space<vmem>>)
      %dma_wait3A_286 = arith.constant 0 : i32
      %dma_wait3A_287 = arith.constant 0 : i32
      %dma_wait3A_288 = tpu.memref_slice %arg7[%dma_wait3A_286, %dma_wait3A_287] : memref<12500x8xf32, #tpu.memory_space<hbm>> -> memref<12500x8xf32, #tpu.memory_space<hbm>>
      tpu.wait_indirect_dma semaphore(%arg50 : memref<!tpu.dma_semaphore, #tpu.memory_space<semaphore_mem>>) src(%dma_wait3A_288 : memref<12500x8xf32, #tpu.memory_space<hbm>>) dst(%arg24 : memref<64x8xf32, #tpu.memory_space<vmem>>)
      %dma_wait3A_289 = arith.constant 0 : i32
      %dma_wait3A_290 = arith.constant 0 : i32
      %dma_wait3A_291 = tpu.memref_slice %arg8[%dma_wait3A_289, %dma_wait3A_290] : memref<12500x8xf32, #tpu.memory_space<hbm>> -> memref<12500x8xf32, #tpu.memory_space<hbm>>
      tpu.wait_indirect_dma semaphore(%arg50 : memref<!tpu.dma_semaphore, #tpu.memory_space<semaphore_mem>>) src(%dma_wait3A_291 : memref<12500x8xf32, #tpu.memory_space<hbm>>) dst(%arg25 : memref<64x8xf32, #tpu.memory_space<vmem>>)
      %dma_wait3A_292 = arith.constant 0 : i32
      %dma_wait3A_293 = arith.constant 0 : i32
      %dma_wait3A_294 = tpu.memref_slice %arg9[%dma_wait3A_292, %dma_wait3A_293] : memref<12500x8xf32, #tpu.memory_space<hbm>> -> memref<12500x8xf32, #tpu.memory_space<hbm>>
      tpu.wait_indirect_dma semaphore(%arg50 : memref<!tpu.dma_semaphore, #tpu.memory_space<semaphore_mem>>) src(%dma_wait3A_294 : memref<12500x8xf32, #tpu.memory_space<hbm>>) dst(%arg26 : memref<64x8xf32, #tpu.memory_space<vmem>>)
      %dma_wait3A_295 = arith.constant 0 : i32
      %dma_wait3A_296 = arith.constant 0 : i32
      %dma_wait3A_297 = tpu.memref_slice %arg10[%dma_wait3A_295, %dma_wait3A_296] : memref<12500x8xf32, #tpu.memory_space<hbm>> -> memref<12500x8xf32, #tpu.memory_space<hbm>>
      tpu.wait_indirect_dma semaphore(%arg50 : memref<!tpu.dma_semaphore, #tpu.memory_space<semaphore_mem>>) src(%dma_wait3A_297 : memref<12500x8xf32, #tpu.memory_space<hbm>>) dst(%arg27 : memref<64x8xf32, #tpu.memory_space<vmem>>)
      %dma_wait3A_298 = arith.constant 0 : i32
      %dma_wait3A_299 = arith.constant 0 : i32
      %dma_wait3A_300 = tpu.memref_slice %arg11[%dma_wait3A_298, %dma_wait3A_299] : memref<12500x8xf32, #tpu.memory_space<hbm>> -> memref<12500x8xf32, #tpu.memory_space<hbm>>
      tpu.wait_indirect_dma semaphore(%arg50 : memref<!tpu.dma_semaphore, #tpu.memory_space<semaphore_mem>>) src(%dma_wait3A_300 : memref<12500x8xf32, #tpu.memory_space<hbm>>) dst(%arg28 : memref<64x8xf32, #tpu.memory_space<vmem>>)
      %dma_wait3A_301 = arith.constant 0 : i32
      %dma_wait3A_302 = arith.constant 0 : i32
      %dma_wait3A_303 = tpu.memref_slice %arg12[%dma_wait3A_301, %dma_wait3A_302] : memref<12500x8xf32, #tpu.memory_space<hbm>> -> memref<12500x8xf32, #tpu.memory_space<hbm>>
      tpu.wait_indirect_dma semaphore(%arg50 : memref<!tpu.dma_semaphore, #tpu.memory_space<semaphore_mem>>) src(%dma_wait3A_303 : memref<12500x8xf32, #tpu.memory_space<hbm>>) dst(%arg29 : memref<64x8xf32, #tpu.memory_space<vmem>>)
      %mul3A_304 = arith.constant 512 : i32
      %mul3A_305 = arith.muli %add3A, %mul3A_304 : i32
      %mul3A_306 = arith.constant 64 : i32
      %mul3A_307 = arith.muli %mul3A_167, %mul3A_306 : i32
      %add3A_308 = arith.addi %mul3A_305, %mul3A_307 : i32
      %scan3A_309 = arith.constant 0 : i32
      %scan3A_310 = arith.constant 0 : i32
      %scan3A_311 = arith.constant 4 : i32
      %scan3A_312 = arith.addi %scan3A_310, %scan3A_311 : i32
      %scan3A_313 = arith.constant 1 : i32
      %scan3A_314 = scf.for %scan3A_370 = %scan3A_310 to %scan3A_312 step %scan3A_313 iter_args(%scan3A_371 = %scan3A_309) -> (i32)  : i32 {
        %mul3A_372 = arith.constant 16 : i32
        %mul3A_373 = arith.muli %scan3A_370, %mul3A_372 : i32
        %add3A_374 = vector.broadcast %mul3A_373 : i32 to vector<16xi32>
        %add3A_375 = arith.addi %add3A_374, %iota3A : vector<16xi32>
        %get3A_376 = arith.index_cast %mul3A_373 : i32 to index
        %get3A_377 = tpu.vector_load %arg16[%get3A_376] {strides = array<i32>} : memref<64xi32, #tpu.memory_space<vmem>>, vector<16xi32>,
        %and3A = arith.constant 7 : i32
        %and3A_378 = vector.broadcast %and3A : i32 to vector<16xi32>
        %and3A_379 = arith.andi %get3A_377, %and3A_378 : vector<16xi32>
        %get3A_380 = arith.index_cast %mul3A_373 : i32 to index
        %get3A_381 = tpu.vector_load %arg17[%get3A_380] {strides = array<i32>} : memref<64xi32, #tpu.memory_space<vmem>>, vector<16xi32>,
        %and3A_382 = arith.constant 7 : i32
        %and3A_383 = vector.broadcast %and3A_382 : i32 to vector<16xi32>
        %and3A_384 = arith.andi %get3A_381, %and3A_383 : vector<16xi32>
        %gather3A = tpu.vector_load_idx %arg23[%add3A_375, %and3A_379] : memref<64x8xf32, #tpu.memory_space<vmem>>[vector<16xi32>, vector<16xi32>], vector<16xf32>,
        %gather3A_385 = tpu.vector_load_idx %arg24[%add3A_375, %and3A_379] : memref<64x8xf32, #tpu.memory_space<vmem>>[vector<16xi32>, vector<16xi32>], vector<16xf32>,
        %gather3A_386 = tpu.vector_load_idx %arg25[%add3A_375, %and3A_379] : memref<64x8xf32, #tpu.memory_space<vmem>>[vector<16xi32>, vector<16xi32>], vector<16xf32>,
        %slice3A_387 = vector.extract_strided_slice %get3A_52 {offsets = [0], sizes = [1], strides = [1]} : vector<16xf32> to vector<1xf32>
        %squeeze3A_388 = vector.extract %slice3A_387[0] : f32 from vector<1xf32>
        %mul3A_389 = vector.broadcast %squeeze3A_388 : f32 to vector<16xf32>
        %mul3A_390 = arith.mulf %mul3A_389, %gather3A : vector<16xf32>
        %slice3A_391 = vector.extract_strided_slice %get3A_54 {offsets = [0], sizes = [1], strides = [1]} : vector<16xf32> to vector<1xf32>
        %squeeze3A_392 = vector.extract %slice3A_391[0] : f32 from vector<1xf32>
        %mul3A_393 = vector.broadcast %squeeze3A_392 : f32 to vector<16xf32>
        %mul3A_394 = arith.mulf %mul3A_393, %gather3A_385 : vector<16xf32>
        %add3A_395 = arith.addf %mul3A_390, %mul3A_394 : vector<16xf32>
        %slice3A_396 = vector.extract_strided_slice %get3A_56 {offsets = [0], sizes = [1], strides = [1]} : vector<16xf32> to vector<1xf32>
        %squeeze3A_397 = vector.extract %slice3A_396[0] : f32 from vector<1xf32>
        %mul3A_398 = vector.broadcast %squeeze3A_397 : f32 to vector<16xf32>
        %mul3A_399 = arith.mulf %mul3A_398, %gather3A_386 : vector<16xf32>
        %add3A_400 = arith.addf %add3A_395, %mul3A_399 : vector<16xf32>
        %slice3A_401 = vector.extract_strided_slice %get3A_58 {offsets = [0], sizes = [1], strides = [1]} : vector<16xf32> to vector<1xf32>
        %squeeze3A_402 = vector.extract %slice3A_401[0] : f32 from vector<1xf32>
        %add3A_403 = vector.broadcast %squeeze3A_402 : f32 to vector<16xf32>
        %add3A_404 = arith.addf %add3A_400, %add3A_403 : vector<16xf32>
        %slice3A_405 = vector.extract_strided_slice %get3A_60 {offsets = [0], sizes = [1], strides = [1]} : vector<16xf32> to vector<1xf32>
        %squeeze3A_406 = vector.extract %slice3A_405[0] : f32 from vector<1xf32>
        %max3A = arith.constant 0.000000e+00 : f32
        %max3A_407 = vector.broadcast %max3A : f32 to vector<16xf32>
        %max3A_408 = arith.maximumf %add3A_404, %max3A_407 : vector<16xf32>
        %mul3A_409 = vector.broadcast %squeeze3A_406 : f32 to vector<16xf32>
        %mul3A_410 = arith.mulf %mul3A_409, %max3A_408 : vector<16xf32>
        %add3A_411 = arith.addf %broadcast_in_dim3A_64, %mul3A_410 : vector<16xf32>
        %slice3A_412 = vector.extract_strided_slice %get3A_52 {offsets = [1], sizes = [1], strides = [1]} : vector<16xf32> to vector<1xf32>
        %squeeze3A_413 = vector.extract %slice3A_412[0] : f32 from vector<1xf32>
        %mul3A_414 = vector.broadcast %squeeze3A_413 : f32 to vector<16xf32>
        %mul3A_415 = arith.mulf %mul3A_414, %gather3A : vector<16xf32>
        %slice3A_416 = vector.extract_strided_slice %get3A_54 {offsets = [1], sizes = [1], strides = [1]} : vector<16xf32> to vector<1xf32>
        %squeeze3A_417 = vector.extract %slice3A_416[0] : f32 from vector<1xf32>
        %mul3A_418 = vector.broadcast %squeeze3A_417 : f32 to vector<16xf32>
        %mul3A_419 = arith.mulf %mul3A_418, %gather3A_385 : vector<16xf32>
        %add3A_420 = arith.addf %mul3A_415, %mul3A_419 : vector<16xf32>
        %slice3A_421 = vector.extract_strided_slice %get3A_56 {offsets = [1], sizes = [1], strides = [1]} : vector<16xf32> to vector<1xf32>
        %squeeze3A_422 = vector.extract %slice3A_421[0] : f32 from vector<1xf32>
        %mul3A_423 = vector.broadcast %squeeze3A_422 : f32 to vector<16xf32>
        %mul3A_424 = arith.mulf %mul3A_423, %gather3A_386 : vector<16xf32>
        %add3A_425 = arith.addf %add3A_420, %mul3A_424 : vector<16xf32>
        %slice3A_426 = vector.extract_strided_slice %get3A_58 {offsets = [1], sizes = [1], strides = [1]} : vector<16xf32> to vector<1xf32>
        %squeeze3A_427 = vector.extract %slice3A_426[0] : f32 from vector<1xf32>
        %add3A_428 = vector.broadcast %squeeze3A_427 : f32 to vector<16xf32>
        %add3A_429 = arith.addf %add3A_425, %add3A_428 : vector<16xf32>
        %slice3A_430 = vector.extract_strided_slice %get3A_60 {offsets = [1], sizes = [1], strides = [1]} : vector<16xf32> to vector<1xf32>
        %squeeze3A_431 = vector.extract %slice3A_430[0] : f32 from vector<1xf32>
        %max3A_432 = arith.constant 0.000000e+00 : f32
        %max3A_433 = vector.broadcast %max3A_432 : f32 to vector<16xf32>
        %max3A_434 = arith.maximumf %add3A_429, %max3A_433 : vector<16xf32>
        %mul3A_435 = vector.broadcast %squeeze3A_431 : f32 to vector<16xf32>
        %mul3A_436 = arith.mulf %mul3A_435, %max3A_434 : vector<16xf32>
        %add3A_437 = arith.addf %add3A_411, %mul3A_436 : vector<16xf32>
        %slice3A_438 = vector.extract_strided_slice %get3A_52 {offsets = [2], sizes = [1], strides = [1]} : vector<16xf32> to vector<1xf32>
        %squeeze3A_439 = vector.extract %slice3A_438[0] : f32 from vector<1xf32>
        %mul3A_440 = vector.broadcast %squeeze3A_439 : f32 to vector<16xf32>
        %mul3A_441 = arith.mulf %mul3A_440, %gather3A : vector<16xf32>
        %slice3A_442 = vector.extract_strided_slice %get3A_54 {offsets = [2], sizes = [1], strides = [1]} : vector<16xf32> to vector<1xf32>
        %squeeze3A_443 = vector.extract %slice3A_442[0] : f32 from vector<1xf32>
        %mul3A_444 = vector.broadcast %squeeze3A_443 : f32 to vector<16xf32>
        %mul3A_445 = arith.mulf %mul3A_444, %gather3A_385 : vector<16xf32>
        %add3A_446 = arith.addf %mul3A_441, %mul3A_445 : vector<16xf32>
        %slice3A_447 = vector.extract_strided_slice %get3A_56 {offsets = [2], sizes = [1], strides = [1]} : vector<16xf32> to vector<1xf32>
        %squeeze3A_448 = vector.extract %slice3A_447[0] : f32 from vector<1xf32>
        %mul3A_449 = vector.broadcast %squeeze3A_448 : f32 to vector<16xf32>
        %mul3A_450 = arith.mulf %mul3A_449, %gather3A_386 : vector<16xf32>
        %add3A_451 = arith.addf %add3A_446, %mul3A_450 : vector<16xf32>
        %slice3A_452 = vector.extract_strided_slice %get3A_58 {offsets = [2], sizes = [1], strides = [1]} : vector<16xf32> to vector<1xf32>
        %squeeze3A_453 = vector.extract %slice3A_452[0] : f32 from vector<1xf32>
        %add3A_454 = vector.broadcast %squeeze3A_453 : f32 to vector<16xf32>
        %add3A_455 = arith.addf %add3A_451, %add3A_454 : vector<16xf32>
        %slice3A_456 = vector.extract_strided_slice %get3A_60 {offsets = [2], sizes = [1], strides = [1]} : vector<16xf32> to vector<1xf32>
        %squeeze3A_457 = vector.extract %slice3A_456[0] : f32 from vector<1xf32>
        %max3A_458 = arith.constant 0.000000e+00 : f32
        %max3A_459 = vector.broadcast %max3A_458 : f32 to vector<16xf32>
        %max3A_460 = arith.maximumf %add3A_455, %max3A_459 : vector<16xf32>
        %mul3A_461 = vector.broadcast %squeeze3A_457 : f32 to vector<16xf32>
        %mul3A_462 = arith.mulf %mul3A_461, %max3A_460 : vector<16xf32>
        %add3A_463 = arith.addf %add3A_437, %mul3A_462 : vector<16xf32>
        %slice3A_464 = vector.extract_strided_slice %get3A_52 {offsets = [3], sizes = [1], strides = [1]} : vector<16xf32> to vector<1xf32>
        %squeeze3A_465 = vector.extract %slice3A_464[0] : f32 from vector<1xf32>
        %mul3A_466 = vector.broadcast %squeeze3A_465 : f32 to vector<16xf32>
        %mul3A_467 = arith.mulf %mul3A_466, %gather3A : vector<16xf32>
        %slice3A_468 = vector.extract_strided_slice %get3A_54 {offsets = [3], sizes = [1], strides = [1]} : vector<16xf32> to vector<1xf32>
        %squeeze3A_469 = vector.extract %slice3A_468[0] : f32 from vector<1xf32>
        %mul3A_470 = vector.broadcast %squeeze3A_469 : f32 to vector<16xf32>
        %mul3A_471 = arith.mulf %mul3A_470, %gather3A_385 : vector<16xf32>
        %add3A_472 = arith.addf %mul3A_467, %mul3A_471 : vector<16xf32>
        %slice3A_473 = vector.extract_strided_slice %get3A_56 {offsets = [3], sizes = [1], strides = [1]} : vector<16xf32> to vector<1xf32>
        %squeeze3A_474 = vector.extract %slice3A_473[0] : f32 from vector<1xf32>
        %mul3A_475 = vector.broadcast %squeeze3A_474 : f32 to vector<16xf32>
        %mul3A_476 = arith.mulf %mul3A_475, %gather3A_386 : vector<16xf32>
        %add3A_477 = arith.addf %add3A_472, %mul3A_476 : vector<16xf32>
        %slice3A_478 = vector.extract_strided_slice %get3A_58 {offsets = [3], sizes = [1], strides = [1]} : vector<16xf32> to vector<1xf32>
        %squeeze3A_479 = vector.extract %slice3A_478[0] : f32 from vector<1xf32>
        %add3A_480 = vector.broadcast %squeeze3A_479 : f32 to vector<16xf32>
        %add3A_481 = arith.addf %add3A_477, %add3A_480 : vector<16xf32>
        %slice3A_482 = vector.extract_strided_slice %get3A_60 {offsets = [3], sizes = [1], strides = [1]} : vector<16xf32> to vector<1xf32>
        %squeeze3A_483 = vector.extract %slice3A_482[0] : f32 from vector<1xf32>
        %max3A_484 = arith.constant 0.000000e+00 : f32
        %max3A_485 = vector.broadcast %max3A_484 : f32 to vector<16xf32>
        %max3A_486 = arith.maximumf %add3A_481, %max3A_485 : vector<16xf32>
        %mul3A_487 = vector.broadcast %squeeze3A_483 : f32 to vector<16xf32>
        %mul3A_488 = arith.mulf %mul3A_487, %max3A_486 : vector<16xf32>
        %add3A_489 = arith.addf %add3A_463, %mul3A_488 : vector<16xf32>
        %slice3A_490 = vector.extract_strided_slice %get3A_52 {offsets = [4], sizes = [1], strides = [1]} : vector<16xf32> to vector<1xf32>
        %squeeze3A_491 = vector.extract %slice3A_490[0] : f32 from vector<1xf32>
        %mul3A_492 = vector.broadcast %squeeze3A_491 : f32 to vector<16xf32>
        %mul3A_493 = arith.mulf %mul3A_492, %gather3A : vector<16xf32>
        %slice3A_494 = vector.extract_strided_slice %get3A_54 {offsets = [4], sizes = [1], strides = [1]} : vector<16xf32> to vector<1xf32>
        %squeeze3A_495 = vector.extract %slice3A_494[0] : f32 from vector<1xf32>
        %mul3A_496 = vector.broadcast %squeeze3A_495 : f32 to vector<16xf32>
        %mul3A_497 = arith.mulf %mul3A_496, %gather3A_385 : vector<16xf32>
        %add3A_498 = arith.addf %mul3A_493, %mul3A_497 : vector<16xf32>
        %slice3A_499 = vector.extract_strided_slice %get3A_56 {offsets = [4], sizes = [1], strides = [1]} : vector<16xf32> to vector<1xf32>
        %squeeze3A_500 = vector.extract %slice3A_499[0] : f32 from vector<1xf32>
        %mul3A_501 = vector.broadcast %squeeze3A_500 : f32 to vector<16xf32>
        %mul3A_502 = arith.mulf %mul3A_501, %gather3A_386 : vector<16xf32>
        %add3A_503 = arith.addf %add3A_498, %mul3A_502 : vector<16xf32>
        %slice3A_504 = vector.extract_strided_slice %get3A_58 {offsets = [4], sizes = [1], strides = [1]} : vector<16xf32> to vector<1xf32>
        %squeeze3A_505 = vector.extract %slice3A_504[0] : f32 from vector<1xf32>
        %add3A_506 = vector.broadcast %squeeze3A_505 : f32 to vector<16xf32>
        %add3A_507 = arith.addf %add3A_503, %add3A_506 : vector<16xf32>
        %slice3A_508 = vector.extract_strided_slice %get3A_60 {offsets = [4], sizes = [1], strides = [1]} : vector<16xf32> to vector<1xf32>
        %squeeze3A_509 = vector.extract %slice3A_508[0] : f32 from vector<1xf32>
        %max3A_510 = arith.constant 0.000000e+00 : f32
        %max3A_511 = vector.broadcast %max3A_510 : f32 to vector<16xf32>
        %max3A_512 = arith.maximumf %add3A_507, %max3A_511 : vector<16xf32>
        %mul3A_513 = vector.broadcast %squeeze3A_509 : f32 to vector<16xf32>
        %mul3A_514 = arith.mulf %mul3A_513, %max3A_512 : vector<16xf32>
        %add3A_515 = arith.addf %add3A_489, %mul3A_514 : vector<16xf32>
        %slice3A_516 = vector.extract_strided_slice %get3A_52 {offsets = [5], sizes = [1], strides = [1]} : vector<16xf32> to vector<1xf32>
        %squeeze3A_517 = vector.extract %slice3A_516[0] : f32 from vector<1xf32>
        %mul3A_518 = vector.broadcast %squeeze3A_517 : f32 to vector<16xf32>
        %mul3A_519 = arith.mulf %mul3A_518, %gather3A : vector<16xf32>
        %slice3A_520 = vector.extract_strided_slice %get3A_54 {offsets = [5], sizes = [1], strides = [1]} : vector<16xf32> to vector<1xf32>
        %squeeze3A_521 = vector.extract %slice3A_520[0] : f32 from vector<1xf32>
        %mul3A_522 = vector.broadcast %squeeze3A_521 : f32 to vector<16xf32>
        %mul3A_523 = arith.mulf %mul3A_522, %gather3A_385 : vector<16xf32>
        %add3A_524 = arith.addf %mul3A_519, %mul3A_523 : vector<16xf32>
        %slice3A_525 = vector.extract_strided_slice %get3A_56 {offsets = [5], sizes = [1], strides = [1]} : vector<16xf32> to vector<1xf32>
        %squeeze3A_526 = vector.extract %slice3A_525[0] : f32 from vector<1xf32>
        %mul3A_527 = vector.broadcast %squeeze3A_526 : f32 to vector<16xf32>
        %mul3A_528 = arith.mulf %mul3A_527, %gather3A_386 : vector<16xf32>
        %add3A_529 = arith.addf %add3A_524, %mul3A_528 : vector<16xf32>
        %slice3A_530 = vector.extract_strided_slice %get3A_58 {offsets = [5], sizes = [1], strides = [1]} : vector<16xf32> to vector<1xf32>
        %squeeze3A_531 = vector.extract %slice3A_530[0] : f32 from vector<1xf32>
        %add3A_532 = vector.broadcast %squeeze3A_531 : f32 to vector<16xf32>
        %add3A_533 = arith.addf %add3A_529, %add3A_532 : vector<16xf32>
        %slice3A_534 = vector.extract_strided_slice %get3A_60 {offsets = [5], sizes = [1], strides = [1]} : vector<16xf32> to vector<1xf32>
        %squeeze3A_535 = vector.extract %slice3A_534[0] : f32 from vector<1xf32>
        %max3A_536 = arith.constant 0.000000e+00 : f32
        %max3A_537 = vector.broadcast %max3A_536 : f32 to vector<16xf32>
        %max3A_538 = arith.maximumf %add3A_533, %max3A_537 : vector<16xf32>
        %mul3A_539 = vector.broadcast %squeeze3A_535 : f32 to vector<16xf32>
        %mul3A_540 = arith.mulf %mul3A_539, %max3A_538 : vector<16xf32>
        %add3A_541 = arith.addf %add3A_515, %mul3A_540 : vector<16xf32>
        %slice3A_542 = vector.extract_strided_slice %get3A_52 {offsets = [6], sizes = [1], strides = [1]} : vector<16xf32> to vector<1xf32>
        %squeeze3A_543 = vector.extract %slice3A_542[0] : f32 from vector<1xf32>
        %mul3A_544 = vector.broadcast %squeeze3A_543 : f32 to vector<16xf32>
        %mul3A_545 = arith.mulf %mul3A_544, %gather3A : vector<16xf32>
        %slice3A_546 = vector.extract_strided_slice %get3A_54 {offsets = [6], sizes = [1], strides = [1]} : vector<16xf32> to vector<1xf32>
        %squeeze3A_547 = vector.extract %slice3A_546[0] : f32 from vector<1xf32>
        %mul3A_548 = vector.broadcast %squeeze3A_547 : f32 to vector<16xf32>
        %mul3A_549 = arith.mulf %mul3A_548, %gather3A_385 : vector<16xf32>
        %add3A_550 = arith.addf %mul3A_545, %mul3A_549 : vector<16xf32>
        %slice3A_551 = vector.extract_strided_slice %get3A_56 {offsets = [6], sizes = [1], strides = [1]} : vector<16xf32> to vector<1xf32>
        %squeeze3A_552 = vector.extract %slice3A_551[0] : f32 from vector<1xf32>
        %mul3A_553 = vector.broadcast %squeeze3A_552 : f32 to vector<16xf32>
        %mul3A_554 = arith.mulf %mul3A_553, %gather3A_386 : vector<16xf32>
        %add3A_555 = arith.addf %add3A_550, %mul3A_554 : vector<16xf32>
        %slice3A_556 = vector.extract_strided_slice %get3A_58 {offsets = [6], sizes = [1], strides = [1]} : vector<16xf32> to vector<1xf32>
        %squeeze3A_557 = vector.extract %slice3A_556[0] : f32 from vector<1xf32>
        %add3A_558 = vector.broadcast %squeeze3A_557 : f32 to vector<16xf32>
        %add3A_559 = arith.addf %add3A_555, %add3A_558 : vector<16xf32>
        %slice3A_560 = vector.extract_strided_slice %get3A_60 {offsets = [6], sizes = [1], strides = [1]} : vector<16xf32> to vector<1xf32>
        %squeeze3A_561 = vector.extract %slice3A_560[0] : f32 from vector<1xf32>
        %max3A_562 = arith.constant 0.000000e+00 : f32
        %max3A_563 = vector.broadcast %max3A_562 : f32 to vector<16xf32>
        %max3A_564 = arith.maximumf %add3A_559, %max3A_563 : vector<16xf32>
        %mul3A_565 = vector.broadcast %squeeze3A_561 : f32 to vector<16xf32>
        %mul3A_566 = arith.mulf %mul3A_565, %max3A_564 : vector<16xf32>
        %add3A_567 = arith.addf %add3A_541, %mul3A_566 : vector<16xf32>
        %slice3A_568 = vector.extract_strided_slice %get3A_52 {offsets = [7], sizes = [1], strides = [1]} : vector<16xf32> to vector<1xf32>
        %squeeze3A_569 = vector.extract %slice3A_568[0] : f32 from vector<1xf32>
        %mul3A_570 = vector.broadcast %squeeze3A_569 : f32 to vector<16xf32>
        %mul3A_571 = arith.mulf %mul3A_570, %gather3A : vector<16xf32>
        %slice3A_572 = vector.extract_strided_slice %get3A_54 {offsets = [7], sizes = [1], strides = [1]} : vector<16xf32> to vector<1xf32>
        %squeeze3A_573 = vector.extract %slice3A_572[0] : f32 from vector<1xf32>
        %mul3A_574 = vector.broadcast %squeeze3A_573 : f32 to vector<16xf32>
        %mul3A_575 = arith.mulf %mul3A_574, %gather3A_385 : vector<16xf32>
        %add3A_576 = arith.addf %mul3A_571, %mul3A_575 : vector<16xf32>
        %slice3A_577 = vector.extract_strided_slice %get3A_56 {offsets = [7], sizes = [1], strides = [1]} : vector<16xf32> to vector<1xf32>
        %squeeze3A_578 = vector.extract %slice3A_577[0] : f32 from vector<1xf32>
        %mul3A_579 = vector.broadcast %squeeze3A_578 : f32 to vector<16xf32>
        %mul3A_580 = arith.mulf %mul3A_579, %gather3A_386 : vector<16xf32>
        %add3A_581 = arith.addf %add3A_576, %mul3A_580 : vector<16xf32>
        %slice3A_582 = vector.extract_strided_slice %get3A_58 {offsets = [7], sizes = [1], strides = [1]} : vector<16xf32> to vector<1xf32>
        %squeeze3A_583 = vector.extract %slice3A_582[0] : f32 from vector<1xf32>
        %add3A_584 = vector.broadcast %squeeze3A_583 : f32 to vector<16xf32>
        %add3A_585 = arith.addf %add3A_581, %add3A_584 : vector<16xf32>
        %slice3A_586 = vector.extract_strided_slice %get3A_60 {offsets = [7], sizes = [1], strides = [1]} : vector<16xf32> to vector<1xf32>
        %squeeze3A_587 = vector.extract %slice3A_586[0] : f32 from vector<1xf32>
        %max3A_588 = arith.constant 0.000000e+00 : f32
        %max3A_589 = vector.broadcast %max3A_588 : f32 to vector<16xf32>
        %max3A_590 = arith.maximumf %add3A_585, %max3A_589 : vector<16xf32>
        %mul3A_591 = vector.broadcast %squeeze3A_587 : f32 to vector<16xf32>
        %mul3A_592 = arith.mulf %mul3A_591, %max3A_590 : vector<16xf32>
        %add3A_593 = arith.addf %add3A_567, %mul3A_592 : vector<16xf32>
        %slice3A_594 = vector.extract_strided_slice %get3A_52 {offsets = [8], sizes = [1], strides = [1]} : vector<16xf32> to vector<1xf32>
        %squeeze3A_595 = vector.extract %slice3A_594[0] : f32 from vector<1xf32>
        %mul3A_596 = vector.broadcast %squeeze3A_595 : f32 to vector<16xf32>
        %mul3A_597 = arith.mulf %mul3A_596, %gather3A : vector<16xf32>
        %slice3A_598 = vector.extract_strided_slice %get3A_54 {offsets = [8], sizes = [1], strides = [1]} : vector<16xf32> to vector<1xf32>
        %squeeze3A_599 = vector.extract %slice3A_598[0] : f32 from vector<1xf32>
        %mul3A_600 = vector.broadcast %squeeze3A_599 : f32 to vector<16xf32>
        %mul3A_601 = arith.mulf %mul3A_600, %gather3A_385 : vector<16xf32>
        %add3A_602 = arith.addf %mul3A_597, %mul3A_601 : vector<16xf32>
        %slice3A_603 = vector.extract_strided_slice %get3A_56 {offsets = [8], sizes = [1], strides = [1]} : vector<16xf32> to vector<1xf32>
        %squeeze3A_604 = vector.extract %slice3A_603[0] : f32 from vector<1xf32>
        %mul3A_605 = vector.broadcast %squeeze3A_604 : f32 to vector<16xf32>
        %mul3A_606 = arith.mulf %mul3A_605, %gather3A_386 : vector<16xf32>
        %add3A_607 = arith.addf %add3A_602, %mul3A_606 : vector<16xf32>
        %slice3A_608 = vector.extract_strided_slice %get3A_58 {offsets = [8], sizes = [1], strides = [1]} : vector<16xf32> to vector<1xf32>
        %squeeze3A_609 = vector.extract %slice3A_608[0] : f32 from vector<1xf32>
        %add3A_610 = vector.broadcast %squeeze3A_609 : f32 to vector<16xf32>
        %add3A_611 = arith.addf %add3A_607, %add3A_610 : vector<16xf32>
        %slice3A_612 = vector.extract_strided_slice %get3A_60 {offsets = [8], sizes = [1], strides = [1]} : vector<16xf32> to vector<1xf32>
        %squeeze3A_613 = vector.extract %slice3A_612[0] : f32 from vector<1xf32>
        %max3A_614 = arith.constant 0.000000e+00 : f32
        %max3A_615 = vector.broadcast %max3A_614 : f32 to vector<16xf32>
        %max3A_616 = arith.maximumf %add3A_611, %max3A_615 : vector<16xf32>
        %mul3A_617 = vector.broadcast %squeeze3A_613 : f32 to vector<16xf32>
        %mul3A_618 = arith.mulf %mul3A_617, %max3A_616 : vector<16xf32>
        %add3A_619 = arith.addf %add3A_593, %mul3A_618 : vector<16xf32>
        %slice3A_620 = vector.extract_strided_slice %get3A_52 {offsets = [9], sizes = [1], strides = [1]} : vector<16xf32> to vector<1xf32>
        %squeeze3A_621 = vector.extract %slice3A_620[0] : f32 from vector<1xf32>
        %mul3A_622 = vector.broadcast %squeeze3A_621 : f32 to vector<16xf32>
        %mul3A_623 = arith.mulf %mul3A_622, %gather3A : vector<16xf32>
        %slice3A_624 = vector.extract_strided_slice %get3A_54 {offsets = [9], sizes = [1], strides = [1]} : vector<16xf32> to vector<1xf32>
        %squeeze3A_625 = vector.extract %slice3A_624[0] : f32 from vector<1xf32>
        %mul3A_626 = vector.broadcast %squeeze3A_625 : f32 to vector<16xf32>
        %mul3A_627 = arith.mulf %mul3A_626, %gather3A_385 : vector<16xf32>
        %add3A_628 = arith.addf %mul3A_623, %mul3A_627 : vector<16xf32>
        %slice3A_629 = vector.extract_strided_slice %get3A_56 {offsets = [9], sizes = [1], strides = [1]} : vector<16xf32> to vector<1xf32>
        %squeeze3A_630 = vector.extract %slice3A_629[0] : f32 from vector<1xf32>
        %mul3A_631 = vector.broadcast %squeeze3A_630 : f32 to vector<16xf32>
        %mul3A_632 = arith.mulf %mul3A_631, %gather3A_386 : vector<16xf32>
        %add3A_633 = arith.addf %add3A_628, %mul3A_632 : vector<16xf32>
        %slice3A_634 = vector.extract_strided_slice %get3A_58 {offsets = [9], sizes = [1], strides = [1]} : vector<16xf32> to vector<1xf32>
        %squeeze3A_635 = vector.extract %slice3A_634[0] : f32 from vector<1xf32>
        %add3A_636 = vector.broadcast %squeeze3A_635 : f32 to vector<16xf32>
        %add3A_637 = arith.addf %add3A_633, %add3A_636 : vector<16xf32>
        %slice3A_638 = vector.extract_strided_slice %get3A_60 {offsets = [9], sizes = [1], strides = [1]} : vector<16xf32> to vector<1xf32>
        %squeeze3A_639 = vector.extract %slice3A_638[0] : f32 from vector<1xf32>
        %max3A_640 = arith.constant 0.000000e+00 : f32
        %max3A_641 = vector.broadcast %max3A_640 : f32 to vector<16xf32>
        %max3A_642 = arith.maximumf %add3A_637, %max3A_641 : vector<16xf32>
        %mul3A_643 = vector.broadcast %squeeze3A_639 : f32 to vector<16xf32>
        %mul3A_644 = arith.mulf %mul3A_643, %max3A_642 : vector<16xf32>
        %add3A_645 = arith.addf %add3A_619, %mul3A_644 : vector<16xf32>
        %slice3A_646 = vector.extract_strided_slice %get3A_52 {offsets = [10], sizes = [1], strides = [1]} : vector<16xf32> to vector<1xf32>
        %squeeze3A_647 = vector.extract %slice3A_646[0] : f32 from vector<1xf32>
        %mul3A_648 = vector.broadcast %squeeze3A_647 : f32 to vector<16xf32>
        %mul3A_649 = arith.mulf %mul3A_648, %gather3A : vector<16xf32>
        %slice3A_650 = vector.extract_strided_slice %get3A_54 {offsets = [10], sizes = [1], strides = [1]} : vector<16xf32> to vector<1xf32>
        %squeeze3A_651 = vector.extract %slice3A_650[0] : f32 from vector<1xf32>
        %mul3A_652 = vector.broadcast %squeeze3A_651 : f32 to vector<16xf32>
        %mul3A_653 = arith.mulf %mul3A_652, %gather3A_385 : vector<16xf32>
        %add3A_654 = arith.addf %mul3A_649, %mul3A_653 : vector<16xf32>
        %slice3A_655 = vector.extract_strided_slice %get3A_56 {offsets = [10], sizes = [1], strides = [1]} : vector<16xf32> to vector<1xf32>
        %squeeze3A_656 = vector.extract %slice3A_655[0] : f32 from vector<1xf32>
        %mul3A_657 = vector.broadcast %squeeze3A_656 : f32 to vector<16xf32>
        %mul3A_658 = arith.mulf %mul3A_657, %gather3A_386 : vector<16xf32>
        %add3A_659 = arith.addf %add3A_654, %mul3A_658 : vector<16xf32>
        %slice3A_660 = vector.extract_strided_slice %get3A_58 {offsets = [10], sizes = [1], strides = [1]} : vector<16xf32> to vector<1xf32>
        %squeeze3A_661 = vector.extract %slice3A_660[0] : f32 from vector<1xf32>
        %add3A_662 = vector.broadcast %squeeze3A_661 : f32 to vector<16xf32>
        %add3A_663 = arith.addf %add3A_659, %add3A_662 : vector<16xf32>
        %slice3A_664 = vector.extract_strided_slice %get3A_60 {offsets = [10], sizes = [1], strides = [1]} : vector<16xf32> to vector<1xf32>
        %squeeze3A_665 = vector.extract %slice3A_664[0] : f32 from vector<1xf32>
        %max3A_666 = arith.constant 0.000000e+00 : f32
        %max3A_667 = vector.broadcast %max3A_666 : f32 to vector<16xf32>
        %max3A_668 = arith.maximumf %add3A_663, %max3A_667 : vector<16xf32>
        %mul3A_669 = vector.broadcast %squeeze3A_665 : f32 to vector<16xf32>
        %mul3A_670 = arith.mulf %mul3A_669, %max3A_668 : vector<16xf32>
        %add3A_671 = arith.addf %add3A_645, %mul3A_670 : vector<16xf32>
        %slice3A_672 = vector.extract_strided_slice %get3A_52 {offsets = [11], sizes = [1], strides = [1]} : vector<16xf32> to vector<1xf32>
        %squeeze3A_673 = vector.extract %slice3A_672[0] : f32 from vector<1xf32>
        %mul3A_674 = vector.broadcast %squeeze3A_673 : f32 to vector<16xf32>
        %mul3A_675 = arith.mulf %mul3A_674, %gather3A : vector<16xf32>
        %slice3A_676 = vector.extract_strided_slice %get3A_54 {offsets = [11], sizes = [1], strides = [1]} : vector<16xf32> to vector<1xf32>
        %squeeze3A_677 = vector.extract %slice3A_676[0] : f32 from vector<1xf32>
        %mul3A_678 = vector.broadcast %squeeze3A_677 : f32 to vector<16xf32>
        %mul3A_679 = arith.mulf %mul3A_678, %gather3A_385 : vector<16xf32>
        %add3A_680 = arith.addf %mul3A_675, %mul3A_679 : vector<16xf32>
        %slice3A_681 = vector.extract_strided_slice %get3A_56 {offsets = [11], sizes = [1], strides = [1]} : vector<16xf32> to vector<1xf32>
        %squeeze3A_682 = vector.extract %slice3A_681[0] : f32 from vector<1xf32>
        %mul3A_683 = vector.broadcast %squeeze3A_682 : f32 to vector<16xf32>
        %mul3A_684 = arith.mulf %mul3A_683, %gather3A_386 : vector<16xf32>
        %add3A_685 = arith.addf %add3A_680, %mul3A_684 : vector<16xf32>
        %slice3A_686 = vector.extract_strided_slice %get3A_58 {offsets = [11], sizes = [1], strides = [1]} : vector<16xf32> to vector<1xf32>
        %squeeze3A_687 = vector.extract %slice3A_686[0] : f32 from vector<1xf32>
        %add3A_688 = vector.broadcast %squeeze3A_687 : f32 to vector<16xf32>
        %add3A_689 = arith.addf %add3A_685, %add3A_688 : vector<16xf32>
        %slice3A_690 = vector.extract_strided_slice %get3A_60 {offsets = [11], sizes = [1], strides = [1]} : vector<16xf32> to vector<1xf32>
        %squeeze3A_691 = vector.extract %slice3A_690[0] : f32 from vector<1xf32>
        %max3A_692 = arith.constant 0.000000e+00 : f32
        %max3A_693 = vector.broadcast %max3A_692 : f32 to vector<16xf32>
        %max3A_694 = arith.maximumf %add3A_689, %max3A_693 : vector<16xf32>
        %mul3A_695 = vector.broadcast %squeeze3A_691 : f32 to vector<16xf32>
        %mul3A_696 = arith.mulf %mul3A_695, %max3A_694 : vector<16xf32>
        %add3A_697 = arith.addf %add3A_671, %mul3A_696 : vector<16xf32>
        %slice3A_698 = vector.extract_strided_slice %get3A_52 {offsets = [12], sizes = [1], strides = [1]} : vector<16xf32> to vector<1xf32>
        %squeeze3A_699 = vector.extract %slice3A_698[0] : f32 from vector<1xf32>
        %mul3A_700 = vector.broadcast %squeeze3A_699 : f32 to vector<16xf32>
        %mul3A_701 = arith.mulf %mul3A_700, %gather3A : vector<16xf32>
        %slice3A_702 = vector.extract_strided_slice %get3A_54 {offsets = [12], sizes = [1], strides = [1]} : vector<16xf32> to vector<1xf32>
        %squeeze3A_703 = vector.extract %slice3A_702[0] : f32 from vector<1xf32>
        %mul3A_704 = vector.broadcast %squeeze3A_703 : f32 to vector<16xf32>
        %mul3A_705 = arith.mulf %mul3A_704, %gather3A_385 : vector<16xf32>
        %add3A_706 = arith.addf %mul3A_701, %mul3A_705 : vector<16xf32>
        %slice3A_707 = vector.extract_strided_slice %get3A_56 {offsets = [12], sizes = [1], strides = [1]} : vector<16xf32> to vector<1xf32>
        %squeeze3A_708 = vector.extract %slice3A_707[0] : f32 from vector<1xf32>
        %mul3A_709 = vector.broadcast %squeeze3A_708 : f32 to vector<16xf32>
        %mul3A_710 = arith.mulf %mul3A_709, %gather3A_386 : vector<16xf32>
        %add3A_711 = arith.addf %add3A_706, %mul3A_710 : vector<16xf32>
        %slice3A_712 = vector.extract_strided_slice %get3A_58 {offsets = [12], sizes = [1], strides = [1]} : vector<16xf32> to vector<1xf32>
        %squeeze3A_713 = vector.extract %slice3A_712[0] : f32 from vector<1xf32>
        %add3A_714 = vector.broadcast %squeeze3A_713 : f32 to vector<16xf32>
        %add3A_715 = arith.addf %add3A_711, %add3A_714 : vector<16xf32>
        %slice3A_716 = vector.extract_strided_slice %get3A_60 {offsets = [12], sizes = [1], strides = [1]} : vector<16xf32> to vector<1xf32>
        %squeeze3A_717 = vector.extract %slice3A_716[0] : f32 from vector<1xf32>
        %max3A_718 = arith.constant 0.000000e+00 : f32
        %max3A_719 = vector.broadcast %max3A_718 : f32 to vector<16xf32>
        %max3A_720 = arith.maximumf %add3A_715, %max3A_719 : vector<16xf32>
        %mul3A_721 = vector.broadcast %squeeze3A_717 : f32 to vector<16xf32>
        %mul3A_722 = arith.mulf %mul3A_721, %max3A_720 : vector<16xf32>
        %add3A_723 = arith.addf %add3A_697, %mul3A_722 : vector<16xf32>
        %slice3A_724 = vector.extract_strided_slice %get3A_52 {offsets = [13], sizes = [1], strides = [1]} : vector<16xf32> to vector<1xf32>
        %squeeze3A_725 = vector.extract %slice3A_724[0] : f32 from vector<1xf32>
        %mul3A_726 = vector.broadcast %squeeze3A_725 : f32 to vector<16xf32>
        %mul3A_727 = arith.mulf %mul3A_726, %gather3A : vector<16xf32>
        %slice3A_728 = vector.extract_strided_slice %get3A_54 {offsets = [13], sizes = [1], strides = [1]} : vector<16xf32> to vector<1xf32>
        %squeeze3A_729 = vector.extract %slice3A_728[0] : f32 from vector<1xf32>
        %mul3A_730 = vector.broadcast %squeeze3A_729 : f32 to vector<16xf32>
        %mul3A_731 = arith.mulf %mul3A_730, %gather3A_385 : vector<16xf32>
        %add3A_732 = arith.addf %mul3A_727, %mul3A_731 : vector<16xf32>
        %slice3A_733 = vector.extract_strided_slice %get3A_56 {offsets = [13], sizes = [1], strides = [1]} : vector<16xf32> to vector<1xf32>
        %squeeze3A_734 = vector.extract %slice3A_733[0] : f32 from vector<1xf32>
        %mul3A_735 = vector.broadcast %squeeze3A_734 : f32 to vector<16xf32>
        %mul3A_736 = arith.mulf %mul3A_735, %gather3A_386 : vector<16xf32>
        %add3A_737 = arith.addf %add3A_732, %mul3A_736 : vector<16xf32>
        %slice3A_738 = vector.extract_strided_slice %get3A_58 {offsets = [13], sizes = [1], strides = [1]} : vector<16xf32> to vector<1xf32>
        %squeeze3A_739 = vector.extract %slice3A_738[0] : f32 from vector<1xf32>
        %add3A_740 = vector.broadcast %squeeze3A_739 : f32 to vector<16xf32>
        %add3A_741 = arith.addf %add3A_737, %add3A_740 : vector<16xf32>
        %slice3A_742 = vector.extract_strided_slice %get3A_60 {offsets = [13], sizes = [1], strides = [1]} : vector<16xf32> to vector<1xf32>
        %squeeze3A_743 = vector.extract %slice3A_742[0] : f32 from vector<1xf32>
        %max3A_744 = arith.constant 0.000000e+00 : f32
        %max3A_745 = vector.broadcast %max3A_744 : f32 to vector<16xf32>
        %max3A_746 = arith.maximumf %add3A_741, %max3A_745 : vector<16xf32>
        %mul3A_747 = vector.broadcast %squeeze3A_743 : f32 to vector<16xf32>
        %mul3A_748 = arith.mulf %mul3A_747, %max3A_746 : vector<16xf32>
        %add3A_749 = arith.addf %add3A_723, %mul3A_748 : vector<16xf32>
        %slice3A_750 = vector.extract_strided_slice %get3A_52 {offsets = [14], sizes = [1], strides = [1]} : vector<16xf32> to vector<1xf32>
        %squeeze3A_751 = vector.extract %slice3A_750[0] : f32 from vector<1xf32>
        %mul3A_752 = vector.broadcast %squeeze3A_751 : f32 to vector<16xf32>
        %mul3A_753 = arith.mulf %mul3A_752, %gather3A : vector<16xf32>
        %slice3A_754 = vector.extract_strided_slice %get3A_54 {offsets = [14], sizes = [1], strides = [1]} : vector<16xf32> to vector<1xf32>
        %squeeze3A_755 = vector.extract %slice3A_754[0] : f32 from vector<1xf32>
        %mul3A_756 = vector.broadcast %squeeze3A_755 : f32 to vector<16xf32>
        %mul3A_757 = arith.mulf %mul3A_756, %gather3A_385 : vector<16xf32>
        %add3A_758 = arith.addf %mul3A_753, %mul3A_757 : vector<16xf32>
        %slice3A_759 = vector.extract_strided_slice %get3A_56 {offsets = [14], sizes = [1], strides = [1]} : vector<16xf32> to vector<1xf32>
        %squeeze3A_760 = vector.extract %slice3A_759[0] : f32 from vector<1xf32>
        %mul3A_761 = vector.broadcast %squeeze3A_760 : f32 to vector<16xf32>
        %mul3A_762 = arith.mulf %mul3A_761, %gather3A_386 : vector<16xf32>
        %add3A_763 = arith.addf %add3A_758, %mul3A_762 : vector<16xf32>
        %slice3A_764 = vector.extract_strided_slice %get3A_58 {offsets = [14], sizes = [1], strides = [1]} : vector<16xf32> to vector<1xf32>
        %squeeze3A_765 = vector.extract %slice3A_764[0] : f32 from vector<1xf32>
        %add3A_766 = vector.broadcast %squeeze3A_765 : f32 to vector<16xf32>
        %add3A_767 = arith.addf %add3A_763, %add3A_766 : vector<16xf32>
        %slice3A_768 = vector.extract_strided_slice %get3A_60 {offsets = [14], sizes = [1], strides = [1]} : vector<16xf32> to vector<1xf32>
        %squeeze3A_769 = vector.extract %slice3A_768[0] : f32 from vector<1xf32>
        %max3A_770 = arith.constant 0.000000e+00 : f32
        %max3A_771 = vector.broadcast %max3A_770 : f32 to vector<16xf32>
        %max3A_772 = arith.maximumf %add3A_767, %max3A_771 : vector<16xf32>
        %mul3A_773 = vector.broadcast %squeeze3A_769 : f32 to vector<16xf32>
        %mul3A_774 = arith.mulf %mul3A_773, %max3A_772 : vector<16xf32>
        %add3A_775 = arith.addf %add3A_749, %mul3A_774 : vector<16xf32>
        %slice3A_776 = vector.extract_strided_slice %get3A_52 {offsets = [15], sizes = [1], strides = [1]} : vector<16xf32> to vector<1xf32>
        %squeeze3A_777 = vector.extract %slice3A_776[0] : f32 from vector<1xf32>
        %mul3A_778 = vector.broadcast %squeeze3A_777 : f32 to vector<16xf32>
        %mul3A_779 = arith.mulf %mul3A_778, %gather3A : vector<16xf32>
        %slice3A_780 = vector.extract_strided_slice %get3A_54 {offsets = [15], sizes = [1], strides = [1]} : vector<16xf32> to vector<1xf32>
        %squeeze3A_781 = vector.extract %slice3A_780[0] : f32 from vector<1xf32>
        %mul3A_782 = vector.broadcast %squeeze3A_781 : f32 to vector<16xf32>
        %mul3A_783 = arith.mulf %mul3A_782, %gather3A_385 : vector<16xf32>
        %add3A_784 = arith.addf %mul3A_779, %mul3A_783 : vector<16xf32>
        %slice3A_785 = vector.extract_strided_slice %get3A_56 {offsets = [15], sizes = [1], strides = [1]} : vector<16xf32> to vector<1xf32>
        %squeeze3A_786 = vector.extract %slice3A_785[0] : f32 from vector<1xf32>
        %mul3A_787 = vector.broadcast %squeeze3A_786 : f32 to vector<16xf32>
        %mul3A_788 = arith.mulf %mul3A_787, %gather3A_386 : vector<16xf32>
        %add3A_789 = arith.addf %add3A_784, %mul3A_788 : vector<16xf32>
        %slice3A_790 = vector.extract_strided_slice %get3A_58 {offsets = [15], sizes = [1], strides = [1]} : vector<16xf32> to vector<1xf32>
        %squeeze3A_791 = vector.extract %slice3A_790[0] : f32 from vector<1xf32>
        %add3A_792 = vector.broadcast %squeeze3A_791 : f32 to vector<16xf32>
        %add3A_793 = arith.addf %add3A_789, %add3A_792 : vector<16xf32>
        %slice3A_794 = vector.extract_strided_slice %get3A_60 {offsets = [15], sizes = [1], strides = [1]} : vector<16xf32> to vector<1xf32>
        %squeeze3A_795 = vector.extract %slice3A_794[0] : f32 from vector<1xf32>
        %max3A_796 = arith.constant 0.000000e+00 : f32
        %max3A_797 = vector.broadcast %max3A_796 : f32 to vector<16xf32>
        %max3A_798 = arith.maximumf %add3A_793, %max3A_797 : vector<16xf32>
        %mul3A_799 = vector.broadcast %squeeze3A_795 : f32 to vector<16xf32>
        %mul3A_800 = arith.mulf %mul3A_799, %max3A_798 : vector<16xf32>
        %add3A_801 = arith.addf %add3A_775, %mul3A_800 : vector<16xf32>
        %add3A_802 = vector.broadcast %squeeze3A : f32 to vector<16xf32>
        %add3A_803 = arith.addf %add3A_801, %add3A_802 : vector<16xf32>
        %neg3A = arith.constant 0.000000e+00 : f32
        %neg3A_804 = vector.broadcast %neg3A : f32 to vector<16xf32>
        %neg3A_805 = arith.subf %neg3A_804, %add3A_803 : vector<16xf32>
        %exp3A = math.exp %neg3A_805 : vector<16xf32>
        %add3A_806 = arith.constant 1.000000e+00 : f32
        %add3A_807 = vector.broadcast %add3A_806 : f32 to vector<16xf32>
        %add3A_808 = arith.addf %add3A_807, %exp3A : vector<16xf32>
        %div3A = arith.constant 1.000000e+00 : f32
        %div3A_809 = vector.broadcast %div3A : f32 to vector<16xf32>
        %div3A_810 = arith.divf %div3A_809, %add3A_808 : vector<16xf32>
        %mul3A_811 = arith.mulf %div3A_810, %gather3A : vector<16xf32>
        %swap3A_812 = arith.constant 0 : i32
        %swap3A_813 = arith.index_cast %swap3A_812 : i32 to index
        %swap3A_814 = arith.constant 0 : index
        %swap3A_815 = tpu.vector_load %arg49[%swap3A_813, %swap3A_814] {strides = array<i32>} : memref<3x16xf32, #tpu.memory_space<vmem>>, vector<16xf32>,
        tpu.vector_store %arg49[%swap3A_813, %swap3A_814], %mul3A_811 {strides = array<i32>} : memref<3x16xf32, #tpu.memory_space<vmem>>, vector<16xf32>,
        %mul3A_816 = arith.mulf %div3A_810, %gather3A_385 : vector<16xf32>
        %swap3A_817 = arith.constant 1 : i32
        %swap3A_818 = arith.index_cast %swap3A_817 : i32 to index
        %swap3A_819 = arith.constant 0 : index
        %swap3A_820 = tpu.vector_load %arg49[%swap3A_818, %swap3A_819] {strides = array<i32>} : memref<3x16xf32, #tpu.memory_space<vmem>>, vector<16xf32>,
        tpu.vector_store %arg49[%swap3A_818, %swap3A_819], %mul3A_816 {strides = array<i32>} : memref<3x16xf32, #tpu.memory_space<vmem>>, vector<16xf32>,
        %mul3A_821 = arith.mulf %div3A_810, %gather3A_386 : vector<16xf32>
        %swap3A_822 = arith.constant 2 : i32
        %swap3A_823 = arith.index_cast %swap3A_822 : i32 to index
        %swap3A_824 = arith.constant 0 : index
        %swap3A_825 = tpu.vector_load %arg49[%swap3A_823, %swap3A_824] {strides = array<i32>} : memref<3x16xf32, #tpu.memory_space<vmem>>, vector<16xf32>,
        tpu.vector_store %arg49[%swap3A_823, %swap3A_824], %mul3A_821 {strides = array<i32>} : memref<3x16xf32, #tpu.memory_space<vmem>>, vector<16xf32>,
        %parallel_loop3A = arith.constant 0 : i32
        %parallel_loop3A_826 = arith.constant 16 : i32
        %parallel_loop3A_827 = arith.constant 1 : i32
        scf.for %parallel_loop3A_1004 = %parallel_loop3A to %parallel_loop3A_826 step %parallel_loop3A_827  : i32 {
          %parallel_loop3A_1005 = arith.addi %mul3A_373, %parallel_loop3A_1004 : i32
          %parallel_loop3A_1006 = vector.broadcast %parallel_loop3A_1004 : i32 to vector<16xi32>
          %parallel_loop3A_1007 = tpu.vector_load_idx %arg49[%broadcast_in_dim3A_1, %parallel_loop3A_1006] : memref<3x16xf32, #tpu.memory_space<vmem>>[vector<16xi32>, vector<16xi32>], vector<16xf32>,
          %parallel_loop3A_1008 = tpu.vector_load_idx %arg49[%broadcast_in_dim3A_3, %parallel_loop3A_1006] : memref<3x16xf32, #tpu.memory_space<vmem>>[vector<16xi32>, vector<16xi32>], vector<16xf32>,
          %parallel_loop3A_1009 = arith.constant 2 : i32
          %parallel_loop3A_1010 = vector.broadcast %parallel_loop3A_1009 : i32 to vector<16xi32>
          %parallel_loop3A_1011 = arith.addi %broadcast_in_dim3A_1, %parallel_loop3A_1010 : vector<16xi32>
          %parallel_loop3A_1012 = tpu.vector_load_idx %arg49[%parallel_loop3A_1011, %parallel_loop3A_1006] : memref<3x16xf32, #tpu.memory_space<vmem>>[vector<16xi32>, vector<16xi32>], vector<16xf32>,
          %parallel_loop3A_1013 = arith.index_cast %parallel_loop3A_1005 : i32 to index
          %parallel_loop3A_1014 = arith.constant 0 : index
          %parallel_loop3A_1015 = tpu.vector_load %arg20[%parallel_loop3A_1013, %parallel_loop3A_1014] {strides = array<i32>} : memref<64x128xf32, #tpu.memory_space<vmem>>, vector<16xf32>,
          %parallel_loop3A_1016 = arith.mulf %parallel_loop3A_1007, %get3A_4 : vector<16xf32>
          %parallel_loop3A_1017 = arith.addf %parallel_loop3A_1015, %parallel_loop3A_1016 : vector<16xf32>
          %parallel_loop3A_1018 = arith.mulf %parallel_loop3A_1008, %get3A_20 : vector<16xf32>
          %parallel_loop3A_1019 = arith.addf %parallel_loop3A_1017, %parallel_loop3A_1018 : vector<16xf32>
          %parallel_loop3A_1020 = arith.mulf %parallel_loop3A_1012, %get3A_36 : vector<16xf32>
          %parallel_loop3A_1021 = arith.addf %parallel_loop3A_1019, %parallel_loop3A_1020 : vector<16xf32>
          %parallel_loop3A_1022 = arith.constant 0.000000e+00 : f32
          %parallel_loop3A_1023 = vector.broadcast %parallel_loop3A_1022 : f32 to vector<16xf32>
          %parallel_loop3A_1024 = arith.subf %parallel_loop3A_1023, %parallel_loop3A_1021 : vector<16xf32>
          %parallel_loop3A_1025 = math.exp %parallel_loop3A_1024 : vector<16xf32>
          %parallel_loop3A_1026 = arith.constant 1.000000e+00 : f32
          %parallel_loop3A_1027 = vector.broadcast %parallel_loop3A_1026 : f32 to vector<16xf32>
          %parallel_loop3A_1028 = arith.addf %parallel_loop3A_1027, %parallel_loop3A_1025 : vector<16xf32>
          %parallel_loop3A_1029 = arith.constant 1.000000e+00 : f32
          %parallel_loop3A_1030 = vector.broadcast %parallel_loop3A_1029 : f32 to vector<16xf32>
          %parallel_loop3A_1031 = arith.divf %parallel_loop3A_1030, %parallel_loop3A_1028 : vector<16xf32>
          %parallel_loop3A_1032 = arith.constant 5.000000e-01 : f32
          %parallel_loop3A_1033 = vector.broadcast %parallel_loop3A_1032 : f32 to vector<16xf32>
          %parallel_loop3A_1034 = arith.subf %parallel_loop3A_1031, %parallel_loop3A_1033 : vector<16xf32>
          %parallel_loop3A_1035 = arith.index_cast %parallel_loop3A_1005 : i32 to index
          %parallel_loop3A_1036 = arith.constant 0 : index
          %parallel_loop3A_1037 = tpu.vector_load %arg22[%parallel_loop3A_1035, %parallel_loop3A_1036] {strides = array<i32>} : memref<64x128xf32, #tpu.memory_space<vmem>>, vector<16xf32>,
          %parallel_loop3A_1038 = arith.mulf %parallel_loop3A_1037, %parallel_loop3A_1034 : vector<16xf32>
          %parallel_loop3A_1039 = arith.constant 0 : i32
          %parallel_loop3A_1040 = arith.index_cast %parallel_loop3A_1005 : i32 to index
          %parallel_loop3A_1041 = arith.index_cast %parallel_loop3A_1039 : i32 to index
          %parallel_loop3A_1042 = arith.constant 0 : index
          %parallel_loop3A_1043 = tpu.vector_load %arg21[%parallel_loop3A_1040, %parallel_loop3A_1041, %parallel_loop3A_1042] {strides = array<i32>} : memref<64x2x128xf32, #tpu.memory_space<vmem>>, vector<16xf32>,
          %parallel_loop3A_1044 = arith.constant 0.000000e+00 : f32
          %parallel_loop3A_1045 = vector.broadcast %parallel_loop3A_1044 : f32 to vector<16xf32>
          %parallel_loop3A_1046 = arith.subf %parallel_loop3A_1045, %parallel_loop3A_1043 : vector<16xf32>
          %parallel_loop3A_1047 = math.exp %parallel_loop3A_1046 : vector<16xf32>
          %parallel_loop3A_1048 = arith.constant 1.000000e+00 : f32
          %parallel_loop3A_1049 = vector.broadcast %parallel_loop3A_1048 : f32 to vector<16xf32>
          %parallel_loop3A_1050 = arith.addf %parallel_loop3A_1049, %parallel_loop3A_1047 : vector<16xf32>
          %parallel_loop3A_1051 = arith.constant 1.000000e+00 : f32
          %parallel_loop3A_1052 = vector.broadcast %parallel_loop3A_1051 : f32 to vector<16xf32>
          %parallel_loop3A_1053 = arith.divf %parallel_loop3A_1052, %parallel_loop3A_1050 : vector<16xf32>
          %parallel_loop3A_1054 = arith.mulf %parallel_loop3A_1038, %parallel_loop3A_1053 : vector<16xf32>
          %parallel_loop3A_1055 = arith.addf %broadcast_in_dim3A_64, %parallel_loop3A_1054 : vector<16xf32>
          %parallel_loop3A_1056 = arith.constant 1 : i32
          %parallel_loop3A_1057 = arith.index_cast %parallel_loop3A_1005 : i32 to index
          %parallel_loop3A_1058 = arith.index_cast %parallel_loop3A_1056 : i32 to index
          %parallel_loop3A_1059 = arith.constant 0 : index
          %parallel_loop3A_1060 = tpu.vector_load %arg21[%parallel_loop3A_1057, %parallel_loop3A_1058, %parallel_loop3A_1059] {strides = array<i32>} : memref<64x2x128xf32, #tpu.memory_space<vmem>>, vector<16xf32>,
          %parallel_loop3A_1061 = arith.constant 0.000000e+00 : f32
          %parallel_loop3A_1062 = vector.broadcast %parallel_loop3A_1061 : f32 to vector<16xf32>
          %parallel_loop3A_1063 = arith.subf %parallel_loop3A_1062, %parallel_loop3A_1060 : vector<16xf32>
          %parallel_loop3A_1064 = math.exp %parallel_loop3A_1063 : vector<16xf32>
          %parallel_loop3A_1065 = arith.constant 1.000000e+00 : f32
          %parallel_loop3A_1066 = vector.broadcast %parallel_loop3A_1065 : f32 to vector<16xf32>
          %parallel_loop3A_1067 = arith.addf %parallel_loop3A_1066, %parallel_loop3A_1064 : vector<16xf32>
          %parallel_loop3A_1068 = arith.constant 1.000000e+00 : f32
          %parallel_loop3A_1069 = vector.broadcast %parallel_loop3A_1068 : f32 to vector<16xf32>
          %parallel_loop3A_1070 = arith.divf %parallel_loop3A_1069, %parallel_loop3A_1067 : vector<16xf32>
          %parallel_loop3A_1071 = arith.mulf %parallel_loop3A_1038, %parallel_loop3A_1070 : vector<16xf32>
          %parallel_loop3A_1072 = arith.addf %broadcast_in_dim3A_64, %parallel_loop3A_1071 : vector<16xf32>
          %parallel_loop3A_1073 = arith.index_cast %parallel_loop3A_1005 : i32 to index
          %parallel_loop3A_1074 = arith.constant 16 : index
          %parallel_loop3A_1075 = tpu.vector_load %arg20[%parallel_loop3A_1073, %parallel_loop3A_1074] {strides = array<i32>} : memref<64x128xf32, #tpu.memory_space<vmem>>, vector<16xf32>,
          %parallel_loop3A_1076 = arith.mulf %parallel_loop3A_1007, %get3A_6 : vector<16xf32>
          %parallel_loop3A_1077 = arith.addf %parallel_loop3A_1075, %parallel_loop3A_1076 : vector<16xf32>
          %parallel_loop3A_1078 = arith.mulf %parallel_loop3A_1008, %get3A_22 : vector<16xf32>
          %parallel_loop3A_1079 = arith.addf %parallel_loop3A_1077, %parallel_loop3A_1078 : vector<16xf32>
          %parallel_loop3A_1080 = arith.mulf %parallel_loop3A_1012, %get3A_38 : vector<16xf32>
          %parallel_loop3A_1081 = arith.addf %parallel_loop3A_1079, %parallel_loop3A_1080 : vector<16xf32>
          %parallel_loop3A_1082 = arith.constant 0.000000e+00 : f32
          %parallel_loop3A_1083 = vector.broadcast %parallel_loop3A_1082 : f32 to vector<16xf32>
          %parallel_loop3A_1084 = arith.subf %parallel_loop3A_1083, %parallel_loop3A_1081 : vector<16xf32>
          %parallel_loop3A_1085 = math.exp %parallel_loop3A_1084 : vector<16xf32>
          %parallel_loop3A_1086 = arith.constant 1.000000e+00 : f32
          %parallel_loop3A_1087 = vector.broadcast %parallel_loop3A_1086 : f32 to vector<16xf32>
          %parallel_loop3A_1088 = arith.addf %parallel_loop3A_1087, %parallel_loop3A_1085 : vector<16xf32>
          %parallel_loop3A_1089 = arith.constant 1.000000e+00 : f32
          %parallel_loop3A_1090 = vector.broadcast %parallel_loop3A_1089 : f32 to vector<16xf32>
          %parallel_loop3A_1091 = arith.divf %parallel_loop3A_1090, %parallel_loop3A_1088 : vector<16xf32>
          %parallel_loop3A_1092 = arith.constant 5.000000e-01 : f32
          %parallel_loop3A_1093 = vector.broadcast %parallel_loop3A_1092 : f32 to vector<16xf32>
          %parallel_loop3A_1094 = arith.subf %parallel_loop3A_1091, %parallel_loop3A_1093 : vector<16xf32>
          %parallel_loop3A_1095 = arith.index_cast %parallel_loop3A_1005 : i32 to index
          %parallel_loop3A_1096 = arith.constant 16 : index
          %parallel_loop3A_1097 = tpu.vector_load %arg22[%parallel_loop3A_1095, %parallel_loop3A_1096] {strides = array<i32>} : memref<64x128xf32, #tpu.memory_space<vmem>>, vector<16xf32>,
          %parallel_loop3A_1098 = arith.mulf %parallel_loop3A_1097, %parallel_loop3A_1094 : vector<16xf32>
          %parallel_loop3A_1099 = arith.constant 0 : i32
          %parallel_loop3A_1100 = arith.index_cast %parallel_loop3A_1005 : i32 to index
          %parallel_loop3A_1101 = arith.index_cast %parallel_loop3A_1099 : i32 to index
          %parallel_loop3A_1102 = arith.constant 16 : index
          %parallel_loop3A_1103 = tpu.vector_load %arg21[%parallel_loop3A_1100, %parallel_loop3A_1101, %parallel_loop3A_1102] {strides = array<i32>} : memref<64x2x128xf32, #tpu.memory_space<vmem>>, vector<16xf32>,
          %parallel_loop3A_1104 = arith.constant 0.000000e+00 : f32
          %parallel_loop3A_1105 = vector.broadcast %parallel_loop3A_1104 : f32 to vector<16xf32>
          %parallel_loop3A_1106 = arith.subf %parallel_loop3A_1105, %parallel_loop3A_1103 : vector<16xf32>
          %parallel_loop3A_1107 = math.exp %parallel_loop3A_1106 : vector<16xf32>
          %parallel_loop3A_1108 = arith.constant 1.000000e+00 : f32
          %parallel_loop3A_1109 = vector.broadcast %parallel_loop3A_1108 : f32 to vector<16xf32>
          %parallel_loop3A_1110 = arith.addf %parallel_loop3A_1109, %parallel_loop3A_1107 : vector<16xf32>
          %parallel_loop3A_1111 = arith.constant 1.000000e+00 : f32
          %parallel_loop3A_1112 = vector.broadcast %parallel_loop3A_1111 : f32 to vector<16xf32>
          %parallel_loop3A_1113 = arith.divf %parallel_loop3A_1112, %parallel_loop3A_1110 : vector<16xf32>
          %parallel_loop3A_1114 = arith.mulf %parallel_loop3A_1098, %parallel_loop3A_1113 : vector<16xf32>
          %parallel_loop3A_1115 = arith.addf %parallel_loop3A_1055, %parallel_loop3A_1114 : vector<16xf32>
          %parallel_loop3A_1116 = arith.constant 1 : i32
          %parallel_loop3A_1117 = arith.index_cast %parallel_loop3A_1005 : i32 to index
          %parallel_loop3A_1118 = arith.index_cast %parallel_loop3A_1116 : i32 to index
          %parallel_loop3A_1119 = arith.constant 16 : index
          %parallel_loop3A_1120 = tpu.vector_load %arg21[%parallel_loop3A_1117, %parallel_loop3A_1118, %parallel_loop3A_1119] {strides = array<i32>} : memref<64x2x128xf32, #tpu.memory_space<vmem>>, vector<16xf32>,
          %parallel_loop3A_1121 = arith.constant 0.000000e+00 : f32
          %parallel_loop3A_1122 = vector.broadcast %parallel_loop3A_1121 : f32 to vector<16xf32>
          %parallel_loop3A_1123 = arith.subf %parallel_loop3A_1122, %parallel_loop3A_1120 : vector<16xf32>
          %parallel_loop3A_1124 = math.exp %parallel_loop3A_1123 : vector<16xf32>
          %parallel_loop3A_1125 = arith.constant 1.000000e+00 : f32
          %parallel_loop3A_1126 = vector.broadcast %parallel_loop3A_1125 : f32 to vector<16xf32>
          %parallel_loop3A_1127 = arith.addf %parallel_loop3A_1126, %parallel_loop3A_1124 : vector<16xf32>
          %parallel_loop3A_1128 = arith.constant 1.000000e+00 : f32
          %parallel_loop3A_1129 = vector.broadcast %parallel_loop3A_1128 : f32 to vector<16xf32>
          %parallel_loop3A_1130 = arith.divf %parallel_loop3A_1129, %parallel_loop3A_1127 : vector<16xf32>
          %parallel_loop3A_1131 = arith.mulf %parallel_loop3A_1098, %parallel_loop3A_1130 : vector<16xf32>
          %parallel_loop3A_1132 = arith.addf %parallel_loop3A_1072, %parallel_loop3A_1131 : vector<16xf32>
          %parallel_loop3A_1133 = arith.index_cast %parallel_loop3A_1005 : i32 to index
          %parallel_loop3A_1134 = arith.constant 32 : index
          %parallel_loop3A_1135 = tpu.vector_load %arg20[%parallel_loop3A_1133, %parallel_loop3A_1134] {strides = array<i32>} : memref<64x128xf32, #tpu.memory_space<vmem>>, vector<16xf32>,
          %parallel_loop3A_1136 = arith.mulf %parallel_loop3A_1007, %get3A_8 : vector<16xf32>
          %parallel_loop3A_1137 = arith.addf %parallel_loop3A_1135, %parallel_loop3A_1136 : vector<16xf32>
          %parallel_loop3A_1138 = arith.mulf %parallel_loop3A_1008, %get3A_24 : vector<16xf32>
          %parallel_loop3A_1139 = arith.addf %parallel_loop3A_1137, %parallel_loop3A_1138 : vector<16xf32>
          %parallel_loop3A_1140 = arith.mulf %parallel_loop3A_1012, %get3A_40 : vector<16xf32>
          %parallel_loop3A_1141 = arith.addf %parallel_loop3A_1139, %parallel_loop3A_1140 : vector<16xf32>
          %parallel_loop3A_1142 = arith.constant 0.000000e+00 : f32
          %parallel_loop3A_1143 = vector.broadcast %parallel_loop3A_1142 : f32 to vector<16xf32>
          %parallel_loop3A_1144 = arith.subf %parallel_loop3A_1143, %parallel_loop3A_1141 : vector<16xf32>
          %parallel_loop3A_1145 = math.exp %parallel_loop3A_1144 : vector<16xf32>
          %parallel_loop3A_1146 = arith.constant 1.000000e+00 : f32
          %parallel_loop3A_1147 = vector.broadcast %parallel_loop3A_1146 : f32 to vector<16xf32>
          %parallel_loop3A_1148 = arith.addf %parallel_loop3A_1147, %parallel_loop3A_1145 : vector<16xf32>
          %parallel_loop3A_1149 = arith.constant 1.000000e+00 : f32
          %parallel_loop3A_1150 = vector.broadcast %parallel_loop3A_1149 : f32 to vector<16xf32>
          %parallel_loop3A_1151 = arith.divf %parallel_loop3A_1150, %parallel_loop3A_1148 : vector<16xf32>
          %parallel_loop3A_1152 = arith.constant 5.000000e-01 : f32
          %parallel_loop3A_1153 = vector.broadcast %parallel_loop3A_1152 : f32 to vector<16xf32>
          %parallel_loop3A_1154 = arith.subf %parallel_loop3A_1151, %parallel_loop3A_1153 : vector<16xf32>
          %parallel_loop3A_1155 = arith.index_cast %parallel_loop3A_1005 : i32 to index
          %parallel_loop3A_1156 = arith.constant 32 : index
          %parallel_loop3A_1157 = tpu.vector_load %arg22[%parallel_loop3A_1155, %parallel_loop3A_1156] {strides = array<i32>} : memref<64x128xf32, #tpu.memory_space<vmem>>, vector<16xf32>,
          %parallel_loop3A_1158 = arith.mulf %parallel_loop3A_1157, %parallel_loop3A_1154 : vector<16xf32>
          %parallel_loop3A_1159 = arith.constant 0 : i32
          %parallel_loop3A_1160 = arith.index_cast %parallel_loop3A_1005 : i32 to index
          %parallel_loop3A_1161 = arith.index_cast %parallel_loop3A_1159 : i32 to index
          %parallel_loop3A_1162 = arith.constant 32 : index
          %parallel_loop3A_1163 = tpu.vector_load %arg21[%parallel_loop3A_1160, %parallel_loop3A_1161, %parallel_loop3A_1162] {strides = array<i32>} : memref<64x2x128xf32, #tpu.memory_space<vmem>>, vector<16xf32>,
          %parallel_loop3A_1164 = arith.constant 0.000000e+00 : f32
          %parallel_loop3A_1165 = vector.broadcast %parallel_loop3A_1164 : f32 to vector<16xf32>
          %parallel_loop3A_1166 = arith.subf %parallel_loop3A_1165, %parallel_loop3A_1163 : vector<16xf32>
          %parallel_loop3A_1167 = math.exp %parallel_loop3A_1166 : vector<16xf32>
          %parallel_loop3A_1168 = arith.constant 1.000000e+00 : f32
          %parallel_loop3A_1169 = vector.broadcast %parallel_loop3A_1168 : f32 to vector<16xf32>
          %parallel_loop3A_1170 = arith.addf %parallel_loop3A_1169, %parallel_loop3A_1167 : vector<16xf32>
          %parallel_loop3A_1171 = arith.constant 1.000000e+00 : f32
          %parallel_loop3A_1172 = vector.broadcast %parallel_loop3A_1171 : f32 to vector<16xf32>
          %parallel_loop3A_1173 = arith.divf %parallel_loop3A_1172, %parallel_loop3A_1170 : vector<16xf32>
          %parallel_loop3A_1174 = arith.mulf %parallel_loop3A_1158, %parallel_loop3A_1173 : vector<16xf32>
          %parallel_loop3A_1175 = arith.addf %parallel_loop3A_1115, %parallel_loop3A_1174 : vector<16xf32>
          %parallel_loop3A_1176 = arith.constant 1 : i32
          %parallel_loop3A_1177 = arith.index_cast %parallel_loop3A_1005 : i32 to index
          %parallel_loop3A_1178 = arith.index_cast %parallel_loop3A_1176 : i32 to index
          %parallel_loop3A_1179 = arith.constant 32 : index
          %parallel_loop3A_1180 = tpu.vector_load %arg21[%parallel_loop3A_1177, %parallel_loop3A_1178, %parallel_loop3A_1179] {strides = array<i32>} : memref<64x2x128xf32, #tpu.memory_space<vmem>>, vector<16xf32>,
          %parallel_loop3A_1181 = arith.constant 0.000000e+00 : f32
          %parallel_loop3A_1182 = vector.broadcast %parallel_loop3A_1181 : f32 to vector<16xf32>
          %parallel_loop3A_1183 = arith.subf %parallel_loop3A_1182, %parallel_loop3A_1180 : vector<16xf32>
          %parallel_loop3A_1184 = math.exp %parallel_loop3A_1183 : vector<16xf32>
          %parallel_loop3A_1185 = arith.constant 1.000000e+00 : f32
          %parallel_loop3A_1186 = vector.broadcast %parallel_loop3A_1185 : f32 to vector<16xf32>
          %parallel_loop3A_1187 = arith.addf %parallel_loop3A_1186, %parallel_loop3A_1184 : vector<16xf32>
          %parallel_loop3A_1188 = arith.constant 1.000000e+00 : f32
          %parallel_loop3A_1189 = vector.broadcast %parallel_loop3A_1188 : f32 to vector<16xf32>
          %parallel_loop3A_1190 = arith.divf %parallel_loop3A_1189, %parallel_loop3A_1187 : vector<16xf32>
          %parallel_loop3A_1191 = arith.mulf %parallel_loop3A_1158, %parallel_loop3A_1190 : vector<16xf32>
          %parallel_loop3A_1192 = arith.addf %parallel_loop3A_1132, %parallel_loop3A_1191 : vector<16xf32>
          %parallel_loop3A_1193 = arith.index_cast %parallel_loop3A_1005 : i32 to index
          %parallel_loop3A_1194 = arith.constant 48 : index
          %parallel_loop3A_1195 = tpu.vector_load %arg20[%parallel_loop3A_1193, %parallel_loop3A_1194] {strides = array<i32>} : memref<64x128xf32, #tpu.memory_space<vmem>>, vector<16xf32>,
          %parallel_loop3A_1196 = arith.mulf %parallel_loop3A_1007, %get3A_10 : vector<16xf32>
          %parallel_loop3A_1197 = arith.addf %parallel_loop3A_1195, %parallel_loop3A_1196 : vector<16xf32>
          %parallel_loop3A_1198 = arith.mulf %parallel_loop3A_1008, %get3A_26 : vector<16xf32>
          %parallel_loop3A_1199 = arith.addf %parallel_loop3A_1197, %parallel_loop3A_1198 : vector<16xf32>
          %parallel_loop3A_1200 = arith.mulf %parallel_loop3A_1012, %get3A_42 : vector<16xf32>
          %parallel_loop3A_1201 = arith.addf %parallel_loop3A_1199, %parallel_loop3A_1200 : vector<16xf32>
          %parallel_loop3A_1202 = arith.constant 0.000000e+00 : f32
          %parallel_loop3A_1203 = vector.broadcast %parallel_loop3A_1202 : f32 to vector<16xf32>
          %parallel_loop3A_1204 = arith.subf %parallel_loop3A_1203, %parallel_loop3A_1201 : vector<16xf32>
          %parallel_loop3A_1205 = math.exp %parallel_loop3A_1204 : vector<16xf32>
          %parallel_loop3A_1206 = arith.constant 1.000000e+00 : f32
          %parallel_loop3A_1207 = vector.broadcast %parallel_loop3A_1206 : f32 to vector<16xf32>
          %parallel_loop3A_1208 = arith.addf %parallel_loop3A_1207, %parallel_loop3A_1205 : vector<16xf32>
          %parallel_loop3A_1209 = arith.constant 1.000000e+00 : f32
          %parallel_loop3A_1210 = vector.broadcast %parallel_loop3A_1209 : f32 to vector<16xf32>
          %parallel_loop3A_1211 = arith.divf %parallel_loop3A_1210, %parallel_loop3A_1208 : vector<16xf32>
          %parallel_loop3A_1212 = arith.constant 5.000000e-01 : f32
          %parallel_loop3A_1213 = vector.broadcast %parallel_loop3A_1212 : f32 to vector<16xf32>
          %parallel_loop3A_1214 = arith.subf %parallel_loop3A_1211, %parallel_loop3A_1213 : vector<16xf32>
          %parallel_loop3A_1215 = arith.index_cast %parallel_loop3A_1005 : i32 to index
          %parallel_loop3A_1216 = arith.constant 48 : index
          %parallel_loop3A_1217 = tpu.vector_load %arg22[%parallel_loop3A_1215, %parallel_loop3A_1216] {strides = array<i32>} : memref<64x128xf32, #tpu.memory_space<vmem>>, vector<16xf32>,
          %parallel_loop3A_1218 = arith.mulf %parallel_loop3A_1217, %parallel_loop3A_1214 : vector<16xf32>
          %parallel_loop3A_1219 = arith.constant 0 : i32
          %parallel_loop3A_1220 = arith.index_cast %parallel_loop3A_1005 : i32 to index
          %parallel_loop3A_1221 = arith.index_cast %parallel_loop3A_1219 : i32 to index
          %parallel_loop3A_1222 = arith.constant 48 : index
          %parallel_loop3A_1223 = tpu.vector_load %arg21[%parallel_loop3A_1220, %parallel_loop3A_1221, %parallel_loop3A_1222] {strides = array<i32>} : memref<64x2x128xf32, #tpu.memory_space<vmem>>, vector<16xf32>,
          %parallel_loop3A_1224 = arith.constant 0.000000e+00 : f32
          %parallel_loop3A_1225 = vector.broadcast %parallel_loop3A_1224 : f32 to vector<16xf32>
          %parallel_loop3A_1226 = arith.subf %parallel_loop3A_1225, %parallel_loop3A_1223 : vector<16xf32>
          %parallel_loop3A_1227 = math.exp %parallel_loop3A_1226 : vector<16xf32>
          %parallel_loop3A_1228 = arith.constant 1.000000e+00 : f32
          %parallel_loop3A_1229 = vector.broadcast %parallel_loop3A_1228 : f32 to vector<16xf32>
          %parallel_loop3A_1230 = arith.addf %parallel_loop3A_1229, %parallel_loop3A_1227 : vector<16xf32>
          %parallel_loop3A_1231 = arith.constant 1.000000e+00 : f32
          %parallel_loop3A_1232 = vector.broadcast %parallel_loop3A_1231 : f32 to vector<16xf32>
          %parallel_loop3A_1233 = arith.divf %parallel_loop3A_1232, %parallel_loop3A_1230 : vector<16xf32>
          %parallel_loop3A_1234 = arith.mulf %parallel_loop3A_1218, %parallel_loop3A_1233 : vector<16xf32>
          %parallel_loop3A_1235 = arith.addf %parallel_loop3A_1175, %parallel_loop3A_1234 : vector<16xf32>
          %parallel_loop3A_1236 = arith.constant 1 : i32
          %parallel_loop3A_1237 = arith.index_cast %parallel_loop3A_1005 : i32 to index
          %parallel_loop3A_1238 = arith.index_cast %parallel_loop3A_1236 : i32 to index
          %parallel_loop3A_1239 = arith.constant 48 : index
          %parallel_loop3A_1240 = tpu.vector_load %arg21[%parallel_loop3A_1237, %parallel_loop3A_1238, %parallel_loop3A_1239] {strides = array<i32>} : memref<64x2x128xf32, #tpu.memory_space<vmem>>, vector<16xf32>,
          %parallel_loop3A_1241 = arith.constant 0.000000e+00 : f32
          %parallel_loop3A_1242 = vector.broadcast %parallel_loop3A_1241 : f32 to vector<16xf32>
          %parallel_loop3A_1243 = arith.subf %parallel_loop3A_1242, %parallel_loop3A_1240 : vector<16xf32>
          %parallel_loop3A_1244 = math.exp %parallel_loop3A_1243 : vector<16xf32>
          %parallel_loop3A_1245 = arith.constant 1.000000e+00 : f32
          %parallel_loop3A_1246 = vector.broadcast %parallel_loop3A_1245 : f32 to vector<16xf32>
          %parallel_loop3A_1247 = arith.addf %parallel_loop3A_1246, %parallel_loop3A_1244 : vector<16xf32>
          %parallel_loop3A_1248 = arith.constant 1.000000e+00 : f32
          %parallel_loop3A_1249 = vector.broadcast %parallel_loop3A_1248 : f32 to vector<16xf32>
          %parallel_loop3A_1250 = arith.divf %parallel_loop3A_1249, %parallel_loop3A_1247 : vector<16xf32>
          %parallel_loop3A_1251 = arith.mulf %parallel_loop3A_1218, %parallel_loop3A_1250 : vector<16xf32>
          %parallel_loop3A_1252 = arith.addf %parallel_loop3A_1192, %parallel_loop3A_1251 : vector<16xf32>
          %parallel_loop3A_1253 = arith.index_cast %parallel_loop3A_1005 : i32 to index
          %parallel_loop3A_1254 = arith.constant 64 : index
          %parallel_loop3A_1255 = tpu.vector_load %arg20[%parallel_loop3A_1253, %parallel_loop3A_1254] {strides = array<i32>} : memref<64x128xf32, #tpu.memory_space<vmem>>, vector<16xf32>,
          %parallel_loop3A_1256 = arith.mulf %parallel_loop3A_1007, %get3A_12 : vector<16xf32>
          %parallel_loop3A_1257 = arith.addf %parallel_loop3A_1255, %parallel_loop3A_1256 : vector<16xf32>
          %parallel_loop3A_1258 = arith.mulf %parallel_loop3A_1008, %get3A_28 : vector<16xf32>
          %parallel_loop3A_1259 = arith.addf %parallel_loop3A_1257, %parallel_loop3A_1258 : vector<16xf32>
          %parallel_loop3A_1260 = arith.mulf %parallel_loop3A_1012, %get3A_44 : vector<16xf32>
          %parallel_loop3A_1261 = arith.addf %parallel_loop3A_1259, %parallel_loop3A_1260 : vector<16xf32>
          %parallel_loop3A_1262 = arith.constant 0.000000e+00 : f32
          %parallel_loop3A_1263 = vector.broadcast %parallel_loop3A_1262 : f32 to vector<16xf32>
          %parallel_loop3A_1264 = arith.subf %parallel_loop3A_1263, %parallel_loop3A_1261 : vector<16xf32>
          %parallel_loop3A_1265 = math.exp %parallel_loop3A_1264 : vector<16xf32>
          %parallel_loop3A_1266 = arith.constant 1.000000e+00 : f32
          %parallel_loop3A_1267 = vector.broadcast %parallel_loop3A_1266 : f32 to vector<16xf32>
          %parallel_loop3A_1268 = arith.addf %parallel_loop3A_1267, %parallel_loop3A_1265 : vector<16xf32>
          %parallel_loop3A_1269 = arith.constant 1.000000e+00 : f32
          %parallel_loop3A_1270 = vector.broadcast %parallel_loop3A_1269 : f32 to vector<16xf32>
          %parallel_loop3A_1271 = arith.divf %parallel_loop3A_1270, %parallel_loop3A_1268 : vector<16xf32>
          %parallel_loop3A_1272 = arith.constant 5.000000e-01 : f32
          %parallel_loop3A_1273 = vector.broadcast %parallel_loop3A_1272 : f32 to vector<16xf32>
          %parallel_loop3A_1274 = arith.subf %parallel_loop3A_1271, %parallel_loop3A_1273 : vector<16xf32>
          %parallel_loop3A_1275 = arith.index_cast %parallel_loop3A_1005 : i32 to index
          %parallel_loop3A_1276 = arith.constant 64 : index
          %parallel_loop3A_1277 = tpu.vector_load %arg22[%parallel_loop3A_1275, %parallel_loop3A_1276] {strides = array<i32>} : memref<64x128xf32, #tpu.memory_space<vmem>>, vector<16xf32>,
          %parallel_loop3A_1278 = arith.mulf %parallel_loop3A_1277, %parallel_loop3A_1274 : vector<16xf32>
          %parallel_loop3A_1279 = arith.constant 0 : i32
          %parallel_loop3A_1280 = arith.index_cast %parallel_loop3A_1005 : i32 to index
          %parallel_loop3A_1281 = arith.index_cast %parallel_loop3A_1279 : i32 to index
          %parallel_loop3A_1282 = arith.constant 64 : index
          %parallel_loop3A_1283 = tpu.vector_load %arg21[%parallel_loop3A_1280, %parallel_loop3A_1281, %parallel_loop3A_1282] {strides = array<i32>} : memref<64x2x128xf32, #tpu.memory_space<vmem>>, vector<16xf32>,
          %parallel_loop3A_1284 = arith.constant 0.000000e+00 : f32
          %parallel_loop3A_1285 = vector.broadcast %parallel_loop3A_1284 : f32 to vector<16xf32>
          %parallel_loop3A_1286 = arith.subf %parallel_loop3A_1285, %parallel_loop3A_1283 : vector<16xf32>
          %parallel_loop3A_1287 = math.exp %parallel_loop3A_1286 : vector<16xf32>
          %parallel_loop3A_1288 = arith.constant 1.000000e+00 : f32
          %parallel_loop3A_1289 = vector.broadcast %parallel_loop3A_1288 : f32 to vector<16xf32>
          %parallel_loop3A_1290 = arith.addf %parallel_loop3A_1289, %parallel_loop3A_1287 : vector<16xf32>
          %parallel_loop3A_1291 = arith.constant 1.000000e+00 : f32
          %parallel_loop3A_1292 = vector.broadcast %parallel_loop3A_1291 : f32 to vector<16xf32>
          %parallel_loop3A_1293 = arith.divf %parallel_loop3A_1292, %parallel_loop3A_1290 : vector<16xf32>
          %parallel_loop3A_1294 = arith.mulf %parallel_loop3A_1278, %parallel_loop3A_1293 : vector<16xf32>
          %parallel_loop3A_1295 = arith.addf %parallel_loop3A_1235, %parallel_loop3A_1294 : vector<16xf32>
          %parallel_loop3A_1296 = arith.constant 1 : i32
          %parallel_loop3A_1297 = arith.index_cast %parallel_loop3A_1005 : i32 to index
          %parallel_loop3A_1298 = arith.index_cast %parallel_loop3A_1296 : i32 to index
          %parallel_loop3A_1299 = arith.constant 64 : index
          %parallel_loop3A_1300 = tpu.vector_load %arg21[%parallel_loop3A_1297, %parallel_loop3A_1298, %parallel_loop3A_1299] {strides = array<i32>} : memref<64x2x128xf32, #tpu.memory_space<vmem>>, vector<16xf32>,
          %parallel_loop3A_1301 = arith.constant 0.000000e+00 : f32
          %parallel_loop3A_1302 = vector.broadcast %parallel_loop3A_1301 : f32 to vector<16xf32>
          %parallel_loop3A_1303 = arith.subf %parallel_loop3A_1302, %parallel_loop3A_1300 : vector<16xf32>
          %parallel_loop3A_1304 = math.exp %parallel_loop3A_1303 : vector<16xf32>
          %parallel_loop3A_1305 = arith.constant 1.000000e+00 : f32
          %parallel_loop3A_1306 = vector.broadcast %parallel_loop3A_1305 : f32 to vector<16xf32>
          %parallel_loop3A_1307 = arith.addf %parallel_loop3A_1306, %parallel_loop3A_1304 : vector<16xf32>
          %parallel_loop3A_1308 = arith.constant 1.000000e+00 : f32
          %parallel_loop3A_1309 = vector.broadcast %parallel_loop3A_1308 : f32 to vector<16xf32>
          %parallel_loop3A_1310 = arith.divf %parallel_loop3A_1309, %parallel_loop3A_1307 : vector<16xf32>
          %parallel_loop3A_1311 = arith.mulf %parallel_loop3A_1278, %parallel_loop3A_1310 : vector<16xf32>
          %parallel_loop3A_1312 = arith.addf %parallel_loop3A_1252, %parallel_loop3A_1311 : vector<16xf32>
          %parallel_loop3A_1313 = arith.index_cast %parallel_loop3A_1005 : i32 to index
          %parallel_loop3A_1314 = arith.constant 80 : index
          %parallel_loop3A_1315 = tpu.vector_load %arg20[%parallel_loop3A_1313, %parallel_loop3A_1314] {strides = array<i32>} : memref<64x128xf32, #tpu.memory_space<vmem>>, vector<16xf32>,
          %parallel_loop3A_1316 = arith.mulf %parallel_loop3A_1007, %get3A_14 : vector<16xf32>
          %parallel_loop3A_1317 = arith.addf %parallel_loop3A_1315, %parallel_loop3A_1316 : vector<16xf32>
          %parallel_loop3A_1318 = arith.mulf %parallel_loop3A_1008, %get3A_30 : vector<16xf32>
          %parallel_loop3A_1319 = arith.addf %parallel_loop3A_1317, %parallel_loop3A_1318 : vector<16xf32>
          %parallel_loop3A_1320 = arith.mulf %parallel_loop3A_1012, %get3A_46 : vector<16xf32>
          %parallel_loop3A_1321 = arith.addf %parallel_loop3A_1319, %parallel_loop3A_1320 : vector<16xf32>
          %parallel_loop3A_1322 = arith.constant 0.000000e+00 : f32
          %parallel_loop3A_1323 = vector.broadcast %parallel_loop3A_1322 : f32 to vector<16xf32>
          %parallel_loop3A_1324 = arith.subf %parallel_loop3A_1323, %parallel_loop3A_1321 : vector<16xf32>
          %parallel_loop3A_1325 = math.exp %parallel_loop3A_1324 : vector<16xf32>
          %parallel_loop3A_1326 = arith.constant 1.000000e+00 : f32
          %parallel_loop3A_1327 = vector.broadcast %parallel_loop3A_1326 : f32 to vector<16xf32>
          %parallel_loop3A_1328 = arith.addf %parallel_loop3A_1327, %parallel_loop3A_1325 : vector<16xf32>
          %parallel_loop3A_1329 = arith.constant 1.000000e+00 : f32
          %parallel_loop3A_1330 = vector.broadcast %parallel_loop3A_1329 : f32 to vector<16xf32>
          %parallel_loop3A_1331 = arith.divf %parallel_loop3A_1330, %parallel_loop3A_1328 : vector<16xf32>
          %parallel_loop3A_1332 = arith.constant 5.000000e-01 : f32
          %parallel_loop3A_1333 = vector.broadcast %parallel_loop3A_1332 : f32 to vector<16xf32>
          %parallel_loop3A_1334 = arith.subf %parallel_loop3A_1331, %parallel_loop3A_1333 : vector<16xf32>
          %parallel_loop3A_1335 = arith.index_cast %parallel_loop3A_1005 : i32 to index
          %parallel_loop3A_1336 = arith.constant 80 : index
          %parallel_loop3A_1337 = tpu.vector_load %arg22[%parallel_loop3A_1335, %parallel_loop3A_1336] {strides = array<i32>} : memref<64x128xf32, #tpu.memory_space<vmem>>, vector<16xf32>,
          %parallel_loop3A_1338 = arith.mulf %parallel_loop3A_1337, %parallel_loop3A_1334 : vector<16xf32>
          %parallel_loop3A_1339 = arith.constant 0 : i32
          %parallel_loop3A_1340 = arith.index_cast %parallel_loop3A_1005 : i32 to index
          %parallel_loop3A_1341 = arith.index_cast %parallel_loop3A_1339 : i32 to index
          %parallel_loop3A_1342 = arith.constant 80 : index
          %parallel_loop3A_1343 = tpu.vector_load %arg21[%parallel_loop3A_1340, %parallel_loop3A_1341, %parallel_loop3A_1342] {strides = array<i32>} : memref<64x2x128xf32, #tpu.memory_space<vmem>>, vector<16xf32>,
          %parallel_loop3A_1344 = arith.constant 0.000000e+00 : f32
          %parallel_loop3A_1345 = vector.broadcast %parallel_loop3A_1344 : f32 to vector<16xf32>
          %parallel_loop3A_1346 = arith.subf %parallel_loop3A_1345, %parallel_loop3A_1343 : vector<16xf32>
          %parallel_loop3A_1347 = math.exp %parallel_loop3A_1346 : vector<16xf32>
          %parallel_loop3A_1348 = arith.constant 1.000000e+00 : f32
          %parallel_loop3A_1349 = vector.broadcast %parallel_loop3A_1348 : f32 to vector<16xf32>
          %parallel_loop3A_1350 = arith.addf %parallel_loop3A_1349, %parallel_loop3A_1347 : vector<16xf32>
          %parallel_loop3A_1351 = arith.constant 1.000000e+00 : f32
          %parallel_loop3A_1352 = vector.broadcast %parallel_loop3A_1351 : f32 to vector<16xf32>
          %parallel_loop3A_1353 = arith.divf %parallel_loop3A_1352, %parallel_loop3A_1350 : vector<16xf32>
          %parallel_loop3A_1354 = arith.mulf %parallel_loop3A_1338, %parallel_loop3A_1353 : vector<16xf32>
          %parallel_loop3A_1355 = arith.addf %parallel_loop3A_1295, %parallel_loop3A_1354 : vector<16xf32>
          %parallel_loop3A_1356 = arith.constant 1 : i32
          %parallel_loop3A_1357 = arith.index_cast %parallel_loop3A_1005 : i32 to index
          %parallel_loop3A_1358 = arith.index_cast %parallel_loop3A_1356 : i32 to index
          %parallel_loop3A_1359 = arith.constant 80 : index
          %parallel_loop3A_1360 = tpu.vector_load %arg21[%parallel_loop3A_1357, %parallel_loop3A_1358, %parallel_loop3A_1359] {strides = array<i32>} : memref<64x2x128xf32, #tpu.memory_space<vmem>>, vector<16xf32>,
          %parallel_loop3A_1361 = arith.constant 0.000000e+00 : f32
          %parallel_loop3A_1362 = vector.broadcast %parallel_loop3A_1361 : f32 to vector<16xf32>
          %parallel_loop3A_1363 = arith.subf %parallel_loop3A_1362, %parallel_loop3A_1360 : vector<16xf32>
          %parallel_loop3A_1364 = math.exp %parallel_loop3A_1363 : vector<16xf32>
          %parallel_loop3A_1365 = arith.constant 1.000000e+00 : f32
          %parallel_loop3A_1366 = vector.broadcast %parallel_loop3A_1365 : f32 to vector<16xf32>
          %parallel_loop3A_1367 = arith.addf %parallel_loop3A_1366, %parallel_loop3A_1364 : vector<16xf32>
          %parallel_loop3A_1368 = arith.constant 1.000000e+00 : f32
          %parallel_loop3A_1369 = vector.broadcast %parallel_loop3A_1368 : f32 to vector<16xf32>
          %parallel_loop3A_1370 = arith.divf %parallel_loop3A_1369, %parallel_loop3A_1367 : vector<16xf32>
          %parallel_loop3A_1371 = arith.mulf %parallel_loop3A_1338, %parallel_loop3A_1370 : vector<16xf32>
          %parallel_loop3A_1372 = arith.addf %parallel_loop3A_1312, %parallel_loop3A_1371 : vector<16xf32>
          %parallel_loop3A_1373 = arith.index_cast %parallel_loop3A_1005 : i32 to index
          %parallel_loop3A_1374 = arith.constant 96 : index
          %parallel_loop3A_1375 = tpu.vector_load %arg20[%parallel_loop3A_1373, %parallel_loop3A_1374] {strides = array<i32>} : memref<64x128xf32, #tpu.memory_space<vmem>>, vector<16xf32>,
          %parallel_loop3A_1376 = arith.mulf %parallel_loop3A_1007, %get3A_16 : vector<16xf32>
          %parallel_loop3A_1377 = arith.addf %parallel_loop3A_1375, %parallel_loop3A_1376 : vector<16xf32>
          %parallel_loop3A_1378 = arith.mulf %parallel_loop3A_1008, %get3A_32 : vector<16xf32>
          %parallel_loop3A_1379 = arith.addf %parallel_loop3A_1377, %parallel_loop3A_1378 : vector<16xf32>
          %parallel_loop3A_1380 = arith.mulf %parallel_loop3A_1012, %get3A_48 : vector<16xf32>
          %parallel_loop3A_1381 = arith.addf %parallel_loop3A_1379, %parallel_loop3A_1380 : vector<16xf32>
          %parallel_loop3A_1382 = arith.constant 0.000000e+00 : f32
          %parallel_loop3A_1383 = vector.broadcast %parallel_loop3A_1382 : f32 to vector<16xf32>
          %parallel_loop3A_1384 = arith.subf %parallel_loop3A_1383, %parallel_loop3A_1381 : vector<16xf32>
          %parallel_loop3A_1385 = math.exp %parallel_loop3A_1384 : vector<16xf32>
          %parallel_loop3A_1386 = arith.constant 1.000000e+00 : f32
          %parallel_loop3A_1387 = vector.broadcast %parallel_loop3A_1386 : f32 to vector<16xf32>
          %parallel_loop3A_1388 = arith.addf %parallel_loop3A_1387, %parallel_loop3A_1385 : vector<16xf32>
          %parallel_loop3A_1389 = arith.constant 1.000000e+00 : f32
          %parallel_loop3A_1390 = vector.broadcast %parallel_loop3A_1389 : f32 to vector<16xf32>
          %parallel_loop3A_1391 = arith.divf %parallel_loop3A_1390, %parallel_loop3A_1388 : vector<16xf32>
          %parallel_loop3A_1392 = arith.constant 5.000000e-01 : f32
          %parallel_loop3A_1393 = vector.broadcast %parallel_loop3A_1392 : f32 to vector<16xf32>
          %parallel_loop3A_1394 = arith.subf %parallel_loop3A_1391, %parallel_loop3A_1393 : vector<16xf32>
          %parallel_loop3A_1395 = arith.index_cast %parallel_loop3A_1005 : i32 to index
          %parallel_loop3A_1396 = arith.constant 96 : index
          %parallel_loop3A_1397 = tpu.vector_load %arg22[%parallel_loop3A_1395, %parallel_loop3A_1396] {strides = array<i32>} : memref<64x128xf32, #tpu.memory_space<vmem>>, vector<16xf32>,
          %parallel_loop3A_1398 = arith.mulf %parallel_loop3A_1397, %parallel_loop3A_1394 : vector<16xf32>
          %parallel_loop3A_1399 = arith.constant 0 : i32
          %parallel_loop3A_1400 = arith.index_cast %parallel_loop3A_1005 : i32 to index
          %parallel_loop3A_1401 = arith.index_cast %parallel_loop3A_1399 : i32 to index
          %parallel_loop3A_1402 = arith.constant 96 : index
          %parallel_loop3A_1403 = tpu.vector_load %arg21[%parallel_loop3A_1400, %parallel_loop3A_1401, %parallel_loop3A_1402] {strides = array<i32>} : memref<64x2x128xf32, #tpu.memory_space<vmem>>, vector<16xf32>,
          %parallel_loop3A_1404 = arith.constant 0.000000e+00 : f32
          %parallel_loop3A_1405 = vector.broadcast %parallel_loop3A_1404 : f32 to vector<16xf32>
          %parallel_loop3A_1406 = arith.subf %parallel_loop3A_1405, %parallel_loop3A_1403 : vector<16xf32>
          %parallel_loop3A_1407 = math.exp %parallel_loop3A_1406 : vector<16xf32>
          %parallel_loop3A_1408 = arith.constant 1.000000e+00 : f32
          %parallel_loop3A_1409 = vector.broadcast %parallel_loop3A_1408 : f32 to vector<16xf32>
          %parallel_loop3A_1410 = arith.addf %parallel_loop3A_1409, %parallel_loop3A_1407 : vector<16xf32>
          %parallel_loop3A_1411 = arith.constant 1.000000e+00 : f32
          %parallel_loop3A_1412 = vector.broadcast %parallel_loop3A_1411 : f32 to vector<16xf32>
          %parallel_loop3A_1413 = arith.divf %parallel_loop3A_1412, %parallel_loop3A_1410 : vector<16xf32>
          %parallel_loop3A_1414 = arith.mulf %parallel_loop3A_1398, %parallel_loop3A_1413 : vector<16xf32>
          %parallel_loop3A_1415 = arith.addf %parallel_loop3A_1355, %parallel_loop3A_1414 : vector<16xf32>
          %parallel_loop3A_1416 = arith.constant 1 : i32
          %parallel_loop3A_1417 = arith.index_cast %parallel_loop3A_1005 : i32 to index
          %parallel_loop3A_1418 = arith.index_cast %parallel_loop3A_1416 : i32 to index
          %parallel_loop3A_1419 = arith.constant 96 : index
          %parallel_loop3A_1420 = tpu.vector_load %arg21[%parallel_loop3A_1417, %parallel_loop3A_1418, %parallel_loop3A_1419] {strides = array<i32>} : memref<64x2x128xf32, #tpu.memory_space<vmem>>, vector<16xf32>,
          %parallel_loop3A_1421 = arith.constant 0.000000e+00 : f32
          %parallel_loop3A_1422 = vector.broadcast %parallel_loop3A_1421 : f32 to vector<16xf32>
          %parallel_loop3A_1423 = arith.subf %parallel_loop3A_1422, %parallel_loop3A_1420 : vector<16xf32>
          %parallel_loop3A_1424 = math.exp %parallel_loop3A_1423 : vector<16xf32>
          %parallel_loop3A_1425 = arith.constant 1.000000e+00 : f32
          %parallel_loop3A_1426 = vector.broadcast %parallel_loop3A_1425 : f32 to vector<16xf32>
          %parallel_loop3A_1427 = arith.addf %parallel_loop3A_1426, %parallel_loop3A_1424 : vector<16xf32>
          %parallel_loop3A_1428 = arith.constant 1.000000e+00 : f32
          %parallel_loop3A_1429 = vector.broadcast %parallel_loop3A_1428 : f32 to vector<16xf32>
          %parallel_loop3A_1430 = arith.divf %parallel_loop3A_1429, %parallel_loop3A_1427 : vector<16xf32>
          %parallel_loop3A_1431 = arith.mulf %parallel_loop3A_1398, %parallel_loop3A_1430 : vector<16xf32>
          %parallel_loop3A_1432 = arith.addf %parallel_loop3A_1372, %parallel_loop3A_1431 : vector<16xf32>
          %parallel_loop3A_1433 = arith.index_cast %parallel_loop3A_1005 : i32 to index
          %parallel_loop3A_1434 = arith.constant 112 : index
          %parallel_loop3A_1435 = tpu.vector_load %arg20[%parallel_loop3A_1433, %parallel_loop3A_1434] {strides = array<i32>} : memref<64x128xf32, #tpu.memory_space<vmem>>, vector<16xf32>,
          %parallel_loop3A_1436 = arith.mulf %parallel_loop3A_1007, %get3A_18 : vector<16xf32>
          %parallel_loop3A_1437 = arith.addf %parallel_loop3A_1435, %parallel_loop3A_1436 : vector<16xf32>
          %parallel_loop3A_1438 = arith.mulf %parallel_loop3A_1008, %get3A_34 : vector<16xf32>
          %parallel_loop3A_1439 = arith.addf %parallel_loop3A_1437, %parallel_loop3A_1438 : vector<16xf32>
          %parallel_loop3A_1440 = arith.mulf %parallel_loop3A_1012, %get3A_50 : vector<16xf32>
          %parallel_loop3A_1441 = arith.addf %parallel_loop3A_1439, %parallel_loop3A_1440 : vector<16xf32>
          %parallel_loop3A_1442 = arith.constant 0.000000e+00 : f32
          %parallel_loop3A_1443 = vector.broadcast %parallel_loop3A_1442 : f32 to vector<16xf32>
          %parallel_loop3A_1444 = arith.subf %parallel_loop3A_1443, %parallel_loop3A_1441 : vector<16xf32>
          %parallel_loop3A_1445 = math.exp %parallel_loop3A_1444 : vector<16xf32>
          %parallel_loop3A_1446 = arith.constant 1.000000e+00 : f32
          %parallel_loop3A_1447 = vector.broadcast %parallel_loop3A_1446 : f32 to vector<16xf32>
          %parallel_loop3A_1448 = arith.addf %parallel_loop3A_1447, %parallel_loop3A_1445 : vector<16xf32>
          %parallel_loop3A_1449 = arith.constant 1.000000e+00 : f32
          %parallel_loop3A_1450 = vector.broadcast %parallel_loop3A_1449 : f32 to vector<16xf32>
          %parallel_loop3A_1451 = arith.divf %parallel_loop3A_1450, %parallel_loop3A_1448 : vector<16xf32>
          %parallel_loop3A_1452 = arith.constant 5.000000e-01 : f32
          %parallel_loop3A_1453 = vector.broadcast %parallel_loop3A_1452 : f32 to vector<16xf32>
          %parallel_loop3A_1454 = arith.subf %parallel_loop3A_1451, %parallel_loop3A_1453 : vector<16xf32>
          %parallel_loop3A_1455 = arith.index_cast %parallel_loop3A_1005 : i32 to index
          %parallel_loop3A_1456 = arith.constant 112 : index
          %parallel_loop3A_1457 = tpu.vector_load %arg22[%parallel_loop3A_1455, %parallel_loop3A_1456] {strides = array<i32>} : memref<64x128xf32, #tpu.memory_space<vmem>>, vector<16xf32>,
          %parallel_loop3A_1458 = arith.mulf %parallel_loop3A_1457, %parallel_loop3A_1454 : vector<16xf32>
          %parallel_loop3A_1459 = arith.constant 0 : i32
          %parallel_loop3A_1460 = arith.index_cast %parallel_loop3A_1005 : i32 to index
          %parallel_loop3A_1461 = arith.index_cast %parallel_loop3A_1459 : i32 to index
          %parallel_loop3A_1462 = arith.constant 112 : index
          %parallel_loop3A_1463 = tpu.vector_load %arg21[%parallel_loop3A_1460, %parallel_loop3A_1461, %parallel_loop3A_1462] {strides = array<i32>} : memref<64x2x128xf32, #tpu.memory_space<vmem>>, vector<16xf32>,
          %parallel_loop3A_1464 = arith.constant 0.000000e+00 : f32
          %parallel_loop3A_1465 = vector.broadcast %parallel_loop3A_1464 : f32 to vector<16xf32>
          %parallel_loop3A_1466 = arith.subf %parallel_loop3A_1465, %parallel_loop3A_1463 : vector<16xf32>
          %parallel_loop3A_1467 = math.exp %parallel_loop3A_1466 : vector<16xf32>
          %parallel_loop3A_1468 = arith.constant 1.000000e+00 : f32
          %parallel_loop3A_1469 = vector.broadcast %parallel_loop3A_1468 : f32 to vector<16xf32>
          %parallel_loop3A_1470 = arith.addf %parallel_loop3A_1469, %parallel_loop3A_1467 : vector<16xf32>
          %parallel_loop3A_1471 = arith.constant 1.000000e+00 : f32
          %parallel_loop3A_1472 = vector.broadcast %parallel_loop3A_1471 : f32 to vector<16xf32>
          %parallel_loop3A_1473 = arith.divf %parallel_loop3A_1472, %parallel_loop3A_1470 : vector<16xf32>
          %parallel_loop3A_1474 = arith.mulf %parallel_loop3A_1458, %parallel_loop3A_1473 : vector<16xf32>
          %parallel_loop3A_1475 = arith.addf %parallel_loop3A_1415, %parallel_loop3A_1474 : vector<16xf32>
          %parallel_loop3A_1476 = arith.constant 1 : i32
          %parallel_loop3A_1477 = arith.index_cast %parallel_loop3A_1005 : i32 to index
          %parallel_loop3A_1478 = arith.index_cast %parallel_loop3A_1476 : i32 to index
          %parallel_loop3A_1479 = arith.constant 112 : index
          %parallel_loop3A_1480 = tpu.vector_load %arg21[%parallel_loop3A_1477, %parallel_loop3A_1478, %parallel_loop3A_1479] {strides = array<i32>} : memref<64x2x128xf32, #tpu.memory_space<vmem>>, vector<16xf32>,
          %parallel_loop3A_1481 = arith.constant 0.000000e+00 : f32
          %parallel_loop3A_1482 = vector.broadcast %parallel_loop3A_1481 : f32 to vector<16xf32>
          %parallel_loop3A_1483 = arith.subf %parallel_loop3A_1482, %parallel_loop3A_1480 : vector<16xf32>
          %parallel_loop3A_1484 = math.exp %parallel_loop3A_1483 : vector<16xf32>
          %parallel_loop3A_1485 = arith.constant 1.000000e+00 : f32
          %parallel_loop3A_1486 = vector.broadcast %parallel_loop3A_1485 : f32 to vector<16xf32>
          %parallel_loop3A_1487 = arith.addf %parallel_loop3A_1486, %parallel_loop3A_1484 : vector<16xf32>
          %parallel_loop3A_1488 = arith.constant 1.000000e+00 : f32
          %parallel_loop3A_1489 = vector.broadcast %parallel_loop3A_1488 : f32 to vector<16xf32>
          %parallel_loop3A_1490 = arith.divf %parallel_loop3A_1489, %parallel_loop3A_1487 : vector<16xf32>
          %parallel_loop3A_1491 = arith.mulf %parallel_loop3A_1458, %parallel_loop3A_1490 : vector<16xf32>
          %parallel_loop3A_1492 = arith.addf %parallel_loop3A_1432, %parallel_loop3A_1491 : vector<16xf32>
          %parallel_loop3A_1493 = arith.index_cast %parallel_loop3A_1004 : i32 to index
          %parallel_loop3A_1494 = arith.constant 0 : index
          %parallel_loop3A_1495 = tpu.vector_load %arg47[%parallel_loop3A_1493, %parallel_loop3A_1494] {strides = array<i32>} : memref<16x17xf32, #tpu.memory_space<vmem>>, vector<16xf32>,
          tpu.vector_store %arg47[%parallel_loop3A_1493, %parallel_loop3A_1494], %parallel_loop3A_1475 {strides = array<i32>} : memref<16x17xf32, #tpu.memory_space<vmem>>, vector<16xf32>,
          %parallel_loop3A_1496 = arith.index_cast %parallel_loop3A_1004 : i32 to index
          %parallel_loop3A_1497 = arith.constant 0 : index
          %parallel_loop3A_1498 = tpu.vector_load %arg48[%parallel_loop3A_1496, %parallel_loop3A_1497] {strides = array<i32>} : memref<16x17xf32, #tpu.memory_space<vmem>>, vector<16xf32>,
          tpu.vector_store %arg48[%parallel_loop3A_1496, %parallel_loop3A_1497], %parallel_loop3A_1492 {strides = array<i32>} : memref<16x17xf32, #tpu.memory_space<vmem>>, vector<16xf32>,
        } {sc.loop_unroll_factor = 2 : i64, sc.parallel_access}
        %broadcast_in_dim3A_828 = arith.constant 0 : i32
        %broadcast_in_dim3A_829 = vector.broadcast %broadcast_in_dim3A_828 : i32 to vector<16xi32>
        %gather3A_830 = tpu.vector_load_idx %arg47[%iota3A, %broadcast_in_dim3A_829] : memref<16x17xf32, #tpu.memory_space<vmem>>[vector<16xi32>, vector<16xi32>], vector<16xf32>,
        %add3A_831 = arith.addf %broadcast_in_dim3A_64, %gather3A_830 : vector<16xf32>
        %gather3A_832 = tpu.vector_load_idx %arg48[%iota3A, %broadcast_in_dim3A_829] : memref<16x17xf32, #tpu.memory_space<vmem>>[vector<16xi32>, vector<16xi32>], vector<16xf32>,
        %add3A_833 = arith.addf %broadcast_in_dim3A_64, %gather3A_832 : vector<16xf32>
        %broadcast_in_dim3A_834 = arith.constant 1 : i32
        %broadcast_in_dim3A_835 = vector.broadcast %broadcast_in_dim3A_834 : i32 to vector<16xi32>
        %gather3A_836 = tpu.vector_load_idx %arg47[%iota3A, %broadcast_in_dim3A_835] : memref<16x17xf32, #tpu.memory_space<vmem>>[vector<16xi32>, vector<16xi32>], vector<16xf32>,
        %add3A_837 = arith.addf %add3A_831, %gather3A_836 : vector<16xf32>
        %gather3A_838 = tpu.vector_load_idx %arg48[%iota3A, %broadcast_in_dim3A_835] : memref<16x17xf32, #tpu.memory_space<vmem>>[vector<16xi32>, vector<16xi32>], vector<16xf32>,
        %add3A_839 = arith.addf %add3A_833, %gather3A_838 : vector<16xf32>
        %broadcast_in_dim3A_840 = arith.constant 2 : i32
        %broadcast_in_dim3A_841 = vector.broadcast %broadcast_in_dim3A_840 : i32 to vector<16xi32>
        %gather3A_842 = tpu.vector_load_idx %arg47[%iota3A, %broadcast_in_dim3A_841] : memref<16x17xf32, #tpu.memory_space<vmem>>[vector<16xi32>, vector<16xi32>], vector<16xf32>,
        %add3A_843 = arith.addf %add3A_837, %gather3A_842 : vector<16xf32>
        %gather3A_844 = tpu.vector_load_idx %arg48[%iota3A, %broadcast_in_dim3A_841] : memref<16x17xf32, #tpu.memory_space<vmem>>[vector<16xi32>, vector<16xi32>], vector<16xf32>,
        %add3A_845 = arith.addf %add3A_839, %gather3A_844 : vector<16xf32>
        %broadcast_in_dim3A_846 = arith.constant 3 : i32
        %broadcast_in_dim3A_847 = vector.broadcast %broadcast_in_dim3A_846 : i32 to vector<16xi32>
        %gather3A_848 = tpu.vector_load_idx %arg47[%iota3A, %broadcast_in_dim3A_847] : memref<16x17xf32, #tpu.memory_space<vmem>>[vector<16xi32>, vector<16xi32>], vector<16xf32>,
        %add3A_849 = arith.addf %add3A_843, %gather3A_848 : vector<16xf32>
        %gather3A_850 = tpu.vector_load_idx %arg48[%iota3A, %broadcast_in_dim3A_847] : memref<16x17xf32, #tpu.memory_space<vmem>>[vector<16xi32>, vector<16xi32>], vector<16xf32>,
        %add3A_851 = arith.addf %add3A_845, %gather3A_850 : vector<16xf32>
        %broadcast_in_dim3A_852 = arith.constant 4 : i32
        %broadcast_in_dim3A_853 = vector.broadcast %broadcast_in_dim3A_852 : i32 to vector<16xi32>
        %gather3A_854 = tpu.vector_load_idx %arg47[%iota3A, %broadcast_in_dim3A_853] : memref<16x17xf32, #tpu.memory_space<vmem>>[vector<16xi32>, vector<16xi32>], vector<16xf32>,
        %add3A_855 = arith.addf %add3A_849, %gather3A_854 : vector<16xf32>
        %gather3A_856 = tpu.vector_load_idx %arg48[%iota3A, %broadcast_in_dim3A_853] : memref<16x17xf32, #tpu.memory_space<vmem>>[vector<16xi32>, vector<16xi32>], vector<16xf32>,
        %add3A_857 = arith.addf %add3A_851, %gather3A_856 : vector<16xf32>
        %broadcast_in_dim3A_858 = arith.constant 5 : i32
        %broadcast_in_dim3A_859 = vector.broadcast %broadcast_in_dim3A_858 : i32 to vector<16xi32>
        %gather3A_860 = tpu.vector_load_idx %arg47[%iota3A, %broadcast_in_dim3A_859] : memref<16x17xf32, #tpu.memory_space<vmem>>[vector<16xi32>, vector<16xi32>], vector<16xf32>,
        %add3A_861 = arith.addf %add3A_855, %gather3A_860 : vector<16xf32>
        %gather3A_862 = tpu.vector_load_idx %arg48[%iota3A, %broadcast_in_dim3A_859] : memref<16x17xf32, #tpu.memory_space<vmem>>[vector<16xi32>, vector<16xi32>], vector<16xf32>,
        %add3A_863 = arith.addf %add3A_857, %gather3A_862 : vector<16xf32>
        %broadcast_in_dim3A_864 = arith.constant 6 : i32
        %broadcast_in_dim3A_865 = vector.broadcast %broadcast_in_dim3A_864 : i32 to vector<16xi32>
        %gather3A_866 = tpu.vector_load_idx %arg47[%iota3A, %broadcast_in_dim3A_865] : memref<16x17xf32, #tpu.memory_space<vmem>>[vector<16xi32>, vector<16xi32>], vector<16xf32>,
        %add3A_867 = arith.addf %add3A_861, %gather3A_866 : vector<16xf32>
        %gather3A_868 = tpu.vector_load_idx %arg48[%iota3A, %broadcast_in_dim3A_865] : memref<16x17xf32, #tpu.memory_space<vmem>>[vector<16xi32>, vector<16xi32>], vector<16xf32>,
        %add3A_869 = arith.addf %add3A_863, %gather3A_868 : vector<16xf32>
        %broadcast_in_dim3A_870 = arith.constant 7 : i32
        %broadcast_in_dim3A_871 = vector.broadcast %broadcast_in_dim3A_870 : i32 to vector<16xi32>
        %gather3A_872 = tpu.vector_load_idx %arg47[%iota3A, %broadcast_in_dim3A_871] : memref<16x17xf32, #tpu.memory_space<vmem>>[vector<16xi32>, vector<16xi32>], vector<16xf32>,
        %add3A_873 = arith.addf %add3A_867, %gather3A_872 : vector<16xf32>
        %gather3A_874 = tpu.vector_load_idx %arg48[%iota3A, %broadcast_in_dim3A_871] : memref<16x17xf32, #tpu.memory_space<vmem>>[vector<16xi32>, vector<16xi32>], vector<16xf32>,
        %add3A_875 = arith.addf %add3A_869, %gather3A_874 : vector<16xf32>
        %broadcast_in_dim3A_876 = arith.constant 8 : i32
        %broadcast_in_dim3A_877 = vector.broadcast %broadcast_in_dim3A_876 : i32 to vector<16xi32>
        %gather3A_878 = tpu.vector_load_idx %arg47[%iota3A, %broadcast_in_dim3A_877] : memref<16x17xf32, #tpu.memory_space<vmem>>[vector<16xi32>, vector<16xi32>], vector<16xf32>,
        %add3A_879 = arith.addf %add3A_873, %gather3A_878 : vector<16xf32>
        %gather3A_880 = tpu.vector_load_idx %arg48[%iota3A, %broadcast_in_dim3A_877] : memref<16x17xf32, #tpu.memory_space<vmem>>[vector<16xi32>, vector<16xi32>], vector<16xf32>,
        %add3A_881 = arith.addf %add3A_875, %gather3A_880 : vector<16xf32>
        %broadcast_in_dim3A_882 = arith.constant 9 : i32
        %broadcast_in_dim3A_883 = vector.broadcast %broadcast_in_dim3A_882 : i32 to vector<16xi32>
        %gather3A_884 = tpu.vector_load_idx %arg47[%iota3A, %broadcast_in_dim3A_883] : memref<16x17xf32, #tpu.memory_space<vmem>>[vector<16xi32>, vector<16xi32>], vector<16xf32>,
        %add3A_885 = arith.addf %add3A_879, %gather3A_884 : vector<16xf32>
        %gather3A_886 = tpu.vector_load_idx %arg48[%iota3A, %broadcast_in_dim3A_883] : memref<16x17xf32, #tpu.memory_space<vmem>>[vector<16xi32>, vector<16xi32>], vector<16xf32>,
        %add3A_887 = arith.addf %add3A_881, %gather3A_886 : vector<16xf32>
        %broadcast_in_dim3A_888 = arith.constant 10 : i32
        %broadcast_in_dim3A_889 = vector.broadcast %broadcast_in_dim3A_888 : i32 to vector<16xi32>
        %gather3A_890 = tpu.vector_load_idx %arg47[%iota3A, %broadcast_in_dim3A_889] : memref<16x17xf32, #tpu.memory_space<vmem>>[vector<16xi32>, vector<16xi32>], vector<16xf32>,
        %add3A_891 = arith.addf %add3A_885, %gather3A_890 : vector<16xf32>
        %gather3A_892 = tpu.vector_load_idx %arg48[%iota3A, %broadcast_in_dim3A_889] : memref<16x17xf32, #tpu.memory_space<vmem>>[vector<16xi32>, vector<16xi32>], vector<16xf32>,
        %add3A_893 = arith.addf %add3A_887, %gather3A_892 : vector<16xf32>
        %broadcast_in_dim3A_894 = arith.constant 11 : i32
        %broadcast_in_dim3A_895 = vector.broadcast %broadcast_in_dim3A_894 : i32 to vector<16xi32>
        %gather3A_896 = tpu.vector_load_idx %arg47[%iota3A, %broadcast_in_dim3A_895] : memref<16x17xf32, #tpu.memory_space<vmem>>[vector<16xi32>, vector<16xi32>], vector<16xf32>,
        %add3A_897 = arith.addf %add3A_891, %gather3A_896 : vector<16xf32>
        %gather3A_898 = tpu.vector_load_idx %arg48[%iota3A, %broadcast_in_dim3A_895] : memref<16x17xf32, #tpu.memory_space<vmem>>[vector<16xi32>, vector<16xi32>], vector<16xf32>,
        %add3A_899 = arith.addf %add3A_893, %gather3A_898 : vector<16xf32>
        %broadcast_in_dim3A_900 = arith.constant 12 : i32
        %broadcast_in_dim3A_901 = vector.broadcast %broadcast_in_dim3A_900 : i32 to vector<16xi32>
        %gather3A_902 = tpu.vector_load_idx %arg47[%iota3A, %broadcast_in_dim3A_901] : memref<16x17xf32, #tpu.memory_space<vmem>>[vector<16xi32>, vector<16xi32>], vector<16xf32>,
        %add3A_903 = arith.addf %add3A_897, %gather3A_902 : vector<16xf32>
        %gather3A_904 = tpu.vector_load_idx %arg48[%iota3A, %broadcast_in_dim3A_901] : memref<16x17xf32, #tpu.memory_space<vmem>>[vector<16xi32>, vector<16xi32>], vector<16xf32>,
        %add3A_905 = arith.addf %add3A_899, %gather3A_904 : vector<16xf32>
        %broadcast_in_dim3A_906 = arith.constant 13 : i32
        %broadcast_in_dim3A_907 = vector.broadcast %broadcast_in_dim3A_906 : i32 to vector<16xi32>
        %gather3A_908 = tpu.vector_load_idx %arg47[%iota3A, %broadcast_in_dim3A_907] : memref<16x17xf32, #tpu.memory_space<vmem>>[vector<16xi32>, vector<16xi32>], vector<16xf32>,
        %add3A_909 = arith.addf %add3A_903, %gather3A_908 : vector<16xf32>
        %gather3A_910 = tpu.vector_load_idx %arg48[%iota3A, %broadcast_in_dim3A_907] : memref<16x17xf32, #tpu.memory_space<vmem>>[vector<16xi32>, vector<16xi32>], vector<16xf32>,
        %add3A_911 = arith.addf %add3A_905, %gather3A_910 : vector<16xf32>
        %broadcast_in_dim3A_912 = arith.constant 14 : i32
        %broadcast_in_dim3A_913 = vector.broadcast %broadcast_in_dim3A_912 : i32 to vector<16xi32>
        %gather3A_914 = tpu.vector_load_idx %arg47[%iota3A, %broadcast_in_dim3A_913] : memref<16x17xf32, #tpu.memory_space<vmem>>[vector<16xi32>, vector<16xi32>], vector<16xf32>,
        %add3A_915 = arith.addf %add3A_909, %gather3A_914 : vector<16xf32>
        %gather3A_916 = tpu.vector_load_idx %arg48[%iota3A, %broadcast_in_dim3A_913] : memref<16x17xf32, #tpu.memory_space<vmem>>[vector<16xi32>, vector<16xi32>], vector<16xf32>,
        %add3A_917 = arith.addf %add3A_911, %gather3A_916 : vector<16xf32>
        %broadcast_in_dim3A_918 = arith.constant 15 : i32
        %broadcast_in_dim3A_919 = vector.broadcast %broadcast_in_dim3A_918 : i32 to vector<16xi32>
        %gather3A_920 = tpu.vector_load_idx %arg47[%iota3A, %broadcast_in_dim3A_919] : memref<16x17xf32, #tpu.memory_space<vmem>>[vector<16xi32>, vector<16xi32>], vector<16xf32>,
        %add3A_921 = arith.addf %add3A_915, %gather3A_920 : vector<16xf32>
        %gather3A_922 = tpu.vector_load_idx %arg48[%iota3A, %broadcast_in_dim3A_919] : memref<16x17xf32, #tpu.memory_space<vmem>>[vector<16xi32>, vector<16xi32>], vector<16xf32>,
        %add3A_923 = arith.addf %add3A_917, %gather3A_922 : vector<16xf32>
        %mul3A_924 = arith.constant 2.000000e-02 : f32
        %mul3A_925 = vector.broadcast %mul3A_924 : f32 to vector<16xf32>
        %mul3A_926 = arith.mulf %add3A_921, %mul3A_925 : vector<16xf32>
        %neg3A_927 = arith.constant 0.000000e+00 : f32
        %neg3A_928 = vector.broadcast %neg3A_927 : f32 to vector<16xf32>
        %neg3A_929 = arith.subf %neg3A_928, %mul3A_926 : vector<16xf32>
        %exp3A_930 = math.exp %neg3A_929 : vector<16xf32>
        %add3A_931 = arith.constant 1.000000e+00 : f32
        %add3A_932 = vector.broadcast %add3A_931 : f32 to vector<16xf32>
        %add3A_933 = arith.addf %add3A_932, %exp3A_930 : vector<16xf32>
        %div3A_934 = arith.constant 1.000000e+00 : f32
        %div3A_935 = vector.broadcast %div3A_934 : f32 to vector<16xf32>
        %div3A_936 = arith.divf %div3A_935, %add3A_933 : vector<16xf32>
        %mul3A_937 = arith.constant 2.000000e-02 : f32
        %mul3A_938 = vector.broadcast %mul3A_937 : f32 to vector<16xf32>
        %mul3A_939 = arith.mulf %add3A_923, %mul3A_938 : vector<16xf32>
        %neg3A_940 = arith.constant 0.000000e+00 : f32
        %neg3A_941 = vector.broadcast %neg3A_940 : f32 to vector<16xf32>
        %neg3A_942 = arith.subf %neg3A_941, %mul3A_939 : vector<16xf32>
        %exp3A_943 = math.exp %neg3A_942 : vector<16xf32>
        %add3A_944 = arith.constant 1.000000e+00 : f32
        %add3A_945 = vector.broadcast %add3A_944 : f32 to vector<16xf32>
        %add3A_946 = arith.addf %add3A_945, %exp3A_943 : vector<16xf32>
        %div3A_947 = arith.constant 1.000000e+00 : f32
        %div3A_948 = vector.broadcast %div3A_947 : f32 to vector<16xf32>
        %div3A_949 = arith.divf %div3A_948, %add3A_946 : vector<16xf32>
        %gather3A_950 = tpu.vector_load_idx %arg26[%add3A_375, %and3A_384] : memref<64x8xf32, #tpu.memory_space<vmem>>[vector<16xi32>, vector<16xi32>], vector<16xf32>,
        %neg3A_951 = arith.constant 0.000000e+00 : f32
        %neg3A_952 = vector.broadcast %neg3A_951 : f32 to vector<16xf32>
        %neg3A_953 = arith.subf %neg3A_952, %gather3A_950 : vector<16xf32>
        %exp3A_954 = math.exp %neg3A_953 : vector<16xf32>
        %add3A_955 = arith.constant 1.000000e+00 : f32
        %add3A_956 = vector.broadcast %add3A_955 : f32 to vector<16xf32>
        %add3A_957 = arith.addf %add3A_956, %exp3A_954 : vector<16xf32>
        %div3A_958 = arith.constant 1.000000e+00 : f32
        %div3A_959 = vector.broadcast %div3A_958 : f32 to vector<16xf32>
        %div3A_960 = arith.divf %div3A_959, %add3A_957 : vector<16xf32>
        %mul3A_961 = arith.constant 4.000000e-01 : f32
        %mul3A_962 = vector.broadcast %mul3A_961 : f32 to vector<16xf32>
        %mul3A_963 = arith.mulf %div3A_960, %mul3A_962 : vector<16xf32>
        %gather3A_964 = tpu.vector_load_idx %arg27[%add3A_375, %and3A_384] : memref<64x8xf32, #tpu.memory_space<vmem>>[vector<16xi32>, vector<16xi32>], vector<16xf32>,
        %neg3A_965 = arith.constant 0.000000e+00 : f32
        %neg3A_966 = vector.broadcast %neg3A_965 : f32 to vector<16xf32>
        %neg3A_967 = arith.subf %neg3A_966, %gather3A_964 : vector<16xf32>
        %exp3A_968 = math.exp %neg3A_967 : vector<16xf32>
        %add3A_969 = arith.constant 1.000000e+00 : f32
        %add3A_970 = vector.broadcast %add3A_969 : f32 to vector<16xf32>
        %add3A_971 = arith.addf %add3A_970, %exp3A_968 : vector<16xf32>
        %div3A_972 = arith.constant 1.000000e+00 : f32
        %div3A_973 = vector.broadcast %div3A_972 : f32 to vector<16xf32>
        %div3A_974 = arith.divf %div3A_973, %add3A_971 : vector<16xf32>
        %mul3A_975 = arith.constant 4.000000e-01 : f32
        %mul3A_976 = vector.broadcast %mul3A_975 : f32 to vector<16xf32>
        %mul3A_977 = arith.mulf %div3A_974, %mul3A_976 : vector<16xf32>
        %gather3A_978 = tpu.vector_load_idx %arg28[%add3A_375, %and3A_384] : memref<64x8xf32, #tpu.memory_space<vmem>>[vector<16xi32>, vector<16xi32>], vector<16xf32>,
        %gather3A_979 = tpu.vector_load_idx %arg29[%add3A_375, %and3A_384] : memref<64x8xf32, #tpu.memory_space<vmem>>[vector<16xi32>, vector<16xi32>], vector<16xf32>,
        %sub3A = arith.subf %gather3A_978, %gather3A_979 : vector<16xf32>
        %neg3A_980 = arith.constant 0.000000e+00 : f32
        %neg3A_981 = vector.broadcast %neg3A_980 : f32 to vector<16xf32>
        %neg3A_982 = arith.subf %neg3A_981, %sub3A : vector<16xf32>
        %exp3A_983 = math.exp %neg3A_982 : vector<16xf32>
        %add3A_984 = arith.constant 1.000000e+00 : f32
        %add3A_985 = vector.broadcast %add3A_984 : f32 to vector<16xf32>
        %add3A_986 = arith.addf %add3A_985, %exp3A_983 : vector<16xf32>
        %div3A_987 = arith.constant 1.000000e+00 : f32
        %div3A_988 = vector.broadcast %div3A_987 : f32 to vector<16xf32>
        %div3A_989 = arith.divf %div3A_988, %add3A_986 : vector<16xf32>
        %sub3A_990 = arith.constant 1.000000e+00 : f32
        %sub3A_991 = vector.broadcast %sub3A_990 : f32 to vector<16xf32>
        %sub3A_992 = arith.subf %sub3A_991, %mul3A_963 : vector<16xf32>
        %sub3A_993 = arith.subf %sub3A_992, %mul3A_977 : vector<16xf32>
        %mul3A_994 = arith.mulf %sub3A_993, %div3A_936 : vector<16xf32>
        %add3A_995 = arith.addf %mul3A_977, %mul3A_994 : vector<16xf32>
        %mul3A_996 = arith.mulf %sub3A_993, %div3A_949 : vector<16xf32>
        %add3A_997 = arith.addf %mul3A_977, %mul3A_996 : vector<16xf32>
        %sub3A_998 = arith.subf %add3A_995, %add3A_997 : vector<16xf32>
        %mul3A_999 = arith.mulf %div3A_989, %sub3A_998 : vector<16xf32>
        %add3A_1000 = arith.addf %add3A_997, %mul3A_999 : vector<16xf32>
        %swap3A_1001 = arith.index_cast %mul3A_373 : i32 to index
        %swap3A_1002 = tpu.vector_load %arg30[%swap3A_1001] {strides = array<i32>} : memref<64xf32, #tpu.memory_space<vmem>>, vector<16xf32>,
        tpu.vector_store %arg30[%swap3A_1001], %add3A_1000 {strides = array<i32>} : memref<64xf32, #tpu.memory_space<vmem>>, vector<16xf32>,
        %scan3A_1003 = arith.constant 0 : i32
        scf.yield %scan3A_1003 : i32
      }
      %scan3A_315 = arith.constant 4 : i32
      "tpu.region"() ({
        %run_scoped3A = tpu.sem_alloc : memref<!tpu.dma_semaphore, #tpu.memory_space<semaphore_mem>>
        %dma_start3A_370 = tpu.memref_slice %arg15[%add3A_308] : memref<16384xf32, #tpu.memory_space<hbm>> -> memref<64xf32, #tpu.memory_space<hbm>>
        %dma_start3A_371 = tpu.memref_slice %arg15[%add3A_308] : memref<16384xf32, #tpu.memory_space<hbm>> -> memref<64xf32, #tpu.memory_space<hbm>>
        tpu.enqueue_dma source(%arg30 : memref<64xf32, #tpu.memory_space<vmem>>) target(%dma_start3A_371 : memref<64xf32, #tpu.memory_space<hbm>>) target_semaphore(%run_scoped3A : memref<!tpu.dma_semaphore, #tpu.memory_space<semaphore_mem>>)
        %dma_wait3A_372 = tpu.memref_slice %arg15[%add3A_308] : memref<16384xf32, #tpu.memory_space<hbm>> -> memref<64xf32, #tpu.memory_space<hbm>>
        %dma_wait3A_373 = tpu.memref_slice %arg15[%add3A_308] : memref<16384xf32, #tpu.memory_space<hbm>> -> memref<64xf32, #tpu.memory_space<hbm>>
        tpu.wait_dma2 semaphore(%run_scoped3A : memref<!tpu.dma_semaphore, #tpu.memory_space<semaphore_mem>>) src(%arg30 : memref<64xf32, #tpu.memory_space<vmem>>) dst(%dma_wait3A_373 : memref<64xf32, #tpu.memory_space<hbm>>)
        tpu.yield
      }) : () -> ()
      %add3A_316 = arith.constant 2 : i32
      %add3A_317 = arith.addi %mul3A_167, %add3A_316 : i32
      %lt3A = arith.constant 8 : i32
      %lt3A_318 = arith.cmpi slt, %add3A_317, %lt3A : i32
      %convert_element_type3A = arith.extui %lt3A_318 : i1 to i32
      %cond3A = arith.constant 0 : i32
      %cond3A_319 = arith.cmpi ne, %convert_element_type3A, %cond3A : i32
      scf.if %cond3A_319 {
        %add3A_370 = arith.constant 2 : i32
        %add3A_371 = arith.addi %mul3A_167, %add3A_370 : i32
        %mul3A_372 = arith.constant 512 : i32
        %mul3A_373 = arith.muli %add3A, %mul3A_372 : i32
        %mul3A_374 = arith.constant 64 : i32
        %mul3A_375 = arith.muli %add3A_371, %mul3A_374 : i32
        %add3A_376 = arith.addi %mul3A_373, %mul3A_375 : i32
        "tpu.region"() ({
          %run_scoped3A = tpu.sem_alloc : memref<!tpu.dma_semaphore, #tpu.memory_space<semaphore_mem>>
          %dma_start3A_470 = tpu.memref_slice %arg2[%add3A_376] : memref<16384xi32, #tpu.memory_space<hbm>> -> memref<64xi32, #tpu.memory_space<hbm>>
          %dma_start3A_471 = tpu.memref_slice %arg2[%add3A_376] : memref<16384xi32, #tpu.memory_space<hbm>> -> memref<64xi32, #tpu.memory_space<hbm>>
          tpu.enqueue_dma source(%dma_start3A_471 : memref<64xi32, #tpu.memory_space<hbm>>) target(%arg16 : memref<64xi32, #tpu.memory_space<vmem>>) target_semaphore(%run_scoped3A : memref<!tpu.dma_semaphore, #tpu.memory_space<semaphore_mem>>)
          %dma_wait3A_472 = tpu.memref_slice %arg2[%add3A_376] : memref<16384xi32, #tpu.memory_space<hbm>> -> memref<64xi32, #tpu.memory_space<hbm>>
          %dma_wait3A_473 = tpu.memref_slice %arg2[%add3A_376] : memref<16384xi32, #tpu.memory_space<hbm>> -> memref<64xi32, #tpu.memory_space<hbm>>
          tpu.wait_dma2 semaphore(%run_scoped3A : memref<!tpu.dma_semaphore, #tpu.memory_space<semaphore_mem>>) src(%dma_wait3A_473 : memref<64xi32, #tpu.memory_space<hbm>>) dst(%arg16 : memref<64xi32, #tpu.memory_space<vmem>>)
          tpu.yield
        }) : () -> ()
        "tpu.region"() ({
          %run_scoped3A = tpu.sem_alloc : memref<!tpu.dma_semaphore, #tpu.memory_space<semaphore_mem>>
          %dma_start3A_470 = tpu.memref_slice %arg3[%add3A_376] : memref<16384xi32, #tpu.memory_space<hbm>> -> memref<64xi32, #tpu.memory_space<hbm>>
          %dma_start3A_471 = tpu.memref_slice %arg3[%add3A_376] : memref<16384xi32, #tpu.memory_space<hbm>> -> memref<64xi32, #tpu.memory_space<hbm>>
          tpu.enqueue_dma source(%dma_start3A_471 : memref<64xi32, #tpu.memory_space<hbm>>) target(%arg17 : memref<64xi32, #tpu.memory_space<vmem>>) target_semaphore(%run_scoped3A : memref<!tpu.dma_semaphore, #tpu.memory_space<semaphore_mem>>)
          %dma_wait3A_472 = tpu.memref_slice %arg3[%add3A_376] : memref<16384xi32, #tpu.memory_space<hbm>> -> memref<64xi32, #tpu.memory_space<hbm>>
          %dma_wait3A_473 = tpu.memref_slice %arg3[%add3A_376] : memref<16384xi32, #tpu.memory_space<hbm>> -> memref<64xi32, #tpu.memory_space<hbm>>
          tpu.wait_dma2 semaphore(%run_scoped3A : memref<!tpu.dma_semaphore, #tpu.memory_space<semaphore_mem>>) src(%dma_wait3A_473 : memref<64xi32, #tpu.memory_space<hbm>>) dst(%arg17 : memref<64xi32, #tpu.memory_space<vmem>>)
          tpu.yield
        }) : () -> ()
        %get3A_377 = arith.constant 0 : index
        %get3A_378 = tpu.vector_load %arg16[%get3A_377] {strides = array<i32>} : memref<64xi32, #tpu.memory_space<vmem>>, vector<16xi32>,
        %shift_right_logical3A_379 = arith.constant 3 : i32
        %shift_right_logical3A_380 = vector.broadcast %shift_right_logical3A_379 : i32 to vector<16xi32>
        %shift_right_logical3A_381 = arith.shrui %get3A_378, %shift_right_logical3A_380 : vector<16xi32>
        %swap3A_382 = arith.constant 0 : index
        %swap3A_383 = tpu.vector_load %arg18[%swap3A_382] {strides = array<i32>} : memref<64xi32, #tpu.memory_space<vmem>>, vector<16xi32>,
        tpu.vector_store %arg18[%swap3A_382], %shift_right_logical3A_381 {strides = array<i32>} : memref<64xi32, #tpu.memory_space<vmem>>, vector<16xi32>,
        %get3A_384 = arith.constant 0 : index
        %get3A_385 = tpu.vector_load %arg17[%get3A_384] {strides = array<i32>} : memref<64xi32, #tpu.memory_space<vmem>>, vector<16xi32>,
        %shift_right_logical3A_386 = arith.constant 3 : i32
        %shift_right_logical3A_387 = vector.broadcast %shift_right_logical3A_386 : i32 to vector<16xi32>
        %shift_right_logical3A_388 = arith.shrui %get3A_385, %shift_right_logical3A_387 : vector<16xi32>
        %swap3A_389 = arith.constant 0 : index
        %swap3A_390 = tpu.vector_load %arg19[%swap3A_389] {strides = array<i32>} : memref<64xi32, #tpu.memory_space<vmem>>, vector<16xi32>,
        tpu.vector_store %arg19[%swap3A_389], %shift_right_logical3A_388 {strides = array<i32>} : memref<64xi32, #tpu.memory_space<vmem>>, vector<16xi32>,
        %get3A_391 = arith.constant 16 : index
        %get3A_392 = tpu.vector_load %arg16[%get3A_391] {strides = array<i32>} : memref<64xi32, #tpu.memory_space<vmem>>, vector<16xi32>,
        %shift_right_logical3A_393 = arith.constant 3 : i32
        %shift_right_logical3A_394 = vector.broadcast %shift_right_logical3A_393 : i32 to vector<16xi32>
        %shift_right_logical3A_395 = arith.shrui %get3A_392, %shift_right_logical3A_394 : vector<16xi32>
        %swap3A_396 = arith.constant 16 : index
        %swap3A_397 = tpu.vector_load %arg18[%swap3A_396] {strides = array<i32>} : memref<64xi32, #tpu.memory_space<vmem>>, vector<16xi32>,
        tpu.vector_store %arg18[%swap3A_396], %shift_right_logical3A_395 {strides = array<i32>} : memref<64xi32, #tpu.memory_space<vmem>>, vector<16xi32>,
        %get3A_398 = arith.constant 16 : index
        %get3A_399 = tpu.vector_load %arg17[%get3A_398] {strides = array<i32>} : memref<64xi32, #tpu.memory_space<vmem>>, vector<16xi32>,
        %shift_right_logical3A_400 = arith.constant 3 : i32
        %shift_right_logical3A_401 = vector.broadcast %shift_right_logical3A_400 : i32 to vector<16xi32>
        %shift_right_logical3A_402 = arith.shrui %get3A_399, %shift_right_logical3A_401 : vector<16xi32>
        %swap3A_403 = arith.constant 16 : index
        %swap3A_404 = tpu.vector_load %arg19[%swap3A_403] {strides = array<i32>} : memref<64xi32, #tpu.memory_space<vmem>>, vector<16xi32>,
        tpu.vector_store %arg19[%swap3A_403], %shift_right_logical3A_402 {strides = array<i32>} : memref<64xi32, #tpu.memory_space<vmem>>, vector<16xi32>,
        %get3A_405 = arith.constant 32 : index
        %get3A_406 = tpu.vector_load %arg16[%get3A_405] {strides = array<i32>} : memref<64xi32, #tpu.memory_space<vmem>>, vector<16xi32>,
        %shift_right_logical3A_407 = arith.constant 3 : i32
        %shift_right_logical3A_408 = vector.broadcast %shift_right_logical3A_407 : i32 to vector<16xi32>
        %shift_right_logical3A_409 = arith.shrui %get3A_406, %shift_right_logical3A_408 : vector<16xi32>
        %swap3A_410 = arith.constant 32 : index
        %swap3A_411 = tpu.vector_load %arg18[%swap3A_410] {strides = array<i32>} : memref<64xi32, #tpu.memory_space<vmem>>, vector<16xi32>,
        tpu.vector_store %arg18[%swap3A_410], %shift_right_logical3A_409 {strides = array<i32>} : memref<64xi32, #tpu.memory_space<vmem>>, vector<16xi32>,
        %get3A_412 = arith.constant 32 : index
        %get3A_413 = tpu.vector_load %arg17[%get3A_412] {strides = array<i32>} : memref<64xi32, #tpu.memory_space<vmem>>, vector<16xi32>,
        %shift_right_logical3A_414 = arith.constant 3 : i32
        %shift_right_logical3A_415 = vector.broadcast %shift_right_logical3A_414 : i32 to vector<16xi32>
        %shift_right_logical3A_416 = arith.shrui %get3A_413, %shift_right_logical3A_415 : vector<16xi32>
        %swap3A_417 = arith.constant 32 : index
        %swap3A_418 = tpu.vector_load %arg19[%swap3A_417] {strides = array<i32>} : memref<64xi32, #tpu.memory_space<vmem>>, vector<16xi32>,
        tpu.vector_store %arg19[%swap3A_417], %shift_right_logical3A_416 {strides = array<i32>} : memref<64xi32, #tpu.memory_space<vmem>>, vector<16xi32>,
        %get3A_419 = arith.constant 48 : index
        %get3A_420 = tpu.vector_load %arg16[%get3A_419] {strides = array<i32>} : memref<64xi32, #tpu.memory_space<vmem>>, vector<16xi32>,
        %shift_right_logical3A_421 = arith.constant 3 : i32
        %shift_right_logical3A_422 = vector.broadcast %shift_right_logical3A_421 : i32 to vector<16xi32>
        %shift_right_logical3A_423 = arith.shrui %get3A_420, %shift_right_logical3A_422 : vector<16xi32>
        %swap3A_424 = arith.constant 48 : index
        %swap3A_425 = tpu.vector_load %arg18[%swap3A_424] {strides = array<i32>} : memref<64xi32, #tpu.memory_space<vmem>>, vector<16xi32>,
        tpu.vector_store %arg18[%swap3A_424], %shift_right_logical3A_423 {strides = array<i32>} : memref<64xi32, #tpu.memory_space<vmem>>, vector<16xi32>,
        %get3A_426 = arith.constant 48 : index
        %get3A_427 = tpu.vector_load %arg17[%get3A_426] {strides = array<i32>} : memref<64xi32, #tpu.memory_space<vmem>>, vector<16xi32>,
        %shift_right_logical3A_428 = arith.constant 3 : i32
        %shift_right_logical3A_429 = vector.broadcast %shift_right_logical3A_428 : i32 to vector<16xi32>
        %shift_right_logical3A_430 = arith.shrui %get3A_427, %shift_right_logical3A_429 : vector<16xi32>
        %swap3A_431 = arith.constant 48 : index
        %swap3A_432 = tpu.vector_load %arg19[%swap3A_431] {strides = array<i32>} : memref<64xi32, #tpu.memory_space<vmem>>, vector<16xi32>,
        tpu.vector_store %arg19[%swap3A_431], %shift_right_logical3A_430 {strides = array<i32>} : memref<64xi32, #tpu.memory_space<vmem>>, vector<16xi32>,
        %mul3A_433 = arith.constant 512 : i32
        %mul3A_434 = arith.muli %add3A, %mul3A_433 : i32
        %mul3A_435 = arith.constant 64 : i32
        %mul3A_436 = arith.muli %add3A_371, %mul3A_435 : i32
        %add3A_437 = arith.addi %mul3A_434, %mul3A_436 : i32
        %dma_start3A_438 = arith.constant 0 : i32
        %dma_start3A_439 = arith.constant 0 : i32
        %dma_start3A_440 = tpu.memref_slice %arg5[%dma_start3A_438, %dma_start3A_439] : memref<100000x128xf32, #tpu.memory_space<hbm>> -> memref<100000x128xf32, #tpu.memory_space<hbm>>
        tpu.enqueue_indirect_dma source(%dma_start3A_440 : memref<100000x128xf32, #tpu.memory_space<hbm>>) target(%arg20 : memref<64x128xf32, #tpu.memory_space<vmem>>) offsets(%arg16 : memref<64xi32, #tpu.memory_space<vmem>>) semaphore(%arg50 : memref<!tpu.dma_semaphore, #tpu.memory_space<semaphore_mem>>)
        %dma_start3A_441 = arith.constant 0 : i32
        %dma_start3A_442 = arith.constant 0 : i32
        %dma_start3A_443 = arith.constant 0 : i32
        %dma_start3A_444 = tpu.memref_slice %arg13[%dma_start3A_441, %dma_start3A_442, %dma_start3A_443] : memref<100000x2x128xf32, #tpu.memory_space<hbm>> -> memref<100000x2x128xf32, #tpu.memory_space<hbm>>
        tpu.enqueue_indirect_dma source(%dma_start3A_444 : memref<100000x2x128xf32, #tpu.memory_space<hbm>>) target(%arg21 : memref<64x2x128xf32, #tpu.memory_space<vmem>>) offsets(%arg17 : memref<64xi32, #tpu.memory_space<vmem>>) semaphore(%arg50 : memref<!tpu.dma_semaphore, #tpu.memory_space<semaphore_mem>>)
        %dma_start3A_445 = arith.constant 0 : i32
        %dma_start3A_446 = tpu.memref_slice %arg4[%add3A_437, %dma_start3A_445] : memref<16384x128xf32, #tpu.memory_space<hbm>> -> memref<64x128xf32, #tpu.memory_space<hbm>>
        %dma_start3A_447 = arith.constant 0 : i32
        %dma_start3A_448 = tpu.memref_slice %arg4[%add3A_437, %dma_start3A_447] : memref<16384x128xf32, #tpu.memory_space<hbm>> -> memref<64x128xf32, #tpu.memory_space<hbm>>
        tpu.enqueue_dma source(%dma_start3A_448 : memref<64x128xf32, #tpu.memory_space<hbm>>) target(%arg22 : memref<64x128xf32, #tpu.memory_space<vmem>>) target_semaphore(%arg50 : memref<!tpu.dma_semaphore, #tpu.memory_space<semaphore_mem>>)
        %dma_start3A_449 = arith.constant 0 : i32
        %dma_start3A_450 = arith.constant 0 : i32
        %dma_start3A_451 = tpu.memref_slice %arg6[%dma_start3A_449, %dma_start3A_450] : memref<12500x8xf32, #tpu.memory_space<hbm>> -> memref<12500x8xf32, #tpu.memory_space<hbm>>
        tpu.enqueue_indirect_dma source(%dma_start3A_451 : memref<12500x8xf32, #tpu.memory_space<hbm>>) target(%arg23 : memref<64x8xf32, #tpu.memory_space<vmem>>) offsets(%arg18 : memref<64xi32, #tpu.memory_space<vmem>>) semaphore(%arg50 : memref<!tpu.dma_semaphore, #tpu.memory_space<semaphore_mem>>)
        %dma_start3A_452 = arith.constant 0 : i32
        %dma_start3A_453 = arith.constant 0 : i32
        %dma_start3A_454 = tpu.memref_slice %arg7[%dma_start3A_452, %dma_start3A_453] : memref<12500x8xf32, #tpu.memory_space<hbm>> -> memref<12500x8xf32, #tpu.memory_space<hbm>>
        tpu.enqueue_indirect_dma source(%dma_start3A_454 : memref<12500x8xf32, #tpu.memory_space<hbm>>) target(%arg24 : memref<64x8xf32, #tpu.memory_space<vmem>>) offsets(%arg18 : memref<64xi32, #tpu.memory_space<vmem>>) semaphore(%arg50 : memref<!tpu.dma_semaphore, #tpu.memory_space<semaphore_mem>>)
        %dma_start3A_455 = arith.constant 0 : i32
        %dma_start3A_456 = arith.constant 0 : i32
        %dma_start3A_457 = tpu.memref_slice %arg8[%dma_start3A_455, %dma_start3A_456] : memref<12500x8xf32, #tpu.memory_space<hbm>> -> memref<12500x8xf32, #tpu.memory_space<hbm>>
        tpu.enqueue_indirect_dma source(%dma_start3A_457 : memref<12500x8xf32, #tpu.memory_space<hbm>>) target(%arg25 : memref<64x8xf32, #tpu.memory_space<vmem>>) offsets(%arg18 : memref<64xi32, #tpu.memory_space<vmem>>) semaphore(%arg50 : memref<!tpu.dma_semaphore, #tpu.memory_space<semaphore_mem>>)
        %dma_start3A_458 = arith.constant 0 : i32
        %dma_start3A_459 = arith.constant 0 : i32
        %dma_start3A_460 = tpu.memref_slice %arg9[%dma_start3A_458, %dma_start3A_459] : memref<12500x8xf32, #tpu.memory_space<hbm>> -> memref<12500x8xf32, #tpu.memory_space<hbm>>
        tpu.enqueue_indirect_dma source(%dma_start3A_460 : memref<12500x8xf32, #tpu.memory_space<hbm>>) target(%arg26 : memref<64x8xf32, #tpu.memory_space<vmem>>) offsets(%arg19 : memref<64xi32, #tpu.memory_space<vmem>>) semaphore(%arg50 : memref<!tpu.dma_semaphore, #tpu.memory_space<semaphore_mem>>)
        %dma_start3A_461 = arith.constant 0 : i32
        %dma_start3A_462 = arith.constant 0 : i32
        %dma_start3A_463 = tpu.memref_slice %arg10[%dma_start3A_461, %dma_start3A_462] : memref<12500x8xf32, #tpu.memory_space<hbm>> -> memref<12500x8xf32, #tpu.memory_space<hbm>>
        tpu.enqueue_indirect_dma source(%dma_start3A_463 : memref<12500x8xf32, #tpu.memory_space<hbm>>) target(%arg27 : memref<64x8xf32, #tpu.memory_space<vmem>>) offsets(%arg19 : memref<64xi32, #tpu.memory_space<vmem>>) semaphore(%arg50 : memref<!tpu.dma_semaphore, #tpu.memory_space<semaphore_mem>>)
        %dma_start3A_464 = arith.constant 0 : i32
        %dma_start3A_465 = arith.constant 0 : i32
        %dma_start3A_466 = tpu.memref_slice %arg11[%dma_start3A_464, %dma_start3A_465] : memref<12500x8xf32, #tpu.memory_space<hbm>> -> memref<12500x8xf32, #tpu.memory_space<hbm>>
        tpu.enqueue_indirect_dma source(%dma_start3A_466 : memref<12500x8xf32, #tpu.memory_space<hbm>>) target(%arg28 : memref<64x8xf32, #tpu.memory_space<vmem>>) offsets(%arg19 : memref<64xi32, #tpu.memory_space<vmem>>) semaphore(%arg50 : memref<!tpu.dma_semaphore, #tpu.memory_space<semaphore_mem>>)
        %dma_start3A_467 = arith.constant 0 : i32
        %dma_start3A_468 = arith.constant 0 : i32
        %dma_start3A_469 = tpu.memref_slice %arg12[%dma_start3A_467, %dma_start3A_468] : memref<12500x8xf32, #tpu.memory_space<hbm>> -> memref<12500x8xf32, #tpu.memory_space<hbm>>
        tpu.enqueue_indirect_dma source(%dma_start3A_469 : memref<12500x8xf32, #tpu.memory_space<hbm>>) target(%arg29 : memref<64x8xf32, #tpu.memory_space<vmem>>) offsets(%arg19 : memref<64xi32, #tpu.memory_space<vmem>>) semaphore(%arg50 : memref<!tpu.dma_semaphore, #tpu.memory_space<semaphore_mem>>)
      } else {
      }
      %mul3A_320 = arith.constant 512 : i32
      %mul3A_321 = arith.muli %add3A, %mul3A_320 : i32
      %mul3A_322 = arith.constant 64 : i32
      %mul3A_323 = arith.muli %add3A_169, %mul3A_322 : i32
      %add3A_324 = arith.addi %mul3A_321, %mul3A_323 : i32
      %dma_wait3A_325 = arith.constant 0 : i32
      %dma_wait3A_326 = arith.constant 0 : i32
      %dma_wait3A_327 = tpu.memref_slice %arg5[%dma_wait3A_325, %dma_wait3A_326] : memref<100000x128xf32, #tpu.memory_space<hbm>> -> memref<100000x128xf32, #tpu.memory_space<hbm>>
      tpu.wait_indirect_dma semaphore(%arg51 : memref<!tpu.dma_semaphore, #tpu.memory_space<semaphore_mem>>) src(%dma_wait3A_327 : memref<100000x128xf32, #tpu.memory_space<hbm>>) dst(%arg35 : memref<64x128xf32, #tpu.memory_space<vmem>>)
      %dma_wait3A_328 = arith.constant 0 : i32
      %dma_wait3A_329 = arith.constant 0 : i32
      %dma_wait3A_330 = arith.constant 0 : i32
      %dma_wait3A_331 = tpu.memref_slice %arg13[%dma_wait3A_328, %dma_wait3A_329, %dma_wait3A_330] : memref<100000x2x128xf32, #tpu.memory_space<hbm>> -> memref<100000x2x128xf32, #tpu.memory_space<hbm>>
      tpu.wait_indirect_dma semaphore(%arg51 : memref<!tpu.dma_semaphore, #tpu.memory_space<semaphore_mem>>) src(%dma_wait3A_331 : memref<100000x2x128xf32, #tpu.memory_space<hbm>>) dst(%arg36 : memref<64x2x128xf32, #tpu.memory_space<vmem>>)
      %dma_wait3A_332 = arith.constant 0 : i32
      %dma_wait3A_333 = tpu.memref_slice %arg4[%add3A_324, %dma_wait3A_332] : memref<16384x128xf32, #tpu.memory_space<hbm>> -> memref<64x128xf32, #tpu.memory_space<hbm>>
      %dma_wait3A_334 = arith.constant 0 : i32
      %dma_wait3A_335 = tpu.memref_slice %arg4[%add3A_324, %dma_wait3A_334] : memref<16384x128xf32, #tpu.memory_space<hbm>> -> memref<64x128xf32, #tpu.memory_space<hbm>>
      tpu.wait_dma2 semaphore(%arg51 : memref<!tpu.dma_semaphore, #tpu.memory_space<semaphore_mem>>) src(%dma_wait3A_335 : memref<64x128xf32, #tpu.memory_space<hbm>>) dst(%arg37 : memref<64x128xf32, #tpu.memory_space<vmem>>)
      %dma_wait3A_336 = arith.constant 0 : i32
      %dma_wait3A_337 = arith.constant 0 : i32
      %dma_wait3A_338 = tpu.memref_slice %arg6[%dma_wait3A_336, %dma_wait3A_337] : memref<12500x8xf32, #tpu.memory_space<hbm>> -> memref<12500x8xf32, #tpu.memory_space<hbm>>
      tpu.wait_indirect_dma semaphore(%arg51 : memref<!tpu.dma_semaphore, #tpu.memory_space<semaphore_mem>>) src(%dma_wait3A_338 : memref<12500x8xf32, #tpu.memory_space<hbm>>) dst(%arg38 : memref<64x8xf32, #tpu.memory_space<vmem>>)
      %dma_wait3A_339 = arith.constant 0 : i32
      %dma_wait3A_340 = arith.constant 0 : i32
      %dma_wait3A_341 = tpu.memref_slice %arg7[%dma_wait3A_339, %dma_wait3A_340] : memref<12500x8xf32, #tpu.memory_space<hbm>> -> memref<12500x8xf32, #tpu.memory_space<hbm>>
      tpu.wait_indirect_dma semaphore(%arg51 : memref<!tpu.dma_semaphore, #tpu.memory_space<semaphore_mem>>) src(%dma_wait3A_341 : memref<12500x8xf32, #tpu.memory_space<hbm>>) dst(%arg39 : memref<64x8xf32, #tpu.memory_space<vmem>>)
      %dma_wait3A_342 = arith.constant 0 : i32
      %dma_wait3A_343 = arith.constant 0 : i32
      %dma_wait3A_344 = tpu.memref_slice %arg8[%dma_wait3A_342, %dma_wait3A_343] : memref<12500x8xf32, #tpu.memory_space<hbm>> -> memref<12500x8xf32, #tpu.memory_space<hbm>>
      tpu.wait_indirect_dma semaphore(%arg51 : memref<!tpu.dma_semaphore, #tpu.memory_space<semaphore_mem>>) src(%dma_wait3A_344 : memref<12500x8xf32, #tpu.memory_space<hbm>>) dst(%arg40 : memref<64x8xf32, #tpu.memory_space<vmem>>)
      %dma_wait3A_345 = arith.constant 0 : i32
      %dma_wait3A_346 = arith.constant 0 : i32
      %dma_wait3A_347 = tpu.memref_slice %arg9[%dma_wait3A_345, %dma_wait3A_346] : memref<12500x8xf32, #tpu.memory_space<hbm>> -> memref<12500x8xf32, #tpu.memory_space<hbm>>
      tpu.wait_indirect_dma semaphore(%arg51 : memref<!tpu.dma_semaphore, #tpu.memory_space<semaphore_mem>>) src(%dma_wait3A_347 : memref<12500x8xf32, #tpu.memory_space<hbm>>) dst(%arg41 : memref<64x8xf32, #tpu.memory_space<vmem>>)
      %dma_wait3A_348 = arith.constant 0 : i32
      %dma_wait3A_349 = arith.constant 0 : i32
      %dma_wait3A_350 = tpu.memref_slice %arg10[%dma_wait3A_348, %dma_wait3A_349] : memref<12500x8xf32, #tpu.memory_space<hbm>> -> memref<12500x8xf32, #tpu.memory_space<hbm>>
      tpu.wait_indirect_dma semaphore(%arg51 : memref<!tpu.dma_semaphore, #tpu.memory_space<semaphore_mem>>) src(%dma_wait3A_350 : memref<12500x8xf32, #tpu.memory_space<hbm>>) dst(%arg42 : memref<64x8xf32, #tpu.memory_space<vmem>>)
      %dma_wait3A_351 = arith.constant 0 : i32
      %dma_wait3A_352 = arith.constant 0 : i32
      %dma_wait3A_353 = tpu.memref_slice %arg11[%dma_wait3A_351, %dma_wait3A_352] : memref<12500x8xf32, #tpu.memory_space<hbm>> -> memref<12500x8xf32, #tpu.memory_space<hbm>>
      tpu.wait_indirect_dma semaphore(%arg51 : memref<!tpu.dma_semaphore, #tpu.memory_space<semaphore_mem>>) src(%dma_wait3A_353 : memref<12500x8xf32, #tpu.memory_space<hbm>>) dst(%arg43 : memref<64x8xf32, #tpu.memory_space<vmem>>)
      %dma_wait3A_354 = arith.constant 0 : i32
      %dma_wait3A_355 = arith.constant 0 : i32
      %dma_wait3A_356 = tpu.memref_slice %arg12[%dma_wait3A_354, %dma_wait3A_355] : memref<12500x8xf32, #tpu.memory_space<hbm>> -> memref<12500x8xf32, #tpu.memory_space<hbm>>
      tpu.wait_indirect_dma semaphore(%arg51 : memref<!tpu.dma_semaphore, #tpu.memory_space<semaphore_mem>>) src(%dma_wait3A_356 : memref<12500x8xf32, #tpu.memory_space<hbm>>) dst(%arg44 : memref<64x8xf32, #tpu.memory_space<vmem>>)
      %mul3A_357 = arith.constant 512 : i32
      %mul3A_358 = arith.muli %add3A, %mul3A_357 : i32
      %mul3A_359 = arith.constant 64 : i32
      %mul3A_360 = arith.muli %add3A_169, %mul3A_359 : i32
      %add3A_361 = arith.addi %mul3A_358, %mul3A_360 : i32
      %scan3A_362 = arith.constant 0 : i32
      %scan3A_363 = arith.constant 0 : i32
      %scan3A_364 = arith.constant 4 : i32
      %scan3A_365 = arith.addi %scan3A_363, %scan3A_364 : i32
      %scan3A_366 = arith.constant 1 : i32
      %scan3A_367 = scf.for %scan3A_370 = %scan3A_363 to %scan3A_365 step %scan3A_366 iter_args(%scan3A_371 = %scan3A_362) -> (i32)  : i32 {
        %mul3A_372 = arith.constant 16 : i32
        %mul3A_373 = arith.muli %scan3A_370, %mul3A_372 : i32
        %add3A_374 = vector.broadcast %mul3A_373 : i32 to vector<16xi32>
        %add3A_375 = arith.addi %add3A_374, %iota3A : vector<16xi32>
        %get3A_376 = arith.index_cast %mul3A_373 : i32 to index
        %get3A_377 = tpu.vector_load %arg31[%get3A_376] {strides = array<i32>} : memref<64xi32, #tpu.memory_space<vmem>>, vector<16xi32>,
        %and3A = arith.constant 7 : i32
        %and3A_378 = vector.broadcast %and3A : i32 to vector<16xi32>
        %and3A_379 = arith.andi %get3A_377, %and3A_378 : vector<16xi32>
        %get3A_380 = arith.index_cast %mul3A_373 : i32 to index
        %get3A_381 = tpu.vector_load %arg32[%get3A_380] {strides = array<i32>} : memref<64xi32, #tpu.memory_space<vmem>>, vector<16xi32>,
        %and3A_382 = arith.constant 7 : i32
        %and3A_383 = vector.broadcast %and3A_382 : i32 to vector<16xi32>
        %and3A_384 = arith.andi %get3A_381, %and3A_383 : vector<16xi32>
        %gather3A = tpu.vector_load_idx %arg38[%add3A_375, %and3A_379] : memref<64x8xf32, #tpu.memory_space<vmem>>[vector<16xi32>, vector<16xi32>], vector<16xf32>,
        %gather3A_385 = tpu.vector_load_idx %arg39[%add3A_375, %and3A_379] : memref<64x8xf32, #tpu.memory_space<vmem>>[vector<16xi32>, vector<16xi32>], vector<16xf32>,
        %gather3A_386 = tpu.vector_load_idx %arg40[%add3A_375, %and3A_379] : memref<64x8xf32, #tpu.memory_space<vmem>>[vector<16xi32>, vector<16xi32>], vector<16xf32>,
        %slice3A_387 = vector.extract_strided_slice %get3A_52 {offsets = [0], sizes = [1], strides = [1]} : vector<16xf32> to vector<1xf32>
        %squeeze3A_388 = vector.extract %slice3A_387[0] : f32 from vector<1xf32>
        %mul3A_389 = vector.broadcast %squeeze3A_388 : f32 to vector<16xf32>
        %mul3A_390 = arith.mulf %mul3A_389, %gather3A : vector<16xf32>
        %slice3A_391 = vector.extract_strided_slice %get3A_54 {offsets = [0], sizes = [1], strides = [1]} : vector<16xf32> to vector<1xf32>
        %squeeze3A_392 = vector.extract %slice3A_391[0] : f32 from vector<1xf32>
        %mul3A_393 = vector.broadcast %squeeze3A_392 : f32 to vector<16xf32>
        %mul3A_394 = arith.mulf %mul3A_393, %gather3A_385 : vector<16xf32>
        %add3A_395 = arith.addf %mul3A_390, %mul3A_394 : vector<16xf32>
        %slice3A_396 = vector.extract_strided_slice %get3A_56 {offsets = [0], sizes = [1], strides = [1]} : vector<16xf32> to vector<1xf32>
        %squeeze3A_397 = vector.extract %slice3A_396[0] : f32 from vector<1xf32>
        %mul3A_398 = vector.broadcast %squeeze3A_397 : f32 to vector<16xf32>
        %mul3A_399 = arith.mulf %mul3A_398, %gather3A_386 : vector<16xf32>
        %add3A_400 = arith.addf %add3A_395, %mul3A_399 : vector<16xf32>
        %slice3A_401 = vector.extract_strided_slice %get3A_58 {offsets = [0], sizes = [1], strides = [1]} : vector<16xf32> to vector<1xf32>
        %squeeze3A_402 = vector.extract %slice3A_401[0] : f32 from vector<1xf32>
        %add3A_403 = vector.broadcast %squeeze3A_402 : f32 to vector<16xf32>
        %add3A_404 = arith.addf %add3A_400, %add3A_403 : vector<16xf32>
        %slice3A_405 = vector.extract_strided_slice %get3A_60 {offsets = [0], sizes = [1], strides = [1]} : vector<16xf32> to vector<1xf32>
        %squeeze3A_406 = vector.extract %slice3A_405[0] : f32 from vector<1xf32>
        %max3A = arith.constant 0.000000e+00 : f32
        %max3A_407 = vector.broadcast %max3A : f32 to vector<16xf32>
        %max3A_408 = arith.maximumf %add3A_404, %max3A_407 : vector<16xf32>
        %mul3A_409 = vector.broadcast %squeeze3A_406 : f32 to vector<16xf32>
        %mul3A_410 = arith.mulf %mul3A_409, %max3A_408 : vector<16xf32>
        %add3A_411 = arith.addf %broadcast_in_dim3A_64, %mul3A_410 : vector<16xf32>
        %slice3A_412 = vector.extract_strided_slice %get3A_52 {offsets = [1], sizes = [1], strides = [1]} : vector<16xf32> to vector<1xf32>
        %squeeze3A_413 = vector.extract %slice3A_412[0] : f32 from vector<1xf32>
        %mul3A_414 = vector.broadcast %squeeze3A_413 : f32 to vector<16xf32>
        %mul3A_415 = arith.mulf %mul3A_414, %gather3A : vector<16xf32>
        %slice3A_416 = vector.extract_strided_slice %get3A_54 {offsets = [1], sizes = [1], strides = [1]} : vector<16xf32> to vector<1xf32>
        %squeeze3A_417 = vector.extract %slice3A_416[0] : f32 from vector<1xf32>
        %mul3A_418 = vector.broadcast %squeeze3A_417 : f32 to vector<16xf32>
        %mul3A_419 = arith.mulf %mul3A_418, %gather3A_385 : vector<16xf32>
        %add3A_420 = arith.addf %mul3A_415, %mul3A_419 : vector<16xf32>
        %slice3A_421 = vector.extract_strided_slice %get3A_56 {offsets = [1], sizes = [1], strides = [1]} : vector<16xf32> to vector<1xf32>
        %squeeze3A_422 = vector.extract %slice3A_421[0] : f32 from vector<1xf32>
        %mul3A_423 = vector.broadcast %squeeze3A_422 : f32 to vector<16xf32>
        %mul3A_424 = arith.mulf %mul3A_423, %gather3A_386 : vector<16xf32>
        %add3A_425 = arith.addf %add3A_420, %mul3A_424 : vector<16xf32>
        %slice3A_426 = vector.extract_strided_slice %get3A_58 {offsets = [1], sizes = [1], strides = [1]} : vector<16xf32> to vector<1xf32>
        %squeeze3A_427 = vector.extract %slice3A_426[0] : f32 from vector<1xf32>
        %add3A_428 = vector.broadcast %squeeze3A_427 : f32 to vector<16xf32>
        %add3A_429 = arith.addf %add3A_425, %add3A_428 : vector<16xf32>
        %slice3A_430 = vector.extract_strided_slice %get3A_60 {offsets = [1], sizes = [1], strides = [1]} : vector<16xf32> to vector<1xf32>
        %squeeze3A_431 = vector.extract %slice3A_430[0] : f32 from vector<1xf32>
        %max3A_432 = arith.constant 0.000000e+00 : f32
        %max3A_433 = vector.broadcast %max3A_432 : f32 to vector<16xf32>
        %max3A_434 = arith.maximumf %add3A_429, %max3A_433 : vector<16xf32>
        %mul3A_435 = vector.broadcast %squeeze3A_431 : f32 to vector<16xf32>
        %mul3A_436 = arith.mulf %mul3A_435, %max3A_434 : vector<16xf32>
        %add3A_437 = arith.addf %add3A_411, %mul3A_436 : vector<16xf32>
        %slice3A_438 = vector.extract_strided_slice %get3A_52 {offsets = [2], sizes = [1], strides = [1]} : vector<16xf32> to vector<1xf32>
        %squeeze3A_439 = vector.extract %slice3A_438[0] : f32 from vector<1xf32>
        %mul3A_440 = vector.broadcast %squeeze3A_439 : f32 to vector<16xf32>
        %mul3A_441 = arith.mulf %mul3A_440, %gather3A : vector<16xf32>
        %slice3A_442 = vector.extract_strided_slice %get3A_54 {offsets = [2], sizes = [1], strides = [1]} : vector<16xf32> to vector<1xf32>
        %squeeze3A_443 = vector.extract %slice3A_442[0] : f32 from vector<1xf32>
        %mul3A_444 = vector.broadcast %squeeze3A_443 : f32 to vector<16xf32>
        %mul3A_445 = arith.mulf %mul3A_444, %gather3A_385 : vector<16xf32>
        %add3A_446 = arith.addf %mul3A_441, %mul3A_445 : vector<16xf32>
        %slice3A_447 = vector.extract_strided_slice %get3A_56 {offsets = [2], sizes = [1], strides = [1]} : vector<16xf32> to vector<1xf32>
        %squeeze3A_448 = vector.extract %slice3A_447[0] : f32 from vector<1xf32>
        %mul3A_449 = vector.broadcast %squeeze3A_448 : f32 to vector<16xf32>
        %mul3A_450 = arith.mulf %mul3A_449, %gather3A_386 : vector<16xf32>
        %add3A_451 = arith.addf %add3A_446, %mul3A_450 : vector<16xf32>
        %slice3A_452 = vector.extract_strided_slice %get3A_58 {offsets = [2], sizes = [1], strides = [1]} : vector<16xf32> to vector<1xf32>
        %squeeze3A_453 = vector.extract %slice3A_452[0] : f32 from vector<1xf32>
        %add3A_454 = vector.broadcast %squeeze3A_453 : f32 to vector<16xf32>
        %add3A_455 = arith.addf %add3A_451, %add3A_454 : vector<16xf32>
        %slice3A_456 = vector.extract_strided_slice %get3A_60 {offsets = [2], sizes = [1], strides = [1]} : vector<16xf32> to vector<1xf32>
        %squeeze3A_457 = vector.extract %slice3A_456[0] : f32 from vector<1xf32>
        %max3A_458 = arith.constant 0.000000e+00 : f32
        %max3A_459 = vector.broadcast %max3A_458 : f32 to vector<16xf32>
        %max3A_460 = arith.maximumf %add3A_455, %max3A_459 : vector<16xf32>
        %mul3A_461 = vector.broadcast %squeeze3A_457 : f32 to vector<16xf32>
        %mul3A_462 = arith.mulf %mul3A_461, %max3A_460 : vector<16xf32>
        %add3A_463 = arith.addf %add3A_437, %mul3A_462 : vector<16xf32>
        %slice3A_464 = vector.extract_strided_slice %get3A_52 {offsets = [3], sizes = [1], strides = [1]} : vector<16xf32> to vector<1xf32>
        %squeeze3A_465 = vector.extract %slice3A_464[0] : f32 from vector<1xf32>
        %mul3A_466 = vector.broadcast %squeeze3A_465 : f32 to vector<16xf32>
        %mul3A_467 = arith.mulf %mul3A_466, %gather3A : vector<16xf32>
        %slice3A_468 = vector.extract_strided_slice %get3A_54 {offsets = [3], sizes = [1], strides = [1]} : vector<16xf32> to vector<1xf32>
        %squeeze3A_469 = vector.extract %slice3A_468[0] : f32 from vector<1xf32>
        %mul3A_470 = vector.broadcast %squeeze3A_469 : f32 to vector<16xf32>
        %mul3A_471 = arith.mulf %mul3A_470, %gather3A_385 : vector<16xf32>
        %add3A_472 = arith.addf %mul3A_467, %mul3A_471 : vector<16xf32>
        %slice3A_473 = vector.extract_strided_slice %get3A_56 {offsets = [3], sizes = [1], strides = [1]} : vector<16xf32> to vector<1xf32>
        %squeeze3A_474 = vector.extract %slice3A_473[0] : f32 from vector<1xf32>
        %mul3A_475 = vector.broadcast %squeeze3A_474 : f32 to vector<16xf32>
        %mul3A_476 = arith.mulf %mul3A_475, %gather3A_386 : vector<16xf32>
        %add3A_477 = arith.addf %add3A_472, %mul3A_476 : vector<16xf32>
        %slice3A_478 = vector.extract_strided_slice %get3A_58 {offsets = [3], sizes = [1], strides = [1]} : vector<16xf32> to vector<1xf32>
        %squeeze3A_479 = vector.extract %slice3A_478[0] : f32 from vector<1xf32>
        %add3A_480 = vector.broadcast %squeeze3A_479 : f32 to vector<16xf32>
        %add3A_481 = arith.addf %add3A_477, %add3A_480 : vector<16xf32>
        %slice3A_482 = vector.extract_strided_slice %get3A_60 {offsets = [3], sizes = [1], strides = [1]} : vector<16xf32> to vector<1xf32>
        %squeeze3A_483 = vector.extract %slice3A_482[0] : f32 from vector<1xf32>
        %max3A_484 = arith.constant 0.000000e+00 : f32
        %max3A_485 = vector.broadcast %max3A_484 : f32 to vector<16xf32>
        %max3A_486 = arith.maximumf %add3A_481, %max3A_485 : vector<16xf32>
        %mul3A_487 = vector.broadcast %squeeze3A_483 : f32 to vector<16xf32>
        %mul3A_488 = arith.mulf %mul3A_487, %max3A_486 : vector<16xf32>
        %add3A_489 = arith.addf %add3A_463, %mul3A_488 : vector<16xf32>
        %slice3A_490 = vector.extract_strided_slice %get3A_52 {offsets = [4], sizes = [1], strides = [1]} : vector<16xf32> to vector<1xf32>
        %squeeze3A_491 = vector.extract %slice3A_490[0] : f32 from vector<1xf32>
        %mul3A_492 = vector.broadcast %squeeze3A_491 : f32 to vector<16xf32>
        %mul3A_493 = arith.mulf %mul3A_492, %gather3A : vector<16xf32>
        %slice3A_494 = vector.extract_strided_slice %get3A_54 {offsets = [4], sizes = [1], strides = [1]} : vector<16xf32> to vector<1xf32>
        %squeeze3A_495 = vector.extract %slice3A_494[0] : f32 from vector<1xf32>
        %mul3A_496 = vector.broadcast %squeeze3A_495 : f32 to vector<16xf32>
        %mul3A_497 = arith.mulf %mul3A_496, %gather3A_385 : vector<16xf32>
        %add3A_498 = arith.addf %mul3A_493, %mul3A_497 : vector<16xf32>
        %slice3A_499 = vector.extract_strided_slice %get3A_56 {offsets = [4], sizes = [1], strides = [1]} : vector<16xf32> to vector<1xf32>
        %squeeze3A_500 = vector.extract %slice3A_499[0] : f32 from vector<1xf32>
        %mul3A_501 = vector.broadcast %squeeze3A_500 : f32 to vector<16xf32>
        %mul3A_502 = arith.mulf %mul3A_501, %gather3A_386 : vector<16xf32>
        %add3A_503 = arith.addf %add3A_498, %mul3A_502 : vector<16xf32>
        %slice3A_504 = vector.extract_strided_slice %get3A_58 {offsets = [4], sizes = [1], strides = [1]} : vector<16xf32> to vector<1xf32>
        %squeeze3A_505 = vector.extract %slice3A_504[0] : f32 from vector<1xf32>
        %add3A_506 = vector.broadcast %squeeze3A_505 : f32 to vector<16xf32>
        %add3A_507 = arith.addf %add3A_503, %add3A_506 : vector<16xf32>
        %slice3A_508 = vector.extract_strided_slice %get3A_60 {offsets = [4], sizes = [1], strides = [1]} : vector<16xf32> to vector<1xf32>
        %squeeze3A_509 = vector.extract %slice3A_508[0] : f32 from vector<1xf32>
        %max3A_510 = arith.constant 0.000000e+00 : f32
        %max3A_511 = vector.broadcast %max3A_510 : f32 to vector<16xf32>
        %max3A_512 = arith.maximumf %add3A_507, %max3A_511 : vector<16xf32>
        %mul3A_513 = vector.broadcast %squeeze3A_509 : f32 to vector<16xf32>
        %mul3A_514 = arith.mulf %mul3A_513, %max3A_512 : vector<16xf32>
        %add3A_515 = arith.addf %add3A_489, %mul3A_514 : vector<16xf32>
        %slice3A_516 = vector.extract_strided_slice %get3A_52 {offsets = [5], sizes = [1], strides = [1]} : vector<16xf32> to vector<1xf32>
        %squeeze3A_517 = vector.extract %slice3A_516[0] : f32 from vector<1xf32>
        %mul3A_518 = vector.broadcast %squeeze3A_517 : f32 to vector<16xf32>
        %mul3A_519 = arith.mulf %mul3A_518, %gather3A : vector<16xf32>
        %slice3A_520 = vector.extract_strided_slice %get3A_54 {offsets = [5], sizes = [1], strides = [1]} : vector<16xf32> to vector<1xf32>
        %squeeze3A_521 = vector.extract %slice3A_520[0] : f32 from vector<1xf32>
        %mul3A_522 = vector.broadcast %squeeze3A_521 : f32 to vector<16xf32>
        %mul3A_523 = arith.mulf %mul3A_522, %gather3A_385 : vector<16xf32>
        %add3A_524 = arith.addf %mul3A_519, %mul3A_523 : vector<16xf32>
        %slice3A_525 = vector.extract_strided_slice %get3A_56 {offsets = [5], sizes = [1], strides = [1]} : vector<16xf32> to vector<1xf32>
        %squeeze3A_526 = vector.extract %slice3A_525[0] : f32 from vector<1xf32>
        %mul3A_527 = vector.broadcast %squeeze3A_526 : f32 to vector<16xf32>
        %mul3A_528 = arith.mulf %mul3A_527, %gather3A_386 : vector<16xf32>
        %add3A_529 = arith.addf %add3A_524, %mul3A_528 : vector<16xf32>
        %slice3A_530 = vector.extract_strided_slice %get3A_58 {offsets = [5], sizes = [1], strides = [1]} : vector<16xf32> to vector<1xf32>
        %squeeze3A_531 = vector.extract %slice3A_530[0] : f32 from vector<1xf32>
        %add3A_532 = vector.broadcast %squeeze3A_531 : f32 to vector<16xf32>
        %add3A_533 = arith.addf %add3A_529, %add3A_532 : vector<16xf32>
        %slice3A_534 = vector.extract_strided_slice %get3A_60 {offsets = [5], sizes = [1], strides = [1]} : vector<16xf32> to vector<1xf32>
        %squeeze3A_535 = vector.extract %slice3A_534[0] : f32 from vector<1xf32>
        %max3A_536 = arith.constant 0.000000e+00 : f32
        %max3A_537 = vector.broadcast %max3A_536 : f32 to vector<16xf32>
        %max3A_538 = arith.maximumf %add3A_533, %max3A_537 : vector<16xf32>
        %mul3A_539 = vector.broadcast %squeeze3A_535 : f32 to vector<16xf32>
        %mul3A_540 = arith.mulf %mul3A_539, %max3A_538 : vector<16xf32>
        %add3A_541 = arith.addf %add3A_515, %mul3A_540 : vector<16xf32>
        %slice3A_542 = vector.extract_strided_slice %get3A_52 {offsets = [6], sizes = [1], strides = [1]} : vector<16xf32> to vector<1xf32>
        %squeeze3A_543 = vector.extract %slice3A_542[0] : f32 from vector<1xf32>
        %mul3A_544 = vector.broadcast %squeeze3A_543 : f32 to vector<16xf32>
        %mul3A_545 = arith.mulf %mul3A_544, %gather3A : vector<16xf32>
        %slice3A_546 = vector.extract_strided_slice %get3A_54 {offsets = [6], sizes = [1], strides = [1]} : vector<16xf32> to vector<1xf32>
        %squeeze3A_547 = vector.extract %slice3A_546[0] : f32 from vector<1xf32>
        %mul3A_548 = vector.broadcast %squeeze3A_547 : f32 to vector<16xf32>
        %mul3A_549 = arith.mulf %mul3A_548, %gather3A_385 : vector<16xf32>
        %add3A_550 = arith.addf %mul3A_545, %mul3A_549 : vector<16xf32>
        %slice3A_551 = vector.extract_strided_slice %get3A_56 {offsets = [6], sizes = [1], strides = [1]} : vector<16xf32> to vector<1xf32>
        %squeeze3A_552 = vector.extract %slice3A_551[0] : f32 from vector<1xf32>
        %mul3A_553 = vector.broadcast %squeeze3A_552 : f32 to vector<16xf32>
        %mul3A_554 = arith.mulf %mul3A_553, %gather3A_386 : vector<16xf32>
        %add3A_555 = arith.addf %add3A_550, %mul3A_554 : vector<16xf32>
        %slice3A_556 = vector.extract_strided_slice %get3A_58 {offsets = [6], sizes = [1], strides = [1]} : vector<16xf32> to vector<1xf32>
        %squeeze3A_557 = vector.extract %slice3A_556[0] : f32 from vector<1xf32>
        %add3A_558 = vector.broadcast %squeeze3A_557 : f32 to vector<16xf32>
        %add3A_559 = arith.addf %add3A_555, %add3A_558 : vector<16xf32>
        %slice3A_560 = vector.extract_strided_slice %get3A_60 {offsets = [6], sizes = [1], strides = [1]} : vector<16xf32> to vector<1xf32>
        %squeeze3A_561 = vector.extract %slice3A_560[0] : f32 from vector<1xf32>
        %max3A_562 = arith.constant 0.000000e+00 : f32
        %max3A_563 = vector.broadcast %max3A_562 : f32 to vector<16xf32>
        %max3A_564 = arith.maximumf %add3A_559, %max3A_563 : vector<16xf32>
        %mul3A_565 = vector.broadcast %squeeze3A_561 : f32 to vector<16xf32>
        %mul3A_566 = arith.mulf %mul3A_565, %max3A_564 : vector<16xf32>
        %add3A_567 = arith.addf %add3A_541, %mul3A_566 : vector<16xf32>
        %slice3A_568 = vector.extract_strided_slice %get3A_52 {offsets = [7], sizes = [1], strides = [1]} : vector<16xf32> to vector<1xf32>
        %squeeze3A_569 = vector.extract %slice3A_568[0] : f32 from vector<1xf32>
        %mul3A_570 = vector.broadcast %squeeze3A_569 : f32 to vector<16xf32>
        %mul3A_571 = arith.mulf %mul3A_570, %gather3A : vector<16xf32>
        %slice3A_572 = vector.extract_strided_slice %get3A_54 {offsets = [7], sizes = [1], strides = [1]} : vector<16xf32> to vector<1xf32>
        %squeeze3A_573 = vector.extract %slice3A_572[0] : f32 from vector<1xf32>
        %mul3A_574 = vector.broadcast %squeeze3A_573 : f32 to vector<16xf32>
        %mul3A_575 = arith.mulf %mul3A_574, %gather3A_385 : vector<16xf32>
        %add3A_576 = arith.addf %mul3A_571, %mul3A_575 : vector<16xf32>
        %slice3A_577 = vector.extract_strided_slice %get3A_56 {offsets = [7], sizes = [1], strides = [1]} : vector<16xf32> to vector<1xf32>
        %squeeze3A_578 = vector.extract %slice3A_577[0] : f32 from vector<1xf32>
        %mul3A_579 = vector.broadcast %squeeze3A_578 : f32 to vector<16xf32>
        %mul3A_580 = arith.mulf %mul3A_579, %gather3A_386 : vector<16xf32>
        %add3A_581 = arith.addf %add3A_576, %mul3A_580 : vector<16xf32>
        %slice3A_582 = vector.extract_strided_slice %get3A_58 {offsets = [7], sizes = [1], strides = [1]} : vector<16xf32> to vector<1xf32>
        %squeeze3A_583 = vector.extract %slice3A_582[0] : f32 from vector<1xf32>
        %add3A_584 = vector.broadcast %squeeze3A_583 : f32 to vector<16xf32>
        %add3A_585 = arith.addf %add3A_581, %add3A_584 : vector<16xf32>
        %slice3A_586 = vector.extract_strided_slice %get3A_60 {offsets = [7], sizes = [1], strides = [1]} : vector<16xf32> to vector<1xf32>
        %squeeze3A_587 = vector.extract %slice3A_586[0] : f32 from vector<1xf32>
        %max3A_588 = arith.constant 0.000000e+00 : f32
        %max3A_589 = vector.broadcast %max3A_588 : f32 to vector<16xf32>
        %max3A_590 = arith.maximumf %add3A_585, %max3A_589 : vector<16xf32>
        %mul3A_591 = vector.broadcast %squeeze3A_587 : f32 to vector<16xf32>
        %mul3A_592 = arith.mulf %mul3A_591, %max3A_590 : vector<16xf32>
        %add3A_593 = arith.addf %add3A_567, %mul3A_592 : vector<16xf32>
        %slice3A_594 = vector.extract_strided_slice %get3A_52 {offsets = [8], sizes = [1], strides = [1]} : vector<16xf32> to vector<1xf32>
        %squeeze3A_595 = vector.extract %slice3A_594[0] : f32 from vector<1xf32>
        %mul3A_596 = vector.broadcast %squeeze3A_595 : f32 to vector<16xf32>
        %mul3A_597 = arith.mulf %mul3A_596, %gather3A : vector<16xf32>
        %slice3A_598 = vector.extract_strided_slice %get3A_54 {offsets = [8], sizes = [1], strides = [1]} : vector<16xf32> to vector<1xf32>
        %squeeze3A_599 = vector.extract %slice3A_598[0] : f32 from vector<1xf32>
        %mul3A_600 = vector.broadcast %squeeze3A_599 : f32 to vector<16xf32>
        %mul3A_601 = arith.mulf %mul3A_600, %gather3A_385 : vector<16xf32>
        %add3A_602 = arith.addf %mul3A_597, %mul3A_601 : vector<16xf32>
        %slice3A_603 = vector.extract_strided_slice %get3A_56 {offsets = [8], sizes = [1], strides = [1]} : vector<16xf32> to vector<1xf32>
        %squeeze3A_604 = vector.extract %slice3A_603[0] : f32 from vector<1xf32>
        %mul3A_605 = vector.broadcast %squeeze3A_604 : f32 to vector<16xf32>
        %mul3A_606 = arith.mulf %mul3A_605, %gather3A_386 : vector<16xf32>
        %add3A_607 = arith.addf %add3A_602, %mul3A_606 : vector<16xf32>
        %slice3A_608 = vector.extract_strided_slice %get3A_58 {offsets = [8], sizes = [1], strides = [1]} : vector<16xf32> to vector<1xf32>
        %squeeze3A_609 = vector.extract %slice3A_608[0] : f32 from vector<1xf32>
        %add3A_610 = vector.broadcast %squeeze3A_609 : f32 to vector<16xf32>
        %add3A_611 = arith.addf %add3A_607, %add3A_610 : vector<16xf32>
        %slice3A_612 = vector.extract_strided_slice %get3A_60 {offsets = [8], sizes = [1], strides = [1]} : vector<16xf32> to vector<1xf32>
        %squeeze3A_613 = vector.extract %slice3A_612[0] : f32 from vector<1xf32>
        %max3A_614 = arith.constant 0.000000e+00 : f32
        %max3A_615 = vector.broadcast %max3A_614 : f32 to vector<16xf32>
        %max3A_616 = arith.maximumf %add3A_611, %max3A_615 : vector<16xf32>
        %mul3A_617 = vector.broadcast %squeeze3A_613 : f32 to vector<16xf32>
        %mul3A_618 = arith.mulf %mul3A_617, %max3A_616 : vector<16xf32>
        %add3A_619 = arith.addf %add3A_593, %mul3A_618 : vector<16xf32>
        %slice3A_620 = vector.extract_strided_slice %get3A_52 {offsets = [9], sizes = [1], strides = [1]} : vector<16xf32> to vector<1xf32>
        %squeeze3A_621 = vector.extract %slice3A_620[0] : f32 from vector<1xf32>
        %mul3A_622 = vector.broadcast %squeeze3A_621 : f32 to vector<16xf32>
        %mul3A_623 = arith.mulf %mul3A_622, %gather3A : vector<16xf32>
        %slice3A_624 = vector.extract_strided_slice %get3A_54 {offsets = [9], sizes = [1], strides = [1]} : vector<16xf32> to vector<1xf32>
        %squeeze3A_625 = vector.extract %slice3A_624[0] : f32 from vector<1xf32>
        %mul3A_626 = vector.broadcast %squeeze3A_625 : f32 to vector<16xf32>
        %mul3A_627 = arith.mulf %mul3A_626, %gather3A_385 : vector<16xf32>
        %add3A_628 = arith.addf %mul3A_623, %mul3A_627 : vector<16xf32>
        %slice3A_629 = vector.extract_strided_slice %get3A_56 {offsets = [9], sizes = [1], strides = [1]} : vector<16xf32> to vector<1xf32>
        %squeeze3A_630 = vector.extract %slice3A_629[0] : f32 from vector<1xf32>
        %mul3A_631 = vector.broadcast %squeeze3A_630 : f32 to vector<16xf32>
        %mul3A_632 = arith.mulf %mul3A_631, %gather3A_386 : vector<16xf32>
        %add3A_633 = arith.addf %add3A_628, %mul3A_632 : vector<16xf32>
        %slice3A_634 = vector.extract_strided_slice %get3A_58 {offsets = [9], sizes = [1], strides = [1]} : vector<16xf32> to vector<1xf32>
        %squeeze3A_635 = vector.extract %slice3A_634[0] : f32 from vector<1xf32>
        %add3A_636 = vector.broadcast %squeeze3A_635 : f32 to vector<16xf32>
        %add3A_637 = arith.addf %add3A_633, %add3A_636 : vector<16xf32>
        %slice3A_638 = vector.extract_strided_slice %get3A_60 {offsets = [9], sizes = [1], strides = [1]} : vector<16xf32> to vector<1xf32>
        %squeeze3A_639 = vector.extract %slice3A_638[0] : f32 from vector<1xf32>
        %max3A_640 = arith.constant 0.000000e+00 : f32
        %max3A_641 = vector.broadcast %max3A_640 : f32 to vector<16xf32>
        %max3A_642 = arith.maximumf %add3A_637, %max3A_641 : vector<16xf32>
        %mul3A_643 = vector.broadcast %squeeze3A_639 : f32 to vector<16xf32>
        %mul3A_644 = arith.mulf %mul3A_643, %max3A_642 : vector<16xf32>
        %add3A_645 = arith.addf %add3A_619, %mul3A_644 : vector<16xf32>
        %slice3A_646 = vector.extract_strided_slice %get3A_52 {offsets = [10], sizes = [1], strides = [1]} : vector<16xf32> to vector<1xf32>
        %squeeze3A_647 = vector.extract %slice3A_646[0] : f32 from vector<1xf32>
        %mul3A_648 = vector.broadcast %squeeze3A_647 : f32 to vector<16xf32>
        %mul3A_649 = arith.mulf %mul3A_648, %gather3A : vector<16xf32>
        %slice3A_650 = vector.extract_strided_slice %get3A_54 {offsets = [10], sizes = [1], strides = [1]} : vector<16xf32> to vector<1xf32>
        %squeeze3A_651 = vector.extract %slice3A_650[0] : f32 from vector<1xf32>
        %mul3A_652 = vector.broadcast %squeeze3A_651 : f32 to vector<16xf32>
        %mul3A_653 = arith.mulf %mul3A_652, %gather3A_385 : vector<16xf32>
        %add3A_654 = arith.addf %mul3A_649, %mul3A_653 : vector<16xf32>
        %slice3A_655 = vector.extract_strided_slice %get3A_56 {offsets = [10], sizes = [1], strides = [1]} : vector<16xf32> to vector<1xf32>
        %squeeze3A_656 = vector.extract %slice3A_655[0] : f32 from vector<1xf32>
        %mul3A_657 = vector.broadcast %squeeze3A_656 : f32 to vector<16xf32>
        %mul3A_658 = arith.mulf %mul3A_657, %gather3A_386 : vector<16xf32>
        %add3A_659 = arith.addf %add3A_654, %mul3A_658 : vector<16xf32>
        %slice3A_660 = vector.extract_strided_slice %get3A_58 {offsets = [10], sizes = [1], strides = [1]} : vector<16xf32> to vector<1xf32>
        %squeeze3A_661 = vector.extract %slice3A_660[0] : f32 from vector<1xf32>
        %add3A_662 = vector.broadcast %squeeze3A_661 : f32 to vector<16xf32>
        %add3A_663 = arith.addf %add3A_659, %add3A_662 : vector<16xf32>
        %slice3A_664 = vector.extract_strided_slice %get3A_60 {offsets = [10], sizes = [1], strides = [1]} : vector<16xf32> to vector<1xf32>
        %squeeze3A_665 = vector.extract %slice3A_664[0] : f32 from vector<1xf32>
        %max3A_666 = arith.constant 0.000000e+00 : f32
        %max3A_667 = vector.broadcast %max3A_666 : f32 to vector<16xf32>
        %max3A_668 = arith.maximumf %add3A_663, %max3A_667 : vector<16xf32>
        %mul3A_669 = vector.broadcast %squeeze3A_665 : f32 to vector<16xf32>
        %mul3A_670 = arith.mulf %mul3A_669, %max3A_668 : vector<16xf32>
        %add3A_671 = arith.addf %add3A_645, %mul3A_670 : vector<16xf32>
        %slice3A_672 = vector.extract_strided_slice %get3A_52 {offsets = [11], sizes = [1], strides = [1]} : vector<16xf32> to vector<1xf32>
        %squeeze3A_673 = vector.extract %slice3A_672[0] : f32 from vector<1xf32>
        %mul3A_674 = vector.broadcast %squeeze3A_673 : f32 to vector<16xf32>
        %mul3A_675 = arith.mulf %mul3A_674, %gather3A : vector<16xf32>
        %slice3A_676 = vector.extract_strided_slice %get3A_54 {offsets = [11], sizes = [1], strides = [1]} : vector<16xf32> to vector<1xf32>
        %squeeze3A_677 = vector.extract %slice3A_676[0] : f32 from vector<1xf32>
        %mul3A_678 = vector.broadcast %squeeze3A_677 : f32 to vector<16xf32>
        %mul3A_679 = arith.mulf %mul3A_678, %gather3A_385 : vector<16xf32>
        %add3A_680 = arith.addf %mul3A_675, %mul3A_679 : vector<16xf32>
        %slice3A_681 = vector.extract_strided_slice %get3A_56 {offsets = [11], sizes = [1], strides = [1]} : vector<16xf32> to vector<1xf32>
        %squeeze3A_682 = vector.extract %slice3A_681[0] : f32 from vector<1xf32>
        %mul3A_683 = vector.broadcast %squeeze3A_682 : f32 to vector<16xf32>
        %mul3A_684 = arith.mulf %mul3A_683, %gather3A_386 : vector<16xf32>
        %add3A_685 = arith.addf %add3A_680, %mul3A_684 : vector<16xf32>
        %slice3A_686 = vector.extract_strided_slice %get3A_58 {offsets = [11], sizes = [1], strides = [1]} : vector<16xf32> to vector<1xf32>
        %squeeze3A_687 = vector.extract %slice3A_686[0] : f32 from vector<1xf32>
        %add3A_688 = vector.broadcast %squeeze3A_687 : f32 to vector<16xf32>
        %add3A_689 = arith.addf %add3A_685, %add3A_688 : vector<16xf32>
        %slice3A_690 = vector.extract_strided_slice %get3A_60 {offsets = [11], sizes = [1], strides = [1]} : vector<16xf32> to vector<1xf32>
        %squeeze3A_691 = vector.extract %slice3A_690[0] : f32 from vector<1xf32>
        %max3A_692 = arith.constant 0.000000e+00 : f32
        %max3A_693 = vector.broadcast %max3A_692 : f32 to vector<16xf32>
        %max3A_694 = arith.maximumf %add3A_689, %max3A_693 : vector<16xf32>
        %mul3A_695 = vector.broadcast %squeeze3A_691 : f32 to vector<16xf32>
        %mul3A_696 = arith.mulf %mul3A_695, %max3A_694 : vector<16xf32>
        %add3A_697 = arith.addf %add3A_671, %mul3A_696 : vector<16xf32>
        %slice3A_698 = vector.extract_strided_slice %get3A_52 {offsets = [12], sizes = [1], strides = [1]} : vector<16xf32> to vector<1xf32>
        %squeeze3A_699 = vector.extract %slice3A_698[0] : f32 from vector<1xf32>
        %mul3A_700 = vector.broadcast %squeeze3A_699 : f32 to vector<16xf32>
        %mul3A_701 = arith.mulf %mul3A_700, %gather3A : vector<16xf32>
        %slice3A_702 = vector.extract_strided_slice %get3A_54 {offsets = [12], sizes = [1], strides = [1]} : vector<16xf32> to vector<1xf32>
        %squeeze3A_703 = vector.extract %slice3A_702[0] : f32 from vector<1xf32>
        %mul3A_704 = vector.broadcast %squeeze3A_703 : f32 to vector<16xf32>
        %mul3A_705 = arith.mulf %mul3A_704, %gather3A_385 : vector<16xf32>
        %add3A_706 = arith.addf %mul3A_701, %mul3A_705 : vector<16xf32>
        %slice3A_707 = vector.extract_strided_slice %get3A_56 {offsets = [12], sizes = [1], strides = [1]} : vector<16xf32> to vector<1xf32>
        %squeeze3A_708 = vector.extract %slice3A_707[0] : f32 from vector<1xf32>
        %mul3A_709 = vector.broadcast %squeeze3A_708 : f32 to vector<16xf32>
        %mul3A_710 = arith.mulf %mul3A_709, %gather3A_386 : vector<16xf32>
        %add3A_711 = arith.addf %add3A_706, %mul3A_710 : vector<16xf32>
        %slice3A_712 = vector.extract_strided_slice %get3A_58 {offsets = [12], sizes = [1], strides = [1]} : vector<16xf32> to vector<1xf32>
        %squeeze3A_713 = vector.extract %slice3A_712[0] : f32 from vector<1xf32>
        %add3A_714 = vector.broadcast %squeeze3A_713 : f32 to vector<16xf32>
        %add3A_715 = arith.addf %add3A_711, %add3A_714 : vector<16xf32>
        %slice3A_716 = vector.extract_strided_slice %get3A_60 {offsets = [12], sizes = [1], strides = [1]} : vector<16xf32> to vector<1xf32>
        %squeeze3A_717 = vector.extract %slice3A_716[0] : f32 from vector<1xf32>
        %max3A_718 = arith.constant 0.000000e+00 : f32
        %max3A_719 = vector.broadcast %max3A_718 : f32 to vector<16xf32>
        %max3A_720 = arith.maximumf %add3A_715, %max3A_719 : vector<16xf32>
        %mul3A_721 = vector.broadcast %squeeze3A_717 : f32 to vector<16xf32>
        %mul3A_722 = arith.mulf %mul3A_721, %max3A_720 : vector<16xf32>
        %add3A_723 = arith.addf %add3A_697, %mul3A_722 : vector<16xf32>
        %slice3A_724 = vector.extract_strided_slice %get3A_52 {offsets = [13], sizes = [1], strides = [1]} : vector<16xf32> to vector<1xf32>
        %squeeze3A_725 = vector.extract %slice3A_724[0] : f32 from vector<1xf32>
        %mul3A_726 = vector.broadcast %squeeze3A_725 : f32 to vector<16xf32>
        %mul3A_727 = arith.mulf %mul3A_726, %gather3A : vector<16xf32>
        %slice3A_728 = vector.extract_strided_slice %get3A_54 {offsets = [13], sizes = [1], strides = [1]} : vector<16xf32> to vector<1xf32>
        %squeeze3A_729 = vector.extract %slice3A_728[0] : f32 from vector<1xf32>
        %mul3A_730 = vector.broadcast %squeeze3A_729 : f32 to vector<16xf32>
        %mul3A_731 = arith.mulf %mul3A_730, %gather3A_385 : vector<16xf32>
        %add3A_732 = arith.addf %mul3A_727, %mul3A_731 : vector<16xf32>
        %slice3A_733 = vector.extract_strided_slice %get3A_56 {offsets = [13], sizes = [1], strides = [1]} : vector<16xf32> to vector<1xf32>
        %squeeze3A_734 = vector.extract %slice3A_733[0] : f32 from vector<1xf32>
        %mul3A_735 = vector.broadcast %squeeze3A_734 : f32 to vector<16xf32>
        %mul3A_736 = arith.mulf %mul3A_735, %gather3A_386 : vector<16xf32>
        %add3A_737 = arith.addf %add3A_732, %mul3A_736 : vector<16xf32>
        %slice3A_738 = vector.extract_strided_slice %get3A_58 {offsets = [13], sizes = [1], strides = [1]} : vector<16xf32> to vector<1xf32>
        %squeeze3A_739 = vector.extract %slice3A_738[0] : f32 from vector<1xf32>
        %add3A_740 = vector.broadcast %squeeze3A_739 : f32 to vector<16xf32>
        %add3A_741 = arith.addf %add3A_737, %add3A_740 : vector<16xf32>
        %slice3A_742 = vector.extract_strided_slice %get3A_60 {offsets = [13], sizes = [1], strides = [1]} : vector<16xf32> to vector<1xf32>
        %squeeze3A_743 = vector.extract %slice3A_742[0] : f32 from vector<1xf32>
        %max3A_744 = arith.constant 0.000000e+00 : f32
        %max3A_745 = vector.broadcast %max3A_744 : f32 to vector<16xf32>
        %max3A_746 = arith.maximumf %add3A_741, %max3A_745 : vector<16xf32>
        %mul3A_747 = vector.broadcast %squeeze3A_743 : f32 to vector<16xf32>
        %mul3A_748 = arith.mulf %mul3A_747, %max3A_746 : vector<16xf32>
        %add3A_749 = arith.addf %add3A_723, %mul3A_748 : vector<16xf32>
        %slice3A_750 = vector.extract_strided_slice %get3A_52 {offsets = [14], sizes = [1], strides = [1]} : vector<16xf32> to vector<1xf32>
        %squeeze3A_751 = vector.extract %slice3A_750[0] : f32 from vector<1xf32>
        %mul3A_752 = vector.broadcast %squeeze3A_751 : f32 to vector<16xf32>
        %mul3A_753 = arith.mulf %mul3A_752, %gather3A : vector<16xf32>
        %slice3A_754 = vector.extract_strided_slice %get3A_54 {offsets = [14], sizes = [1], strides = [1]} : vector<16xf32> to vector<1xf32>
        %squeeze3A_755 = vector.extract %slice3A_754[0] : f32 from vector<1xf32>
        %mul3A_756 = vector.broadcast %squeeze3A_755 : f32 to vector<16xf32>
        %mul3A_757 = arith.mulf %mul3A_756, %gather3A_385 : vector<16xf32>
        %add3A_758 = arith.addf %mul3A_753, %mul3A_757 : vector<16xf32>
        %slice3A_759 = vector.extract_strided_slice %get3A_56 {offsets = [14], sizes = [1], strides = [1]} : vector<16xf32> to vector<1xf32>
        %squeeze3A_760 = vector.extract %slice3A_759[0] : f32 from vector<1xf32>
        %mul3A_761 = vector.broadcast %squeeze3A_760 : f32 to vector<16xf32>
        %mul3A_762 = arith.mulf %mul3A_761, %gather3A_386 : vector<16xf32>
        %add3A_763 = arith.addf %add3A_758, %mul3A_762 : vector<16xf32>
        %slice3A_764 = vector.extract_strided_slice %get3A_58 {offsets = [14], sizes = [1], strides = [1]} : vector<16xf32> to vector<1xf32>
        %squeeze3A_765 = vector.extract %slice3A_764[0] : f32 from vector<1xf32>
        %add3A_766 = vector.broadcast %squeeze3A_765 : f32 to vector<16xf32>
        %add3A_767 = arith.addf %add3A_763, %add3A_766 : vector<16xf32>
        %slice3A_768 = vector.extract_strided_slice %get3A_60 {offsets = [14], sizes = [1], strides = [1]} : vector<16xf32> to vector<1xf32>
        %squeeze3A_769 = vector.extract %slice3A_768[0] : f32 from vector<1xf32>
        %max3A_770 = arith.constant 0.000000e+00 : f32
        %max3A_771 = vector.broadcast %max3A_770 : f32 to vector<16xf32>
        %max3A_772 = arith.maximumf %add3A_767, %max3A_771 : vector<16xf32>
        %mul3A_773 = vector.broadcast %squeeze3A_769 : f32 to vector<16xf32>
        %mul3A_774 = arith.mulf %mul3A_773, %max3A_772 : vector<16xf32>
        %add3A_775 = arith.addf %add3A_749, %mul3A_774 : vector<16xf32>
        %slice3A_776 = vector.extract_strided_slice %get3A_52 {offsets = [15], sizes = [1], strides = [1]} : vector<16xf32> to vector<1xf32>
        %squeeze3A_777 = vector.extract %slice3A_776[0] : f32 from vector<1xf32>
        %mul3A_778 = vector.broadcast %squeeze3A_777 : f32 to vector<16xf32>
        %mul3A_779 = arith.mulf %mul3A_778, %gather3A : vector<16xf32>
        %slice3A_780 = vector.extract_strided_slice %get3A_54 {offsets = [15], sizes = [1], strides = [1]} : vector<16xf32> to vector<1xf32>
        %squeeze3A_781 = vector.extract %slice3A_780[0] : f32 from vector<1xf32>
        %mul3A_782 = vector.broadcast %squeeze3A_781 : f32 to vector<16xf32>
        %mul3A_783 = arith.mulf %mul3A_782, %gather3A_385 : vector<16xf32>
        %add3A_784 = arith.addf %mul3A_779, %mul3A_783 : vector<16xf32>
        %slice3A_785 = vector.extract_strided_slice %get3A_56 {offsets = [15], sizes = [1], strides = [1]} : vector<16xf32> to vector<1xf32>
        %squeeze3A_786 = vector.extract %slice3A_785[0] : f32 from vector<1xf32>
        %mul3A_787 = vector.broadcast %squeeze3A_786 : f32 to vector<16xf32>
        %mul3A_788 = arith.mulf %mul3A_787, %gather3A_386 : vector<16xf32>
        %add3A_789 = arith.addf %add3A_784, %mul3A_788 : vector<16xf32>
        %slice3A_790 = vector.extract_strided_slice %get3A_58 {offsets = [15], sizes = [1], strides = [1]} : vector<16xf32> to vector<1xf32>
        %squeeze3A_791 = vector.extract %slice3A_790[0] : f32 from vector<1xf32>
        %add3A_792 = vector.broadcast %squeeze3A_791 : f32 to vector<16xf32>
        %add3A_793 = arith.addf %add3A_789, %add3A_792 : vector<16xf32>
        %slice3A_794 = vector.extract_strided_slice %get3A_60 {offsets = [15], sizes = [1], strides = [1]} : vector<16xf32> to vector<1xf32>
        %squeeze3A_795 = vector.extract %slice3A_794[0] : f32 from vector<1xf32>
        %max3A_796 = arith.constant 0.000000e+00 : f32
        %max3A_797 = vector.broadcast %max3A_796 : f32 to vector<16xf32>
        %max3A_798 = arith.maximumf %add3A_793, %max3A_797 : vector<16xf32>
        %mul3A_799 = vector.broadcast %squeeze3A_795 : f32 to vector<16xf32>
        %mul3A_800 = arith.mulf %mul3A_799, %max3A_798 : vector<16xf32>
        %add3A_801 = arith.addf %add3A_775, %mul3A_800 : vector<16xf32>
        %add3A_802 = vector.broadcast %squeeze3A : f32 to vector<16xf32>
        %add3A_803 = arith.addf %add3A_801, %add3A_802 : vector<16xf32>
        %neg3A = arith.constant 0.000000e+00 : f32
        %neg3A_804 = vector.broadcast %neg3A : f32 to vector<16xf32>
        %neg3A_805 = arith.subf %neg3A_804, %add3A_803 : vector<16xf32>
        %exp3A = math.exp %neg3A_805 : vector<16xf32>
        %add3A_806 = arith.constant 1.000000e+00 : f32
        %add3A_807 = vector.broadcast %add3A_806 : f32 to vector<16xf32>
        %add3A_808 = arith.addf %add3A_807, %exp3A : vector<16xf32>
        %div3A = arith.constant 1.000000e+00 : f32
        %div3A_809 = vector.broadcast %div3A : f32 to vector<16xf32>
        %div3A_810 = arith.divf %div3A_809, %add3A_808 : vector<16xf32>
        %mul3A_811 = arith.mulf %div3A_810, %gather3A : vector<16xf32>
        %swap3A_812 = arith.constant 0 : i32
        %swap3A_813 = arith.index_cast %swap3A_812 : i32 to index
        %swap3A_814 = arith.constant 0 : index
        %swap3A_815 = tpu.vector_load %arg49[%swap3A_813, %swap3A_814] {strides = array<i32>} : memref<3x16xf32, #tpu.memory_space<vmem>>, vector<16xf32>,
        tpu.vector_store %arg49[%swap3A_813, %swap3A_814], %mul3A_811 {strides = array<i32>} : memref<3x16xf32, #tpu.memory_space<vmem>>, vector<16xf32>,
        %mul3A_816 = arith.mulf %div3A_810, %gather3A_385 : vector<16xf32>
        %swap3A_817 = arith.constant 1 : i32
        %swap3A_818 = arith.index_cast %swap3A_817 : i32 to index
        %swap3A_819 = arith.constant 0 : index
        %swap3A_820 = tpu.vector_load %arg49[%swap3A_818, %swap3A_819] {strides = array<i32>} : memref<3x16xf32, #tpu.memory_space<vmem>>, vector<16xf32>,
        tpu.vector_store %arg49[%swap3A_818, %swap3A_819], %mul3A_816 {strides = array<i32>} : memref<3x16xf32, #tpu.memory_space<vmem>>, vector<16xf32>,
        %mul3A_821 = arith.mulf %div3A_810, %gather3A_386 : vector<16xf32>
        %swap3A_822 = arith.constant 2 : i32
        %swap3A_823 = arith.index_cast %swap3A_822 : i32 to index
        %swap3A_824 = arith.constant 0 : index
        %swap3A_825 = tpu.vector_load %arg49[%swap3A_823, %swap3A_824] {strides = array<i32>} : memref<3x16xf32, #tpu.memory_space<vmem>>, vector<16xf32>,
        tpu.vector_store %arg49[%swap3A_823, %swap3A_824], %mul3A_821 {strides = array<i32>} : memref<3x16xf32, #tpu.memory_space<vmem>>, vector<16xf32>,
        %parallel_loop3A = arith.constant 0 : i32
        %parallel_loop3A_826 = arith.constant 16 : i32
        %parallel_loop3A_827 = arith.constant 1 : i32
        scf.for %parallel_loop3A_1004 = %parallel_loop3A to %parallel_loop3A_826 step %parallel_loop3A_827  : i32 {
          %parallel_loop3A_1005 = arith.addi %mul3A_373, %parallel_loop3A_1004 : i32
          %parallel_loop3A_1006 = vector.broadcast %parallel_loop3A_1004 : i32 to vector<16xi32>
          %parallel_loop3A_1007 = tpu.vector_load_idx %arg49[%broadcast_in_dim3A_1, %parallel_loop3A_1006] : memref<3x16xf32, #tpu.memory_space<vmem>>[vector<16xi32>, vector<16xi32>], vector<16xf32>,
          %parallel_loop3A_1008 = tpu.vector_load_idx %arg49[%broadcast_in_dim3A_3, %parallel_loop3A_1006] : memref<3x16xf32, #tpu.memory_space<vmem>>[vector<16xi32>, vector<16xi32>], vector<16xf32>,
          %parallel_loop3A_1009 = arith.constant 2 : i32
          %parallel_loop3A_1010 = vector.broadcast %parallel_loop3A_1009 : i32 to vector<16xi32>
          %parallel_loop3A_1011 = arith.addi %broadcast_in_dim3A_1, %parallel_loop3A_1010 : vector<16xi32>
          %parallel_loop3A_1012 = tpu.vector_load_idx %arg49[%parallel_loop3A_1011, %parallel_loop3A_1006] : memref<3x16xf32, #tpu.memory_space<vmem>>[vector<16xi32>, vector<16xi32>], vector<16xf32>,
          %parallel_loop3A_1013 = arith.index_cast %parallel_loop3A_1005 : i32 to index
          %parallel_loop3A_1014 = arith.constant 0 : index
          %parallel_loop3A_1015 = tpu.vector_load %arg35[%parallel_loop3A_1013, %parallel_loop3A_1014] {strides = array<i32>} : memref<64x128xf32, #tpu.memory_space<vmem>>, vector<16xf32>,
          %parallel_loop3A_1016 = arith.mulf %parallel_loop3A_1007, %get3A_4 : vector<16xf32>
          %parallel_loop3A_1017 = arith.addf %parallel_loop3A_1015, %parallel_loop3A_1016 : vector<16xf32>
          %parallel_loop3A_1018 = arith.mulf %parallel_loop3A_1008, %get3A_20 : vector<16xf32>
          %parallel_loop3A_1019 = arith.addf %parallel_loop3A_1017, %parallel_loop3A_1018 : vector<16xf32>
          %parallel_loop3A_1020 = arith.mulf %parallel_loop3A_1012, %get3A_36 : vector<16xf32>
          %parallel_loop3A_1021 = arith.addf %parallel_loop3A_1019, %parallel_loop3A_1020 : vector<16xf32>
          %parallel_loop3A_1022 = arith.constant 0.000000e+00 : f32
          %parallel_loop3A_1023 = vector.broadcast %parallel_loop3A_1022 : f32 to vector<16xf32>
          %parallel_loop3A_1024 = arith.subf %parallel_loop3A_1023, %parallel_loop3A_1021 : vector<16xf32>
          %parallel_loop3A_1025 = math.exp %parallel_loop3A_1024 : vector<16xf32>
          %parallel_loop3A_1026 = arith.constant 1.000000e+00 : f32
          %parallel_loop3A_1027 = vector.broadcast %parallel_loop3A_1026 : f32 to vector<16xf32>
          %parallel_loop3A_1028 = arith.addf %parallel_loop3A_1027, %parallel_loop3A_1025 : vector<16xf32>
          %parallel_loop3A_1029 = arith.constant 1.000000e+00 : f32
          %parallel_loop3A_1030 = vector.broadcast %parallel_loop3A_1029 : f32 to vector<16xf32>
          %parallel_loop3A_1031 = arith.divf %parallel_loop3A_1030, %parallel_loop3A_1028 : vector<16xf32>
          %parallel_loop3A_1032 = arith.constant 5.000000e-01 : f32
          %parallel_loop3A_1033 = vector.broadcast %parallel_loop3A_1032 : f32 to vector<16xf32>
          %parallel_loop3A_1034 = arith.subf %parallel_loop3A_1031, %parallel_loop3A_1033 : vector<16xf32>
          %parallel_loop3A_1035 = arith.index_cast %parallel_loop3A_1005 : i32 to index
          %parallel_loop3A_1036 = arith.constant 0 : index
          %parallel_loop3A_1037 = tpu.vector_load %arg37[%parallel_loop3A_1035, %parallel_loop3A_1036] {strides = array<i32>} : memref<64x128xf32, #tpu.memory_space<vmem>>, vector<16xf32>,
          %parallel_loop3A_1038 = arith.mulf %parallel_loop3A_1037, %parallel_loop3A_1034 : vector<16xf32>
          %parallel_loop3A_1039 = arith.constant 0 : i32
          %parallel_loop3A_1040 = arith.index_cast %parallel_loop3A_1005 : i32 to index
          %parallel_loop3A_1041 = arith.index_cast %parallel_loop3A_1039 : i32 to index
          %parallel_loop3A_1042 = arith.constant 0 : index
          %parallel_loop3A_1043 = tpu.vector_load %arg36[%parallel_loop3A_1040, %parallel_loop3A_1041, %parallel_loop3A_1042] {strides = array<i32>} : memref<64x2x128xf32, #tpu.memory_space<vmem>>, vector<16xf32>,
          %parallel_loop3A_1044 = arith.constant 0.000000e+00 : f32
          %parallel_loop3A_1045 = vector.broadcast %parallel_loop3A_1044 : f32 to vector<16xf32>
          %parallel_loop3A_1046 = arith.subf %parallel_loop3A_1045, %parallel_loop3A_1043 : vector<16xf32>
          %parallel_loop3A_1047 = math.exp %parallel_loop3A_1046 : vector<16xf32>
          %parallel_loop3A_1048 = arith.constant 1.000000e+00 : f32
          %parallel_loop3A_1049 = vector.broadcast %parallel_loop3A_1048 : f32 to vector<16xf32>
          %parallel_loop3A_1050 = arith.addf %parallel_loop3A_1049, %parallel_loop3A_1047 : vector<16xf32>
          %parallel_loop3A_1051 = arith.constant 1.000000e+00 : f32
          %parallel_loop3A_1052 = vector.broadcast %parallel_loop3A_1051 : f32 to vector<16xf32>
          %parallel_loop3A_1053 = arith.divf %parallel_loop3A_1052, %parallel_loop3A_1050 : vector<16xf32>
          %parallel_loop3A_1054 = arith.mulf %parallel_loop3A_1038, %parallel_loop3A_1053 : vector<16xf32>
          %parallel_loop3A_1055 = arith.addf %broadcast_in_dim3A_64, %parallel_loop3A_1054 : vector<16xf32>
          %parallel_loop3A_1056 = arith.constant 1 : i32
          %parallel_loop3A_1057 = arith.index_cast %parallel_loop3A_1005 : i32 to index
          %parallel_loop3A_1058 = arith.index_cast %parallel_loop3A_1056 : i32 to index
          %parallel_loop3A_1059 = arith.constant 0 : index
          %parallel_loop3A_1060 = tpu.vector_load %arg36[%parallel_loop3A_1057, %parallel_loop3A_1058, %parallel_loop3A_1059] {strides = array<i32>} : memref<64x2x128xf32, #tpu.memory_space<vmem>>, vector<16xf32>,
          %parallel_loop3A_1061 = arith.constant 0.000000e+00 : f32
          %parallel_loop3A_1062 = vector.broadcast %parallel_loop3A_1061 : f32 to vector<16xf32>
          %parallel_loop3A_1063 = arith.subf %parallel_loop3A_1062, %parallel_loop3A_1060 : vector<16xf32>
          %parallel_loop3A_1064 = math.exp %parallel_loop3A_1063 : vector<16xf32>
          %parallel_loop3A_1065 = arith.constant 1.000000e+00 : f32
          %parallel_loop3A_1066 = vector.broadcast %parallel_loop3A_1065 : f32 to vector<16xf32>
          %parallel_loop3A_1067 = arith.addf %parallel_loop3A_1066, %parallel_loop3A_1064 : vector<16xf32>
          %parallel_loop3A_1068 = arith.constant 1.000000e+00 : f32
          %parallel_loop3A_1069 = vector.broadcast %parallel_loop3A_1068 : f32 to vector<16xf32>
          %parallel_loop3A_1070 = arith.divf %parallel_loop3A_1069, %parallel_loop3A_1067 : vector<16xf32>
          %parallel_loop3A_1071 = arith.mulf %parallel_loop3A_1038, %parallel_loop3A_1070 : vector<16xf32>
          %parallel_loop3A_1072 = arith.addf %broadcast_in_dim3A_64, %parallel_loop3A_1071 : vector<16xf32>
          %parallel_loop3A_1073 = arith.index_cast %parallel_loop3A_1005 : i32 to index
          %parallel_loop3A_1074 = arith.constant 16 : index
          %parallel_loop3A_1075 = tpu.vector_load %arg35[%parallel_loop3A_1073, %parallel_loop3A_1074] {strides = array<i32>} : memref<64x128xf32, #tpu.memory_space<vmem>>, vector<16xf32>,
          %parallel_loop3A_1076 = arith.mulf %parallel_loop3A_1007, %get3A_6 : vector<16xf32>
          %parallel_loop3A_1077 = arith.addf %parallel_loop3A_1075, %parallel_loop3A_1076 : vector<16xf32>
          %parallel_loop3A_1078 = arith.mulf %parallel_loop3A_1008, %get3A_22 : vector<16xf32>
          %parallel_loop3A_1079 = arith.addf %parallel_loop3A_1077, %parallel_loop3A_1078 : vector<16xf32>
          %parallel_loop3A_1080 = arith.mulf %parallel_loop3A_1012, %get3A_38 : vector<16xf32>
          %parallel_loop3A_1081 = arith.addf %parallel_loop3A_1079, %parallel_loop3A_1080 : vector<16xf32>
          %parallel_loop3A_1082 = arith.constant 0.000000e+00 : f32
          %parallel_loop3A_1083 = vector.broadcast %parallel_loop3A_1082 : f32 to vector<16xf32>
          %parallel_loop3A_1084 = arith.subf %parallel_loop3A_1083, %parallel_loop3A_1081 : vector<16xf32>
          %parallel_loop3A_1085 = math.exp %parallel_loop3A_1084 : vector<16xf32>
          %parallel_loop3A_1086 = arith.constant 1.000000e+00 : f32
          %parallel_loop3A_1087 = vector.broadcast %parallel_loop3A_1086 : f32 to vector<16xf32>
          %parallel_loop3A_1088 = arith.addf %parallel_loop3A_1087, %parallel_loop3A_1085 : vector<16xf32>
          %parallel_loop3A_1089 = arith.constant 1.000000e+00 : f32
          %parallel_loop3A_1090 = vector.broadcast %parallel_loop3A_1089 : f32 to vector<16xf32>
          %parallel_loop3A_1091 = arith.divf %parallel_loop3A_1090, %parallel_loop3A_1088 : vector<16xf32>
          %parallel_loop3A_1092 = arith.constant 5.000000e-01 : f32
          %parallel_loop3A_1093 = vector.broadcast %parallel_loop3A_1092 : f32 to vector<16xf32>
          %parallel_loop3A_1094 = arith.subf %parallel_loop3A_1091, %parallel_loop3A_1093 : vector<16xf32>
          %parallel_loop3A_1095 = arith.index_cast %parallel_loop3A_1005 : i32 to index
          %parallel_loop3A_1096 = arith.constant 16 : index
          %parallel_loop3A_1097 = tpu.vector_load %arg37[%parallel_loop3A_1095, %parallel_loop3A_1096] {strides = array<i32>} : memref<64x128xf32, #tpu.memory_space<vmem>>, vector<16xf32>,
          %parallel_loop3A_1098 = arith.mulf %parallel_loop3A_1097, %parallel_loop3A_1094 : vector<16xf32>
          %parallel_loop3A_1099 = arith.constant 0 : i32
          %parallel_loop3A_1100 = arith.index_cast %parallel_loop3A_1005 : i32 to index
          %parallel_loop3A_1101 = arith.index_cast %parallel_loop3A_1099 : i32 to index
          %parallel_loop3A_1102 = arith.constant 16 : index
          %parallel_loop3A_1103 = tpu.vector_load %arg36[%parallel_loop3A_1100, %parallel_loop3A_1101, %parallel_loop3A_1102] {strides = array<i32>} : memref<64x2x128xf32, #tpu.memory_space<vmem>>, vector<16xf32>,
          %parallel_loop3A_1104 = arith.constant 0.000000e+00 : f32
          %parallel_loop3A_1105 = vector.broadcast %parallel_loop3A_1104 : f32 to vector<16xf32>
          %parallel_loop3A_1106 = arith.subf %parallel_loop3A_1105, %parallel_loop3A_1103 : vector<16xf32>
          %parallel_loop3A_1107 = math.exp %parallel_loop3A_1106 : vector<16xf32>
          %parallel_loop3A_1108 = arith.constant 1.000000e+00 : f32
          %parallel_loop3A_1109 = vector.broadcast %parallel_loop3A_1108 : f32 to vector<16xf32>
          %parallel_loop3A_1110 = arith.addf %parallel_loop3A_1109, %parallel_loop3A_1107 : vector<16xf32>
          %parallel_loop3A_1111 = arith.constant 1.000000e+00 : f32
          %parallel_loop3A_1112 = vector.broadcast %parallel_loop3A_1111 : f32 to vector<16xf32>
          %parallel_loop3A_1113 = arith.divf %parallel_loop3A_1112, %parallel_loop3A_1110 : vector<16xf32>
          %parallel_loop3A_1114 = arith.mulf %parallel_loop3A_1098, %parallel_loop3A_1113 : vector<16xf32>
          %parallel_loop3A_1115 = arith.addf %parallel_loop3A_1055, %parallel_loop3A_1114 : vector<16xf32>
          %parallel_loop3A_1116 = arith.constant 1 : i32
          %parallel_loop3A_1117 = arith.index_cast %parallel_loop3A_1005 : i32 to index
          %parallel_loop3A_1118 = arith.index_cast %parallel_loop3A_1116 : i32 to index
          %parallel_loop3A_1119 = arith.constant 16 : index
          %parallel_loop3A_1120 = tpu.vector_load %arg36[%parallel_loop3A_1117, %parallel_loop3A_1118, %parallel_loop3A_1119] {strides = array<i32>} : memref<64x2x128xf32, #tpu.memory_space<vmem>>, vector<16xf32>,
          %parallel_loop3A_1121 = arith.constant 0.000000e+00 : f32
          %parallel_loop3A_1122 = vector.broadcast %parallel_loop3A_1121 : f32 to vector<16xf32>
          %parallel_loop3A_1123 = arith.subf %parallel_loop3A_1122, %parallel_loop3A_1120 : vector<16xf32>
          %parallel_loop3A_1124 = math.exp %parallel_loop3A_1123 : vector<16xf32>
          %parallel_loop3A_1125 = arith.constant 1.000000e+00 : f32
          %parallel_loop3A_1126 = vector.broadcast %parallel_loop3A_1125 : f32 to vector<16xf32>
          %parallel_loop3A_1127 = arith.addf %parallel_loop3A_1126, %parallel_loop3A_1124 : vector<16xf32>
          %parallel_loop3A_1128 = arith.constant 1.000000e+00 : f32
          %parallel_loop3A_1129 = vector.broadcast %parallel_loop3A_1128 : f32 to vector<16xf32>
          %parallel_loop3A_1130 = arith.divf %parallel_loop3A_1129, %parallel_loop3A_1127 : vector<16xf32>
          %parallel_loop3A_1131 = arith.mulf %parallel_loop3A_1098, %parallel_loop3A_1130 : vector<16xf32>
          %parallel_loop3A_1132 = arith.addf %parallel_loop3A_1072, %parallel_loop3A_1131 : vector<16xf32>
          %parallel_loop3A_1133 = arith.index_cast %parallel_loop3A_1005 : i32 to index
          %parallel_loop3A_1134 = arith.constant 32 : index
          %parallel_loop3A_1135 = tpu.vector_load %arg35[%parallel_loop3A_1133, %parallel_loop3A_1134] {strides = array<i32>} : memref<64x128xf32, #tpu.memory_space<vmem>>, vector<16xf32>,
          %parallel_loop3A_1136 = arith.mulf %parallel_loop3A_1007, %get3A_8 : vector<16xf32>
          %parallel_loop3A_1137 = arith.addf %parallel_loop3A_1135, %parallel_loop3A_1136 : vector<16xf32>
          %parallel_loop3A_1138 = arith.mulf %parallel_loop3A_1008, %get3A_24 : vector<16xf32>
          %parallel_loop3A_1139 = arith.addf %parallel_loop3A_1137, %parallel_loop3A_1138 : vector<16xf32>
          %parallel_loop3A_1140 = arith.mulf %parallel_loop3A_1012, %get3A_40 : vector<16xf32>
          %parallel_loop3A_1141 = arith.addf %parallel_loop3A_1139, %parallel_loop3A_1140 : vector<16xf32>
          %parallel_loop3A_1142 = arith.constant 0.000000e+00 : f32
          %parallel_loop3A_1143 = vector.broadcast %parallel_loop3A_1142 : f32 to vector<16xf32>
          %parallel_loop3A_1144 = arith.subf %parallel_loop3A_1143, %parallel_loop3A_1141 : vector<16xf32>
          %parallel_loop3A_1145 = math.exp %parallel_loop3A_1144 : vector<16xf32>
          %parallel_loop3A_1146 = arith.constant 1.000000e+00 : f32
          %parallel_loop3A_1147 = vector.broadcast %parallel_loop3A_1146 : f32 to vector<16xf32>
          %parallel_loop3A_1148 = arith.addf %parallel_loop3A_1147, %parallel_loop3A_1145 : vector<16xf32>
          %parallel_loop3A_1149 = arith.constant 1.000000e+00 : f32
          %parallel_loop3A_1150 = vector.broadcast %parallel_loop3A_1149 : f32 to vector<16xf32>
          %parallel_loop3A_1151 = arith.divf %parallel_loop3A_1150, %parallel_loop3A_1148 : vector<16xf32>
          %parallel_loop3A_1152 = arith.constant 5.000000e-01 : f32
          %parallel_loop3A_1153 = vector.broadcast %parallel_loop3A_1152 : f32 to vector<16xf32>
          %parallel_loop3A_1154 = arith.subf %parallel_loop3A_1151, %parallel_loop3A_1153 : vector<16xf32>
          %parallel_loop3A_1155 = arith.index_cast %parallel_loop3A_1005 : i32 to index
          %parallel_loop3A_1156 = arith.constant 32 : index
          %parallel_loop3A_1157 = tpu.vector_load %arg37[%parallel_loop3A_1155, %parallel_loop3A_1156] {strides = array<i32>} : memref<64x128xf32, #tpu.memory_space<vmem>>, vector<16xf32>,
          %parallel_loop3A_1158 = arith.mulf %parallel_loop3A_1157, %parallel_loop3A_1154 : vector<16xf32>
          %parallel_loop3A_1159 = arith.constant 0 : i32
          %parallel_loop3A_1160 = arith.index_cast %parallel_loop3A_1005 : i32 to index
          %parallel_loop3A_1161 = arith.index_cast %parallel_loop3A_1159 : i32 to index
          %parallel_loop3A_1162 = arith.constant 32 : index
          %parallel_loop3A_1163 = tpu.vector_load %arg36[%parallel_loop3A_1160, %parallel_loop3A_1161, %parallel_loop3A_1162] {strides = array<i32>} : memref<64x2x128xf32, #tpu.memory_space<vmem>>, vector<16xf32>,
          %parallel_loop3A_1164 = arith.constant 0.000000e+00 : f32
          %parallel_loop3A_1165 = vector.broadcast %parallel_loop3A_1164 : f32 to vector<16xf32>
          %parallel_loop3A_1166 = arith.subf %parallel_loop3A_1165, %parallel_loop3A_1163 : vector<16xf32>
          %parallel_loop3A_1167 = math.exp %parallel_loop3A_1166 : vector<16xf32>
          %parallel_loop3A_1168 = arith.constant 1.000000e+00 : f32
          %parallel_loop3A_1169 = vector.broadcast %parallel_loop3A_1168 : f32 to vector<16xf32>
          %parallel_loop3A_1170 = arith.addf %parallel_loop3A_1169, %parallel_loop3A_1167 : vector<16xf32>
          %parallel_loop3A_1171 = arith.constant 1.000000e+00 : f32
          %parallel_loop3A_1172 = vector.broadcast %parallel_loop3A_1171 : f32 to vector<16xf32>
          %parallel_loop3A_1173 = arith.divf %parallel_loop3A_1172, %parallel_loop3A_1170 : vector<16xf32>
          %parallel_loop3A_1174 = arith.mulf %parallel_loop3A_1158, %parallel_loop3A_1173 : vector<16xf32>
          %parallel_loop3A_1175 = arith.addf %parallel_loop3A_1115, %parallel_loop3A_1174 : vector<16xf32>
          %parallel_loop3A_1176 = arith.constant 1 : i32
          %parallel_loop3A_1177 = arith.index_cast %parallel_loop3A_1005 : i32 to index
          %parallel_loop3A_1178 = arith.index_cast %parallel_loop3A_1176 : i32 to index
          %parallel_loop3A_1179 = arith.constant 32 : index
          %parallel_loop3A_1180 = tpu.vector_load %arg36[%parallel_loop3A_1177, %parallel_loop3A_1178, %parallel_loop3A_1179] {strides = array<i32>} : memref<64x2x128xf32, #tpu.memory_space<vmem>>, vector<16xf32>,
          %parallel_loop3A_1181 = arith.constant 0.000000e+00 : f32
          %parallel_loop3A_1182 = vector.broadcast %parallel_loop3A_1181 : f32 to vector<16xf32>
          %parallel_loop3A_1183 = arith.subf %parallel_loop3A_1182, %parallel_loop3A_1180 : vector<16xf32>
          %parallel_loop3A_1184 = math.exp %parallel_loop3A_1183 : vector<16xf32>
          %parallel_loop3A_1185 = arith.constant 1.000000e+00 : f32
          %parallel_loop3A_1186 = vector.broadcast %parallel_loop3A_1185 : f32 to vector<16xf32>
          %parallel_loop3A_1187 = arith.addf %parallel_loop3A_1186, %parallel_loop3A_1184 : vector<16xf32>
          %parallel_loop3A_1188 = arith.constant 1.000000e+00 : f32
          %parallel_loop3A_1189 = vector.broadcast %parallel_loop3A_1188 : f32 to vector<16xf32>
          %parallel_loop3A_1190 = arith.divf %parallel_loop3A_1189, %parallel_loop3A_1187 : vector<16xf32>
          %parallel_loop3A_1191 = arith.mulf %parallel_loop3A_1158, %parallel_loop3A_1190 : vector<16xf32>
          %parallel_loop3A_1192 = arith.addf %parallel_loop3A_1132, %parallel_loop3A_1191 : vector<16xf32>
          %parallel_loop3A_1193 = arith.index_cast %parallel_loop3A_1005 : i32 to index
          %parallel_loop3A_1194 = arith.constant 48 : index
          %parallel_loop3A_1195 = tpu.vector_load %arg35[%parallel_loop3A_1193, %parallel_loop3A_1194] {strides = array<i32>} : memref<64x128xf32, #tpu.memory_space<vmem>>, vector<16xf32>,
          %parallel_loop3A_1196 = arith.mulf %parallel_loop3A_1007, %get3A_10 : vector<16xf32>
          %parallel_loop3A_1197 = arith.addf %parallel_loop3A_1195, %parallel_loop3A_1196 : vector<16xf32>
          %parallel_loop3A_1198 = arith.mulf %parallel_loop3A_1008, %get3A_26 : vector<16xf32>
          %parallel_loop3A_1199 = arith.addf %parallel_loop3A_1197, %parallel_loop3A_1198 : vector<16xf32>
          %parallel_loop3A_1200 = arith.mulf %parallel_loop3A_1012, %get3A_42 : vector<16xf32>
          %parallel_loop3A_1201 = arith.addf %parallel_loop3A_1199, %parallel_loop3A_1200 : vector<16xf32>
          %parallel_loop3A_1202 = arith.constant 0.000000e+00 : f32
          %parallel_loop3A_1203 = vector.broadcast %parallel_loop3A_1202 : f32 to vector<16xf32>
          %parallel_loop3A_1204 = arith.subf %parallel_loop3A_1203, %parallel_loop3A_1201 : vector<16xf32>
          %parallel_loop3A_1205 = math.exp %parallel_loop3A_1204 : vector<16xf32>
          %parallel_loop3A_1206 = arith.constant 1.000000e+00 : f32
          %parallel_loop3A_1207 = vector.broadcast %parallel_loop3A_1206 : f32 to vector<16xf32>
          %parallel_loop3A_1208 = arith.addf %parallel_loop3A_1207, %parallel_loop3A_1205 : vector<16xf32>
          %parallel_loop3A_1209 = arith.constant 1.000000e+00 : f32
          %parallel_loop3A_1210 = vector.broadcast %parallel_loop3A_1209 : f32 to vector<16xf32>
          %parallel_loop3A_1211 = arith.divf %parallel_loop3A_1210, %parallel_loop3A_1208 : vector<16xf32>
          %parallel_loop3A_1212 = arith.constant 5.000000e-01 : f32
          %parallel_loop3A_1213 = vector.broadcast %parallel_loop3A_1212 : f32 to vector<16xf32>
          %parallel_loop3A_1214 = arith.subf %parallel_loop3A_1211, %parallel_loop3A_1213 : vector<16xf32>
          %parallel_loop3A_1215 = arith.index_cast %parallel_loop3A_1005 : i32 to index
          %parallel_loop3A_1216 = arith.constant 48 : index
          %parallel_loop3A_1217 = tpu.vector_load %arg37[%parallel_loop3A_1215, %parallel_loop3A_1216] {strides = array<i32>} : memref<64x128xf32, #tpu.memory_space<vmem>>, vector<16xf32>,
          %parallel_loop3A_1218 = arith.mulf %parallel_loop3A_1217, %parallel_loop3A_1214 : vector<16xf32>
          %parallel_loop3A_1219 = arith.constant 0 : i32
          %parallel_loop3A_1220 = arith.index_cast %parallel_loop3A_1005 : i32 to index
          %parallel_loop3A_1221 = arith.index_cast %parallel_loop3A_1219 : i32 to index
          %parallel_loop3A_1222 = arith.constant 48 : index
          %parallel_loop3A_1223 = tpu.vector_load %arg36[%parallel_loop3A_1220, %parallel_loop3A_1221, %parallel_loop3A_1222] {strides = array<i32>} : memref<64x2x128xf32, #tpu.memory_space<vmem>>, vector<16xf32>,
          %parallel_loop3A_1224 = arith.constant 0.000000e+00 : f32
          %parallel_loop3A_1225 = vector.broadcast %parallel_loop3A_1224 : f32 to vector<16xf32>
          %parallel_loop3A_1226 = arith.subf %parallel_loop3A_1225, %parallel_loop3A_1223 : vector<16xf32>
          %parallel_loop3A_1227 = math.exp %parallel_loop3A_1226 : vector<16xf32>
          %parallel_loop3A_1228 = arith.constant 1.000000e+00 : f32
          %parallel_loop3A_1229 = vector.broadcast %parallel_loop3A_1228 : f32 to vector<16xf32>
          %parallel_loop3A_1230 = arith.addf %parallel_loop3A_1229, %parallel_loop3A_1227 : vector<16xf32>
          %parallel_loop3A_1231 = arith.constant 1.000000e+00 : f32
          %parallel_loop3A_1232 = vector.broadcast %parallel_loop3A_1231 : f32 to vector<16xf32>
          %parallel_loop3A_1233 = arith.divf %parallel_loop3A_1232, %parallel_loop3A_1230 : vector<16xf32>
          %parallel_loop3A_1234 = arith.mulf %parallel_loop3A_1218, %parallel_loop3A_1233 : vector<16xf32>
          %parallel_loop3A_1235 = arith.addf %parallel_loop3A_1175, %parallel_loop3A_1234 : vector<16xf32>
          %parallel_loop3A_1236 = arith.constant 1 : i32
          %parallel_loop3A_1237 = arith.index_cast %parallel_loop3A_1005 : i32 to index
          %parallel_loop3A_1238 = arith.index_cast %parallel_loop3A_1236 : i32 to index
          %parallel_loop3A_1239 = arith.constant 48 : index
          %parallel_loop3A_1240 = tpu.vector_load %arg36[%parallel_loop3A_1237, %parallel_loop3A_1238, %parallel_loop3A_1239] {strides = array<i32>} : memref<64x2x128xf32, #tpu.memory_space<vmem>>, vector<16xf32>,
          %parallel_loop3A_1241 = arith.constant 0.000000e+00 : f32
          %parallel_loop3A_1242 = vector.broadcast %parallel_loop3A_1241 : f32 to vector<16xf32>
          %parallel_loop3A_1243 = arith.subf %parallel_loop3A_1242, %parallel_loop3A_1240 : vector<16xf32>
          %parallel_loop3A_1244 = math.exp %parallel_loop3A_1243 : vector<16xf32>
          %parallel_loop3A_1245 = arith.constant 1.000000e+00 : f32
          %parallel_loop3A_1246 = vector.broadcast %parallel_loop3A_1245 : f32 to vector<16xf32>
          %parallel_loop3A_1247 = arith.addf %parallel_loop3A_1246, %parallel_loop3A_1244 : vector<16xf32>
          %parallel_loop3A_1248 = arith.constant 1.000000e+00 : f32
          %parallel_loop3A_1249 = vector.broadcast %parallel_loop3A_1248 : f32 to vector<16xf32>
          %parallel_loop3A_1250 = arith.divf %parallel_loop3A_1249, %parallel_loop3A_1247 : vector<16xf32>
          %parallel_loop3A_1251 = arith.mulf %parallel_loop3A_1218, %parallel_loop3A_1250 : vector<16xf32>
          %parallel_loop3A_1252 = arith.addf %parallel_loop3A_1192, %parallel_loop3A_1251 : vector<16xf32>
          %parallel_loop3A_1253 = arith.index_cast %parallel_loop3A_1005 : i32 to index
          %parallel_loop3A_1254 = arith.constant 64 : index
          %parallel_loop3A_1255 = tpu.vector_load %arg35[%parallel_loop3A_1253, %parallel_loop3A_1254] {strides = array<i32>} : memref<64x128xf32, #tpu.memory_space<vmem>>, vector<16xf32>,
          %parallel_loop3A_1256 = arith.mulf %parallel_loop3A_1007, %get3A_12 : vector<16xf32>
          %parallel_loop3A_1257 = arith.addf %parallel_loop3A_1255, %parallel_loop3A_1256 : vector<16xf32>
          %parallel_loop3A_1258 = arith.mulf %parallel_loop3A_1008, %get3A_28 : vector<16xf32>
          %parallel_loop3A_1259 = arith.addf %parallel_loop3A_1257, %parallel_loop3A_1258 : vector<16xf32>
          %parallel_loop3A_1260 = arith.mulf %parallel_loop3A_1012, %get3A_44 : vector<16xf32>
          %parallel_loop3A_1261 = arith.addf %parallel_loop3A_1259, %parallel_loop3A_1260 : vector<16xf32>
          %parallel_loop3A_1262 = arith.constant 0.000000e+00 : f32
          %parallel_loop3A_1263 = vector.broadcast %parallel_loop3A_1262 : f32 to vector<16xf32>
          %parallel_loop3A_1264 = arith.subf %parallel_loop3A_1263, %parallel_loop3A_1261 : vector<16xf32>
          %parallel_loop3A_1265 = math.exp %parallel_loop3A_1264 : vector<16xf32>
          %parallel_loop3A_1266 = arith.constant 1.000000e+00 : f32
          %parallel_loop3A_1267 = vector.broadcast %parallel_loop3A_1266 : f32 to vector<16xf32>
          %parallel_loop3A_1268 = arith.addf %parallel_loop3A_1267, %parallel_loop3A_1265 : vector<16xf32>
          %parallel_loop3A_1269 = arith.constant 1.000000e+00 : f32
          %parallel_loop3A_1270 = vector.broadcast %parallel_loop3A_1269 : f32 to vector<16xf32>
          %parallel_loop3A_1271 = arith.divf %parallel_loop3A_1270, %parallel_loop3A_1268 : vector<16xf32>
          %parallel_loop3A_1272 = arith.constant 5.000000e-01 : f32
          %parallel_loop3A_1273 = vector.broadcast %parallel_loop3A_1272 : f32 to vector<16xf32>
          %parallel_loop3A_1274 = arith.subf %parallel_loop3A_1271, %parallel_loop3A_1273 : vector<16xf32>
          %parallel_loop3A_1275 = arith.index_cast %parallel_loop3A_1005 : i32 to index
          %parallel_loop3A_1276 = arith.constant 64 : index
          %parallel_loop3A_1277 = tpu.vector_load %arg37[%parallel_loop3A_1275, %parallel_loop3A_1276] {strides = array<i32>} : memref<64x128xf32, #tpu.memory_space<vmem>>, vector<16xf32>,
          %parallel_loop3A_1278 = arith.mulf %parallel_loop3A_1277, %parallel_loop3A_1274 : vector<16xf32>
          %parallel_loop3A_1279 = arith.constant 0 : i32
          %parallel_loop3A_1280 = arith.index_cast %parallel_loop3A_1005 : i32 to index
          %parallel_loop3A_1281 = arith.index_cast %parallel_loop3A_1279 : i32 to index
          %parallel_loop3A_1282 = arith.constant 64 : index
          %parallel_loop3A_1283 = tpu.vector_load %arg36[%parallel_loop3A_1280, %parallel_loop3A_1281, %parallel_loop3A_1282] {strides = array<i32>} : memref<64x2x128xf32, #tpu.memory_space<vmem>>, vector<16xf32>,
          %parallel_loop3A_1284 = arith.constant 0.000000e+00 : f32
          %parallel_loop3A_1285 = vector.broadcast %parallel_loop3A_1284 : f32 to vector<16xf32>
          %parallel_loop3A_1286 = arith.subf %parallel_loop3A_1285, %parallel_loop3A_1283 : vector<16xf32>
          %parallel_loop3A_1287 = math.exp %parallel_loop3A_1286 : vector<16xf32>
          %parallel_loop3A_1288 = arith.constant 1.000000e+00 : f32
          %parallel_loop3A_1289 = vector.broadcast %parallel_loop3A_1288 : f32 to vector<16xf32>
          %parallel_loop3A_1290 = arith.addf %parallel_loop3A_1289, %parallel_loop3A_1287 : vector<16xf32>
          %parallel_loop3A_1291 = arith.constant 1.000000e+00 : f32
          %parallel_loop3A_1292 = vector.broadcast %parallel_loop3A_1291 : f32 to vector<16xf32>
          %parallel_loop3A_1293 = arith.divf %parallel_loop3A_1292, %parallel_loop3A_1290 : vector<16xf32>
          %parallel_loop3A_1294 = arith.mulf %parallel_loop3A_1278, %parallel_loop3A_1293 : vector<16xf32>
          %parallel_loop3A_1295 = arith.addf %parallel_loop3A_1235, %parallel_loop3A_1294 : vector<16xf32>
          %parallel_loop3A_1296 = arith.constant 1 : i32
          %parallel_loop3A_1297 = arith.index_cast %parallel_loop3A_1005 : i32 to index
          %parallel_loop3A_1298 = arith.index_cast %parallel_loop3A_1296 : i32 to index
          %parallel_loop3A_1299 = arith.constant 64 : index
          %parallel_loop3A_1300 = tpu.vector_load %arg36[%parallel_loop3A_1297, %parallel_loop3A_1298, %parallel_loop3A_1299] {strides = array<i32>} : memref<64x2x128xf32, #tpu.memory_space<vmem>>, vector<16xf32>,
          %parallel_loop3A_1301 = arith.constant 0.000000e+00 : f32
          %parallel_loop3A_1302 = vector.broadcast %parallel_loop3A_1301 : f32 to vector<16xf32>
          %parallel_loop3A_1303 = arith.subf %parallel_loop3A_1302, %parallel_loop3A_1300 : vector<16xf32>
          %parallel_loop3A_1304 = math.exp %parallel_loop3A_1303 : vector<16xf32>
          %parallel_loop3A_1305 = arith.constant 1.000000e+00 : f32
          %parallel_loop3A_1306 = vector.broadcast %parallel_loop3A_1305 : f32 to vector<16xf32>
          %parallel_loop3A_1307 = arith.addf %parallel_loop3A_1306, %parallel_loop3A_1304 : vector<16xf32>
          %parallel_loop3A_1308 = arith.constant 1.000000e+00 : f32
          %parallel_loop3A_1309 = vector.broadcast %parallel_loop3A_1308 : f32 to vector<16xf32>
          %parallel_loop3A_1310 = arith.divf %parallel_loop3A_1309, %parallel_loop3A_1307 : vector<16xf32>
          %parallel_loop3A_1311 = arith.mulf %parallel_loop3A_1278, %parallel_loop3A_1310 : vector<16xf32>
          %parallel_loop3A_1312 = arith.addf %parallel_loop3A_1252, %parallel_loop3A_1311 : vector<16xf32>
          %parallel_loop3A_1313 = arith.index_cast %parallel_loop3A_1005 : i32 to index
          %parallel_loop3A_1314 = arith.constant 80 : index
          %parallel_loop3A_1315 = tpu.vector_load %arg35[%parallel_loop3A_1313, %parallel_loop3A_1314] {strides = array<i32>} : memref<64x128xf32, #tpu.memory_space<vmem>>, vector<16xf32>,
          %parallel_loop3A_1316 = arith.mulf %parallel_loop3A_1007, %get3A_14 : vector<16xf32>
          %parallel_loop3A_1317 = arith.addf %parallel_loop3A_1315, %parallel_loop3A_1316 : vector<16xf32>
          %parallel_loop3A_1318 = arith.mulf %parallel_loop3A_1008, %get3A_30 : vector<16xf32>
          %parallel_loop3A_1319 = arith.addf %parallel_loop3A_1317, %parallel_loop3A_1318 : vector<16xf32>
          %parallel_loop3A_1320 = arith.mulf %parallel_loop3A_1012, %get3A_46 : vector<16xf32>
          %parallel_loop3A_1321 = arith.addf %parallel_loop3A_1319, %parallel_loop3A_1320 : vector<16xf32>
          %parallel_loop3A_1322 = arith.constant 0.000000e+00 : f32
          %parallel_loop3A_1323 = vector.broadcast %parallel_loop3A_1322 : f32 to vector<16xf32>
          %parallel_loop3A_1324 = arith.subf %parallel_loop3A_1323, %parallel_loop3A_1321 : vector<16xf32>
          %parallel_loop3A_1325 = math.exp %parallel_loop3A_1324 : vector<16xf32>
          %parallel_loop3A_1326 = arith.constant 1.000000e+00 : f32
          %parallel_loop3A_1327 = vector.broadcast %parallel_loop3A_1326 : f32 to vector<16xf32>
          %parallel_loop3A_1328 = arith.addf %parallel_loop3A_1327, %parallel_loop3A_1325 : vector<16xf32>
          %parallel_loop3A_1329 = arith.constant 1.000000e+00 : f32
          %parallel_loop3A_1330 = vector.broadcast %parallel_loop3A_1329 : f32 to vector<16xf32>
          %parallel_loop3A_1331 = arith.divf %parallel_loop3A_1330, %parallel_loop3A_1328 : vector<16xf32>
          %parallel_loop3A_1332 = arith.constant 5.000000e-01 : f32
          %parallel_loop3A_1333 = vector.broadcast %parallel_loop3A_1332 : f32 to vector<16xf32>
          %parallel_loop3A_1334 = arith.subf %parallel_loop3A_1331, %parallel_loop3A_1333 : vector<16xf32>
          %parallel_loop3A_1335 = arith.index_cast %parallel_loop3A_1005 : i32 to index
          %parallel_loop3A_1336 = arith.constant 80 : index
          %parallel_loop3A_1337 = tpu.vector_load %arg37[%parallel_loop3A_1335, %parallel_loop3A_1336] {strides = array<i32>} : memref<64x128xf32, #tpu.memory_space<vmem>>, vector<16xf32>,
          %parallel_loop3A_1338 = arith.mulf %parallel_loop3A_1337, %parallel_loop3A_1334 : vector<16xf32>
          %parallel_loop3A_1339 = arith.constant 0 : i32
          %parallel_loop3A_1340 = arith.index_cast %parallel_loop3A_1005 : i32 to index
          %parallel_loop3A_1341 = arith.index_cast %parallel_loop3A_1339 : i32 to index
          %parallel_loop3A_1342 = arith.constant 80 : index
          %parallel_loop3A_1343 = tpu.vector_load %arg36[%parallel_loop3A_1340, %parallel_loop3A_1341, %parallel_loop3A_1342] {strides = array<i32>} : memref<64x2x128xf32, #tpu.memory_space<vmem>>, vector<16xf32>,
          %parallel_loop3A_1344 = arith.constant 0.000000e+00 : f32
          %parallel_loop3A_1345 = vector.broadcast %parallel_loop3A_1344 : f32 to vector<16xf32>
          %parallel_loop3A_1346 = arith.subf %parallel_loop3A_1345, %parallel_loop3A_1343 : vector<16xf32>
          %parallel_loop3A_1347 = math.exp %parallel_loop3A_1346 : vector<16xf32>
          %parallel_loop3A_1348 = arith.constant 1.000000e+00 : f32
          %parallel_loop3A_1349 = vector.broadcast %parallel_loop3A_1348 : f32 to vector<16xf32>
          %parallel_loop3A_1350 = arith.addf %parallel_loop3A_1349, %parallel_loop3A_1347 : vector<16xf32>
          %parallel_loop3A_1351 = arith.constant 1.000000e+00 : f32
          %parallel_loop3A_1352 = vector.broadcast %parallel_loop3A_1351 : f32 to vector<16xf32>
          %parallel_loop3A_1353 = arith.divf %parallel_loop3A_1352, %parallel_loop3A_1350 : vector<16xf32>
          %parallel_loop3A_1354 = arith.mulf %parallel_loop3A_1338, %parallel_loop3A_1353 : vector<16xf32>
          %parallel_loop3A_1355 = arith.addf %parallel_loop3A_1295, %parallel_loop3A_1354 : vector<16xf32>
          %parallel_loop3A_1356 = arith.constant 1 : i32
          %parallel_loop3A_1357 = arith.index_cast %parallel_loop3A_1005 : i32 to index
          %parallel_loop3A_1358 = arith.index_cast %parallel_loop3A_1356 : i32 to index
          %parallel_loop3A_1359 = arith.constant 80 : index
          %parallel_loop3A_1360 = tpu.vector_load %arg36[%parallel_loop3A_1357, %parallel_loop3A_1358, %parallel_loop3A_1359] {strides = array<i32>} : memref<64x2x128xf32, #tpu.memory_space<vmem>>, vector<16xf32>,
          %parallel_loop3A_1361 = arith.constant 0.000000e+00 : f32
          %parallel_loop3A_1362 = vector.broadcast %parallel_loop3A_1361 : f32 to vector<16xf32>
          %parallel_loop3A_1363 = arith.subf %parallel_loop3A_1362, %parallel_loop3A_1360 : vector<16xf32>
          %parallel_loop3A_1364 = math.exp %parallel_loop3A_1363 : vector<16xf32>
          %parallel_loop3A_1365 = arith.constant 1.000000e+00 : f32
          %parallel_loop3A_1366 = vector.broadcast %parallel_loop3A_1365 : f32 to vector<16xf32>
          %parallel_loop3A_1367 = arith.addf %parallel_loop3A_1366, %parallel_loop3A_1364 : vector<16xf32>
          %parallel_loop3A_1368 = arith.constant 1.000000e+00 : f32
          %parallel_loop3A_1369 = vector.broadcast %parallel_loop3A_1368 : f32 to vector<16xf32>
          %parallel_loop3A_1370 = arith.divf %parallel_loop3A_1369, %parallel_loop3A_1367 : vector<16xf32>
          %parallel_loop3A_1371 = arith.mulf %parallel_loop3A_1338, %parallel_loop3A_1370 : vector<16xf32>
          %parallel_loop3A_1372 = arith.addf %parallel_loop3A_1312, %parallel_loop3A_1371 : vector<16xf32>
          %parallel_loop3A_1373 = arith.index_cast %parallel_loop3A_1005 : i32 to index
          %parallel_loop3A_1374 = arith.constant 96 : index
          %parallel_loop3A_1375 = tpu.vector_load %arg35[%parallel_loop3A_1373, %parallel_loop3A_1374] {strides = array<i32>} : memref<64x128xf32, #tpu.memory_space<vmem>>, vector<16xf32>,
          %parallel_loop3A_1376 = arith.mulf %parallel_loop3A_1007, %get3A_16 : vector<16xf32>
          %parallel_loop3A_1377 = arith.addf %parallel_loop3A_1375, %parallel_loop3A_1376 : vector<16xf32>
          %parallel_loop3A_1378 = arith.mulf %parallel_loop3A_1008, %get3A_32 : vector<16xf32>
          %parallel_loop3A_1379 = arith.addf %parallel_loop3A_1377, %parallel_loop3A_1378 : vector<16xf32>
          %parallel_loop3A_1380 = arith.mulf %parallel_loop3A_1012, %get3A_48 : vector<16xf32>
          %parallel_loop3A_1381 = arith.addf %parallel_loop3A_1379, %parallel_loop3A_1380 : vector<16xf32>
          %parallel_loop3A_1382 = arith.constant 0.000000e+00 : f32
          %parallel_loop3A_1383 = vector.broadcast %parallel_loop3A_1382 : f32 to vector<16xf32>
          %parallel_loop3A_1384 = arith.subf %parallel_loop3A_1383, %parallel_loop3A_1381 : vector<16xf32>
          %parallel_loop3A_1385 = math.exp %parallel_loop3A_1384 : vector<16xf32>
          %parallel_loop3A_1386 = arith.constant 1.000000e+00 : f32
          %parallel_loop3A_1387 = vector.broadcast %parallel_loop3A_1386 : f32 to vector<16xf32>
          %parallel_loop3A_1388 = arith.addf %parallel_loop3A_1387, %parallel_loop3A_1385 : vector<16xf32>
          %parallel_loop3A_1389 = arith.constant 1.000000e+00 : f32
          %parallel_loop3A_1390 = vector.broadcast %parallel_loop3A_1389 : f32 to vector<16xf32>
          %parallel_loop3A_1391 = arith.divf %parallel_loop3A_1390, %parallel_loop3A_1388 : vector<16xf32>
          %parallel_loop3A_1392 = arith.constant 5.000000e-01 : f32
          %parallel_loop3A_1393 = vector.broadcast %parallel_loop3A_1392 : f32 to vector<16xf32>
          %parallel_loop3A_1394 = arith.subf %parallel_loop3A_1391, %parallel_loop3A_1393 : vector<16xf32>
          %parallel_loop3A_1395 = arith.index_cast %parallel_loop3A_1005 : i32 to index
          %parallel_loop3A_1396 = arith.constant 96 : index
          %parallel_loop3A_1397 = tpu.vector_load %arg37[%parallel_loop3A_1395, %parallel_loop3A_1396] {strides = array<i32>} : memref<64x128xf32, #tpu.memory_space<vmem>>, vector<16xf32>,
          %parallel_loop3A_1398 = arith.mulf %parallel_loop3A_1397, %parallel_loop3A_1394 : vector<16xf32>
          %parallel_loop3A_1399 = arith.constant 0 : i32
          %parallel_loop3A_1400 = arith.index_cast %parallel_loop3A_1005 : i32 to index
          %parallel_loop3A_1401 = arith.index_cast %parallel_loop3A_1399 : i32 to index
          %parallel_loop3A_1402 = arith.constant 96 : index
          %parallel_loop3A_1403 = tpu.vector_load %arg36[%parallel_loop3A_1400, %parallel_loop3A_1401, %parallel_loop3A_1402] {strides = array<i32>} : memref<64x2x128xf32, #tpu.memory_space<vmem>>, vector<16xf32>,
          %parallel_loop3A_1404 = arith.constant 0.000000e+00 : f32
          %parallel_loop3A_1405 = vector.broadcast %parallel_loop3A_1404 : f32 to vector<16xf32>
          %parallel_loop3A_1406 = arith.subf %parallel_loop3A_1405, %parallel_loop3A_1403 : vector<16xf32>
          %parallel_loop3A_1407 = math.exp %parallel_loop3A_1406 : vector<16xf32>
          %parallel_loop3A_1408 = arith.constant 1.000000e+00 : f32
          %parallel_loop3A_1409 = vector.broadcast %parallel_loop3A_1408 : f32 to vector<16xf32>
          %parallel_loop3A_1410 = arith.addf %parallel_loop3A_1409, %parallel_loop3A_1407 : vector<16xf32>
          %parallel_loop3A_1411 = arith.constant 1.000000e+00 : f32
          %parallel_loop3A_1412 = vector.broadcast %parallel_loop3A_1411 : f32 to vector<16xf32>
          %parallel_loop3A_1413 = arith.divf %parallel_loop3A_1412, %parallel_loop3A_1410 : vector<16xf32>
          %parallel_loop3A_1414 = arith.mulf %parallel_loop3A_1398, %parallel_loop3A_1413 : vector<16xf32>
          %parallel_loop3A_1415 = arith.addf %parallel_loop3A_1355, %parallel_loop3A_1414 : vector<16xf32>
          %parallel_loop3A_1416 = arith.constant 1 : i32
          %parallel_loop3A_1417 = arith.index_cast %parallel_loop3A_1005 : i32 to index
          %parallel_loop3A_1418 = arith.index_cast %parallel_loop3A_1416 : i32 to index
          %parallel_loop3A_1419 = arith.constant 96 : index
          %parallel_loop3A_1420 = tpu.vector_load %arg36[%parallel_loop3A_1417, %parallel_loop3A_1418, %parallel_loop3A_1419] {strides = array<i32>} : memref<64x2x128xf32, #tpu.memory_space<vmem>>, vector<16xf32>,
          %parallel_loop3A_1421 = arith.constant 0.000000e+00 : f32
          %parallel_loop3A_1422 = vector.broadcast %parallel_loop3A_1421 : f32 to vector<16xf32>
          %parallel_loop3A_1423 = arith.subf %parallel_loop3A_1422, %parallel_loop3A_1420 : vector<16xf32>
          %parallel_loop3A_1424 = math.exp %parallel_loop3A_1423 : vector<16xf32>
          %parallel_loop3A_1425 = arith.constant 1.000000e+00 : f32
          %parallel_loop3A_1426 = vector.broadcast %parallel_loop3A_1425 : f32 to vector<16xf32>
          %parallel_loop3A_1427 = arith.addf %parallel_loop3A_1426, %parallel_loop3A_1424 : vector<16xf32>
          %parallel_loop3A_1428 = arith.constant 1.000000e+00 : f32
          %parallel_loop3A_1429 = vector.broadcast %parallel_loop3A_1428 : f32 to vector<16xf32>
          %parallel_loop3A_1430 = arith.divf %parallel_loop3A_1429, %parallel_loop3A_1427 : vector<16xf32>
          %parallel_loop3A_1431 = arith.mulf %parallel_loop3A_1398, %parallel_loop3A_1430 : vector<16xf32>
          %parallel_loop3A_1432 = arith.addf %parallel_loop3A_1372, %parallel_loop3A_1431 : vector<16xf32>
          %parallel_loop3A_1433 = arith.index_cast %parallel_loop3A_1005 : i32 to index
          %parallel_loop3A_1434 = arith.constant 112 : index
          %parallel_loop3A_1435 = tpu.vector_load %arg35[%parallel_loop3A_1433, %parallel_loop3A_1434] {strides = array<i32>} : memref<64x128xf32, #tpu.memory_space<vmem>>, vector<16xf32>,
          %parallel_loop3A_1436 = arith.mulf %parallel_loop3A_1007, %get3A_18 : vector<16xf32>
          %parallel_loop3A_1437 = arith.addf %parallel_loop3A_1435, %parallel_loop3A_1436 : vector<16xf32>
          %parallel_loop3A_1438 = arith.mulf %parallel_loop3A_1008, %get3A_34 : vector<16xf32>
          %parallel_loop3A_1439 = arith.addf %parallel_loop3A_1437, %parallel_loop3A_1438 : vector<16xf32>
          %parallel_loop3A_1440 = arith.mulf %parallel_loop3A_1012, %get3A_50 : vector<16xf32>
          %parallel_loop3A_1441 = arith.addf %parallel_loop3A_1439, %parallel_loop3A_1440 : vector<16xf32>
          %parallel_loop3A_1442 = arith.constant 0.000000e+00 : f32
          %parallel_loop3A_1443 = vector.broadcast %parallel_loop3A_1442 : f32 to vector<16xf32>
          %parallel_loop3A_1444 = arith.subf %parallel_loop3A_1443, %parallel_loop3A_1441 : vector<16xf32>
          %parallel_loop3A_1445 = math.exp %parallel_loop3A_1444 : vector<16xf32>
          %parallel_loop3A_1446 = arith.constant 1.000000e+00 : f32
          %parallel_loop3A_1447 = vector.broadcast %parallel_loop3A_1446 : f32 to vector<16xf32>
          %parallel_loop3A_1448 = arith.addf %parallel_loop3A_1447, %parallel_loop3A_1445 : vector<16xf32>
          %parallel_loop3A_1449 = arith.constant 1.000000e+00 : f32
          %parallel_loop3A_1450 = vector.broadcast %parallel_loop3A_1449 : f32 to vector<16xf32>
          %parallel_loop3A_1451 = arith.divf %parallel_loop3A_1450, %parallel_loop3A_1448 : vector<16xf32>
          %parallel_loop3A_1452 = arith.constant 5.000000e-01 : f32
          %parallel_loop3A_1453 = vector.broadcast %parallel_loop3A_1452 : f32 to vector<16xf32>
          %parallel_loop3A_1454 = arith.subf %parallel_loop3A_1451, %parallel_loop3A_1453 : vector<16xf32>
          %parallel_loop3A_1455 = arith.index_cast %parallel_loop3A_1005 : i32 to index
          %parallel_loop3A_1456 = arith.constant 112 : index
          %parallel_loop3A_1457 = tpu.vector_load %arg37[%parallel_loop3A_1455, %parallel_loop3A_1456] {strides = array<i32>} : memref<64x128xf32, #tpu.memory_space<vmem>>, vector<16xf32>,
          %parallel_loop3A_1458 = arith.mulf %parallel_loop3A_1457, %parallel_loop3A_1454 : vector<16xf32>
          %parallel_loop3A_1459 = arith.constant 0 : i32
          %parallel_loop3A_1460 = arith.index_cast %parallel_loop3A_1005 : i32 to index
          %parallel_loop3A_1461 = arith.index_cast %parallel_loop3A_1459 : i32 to index
          %parallel_loop3A_1462 = arith.constant 112 : index
          %parallel_loop3A_1463 = tpu.vector_load %arg36[%parallel_loop3A_1460, %parallel_loop3A_1461, %parallel_loop3A_1462] {strides = array<i32>} : memref<64x2x128xf32, #tpu.memory_space<vmem>>, vector<16xf32>,
          %parallel_loop3A_1464 = arith.constant 0.000000e+00 : f32
          %parallel_loop3A_1465 = vector.broadcast %parallel_loop3A_1464 : f32 to vector<16xf32>
          %parallel_loop3A_1466 = arith.subf %parallel_loop3A_1465, %parallel_loop3A_1463 : vector<16xf32>
          %parallel_loop3A_1467 = math.exp %parallel_loop3A_1466 : vector<16xf32>
          %parallel_loop3A_1468 = arith.constant 1.000000e+00 : f32
          %parallel_loop3A_1469 = vector.broadcast %parallel_loop3A_1468 : f32 to vector<16xf32>
          %parallel_loop3A_1470 = arith.addf %parallel_loop3A_1469, %parallel_loop3A_1467 : vector<16xf32>
          %parallel_loop3A_1471 = arith.constant 1.000000e+00 : f32
          %parallel_loop3A_1472 = vector.broadcast %parallel_loop3A_1471 : f32 to vector<16xf32>
          %parallel_loop3A_1473 = arith.divf %parallel_loop3A_1472, %parallel_loop3A_1470 : vector<16xf32>
          %parallel_loop3A_1474 = arith.mulf %parallel_loop3A_1458, %parallel_loop3A_1473 : vector<16xf32>
          %parallel_loop3A_1475 = arith.addf %parallel_loop3A_1415, %parallel_loop3A_1474 : vector<16xf32>
          %parallel_loop3A_1476 = arith.constant 1 : i32
          %parallel_loop3A_1477 = arith.index_cast %parallel_loop3A_1005 : i32 to index
          %parallel_loop3A_1478 = arith.index_cast %parallel_loop3A_1476 : i32 to index
          %parallel_loop3A_1479 = arith.constant 112 : index
          %parallel_loop3A_1480 = tpu.vector_load %arg36[%parallel_loop3A_1477, %parallel_loop3A_1478, %parallel_loop3A_1479] {strides = array<i32>} : memref<64x2x128xf32, #tpu.memory_space<vmem>>, vector<16xf32>,
          %parallel_loop3A_1481 = arith.constant 0.000000e+00 : f32
          %parallel_loop3A_1482 = vector.broadcast %parallel_loop3A_1481 : f32 to vector<16xf32>
          %parallel_loop3A_1483 = arith.subf %parallel_loop3A_1482, %parallel_loop3A_1480 : vector<16xf32>
          %parallel_loop3A_1484 = math.exp %parallel_loop3A_1483 : vector<16xf32>
          %parallel_loop3A_1485 = arith.constant 1.000000e+00 : f32
          %parallel_loop3A_1486 = vector.broadcast %parallel_loop3A_1485 : f32 to vector<16xf32>
          %parallel_loop3A_1487 = arith.addf %parallel_loop3A_1486, %parallel_loop3A_1484 : vector<16xf32>
          %parallel_loop3A_1488 = arith.constant 1.000000e+00 : f32
          %parallel_loop3A_1489 = vector.broadcast %parallel_loop3A_1488 : f32 to vector<16xf32>
          %parallel_loop3A_1490 = arith.divf %parallel_loop3A_1489, %parallel_loop3A_1487 : vector<16xf32>
          %parallel_loop3A_1491 = arith.mulf %parallel_loop3A_1458, %parallel_loop3A_1490 : vector<16xf32>
          %parallel_loop3A_1492 = arith.addf %parallel_loop3A_1432, %parallel_loop3A_1491 : vector<16xf32>
          %parallel_loop3A_1493 = arith.index_cast %parallel_loop3A_1004 : i32 to index
          %parallel_loop3A_1494 = arith.constant 0 : index
          %parallel_loop3A_1495 = tpu.vector_load %arg47[%parallel_loop3A_1493, %parallel_loop3A_1494] {strides = array<i32>} : memref<16x17xf32, #tpu.memory_space<vmem>>, vector<16xf32>,
          tpu.vector_store %arg47[%parallel_loop3A_1493, %parallel_loop3A_1494], %parallel_loop3A_1475 {strides = array<i32>} : memref<16x17xf32, #tpu.memory_space<vmem>>, vector<16xf32>,
          %parallel_loop3A_1496 = arith.index_cast %parallel_loop3A_1004 : i32 to index
          %parallel_loop3A_1497 = arith.constant 0 : index
          %parallel_loop3A_1498 = tpu.vector_load %arg48[%parallel_loop3A_1496, %parallel_loop3A_1497] {strides = array<i32>} : memref<16x17xf32, #tpu.memory_space<vmem>>, vector<16xf32>,
          tpu.vector_store %arg48[%parallel_loop3A_1496, %parallel_loop3A_1497], %parallel_loop3A_1492 {strides = array<i32>} : memref<16x17xf32, #tpu.memory_space<vmem>>, vector<16xf32>,
        } {sc.loop_unroll_factor = 2 : i64, sc.parallel_access}
        %broadcast_in_dim3A_828 = arith.constant 0 : i32
        %broadcast_in_dim3A_829 = vector.broadcast %broadcast_in_dim3A_828 : i32 to vector<16xi32>
        %gather3A_830 = tpu.vector_load_idx %arg47[%iota3A, %broadcast_in_dim3A_829] : memref<16x17xf32, #tpu.memory_space<vmem>>[vector<16xi32>, vector<16xi32>], vector<16xf32>,
        %add3A_831 = arith.addf %broadcast_in_dim3A_64, %gather3A_830 : vector<16xf32>
        %gather3A_832 = tpu.vector_load_idx %arg48[%iota3A, %broadcast_in_dim3A_829] : memref<16x17xf32, #tpu.memory_space<vmem>>[vector<16xi32>, vector<16xi32>], vector<16xf32>,
        %add3A_833 = arith.addf %broadcast_in_dim3A_64, %gather3A_832 : vector<16xf32>
        %broadcast_in_dim3A_834 = arith.constant 1 : i32
        %broadcast_in_dim3A_835 = vector.broadcast %broadcast_in_dim3A_834 : i32 to vector<16xi32>
        %gather3A_836 = tpu.vector_load_idx %arg47[%iota3A, %broadcast_in_dim3A_835] : memref<16x17xf32, #tpu.memory_space<vmem>>[vector<16xi32>, vector<16xi32>], vector<16xf32>,
        %add3A_837 = arith.addf %add3A_831, %gather3A_836 : vector<16xf32>
        %gather3A_838 = tpu.vector_load_idx %arg48[%iota3A, %broadcast_in_dim3A_835] : memref<16x17xf32, #tpu.memory_space<vmem>>[vector<16xi32>, vector<16xi32>], vector<16xf32>,
        %add3A_839 = arith.addf %add3A_833, %gather3A_838 : vector<16xf32>
        %broadcast_in_dim3A_840 = arith.constant 2 : i32
        %broadcast_in_dim3A_841 = vector.broadcast %broadcast_in_dim3A_840 : i32 to vector<16xi32>
        %gather3A_842 = tpu.vector_load_idx %arg47[%iota3A, %broadcast_in_dim3A_841] : memref<16x17xf32, #tpu.memory_space<vmem>>[vector<16xi32>, vector<16xi32>], vector<16xf32>,
        %add3A_843 = arith.addf %add3A_837, %gather3A_842 : vector<16xf32>
        %gather3A_844 = tpu.vector_load_idx %arg48[%iota3A, %broadcast_in_dim3A_841] : memref<16x17xf32, #tpu.memory_space<vmem>>[vector<16xi32>, vector<16xi32>], vector<16xf32>,
        %add3A_845 = arith.addf %add3A_839, %gather3A_844 : vector<16xf32>
        %broadcast_in_dim3A_846 = arith.constant 3 : i32
        %broadcast_in_dim3A_847 = vector.broadcast %broadcast_in_dim3A_846 : i32 to vector<16xi32>
        %gather3A_848 = tpu.vector_load_idx %arg47[%iota3A, %broadcast_in_dim3A_847] : memref<16x17xf32, #tpu.memory_space<vmem>>[vector<16xi32>, vector<16xi32>], vector<16xf32>,
        %add3A_849 = arith.addf %add3A_843, %gather3A_848 : vector<16xf32>
        %gather3A_850 = tpu.vector_load_idx %arg48[%iota3A, %broadcast_in_dim3A_847] : memref<16x17xf32, #tpu.memory_space<vmem>>[vector<16xi32>, vector<16xi32>], vector<16xf32>,
        %add3A_851 = arith.addf %add3A_845, %gather3A_850 : vector<16xf32>
        %broadcast_in_dim3A_852 = arith.constant 4 : i32
        %broadcast_in_dim3A_853 = vector.broadcast %broadcast_in_dim3A_852 : i32 to vector<16xi32>
        %gather3A_854 = tpu.vector_load_idx %arg47[%iota3A, %broadcast_in_dim3A_853] : memref<16x17xf32, #tpu.memory_space<vmem>>[vector<16xi32>, vector<16xi32>], vector<16xf32>,
        %add3A_855 = arith.addf %add3A_849, %gather3A_854 : vector<16xf32>
        %gather3A_856 = tpu.vector_load_idx %arg48[%iota3A, %broadcast_in_dim3A_853] : memref<16x17xf32, #tpu.memory_space<vmem>>[vector<16xi32>, vector<16xi32>], vector<16xf32>,
        %add3A_857 = arith.addf %add3A_851, %gather3A_856 : vector<16xf32>
        %broadcast_in_dim3A_858 = arith.constant 5 : i32
        %broadcast_in_dim3A_859 = vector.broadcast %broadcast_in_dim3A_858 : i32 to vector<16xi32>
        %gather3A_860 = tpu.vector_load_idx %arg47[%iota3A, %broadcast_in_dim3A_859] : memref<16x17xf32, #tpu.memory_space<vmem>>[vector<16xi32>, vector<16xi32>], vector<16xf32>,
        %add3A_861 = arith.addf %add3A_855, %gather3A_860 : vector<16xf32>
        %gather3A_862 = tpu.vector_load_idx %arg48[%iota3A, %broadcast_in_dim3A_859] : memref<16x17xf32, #tpu.memory_space<vmem>>[vector<16xi32>, vector<16xi32>], vector<16xf32>,
        %add3A_863 = arith.addf %add3A_857, %gather3A_862 : vector<16xf32>
        %broadcast_in_dim3A_864 = arith.constant 6 : i32
        %broadcast_in_dim3A_865 = vector.broadcast %broadcast_in_dim3A_864 : i32 to vector<16xi32>
        %gather3A_866 = tpu.vector_load_idx %arg47[%iota3A, %broadcast_in_dim3A_865] : memref<16x17xf32, #tpu.memory_space<vmem>>[vector<16xi32>, vector<16xi32>], vector<16xf32>,
        %add3A_867 = arith.addf %add3A_861, %gather3A_866 : vector<16xf32>
        %gather3A_868 = tpu.vector_load_idx %arg48[%iota3A, %broadcast_in_dim3A_865] : memref<16x17xf32, #tpu.memory_space<vmem>>[vector<16xi32>, vector<16xi32>], vector<16xf32>,
        %add3A_869 = arith.addf %add3A_863, %gather3A_868 : vector<16xf32>
        %broadcast_in_dim3A_870 = arith.constant 7 : i32
        %broadcast_in_dim3A_871 = vector.broadcast %broadcast_in_dim3A_870 : i32 to vector<16xi32>
        %gather3A_872 = tpu.vector_load_idx %arg47[%iota3A, %broadcast_in_dim3A_871] : memref<16x17xf32, #tpu.memory_space<vmem>>[vector<16xi32>, vector<16xi32>], vector<16xf32>,
        %add3A_873 = arith.addf %add3A_867, %gather3A_872 : vector<16xf32>
        %gather3A_874 = tpu.vector_load_idx %arg48[%iota3A, %broadcast_in_dim3A_871] : memref<16x17xf32, #tpu.memory_space<vmem>>[vector<16xi32>, vector<16xi32>], vector<16xf32>,
        %add3A_875 = arith.addf %add3A_869, %gather3A_874 : vector<16xf32>
        %broadcast_in_dim3A_876 = arith.constant 8 : i32
        %broadcast_in_dim3A_877 = vector.broadcast %broadcast_in_dim3A_876 : i32 to vector<16xi32>
        %gather3A_878 = tpu.vector_load_idx %arg47[%iota3A, %broadcast_in_dim3A_877] : memref<16x17xf32, #tpu.memory_space<vmem>>[vector<16xi32>, vector<16xi32>], vector<16xf32>,
        %add3A_879 = arith.addf %add3A_873, %gather3A_878 : vector<16xf32>
        %gather3A_880 = tpu.vector_load_idx %arg48[%iota3A, %broadcast_in_dim3A_877] : memref<16x17xf32, #tpu.memory_space<vmem>>[vector<16xi32>, vector<16xi32>], vector<16xf32>,
        %add3A_881 = arith.addf %add3A_875, %gather3A_880 : vector<16xf32>
        %broadcast_in_dim3A_882 = arith.constant 9 : i32
        %broadcast_in_dim3A_883 = vector.broadcast %broadcast_in_dim3A_882 : i32 to vector<16xi32>
        %gather3A_884 = tpu.vector_load_idx %arg47[%iota3A, %broadcast_in_dim3A_883] : memref<16x17xf32, #tpu.memory_space<vmem>>[vector<16xi32>, vector<16xi32>], vector<16xf32>,
        %add3A_885 = arith.addf %add3A_879, %gather3A_884 : vector<16xf32>
        %gather3A_886 = tpu.vector_load_idx %arg48[%iota3A, %broadcast_in_dim3A_883] : memref<16x17xf32, #tpu.memory_space<vmem>>[vector<16xi32>, vector<16xi32>], vector<16xf32>,
        %add3A_887 = arith.addf %add3A_881, %gather3A_886 : vector<16xf32>
        %broadcast_in_dim3A_888 = arith.constant 10 : i32
        %broadcast_in_dim3A_889 = vector.broadcast %broadcast_in_dim3A_888 : i32 to vector<16xi32>
        %gather3A_890 = tpu.vector_load_idx %arg47[%iota3A, %broadcast_in_dim3A_889] : memref<16x17xf32, #tpu.memory_space<vmem>>[vector<16xi32>, vector<16xi32>], vector<16xf32>,
        %add3A_891 = arith.addf %add3A_885, %gather3A_890 : vector<16xf32>
        %gather3A_892 = tpu.vector_load_idx %arg48[%iota3A, %broadcast_in_dim3A_889] : memref<16x17xf32, #tpu.memory_space<vmem>>[vector<16xi32>, vector<16xi32>], vector<16xf32>,
        %add3A_893 = arith.addf %add3A_887, %gather3A_892 : vector<16xf32>
        %broadcast_in_dim3A_894 = arith.constant 11 : i32
        %broadcast_in_dim3A_895 = vector.broadcast %broadcast_in_dim3A_894 : i32 to vector<16xi32>
        %gather3A_896 = tpu.vector_load_idx %arg47[%iota3A, %broadcast_in_dim3A_895] : memref<16x17xf32, #tpu.memory_space<vmem>>[vector<16xi32>, vector<16xi32>], vector<16xf32>,
        %add3A_897 = arith.addf %add3A_891, %gather3A_896 : vector<16xf32>
        %gather3A_898 = tpu.vector_load_idx %arg48[%iota3A, %broadcast_in_dim3A_895] : memref<16x17xf32, #tpu.memory_space<vmem>>[vector<16xi32>, vector<16xi32>], vector<16xf32>,
        %add3A_899 = arith.addf %add3A_893, %gather3A_898 : vector<16xf32>
        %broadcast_in_dim3A_900 = arith.constant 12 : i32
        %broadcast_in_dim3A_901 = vector.broadcast %broadcast_in_dim3A_900 : i32 to vector<16xi32>
        %gather3A_902 = tpu.vector_load_idx %arg47[%iota3A, %broadcast_in_dim3A_901] : memref<16x17xf32, #tpu.memory_space<vmem>>[vector<16xi32>, vector<16xi32>], vector<16xf32>,
        %add3A_903 = arith.addf %add3A_897, %gather3A_902 : vector<16xf32>
        %gather3A_904 = tpu.vector_load_idx %arg48[%iota3A, %broadcast_in_dim3A_901] : memref<16x17xf32, #tpu.memory_space<vmem>>[vector<16xi32>, vector<16xi32>], vector<16xf32>,
        %add3A_905 = arith.addf %add3A_899, %gather3A_904 : vector<16xf32>
        %broadcast_in_dim3A_906 = arith.constant 13 : i32
        %broadcast_in_dim3A_907 = vector.broadcast %broadcast_in_dim3A_906 : i32 to vector<16xi32>
        %gather3A_908 = tpu.vector_load_idx %arg47[%iota3A, %broadcast_in_dim3A_907] : memref<16x17xf32, #tpu.memory_space<vmem>>[vector<16xi32>, vector<16xi32>], vector<16xf32>,
        %add3A_909 = arith.addf %add3A_903, %gather3A_908 : vector<16xf32>
        %gather3A_910 = tpu.vector_load_idx %arg48[%iota3A, %broadcast_in_dim3A_907] : memref<16x17xf32, #tpu.memory_space<vmem>>[vector<16xi32>, vector<16xi32>], vector<16xf32>,
        %add3A_911 = arith.addf %add3A_905, %gather3A_910 : vector<16xf32>
        %broadcast_in_dim3A_912 = arith.constant 14 : i32
        %broadcast_in_dim3A_913 = vector.broadcast %broadcast_in_dim3A_912 : i32 to vector<16xi32>
        %gather3A_914 = tpu.vector_load_idx %arg47[%iota3A, %broadcast_in_dim3A_913] : memref<16x17xf32, #tpu.memory_space<vmem>>[vector<16xi32>, vector<16xi32>], vector<16xf32>,
        %add3A_915 = arith.addf %add3A_909, %gather3A_914 : vector<16xf32>
        %gather3A_916 = tpu.vector_load_idx %arg48[%iota3A, %broadcast_in_dim3A_913] : memref<16x17xf32, #tpu.memory_space<vmem>>[vector<16xi32>, vector<16xi32>], vector<16xf32>,
        %add3A_917 = arith.addf %add3A_911, %gather3A_916 : vector<16xf32>
        %broadcast_in_dim3A_918 = arith.constant 15 : i32
        %broadcast_in_dim3A_919 = vector.broadcast %broadcast_in_dim3A_918 : i32 to vector<16xi32>
        %gather3A_920 = tpu.vector_load_idx %arg47[%iota3A, %broadcast_in_dim3A_919] : memref<16x17xf32, #tpu.memory_space<vmem>>[vector<16xi32>, vector<16xi32>], vector<16xf32>,
        %add3A_921 = arith.addf %add3A_915, %gather3A_920 : vector<16xf32>
        %gather3A_922 = tpu.vector_load_idx %arg48[%iota3A, %broadcast_in_dim3A_919] : memref<16x17xf32, #tpu.memory_space<vmem>>[vector<16xi32>, vector<16xi32>], vector<16xf32>,
        %add3A_923 = arith.addf %add3A_917, %gather3A_922 : vector<16xf32>
        %mul3A_924 = arith.constant 2.000000e-02 : f32
        %mul3A_925 = vector.broadcast %mul3A_924 : f32 to vector<16xf32>
        %mul3A_926 = arith.mulf %add3A_921, %mul3A_925 : vector<16xf32>
        %neg3A_927 = arith.constant 0.000000e+00 : f32
        %neg3A_928 = vector.broadcast %neg3A_927 : f32 to vector<16xf32>
        %neg3A_929 = arith.subf %neg3A_928, %mul3A_926 : vector<16xf32>
        %exp3A_930 = math.exp %neg3A_929 : vector<16xf32>
        %add3A_931 = arith.constant 1.000000e+00 : f32
        %add3A_932 = vector.broadcast %add3A_931 : f32 to vector<16xf32>
        %add3A_933 = arith.addf %add3A_932, %exp3A_930 : vector<16xf32>
        %div3A_934 = arith.constant 1.000000e+00 : f32
        %div3A_935 = vector.broadcast %div3A_934 : f32 to vector<16xf32>
        %div3A_936 = arith.divf %div3A_935, %add3A_933 : vector<16xf32>
        %mul3A_937 = arith.constant 2.000000e-02 : f32
        %mul3A_938 = vector.broadcast %mul3A_937 : f32 to vector<16xf32>
        %mul3A_939 = arith.mulf %add3A_923, %mul3A_938 : vector<16xf32>
        %neg3A_940 = arith.constant 0.000000e+00 : f32
        %neg3A_941 = vector.broadcast %neg3A_940 : f32 to vector<16xf32>
        %neg3A_942 = arith.subf %neg3A_941, %mul3A_939 : vector<16xf32>
        %exp3A_943 = math.exp %neg3A_942 : vector<16xf32>
        %add3A_944 = arith.constant 1.000000e+00 : f32
        %add3A_945 = vector.broadcast %add3A_944 : f32 to vector<16xf32>
        %add3A_946 = arith.addf %add3A_945, %exp3A_943 : vector<16xf32>
        %div3A_947 = arith.constant 1.000000e+00 : f32
        %div3A_948 = vector.broadcast %div3A_947 : f32 to vector<16xf32>
        %div3A_949 = arith.divf %div3A_948, %add3A_946 : vector<16xf32>
        %gather3A_950 = tpu.vector_load_idx %arg41[%add3A_375, %and3A_384] : memref<64x8xf32, #tpu.memory_space<vmem>>[vector<16xi32>, vector<16xi32>], vector<16xf32>,
        %neg3A_951 = arith.constant 0.000000e+00 : f32
        %neg3A_952 = vector.broadcast %neg3A_951 : f32 to vector<16xf32>
        %neg3A_953 = arith.subf %neg3A_952, %gather3A_950 : vector<16xf32>
        %exp3A_954 = math.exp %neg3A_953 : vector<16xf32>
        %add3A_955 = arith.constant 1.000000e+00 : f32
        %add3A_956 = vector.broadcast %add3A_955 : f32 to vector<16xf32>
        %add3A_957 = arith.addf %add3A_956, %exp3A_954 : vector<16xf32>
        %div3A_958 = arith.constant 1.000000e+00 : f32
        %div3A_959 = vector.broadcast %div3A_958 : f32 to vector<16xf32>
        %div3A_960 = arith.divf %div3A_959, %add3A_957 : vector<16xf32>
        %mul3A_961 = arith.constant 4.000000e-01 : f32
        %mul3A_962 = vector.broadcast %mul3A_961 : f32 to vector<16xf32>
        %mul3A_963 = arith.mulf %div3A_960, %mul3A_962 : vector<16xf32>
        %gather3A_964 = tpu.vector_load_idx %arg42[%add3A_375, %and3A_384] : memref<64x8xf32, #tpu.memory_space<vmem>>[vector<16xi32>, vector<16xi32>], vector<16xf32>,
        %neg3A_965 = arith.constant 0.000000e+00 : f32
        %neg3A_966 = vector.broadcast %neg3A_965 : f32 to vector<16xf32>
        %neg3A_967 = arith.subf %neg3A_966, %gather3A_964 : vector<16xf32>
        %exp3A_968 = math.exp %neg3A_967 : vector<16xf32>
        %add3A_969 = arith.constant 1.000000e+00 : f32
        %add3A_970 = vector.broadcast %add3A_969 : f32 to vector<16xf32>
        %add3A_971 = arith.addf %add3A_970, %exp3A_968 : vector<16xf32>
        %div3A_972 = arith.constant 1.000000e+00 : f32
        %div3A_973 = vector.broadcast %div3A_972 : f32 to vector<16xf32>
        %div3A_974 = arith.divf %div3A_973, %add3A_971 : vector<16xf32>
        %mul3A_975 = arith.constant 4.000000e-01 : f32
        %mul3A_976 = vector.broadcast %mul3A_975 : f32 to vector<16xf32>
        %mul3A_977 = arith.mulf %div3A_974, %mul3A_976 : vector<16xf32>
        %gather3A_978 = tpu.vector_load_idx %arg43[%add3A_375, %and3A_384] : memref<64x8xf32, #tpu.memory_space<vmem>>[vector<16xi32>, vector<16xi32>], vector<16xf32>,
        %gather3A_979 = tpu.vector_load_idx %arg44[%add3A_375, %and3A_384] : memref<64x8xf32, #tpu.memory_space<vmem>>[vector<16xi32>, vector<16xi32>], vector<16xf32>,
        %sub3A = arith.subf %gather3A_978, %gather3A_979 : vector<16xf32>
        %neg3A_980 = arith.constant 0.000000e+00 : f32
        %neg3A_981 = vector.broadcast %neg3A_980 : f32 to vector<16xf32>
        %neg3A_982 = arith.subf %neg3A_981, %sub3A : vector<16xf32>
        %exp3A_983 = math.exp %neg3A_982 : vector<16xf32>
        %add3A_984 = arith.constant 1.000000e+00 : f32
        %add3A_985 = vector.broadcast %add3A_984 : f32 to vector<16xf32>
        %add3A_986 = arith.addf %add3A_985, %exp3A_983 : vector<16xf32>
        %div3A_987 = arith.constant 1.000000e+00 : f32
        %div3A_988 = vector.broadcast %div3A_987 : f32 to vector<16xf32>
        %div3A_989 = arith.divf %div3A_988, %add3A_986 : vector<16xf32>
        %sub3A_990 = arith.constant 1.000000e+00 : f32
        %sub3A_991 = vector.broadcast %sub3A_990 : f32 to vector<16xf32>
        %sub3A_992 = arith.subf %sub3A_991, %mul3A_963 : vector<16xf32>
        %sub3A_993 = arith.subf %sub3A_992, %mul3A_977 : vector<16xf32>
        %mul3A_994 = arith.mulf %sub3A_993, %div3A_936 : vector<16xf32>
        %add3A_995 = arith.addf %mul3A_977, %mul3A_994 : vector<16xf32>
        %mul3A_996 = arith.mulf %sub3A_993, %div3A_949 : vector<16xf32>
        %add3A_997 = arith.addf %mul3A_977, %mul3A_996 : vector<16xf32>
        %sub3A_998 = arith.subf %add3A_995, %add3A_997 : vector<16xf32>
        %mul3A_999 = arith.mulf %div3A_989, %sub3A_998 : vector<16xf32>
        %add3A_1000 = arith.addf %add3A_997, %mul3A_999 : vector<16xf32>
        %swap3A_1001 = arith.index_cast %mul3A_373 : i32 to index
        %swap3A_1002 = tpu.vector_load %arg45[%swap3A_1001] {strides = array<i32>} : memref<64xf32, #tpu.memory_space<vmem>>, vector<16xf32>,
        tpu.vector_store %arg45[%swap3A_1001], %add3A_1000 {strides = array<i32>} : memref<64xf32, #tpu.memory_space<vmem>>, vector<16xf32>,
        %scan3A_1003 = arith.constant 0 : i32
        scf.yield %scan3A_1003 : i32
      }
      %scan3A_368 = arith.constant 4 : i32
      "tpu.region"() ({
        %run_scoped3A = tpu.sem_alloc : memref<!tpu.dma_semaphore, #tpu.memory_space<semaphore_mem>>
        %dma_start3A_370 = tpu.memref_slice %arg15[%add3A_361] : memref<16384xf32, #tpu.memory_space<hbm>> -> memref<64xf32, #tpu.memory_space<hbm>>
        %dma_start3A_371 = tpu.memref_slice %arg15[%add3A_361] : memref<16384xf32, #tpu.memory_space<hbm>> -> memref<64xf32, #tpu.memory_space<hbm>>
        tpu.enqueue_dma source(%arg45 : memref<64xf32, #tpu.memory_space<vmem>>) target(%dma_start3A_371 : memref<64xf32, #tpu.memory_space<hbm>>) target_semaphore(%run_scoped3A : memref<!tpu.dma_semaphore, #tpu.memory_space<semaphore_mem>>)
        %dma_wait3A_372 = tpu.memref_slice %arg15[%add3A_361] : memref<16384xf32, #tpu.memory_space<hbm>> -> memref<64xf32, #tpu.memory_space<hbm>>
        %dma_wait3A_373 = tpu.memref_slice %arg15[%add3A_361] : memref<16384xf32, #tpu.memory_space<hbm>> -> memref<64xf32, #tpu.memory_space<hbm>>
        tpu.wait_dma2 semaphore(%run_scoped3A : memref<!tpu.dma_semaphore, #tpu.memory_space<semaphore_mem>>) src(%arg45 : memref<64xf32, #tpu.memory_space<vmem>>) dst(%dma_wait3A_373 : memref<64xf32, #tpu.memory_space<hbm>>)
        tpu.yield
      }) : () -> ()
      %scan3A_369 = arith.constant 0 : i32
      scf.yield %scan3A_369 : i32
    }
    %scan3A_163 = arith.constant 4 : i32
    return
  }
}

</mosaic_0001>

<sc_bundles>
// kernel: kernel.3.cloned.1.call-start
scs
__scs_entry_jumppad:
0x0: {  	(pc) =	sbr.rel $0x88, $3  }
0x1: {  	(tag) =	ssettag $0x0;
	lr =	simm.s32 $0x1  }
0x2: {  	[smem:$0x3F93] =	sst lr;
	_ =	strace $0xD0000000  }
0x3: {  	_ = 	snop  }
0x4: {  	_ = 	snop  }
0x5: {  	_ = 	snop  }
0x6: {  	_ = 	snop  }
0x7: {  	_ = 	snop  }
__scs_overlays_trampoline_lowered:
0x8: {  	[smem:$0x3FA2] =	sst s0  }
0x9: {  	[smem:$0x3FA3] =	sst s1  }
0xa: {  	[smem:$0x3FA4] =	sst s2  }
0xb: {  	[smem:$0x3FA5] =	sst s3  }
0xc: {  	[smem:$0x3FA6] =	sst s4  }
0xd: {  	[smem:$0x3FA7] =	sst s5  }
0xe: {  	[smem:$0x3FA8] =	sst s6  }
0xf: {  	[smem:$0x3FA9] =	sst s7  }
0x10: {  	[smem:$0x3FAA] =	sst s8  }
0x11: {  	[smem:$0x3FAB] =	sst s9;
	s0 =	simm.s32 @!p0 $0x0  }
0x12: {  	s1 =	sld [smem:$0x3F91];
	s0 =	simm.s32 @p0 $0x1  }
0x13: {  	[smem:$0x3FAC] =	sst s0;
	s0 =	simm.s32 @!p1 $0x0  }
0x14: {  	s2 =	sld [smem:$0x3F90];
	s0 =	simm.s32 @p1 $0x1  }
0x15: {  	[smem:$0x3FAD] =	sst s0;
	s0 =	simm.s32 @!p2 $0x0  }
0x16: {  	s3 =	sld [smem:$0x3FDB];
	s0 =	simm.s32 @p2 $0x1  }
0x17: {  	s4 =	simm.s32 $0x1BF5;
	[smem:$0x3FAF] =	sst s0  }
0x18: {  	s0 =	sld [smem:$0x3F92];
	_ =	swait.ge [sflag:s4], $0x0  }
0x19: {  	s7 =	sld [smem:$0x3F93]  }
0x1a: {  	s8 =	sadd.s32 $0xFFFFE003, lr  }
0x1b: {  	s9 =	sadd.s32 $0xFFFFFEF7, lr;
	s5 =	simm.s32 $0xFFFFFFFF;
	p2 =	slt.u32 s8, $0xFFFFF086  }
0x1c: {  	p1 =	slt.u32 s9, $0xF7A;
	s5 =	simm.s32 @!p2 $0x0  }
0x1d: {  	s5 =	simm.s32 @p1 $0x1;
	p0 =	seq.s32 s7, s2  }
0x1e: {  	s7 =	smul.u32 @!p0 $0xF7A, s2;
	p2 =	seq.s32 @!p0 s5, $0x0  }
0x1f: {  	s9 =	smul.u32 $0xF7A, s1;
	s8 =	simm.s32 @!p0 $0x1BF5;
	p2 =	por !p2, p0  }
0x20: {  	[sflag:s8] =	ssyncset.s32 @!p0 $0xFFFFF086;
	s6 =	sadd.s32 @!p0 s3, s7;
	s7 =	simm.s32 @!p0 $0x108  }
0x21: {  	s3 =	sadd.s32 s3, s9;
	s6 =	sadd.s32 @!p0 $0x88, s6;
	s7 =	simm.s32 @p2 $0x1082  }
0x22: {  	[simem:s7], [sflag:s8] =	dma.local @!p0 [hbm:s6], $0xF7A  }
0x23: {  	s9 =	sor.u32 $0xD0000000, s2;
	s6 =	simm.s32 $0x108;
	_ =	swait.ge @!p0 [sflag:s8], $0x0  }
0x24: {  	s3 =	sadd.s32 $0x88, s3;
	s6 =	simm.s32 @!p1 $0x1082;
	[sflag:s4] =	ssyncset.s32 $0xFFFFF086  }
0x25: {  	[simem:s6], [sflag:s4] =	dma.local [hbm:s3], $0xF7A  }
0x26: {  	[smem:$0x3F93] =	sst s1;
	(tag) =	ssettag s2;
	_ =	strace s9  }
0x27: {  	s1 =	sld [smem:$0x3FA3]  }
0x28: {  	s2 =	sld [smem:$0x3FA4]  }
0x29: {  	s4 =	sld [smem:$0x3FA6]  }
0x2a: {  	p0 =	seq.s32 s5, $0x0;
	s5 =	sld [smem:$0x3FA7]  }
0x2b: {  	s6 =	sld [smem:$0x3FA8]  }
0x2c: {  	s7 =	sld [smem:$0x3FA9]  }
0x2d: {  	s3 =	simm.s32 $0x108;
	s8 =	sld [smem:$0x3FAA]  }
0x2e: {  	s3 =	simm.s32 @!p0 $0x1082;
	s9 =	sld [smem:$0x3FAB]  }
0x2f: {  	lr =	sadd.s32 s0, s3;
	s0 =	sld [smem:$0x3FA2]  }
0x30: {  	s3 =	sld [smem:$0x3FA5]  }
0x31: {  	[smem:$0x3FAE] =	sst s10  }
0x32: {  	s10 =	sld [smem:$0x3FAC];
	_ =	sdelay $0x3  }
0x33: {  	p0 =	seq.s32 s10, $0x1;
	s10 =	sld [smem:$0x3FAE];
	_ =	sdelay $0x3  }
0x34: {  	[smem:$0x3FAE] =	sst s10  }
0x35: {  	s10 =	sld [smem:$0x3FAD];
	_ =	sdelay $0x3  }
0x36: {  	p1 =	seq.s32 s10, $0x1;
	s10 =	sld [smem:$0x3FAE];
	_ =	sdelay $0x3  }
0x37: {  	[smem:$0x3FAE] =	sst s10  }
0x38: {  	s10 =	sld [smem:$0x3FAF]  }
0x39: {  	_ = 	snop;
	(pc) =	sbr.ind lr, $3  }
0x3a: {  	_ = 	snop  }
0x3b: {  	_ = 	snop  }
0x3c: {  	p2 =	seq.s32 s10, $0x1;
	s10 =	sld [smem:$0x3FAE]  }
0x3d: {  	_ =	shalt  }
0x3e: {  	_ =	shalt  }
0x3f: {  	_ =	shalt  }
0x40: {  	_ =	shalt  }
0x41: {  	_ =	shalt  }
0x42: {  	_ =	shalt  }
0x43: {  	_ =	shalt  }
0x44: {  	_ =	shalt  }
0x45: {  	_ =	shalt  }
0x46: {  	_ =	shalt  }
0x47: {  	_ =	shalt  }
0x48: {  	_ =	shalt  }
0x49: {  	_ =	shalt  }
0x4a: {  	_ =	shalt  }
0x4b: {  	_ =	shalt  }
0x4c: {  	_ =	shalt  }
0x4d: {  	_ =	shalt  }
0x4e: {  	_ =	shalt  }
0x4f: {  	_ =	shalt  }
0x50: {  	_ =	shalt  }
0x51: {  	_ =	shalt  }
0x52: {  	_ =	shalt  }
0x53: {  	_ =	shalt  }
0x54: {  	_ =	shalt  }
0x55: {  	_ =	shalt  }
0x56: {  	_ =	shalt  }
0x57: {  	_ =	shalt  }
0x58: {  	_ =	shalt  }
0x59: {  	_ =	shalt  }
0x5a: {  	_ =	shalt  }
0x5b: {  	_ =	shalt  }
0x5c: {  	_ =	shalt  }
0x5d: {  	_ =	shalt  }
0x5e: {  	_ =	shalt  }
0x5f: {  	_ =	shalt  }
0x60: {  	_ =	shalt  }
0x61: {  	_ =	shalt  }
0x62: {  	_ =	shalt  }
0x63: {  	_ =	shalt  }
0x64: {  	_ =	shalt  }
0x65: {  	_ =	shalt  }
0x66: {  	_ =	shalt  }
0x67: {  	_ =	shalt  }
0x68: {  	_ =	shalt  }
0x69: {  	_ =	shalt  }
0x6a: {  	_ =	shalt  }
0x6b: {  	_ =	shalt  }
0x6c: {  	_ =	shalt  }
0x6d: {  	_ =	shalt  }
0x6e: {  	_ =	shalt  }
0x6f: {  	_ =	shalt  }
0x70: {  	_ =	shalt  }
0x71: {  	_ =	shalt  }
0x72: {  	_ =	shalt  }
0x73: {  	_ =	shalt  }
0x74: {  	_ =	shalt  }
0x75: {  	_ =	shalt  }
0x76: {  	_ =	shalt  }
0x77: {  	_ =	shalt  }
0x78: {  	_ =	shalt  }
0x79: {  	_ =	shalt  }
0x7a: {  	_ =	shalt  }
0x7b: {  	_ =	shalt  }
0x7c: {  	_ =	shalt  }
0x7d: {  	_ =	shalt  }
0x7e: {  	_ =	shalt  }
0x7f: {  	_ =	shalt  }
0x80: {  	_ =	shalt  }
0x81: {  	_ =	shalt  }
0x82: {  	_ =	shalt  }
0x83: {  	_ =	shalt  }
0x84: {  	_ =	shalt  }
0x85: {  	_ =	shalt  }
0x86: {  	_ =	shalt  }
0x87: {  	_ =	shalt  }
.Lfunc_end0:
.L_simem_size_0:
called_computation_lowered:
.L_overlay_start_0:
0x88: {  	s2 =	sld [smem:$0x3FD9]  }
0x89: {  	s3 =	sld [smem:$0x3FFE];
	_ =	sdelay $0x1  }
0x8a: {  	s1 =	srdreg.scid  }
0x8b: {  	s0 =	sand.u32 $0x1, s1  }
0x8c: {  	s17 =	sshll.u32 s0, $0xA;
	s2 =	sadd.s32 s3, s2  }
0x8d: {  	s2 =	sadd.s32 s2, s17  }
0x8e: {  	[smem:$0x3FBA] =	sst s2  }
0x8f: {  	_ = 	snop  }
0x90: {  	s2 =	sld [smem:$0x3FC9]  }
0x91: {  	s18 =	sld [smem:$0x3FC8]  }
0x92: {  	s4 =	sld [smem:$0x3FC7]  }
0x93: {  	s5 =	sld [smem:$0x3FC6]  }
0x94: {  	s6 =	sld [smem:$0x3FC1]  }
0x95: {  	s7 =	sld [smem:$0x3FD0];
	(tm) =	ssettm $0x1  }
0x96: {  	s8 =	sld [smem:$0x3FFB];
	_ =	sdelay $0x3  }
0x97: {  	_ =	strace s8  }
0x98: {  	s8 =	sld [smem:$0x3FFC];
	_ =	sdelay $0x3  }
0x99: {  	_ =	strace s8  }
0x9a: {  	s8 =	sld [smem:$0x3FFD];
	_ =	sdelay $0x3  }
0x9b: {  	_ =	strace s8  }
0x9c: {  	_ =	strace $0x8FFFFFFF  }
0x9d: {  	s19 =	sld [smem:$0x3FDB];
	_ =	sdelay $0x1  }
0x9e: {  	s9 =	simm.s32 $_scs_section_size  }
0x9f: {  	s10 =	simm.s32 $_size__tile_overlayer_lowered;
	s11 =	simm.s32 $_tile_overlayer_lowered  }
0xa0: {  	s22 =	simm.s32 $0x1BFF;
	s21 =	sshll.u32 s11, $0x1;
	s8 =	sadd.s32 s9, s19  }
0xa1: {  	s12 =	simm.s32 $0x0;
	s20 =	sshll.u32 s10, $0x1;
	s10 =	sadd.s32 s21, s8  }
0xa2: {  	[timem:s12], [sflag:s22] =	dma.local [hbm:s10], s20  }
0xa3: {  	_ =	swait.ge [sflag:s22], s20  }
0xa4: {  	s9 =	ssub.s32 $0x0, s20;
	[sflag:s22] =	ssyncset.done $0x0  }
0xa5: {  	[sflag:s22] =	ssyncadd.s32 s9;
	_ =	sdelay $0x1  }
0xa6: {  	s23 =	simm.s32 $0x1B8B  }
0xa7: {  	_ =	swait.ge [sflag:s23], $0x1  }
0xa8: {  	[sflag:s23] =	ssyncset.done $0x0  }
0xa9: {  	s25 =	simm.s32 $0x1B8E;
	s24 =	sld [smem:$0x3FFE];
	[sflag:s23] =	ssyncadd.s32 $0xFFFFFFFF  }
0xaa: {  	s26 =	simm.s32 $execute0_lowered;
	[smem:$0x3FD2] =	sst s25  }
0xab: {  	s10 =	sshll.u32 s26, $0x1;
	_ =	strace $0x80000046;
	[dreg:$0x1] =	wrdreg $0xFFFFFFFF  }
0xac: {  	s28 =	simm.s32 $_size_execute0_lowered;
	s8 =	sadd.s32 s8, s10;
	[dreg:$0x0] =	wrdreg $0x0  }
0xad: {  	s10 =	sshll.u32 s28, $0x1;
	[dreg:$0x2] =	wrdreg s8  }
0xae: {  	[dreg:$0x3] =	wrdreg s10  }
0xaf: {  	[dreg:$0x4] =	wrdreg $0xC0  }
0xb0: {  	_ =	task [dreg:s12], $0x5FFFF  }
0xb1: {  	[dreg:$0x1] =	wrdreg $0xFFFFFFFF  }
0xb2: {  	[dreg:$0x0] =	wrdreg $0x60  }
0xb3: {  	[dreg:$0x2] =	wrdreg s2  }
0xb4: {  	[dreg:$0x3] =	wrdreg s18  }
0xb5: {  	[dreg:$0x4] =	wrdreg s4  }
0xb6: {  	[dreg:$0x5] =	wrdreg s5  }
0xb7: {  	[dreg:$0x6] =	wrdreg s24  }
0xb8: {  	[dreg:$0x7] =	wrdreg s6  }
0xb9: {  	[dreg:$0x8] =	wrdreg s7  }
0xba: {  	[dreg:$0x9] =	wrdreg $0x9  }
0xbb: {  	_ =	task.clear_ibuf [dreg:s12], $0xAFFFF;
	_ =	strace $0x90000046  }
0xbc: {  	s29 =	simm.s32 $0x9;
	_ =	strace $0x80000048  }
0xbd: {  	_ =	swait.ge [sflag:s29], $0x1  }
0xbe: {  	[sflag:s29] =	ssyncadd.s32 $0xFFFFFFFF  }
0xbf: {  	_ =	strace $0x90000048  }
0xc0: {  	_ =	sfence  }
0xc1: {  	s30 =	sld [smem:$0x0];
	_ =	sdelay $0x2  }
0xc2: {  	s31 =	sshll.u32 s1, $0xD;
	s1 =	sshrl.u32 s1, $0x2  }
0xc3: {  	s3 =	sand.u32 $0x4000, s31;
	s1 =	sadd.s32 s1, s30  }
0xc4: {  	s0 =	sor.u32 s3, s0;
	s1 =	sshll.u32 s1, $0x11  }
0xc5: {  	s0 =	sor.u32 s1, s0  }
0xc6: {  	s0 =	sadd.s32 $0x8F2B, s0  }
0xc7: {  	[sflag:s0] =	ssyncadd.remote.s32 $0x1  }
0xc8: {  	_ =	sfence.sel $0xFFFF  }
0xc9: {  	[dreg:$0x0] =	wrdreg $0xFFFFFFFF;
	(pc) =	sbr.abs _section_cstart, $3  }
0xca: {  	[dreg:$0x1] =	wrdreg $0xFFFFFFFF  }
0xcb: {  	_ =	task.clear_ibuf [dreg:s12], $0x2FFFF;
	_ =	strace $0x9FFFFFFF  }
0xcc: {  	(tm) =	ssettm $0x7FFFFFFF  }
0xcd: {  	_ =	shalt  }
tec
execute0_lowered:
.L_overlay_start_1:
0x0: {  	(tag) =	ssettag $0x1  }
0x1: {  	s4 =	rddreg [dreg:$0x0]  }
0x2: {  	s5 =	rddreg [dreg:$0x1]  }
0x3: {  	s6 =	rddreg [dreg:$0x2]  }
0x4: {  	s3 =	rddreg [dreg:$0x4];
	s0 =	simm.s32 $0x0;
	s19 =	srdreg.scid  }
0x5: {  	s2 =	stileid.u32;
	s10 =	simm.s32 $0x3;
	s31 =	simm.s32 $0x8100  }
0x6: {  	s12 =	simm.s32 $0x8500;
	s28 =	simm.s32 $0x8900;
	s29 =	simm.s32 $0x8B00  }
0x7: {  	s30 =	simm.s32 $0x11440;
	[smem:$0x7FF] =	sst s0;
	s14 =	sadd.s32 $0x12C00, s3  }
0x8: {  	s15 =	sadd.s32 $0xFA00, s3;
	_ =	strace $0x80000047;
	[dreg:$0x8] =	wrdreg s14  }
0x9: {  	s16 =	sadd.s32 $0xC800, s3;
	s17 =	sadd.s32 $0x3200, s3;
	[dreg:$0x9] =	wrdreg s15  }
0xa: {  	s18 =	sadd.s32 $0x9600, s3;
	s1 =	sadd.s32 $0x6400, s3;
	[dreg:$0xa] =	wrdreg s16  }
0xb: {  	s0 =	sand.u32 $0x1, s19;
	s2 =	sshll.u32 s2, $0xA;
	[dreg:$0xb] =	wrdreg s17  }
0xc: {  	s3 =	sadd.s32 $0x15E00, s3;
	s19 =	simm.s32 $0x12060;
	[dreg:$0xc] =	wrdreg s18  }
0xd: {  	[dreg:$0xd] =	wrdreg s1;
	s20 =	ssub.s32 $0x2, s0;
	s0 =	sshll.u32 s0, $0x9  }
0xe: {  	[dreg:$0xe] =	wrdreg s3;
	s16 =	simm.s32 $0x8D00;
	s3 =	simm.s32 $0x11840  }
0xf: {  	s18 =	simm.s32 $0x12360;
	s21 =	sshrl.u32 s20, $0x1;
	s7 =	sor.u32 s0, s2  }
0x10: {  	s22 =	ssub.s32 s20, s21;
	s23 =	sshrl.u32 s7, $0x3;
	s2 =	sshll.u32 s7, $0x4  }
0x11: {  	[dreg:$0xf] =	wrdreg s7;
	s26 =	sor.u32 $0x80, s7;
	s20 =	simm.s32 $0x11040  }
0x12: {  	s7 =	simm.s32 $0x11A40;
	s21 =	simm.s32 $0x11C40;
	s24 =	sadd.s32 s4, s23  }
0x13: {  	s1 =	sadd.s32 s5, s23;
	s25 =	sadd.s32 s6, s2;
	[dreg:$0x13] =	wrdreg s26  }
0x14: {  	v0 =	vlaneseq.u32;
	s0 =	smax.u32 s22, $0x1;
	s26 =	simm.s32 $0x8700;
	[dreg:$0x10] =	wrdreg s24  }
0x15: {  	v0 =	vmul.u32 $0x8, v0;
	s22 =	simm.s32 $0x11240;
	s2 =	simm.s32 $0x11640;
	[dreg:$0x11] =	wrdreg s1  }
0x16: {  	s4 =	simm.s32 $0x121E0;
	s6 =	simm.s32 $0x2;
	[dreg:$0x12] =	wrdreg s25  }
0x17: {  	[tilespmem:$0x1FFF0] =	vst v0;
	s5 =	simm.s32 $0x0;
	[dreg:$0x14] =	wrdreg s0;
	s1 =	simm.s32 $0x8300  }
.LBB2_1:
0x18: {  	[dreg:$0x15] =	wrdreg s5  }
0x19: {  	s11 =	simm.s32 $0x0;
	s0 =	rddreg [dreg:$0xe];
	s8 =	simm.s32 $0x11E80  }
0x1a: {  	[tilespmem:s8], [sflag:$0x3] =	stream.linear.gather [hbm4b:s0+s11], $0x1E0, $0x38;
	[tilespmem:$0x12390] =	vst v63  }
0x1b: {  	_ =	swait.ge [sflag:s10], $0x1E0  }
0x1c: {  	[sflag:s10] =	ssyncset.done $0x0  }
0x1d: {  	[sflag:s10] =	ssyncadd.s32 $0xFFFFFE20  }
0x1e: {  	v48 =	vld [tilespmem:$0x11E80]  }
0x1f: {  	v50 =	vld [tilespmem:$0x11E90]  }
0x20: {  	v49 =	vld [tilespmem:$0x11EA0]  }
0x21: {  	v11 =	vld [tilespmem:$0x11EB0]  }
0x22: {  	v12 =	vld [tilespmem:$0x11EC0]  }
0x23: {  	v33 =	vld [tilespmem:$0x11ED0]  }
0x24: {  	v13 =	vld [tilespmem:$0x11EE0]  }
0x25: {  	v14 =	vld [tilespmem:$0x11EF0]  }
0x26: {  	v24 =	vld [tilespmem:$0x11F00]  }
0x27: {  	v23 =	vld [tilespmem:$0x11F10]  }
0x28: {  	v15 =	vld [tilespmem:$0x11F20]  }
0x29: {  	v16 =	vld [tilespmem:$0x11F30]  }
0x2a: {  	v17 =	vld [tilespmem:$0x11F40]  }
0x2b: {  	v18 =	vld [tilespmem:$0x11F50]  }
0x2c: {  	v19 =	vld [tilespmem:$0x11F60]  }
0x2d: {  	v20 =	vld [tilespmem:$0x11F70]  }
0x2e: {  	v51 =	vld [tilespmem:$0x11F80]  }
0x2f: {  	v21 =	vld [tilespmem:$0x11F90]  }
0x30: {  	v22 =	vld [tilespmem:$0x11FA0]  }
0x31: {  	v35 =	vld [tilespmem:$0x11FB0]  }
0x32: {  	v36 =	vld [tilespmem:$0x11FC0]  }
0x33: {  	v27 =	vld [tilespmem:$0x11FD0]  }
0x34: {  	v26 =	vld [tilespmem:$0x11FE0]  }
0x35: {  	v28 =	vld [tilespmem:$0x11FF0]  }
0x36: {  	v0 =	vld [tilespmem:$0x12000]  }
0x37: {  	v5 =	vld.msk [tilespmem:$0x12050 ss:$0x0], $0xffff  }
0x38: {  	v1 =	vld [tilespmem:$0x12010]  }
0x39: {  	v2 =	vld [tilespmem:$0x12020]  }
0x3a: {  	s13 =	rddreg [dreg:$0x10];
	v3 =	vld [tilespmem:$0x12030]  }
0x3b: {  	v4 =	vld [tilespmem:$0x12040];
	[tilespmem:s11], [sflag:$0x3] =	stream.linear.gather [hbm4b:s13+s11], $0x40, $0x38  }
0x3c: {  	[tilespmem:$0x1F960] =	vst v5;
	v43 =	vbroadcast v0, $0x0  }
0x3d: {  	v44 =	vbroadcast v1, $0x0;
	_ =	swait.ge [sflag:s10], $0x40  }
0x3e: {  	v45 =	vbroadcast v2, $0x0;
	[tilespmem:$0x1F970] =	vst v43  }
0x3f: {  	v46 =	vbroadcast v0, $0x1;
	[tilespmem:$0x1F980] =	vst v44  }
0x40: {  	[sflag:s10] =	ssyncset.done $0x0;
	[tilespmem:$0x1F990] =	vst v45  }
0x41: {  	s8 =	simm.s32 $0x40;
	s14 =	rddreg [dreg:$0x11];
	[tilespmem:$0x1F9A0] =	vst v46;
	[sflag:s10] =	ssyncadd.s32 $0xFFFFFFC0  }
0x42: {  	v47 =	vbroadcast v1, $0x1;
	[tilespmem:s8], [sflag:$0x3] =	stream.linear.gather [hbm4b:s14+s11], $0x40, $0x38;
	[tilespmem:$0x12390] =	vst v63  }
0x43: {  	v52 =	vbroadcast v2, $0x1;
	_ =	swait.ge [sflag:s10], $0x40  }
0x44: {  	v53 =	vbroadcast v0, $0x2;
	[tilespmem:$0x1F9B0] =	vst v47  }
0x45: {  	v54 =	vbroadcast v1, $0x2;
	[tilespmem:$0x1F9C0] =	vst v52  }
0x46: {  	v55 =	vbroadcast v2, $0x2;
	[tilespmem:$0x1F9D0] =	vst v53  }
0x47: {  	v56 =	vbroadcast v0, $0x3;
	[tilespmem:$0x1F9E0] =	vst v54  }
0x48: {  	v6 =	vbroadcast v1, $0x3;
	[tilespmem:$0x1F9F0] =	vst v55  }
0x49: {  	v58 =	vbroadcast v0, $0x4;
	[tilespmem:$0x1FA00] =	vst v56  }
0x4a: {  	v7 =	vbroadcast v1, $0x4;
	[tilespmem:$0x1FA10] =	vst v6  }
0x4b: {  	v60 =	vbroadcast v0, $0x5;
	[tilespmem:$0x1FA20] =	vst v58  }
0x4c: {  	v8 =	vbroadcast v1, $0x5;
	[tilespmem:$0x1FA30] =	vst v7  }
0x4d: {  	v9 =	vbroadcast v1, $0x6;
	[tilespmem:$0x1FA40] =	vst v60  }
0x4e: {  	v10 =	vbroadcast v1, $0x7;
	[tilespmem:$0x1FA50] =	vst v8  }
0x4f: {  	v29 =	vbroadcast v1, $0x8;
	[tilespmem:$0x1FA70] =	vst v9  }
0x50: {  	v41 =	vbroadcast v1, $0xE;
	[tilespmem:$0x1FA90] =	vst v10  }
0x51: {  	v43 =	vbroadcast v2, $0x3;
	[tilespmem:$0x1FAB0] =	vst v29  }
0x52: {  	v44 =	vbroadcast v2, $0x4;
	[tilespmem:$0x1FB80] =	vst v41  }
0x53: {  	v45 =	vbroadcast v2, $0x5;
	[tilespmem:$0x1FBA0] =	vst v43  }
0x54: {  	v46 =	vbroadcast v2, $0x6;
	[tilespmem:$0x1FBB0] =	vst v44  }
0x55: {  	[tilespmem:$0x1FBC0] =	vst v45  }
0x56: {  	[tilespmem:$0x1FBD0] =	vst v46  }
0x57: {  	[tilespmem:$0x1FE70] =	vst v48  }
0x58: {  	[tilespmem:$0x1FE80] =	vst v50  }
0x59: {  	[tilespmem:$0x1FE90] =	vst v33  }
0x5a: {  	[tilespmem:$0x1FEA0] =	vst v26  }
0x5b: {  	[tilespmem:$0x1FEB0] =	vst v28  }
0x5c: {  	[tilespmem:$0x1FEC0] =	vst v27  }
0x5d: {  	[tilespmem:$0x1FED0] =	vst v22  }
0x5e: {  	[tilespmem:$0x1FEE0] =	vst v21  }
0x5f: {  	[tilespmem:$0x1FEF0] =	vst v35  }
0x60: {  	[tilespmem:$0x1FF00] =	vst v36  }
0x61: {  	[tilespmem:$0x1FF10] =	vst v11  }
0x62: {  	[tilespmem:$0x1FF20] =	vst v16  }
0x63: {  	[tilespmem:$0x1FF30] =	vst v12  }
0x64: {  	[tilespmem:$0x1FF40] =	vst v13  }
0x65: {  	[tilespmem:$0x1FF50] =	vst v15  }
0x66: {  	[tilespmem:$0x1FF60] =	vst v14  }
0x67: {  	[tilespmem:$0x1FF70] =	vst v17  }
0x68: {  	[tilespmem:$0x1FF80] =	vst v18  }
0x69: {  	[tilespmem:$0x1FF90] =	vst v19  }
0x6a: {  	[tilespmem:$0x1FFA0] =	vst v20  }
0x6b: {  	[tilespmem:$0x1FFB0] =	vst v51  }
0x6c: {  	[tilespmem:$0x1FFC0] =	vst v23  }
0x6d: {  	v8 =	vbroadcast v0, $0x6;
	[tilespmem:$0x1FFD0] =	vst v24  }
0x6e: {  	v9 =	vbroadcast v0, $0x7;
	[tilespmem:$0x1FFE0] =	vst v49  }
0x6f: {  	v10 =	vbroadcast v0, $0x8;
	[tilespmem:$0x1FA60] =	vst v8  }
0x70: {  	v29 =	vbroadcast v0, $0x9;
	[tilespmem:$0x1FA80] =	vst v9  }
0x71: {  	v47 =	vbroadcast v2, $0x7;
	[tilespmem:$0x1FAA0] =	vst v10  }
0x72: {  	v52 =	vbroadcast v2, $0x8;
	[tilespmem:$0x1FAC0] =	vst v29  }
0x73: {  	v53 =	vbroadcast v2, $0x9;
	[tilespmem:$0x1FBE0] =	vst v47  }
0x74: {  	v54 =	vbroadcast v2, $0xA;
	[tilespmem:$0x1FBF0] =	vst v52  }
0x75: {  	v55 =	vbroadcast v2, $0xB;
	[tilespmem:$0x1FC00] =	vst v53  }
0x76: {  	v56 =	vbroadcast v2, $0xC;
	[tilespmem:$0x1FC10] =	vst v54  }
0x77: {  	v58 =	vbroadcast v2, $0xE;
	[tilespmem:$0x1FC20] =	vst v55  }
0x78: {  	v60 =	vbroadcast v3, $0x0;
	[tilespmem:$0x1FC30] =	vst v56  }
0x79: {  	v6 =	vbroadcast v3, $0x5;
	[tilespmem:$0x1FC50] =	vst v58  }
0x7a: {  	v7 =	vbroadcast v3, $0x6;
	[tilespmem:$0x1FC70] =	vst v60  }
0x7b: {  	v41 =	vbroadcast v3, $0xD;
	[tilespmem:$0x1FCC0] =	vst v6  }
0x7c: {  	v43 =	vbroadcast v3, $0xF;
	[tilespmem:$0x1FCD0] =	vst v7  }
0x7d: {  	v44 =	vbroadcast v4, $0x0;
	[tilespmem:$0x1FD40] =	vst v41  }
0x7e: {  	v45 =	vbroadcast v4, $0x1;
	[tilespmem:$0x1FD60] =	vst v43  }
0x7f: {  	v46 =	vbroadcast v4, $0x2;
	[tilespmem:$0x1FD70] =	vst v44  }
0x80: {  	v29 =	vbroadcast v1, $0x9;
	[tilespmem:$0x1FD80] =	vst v45  }
0x81: {  	[tilespmem:$0x1FD90] =	vst v46;
	v47 =	vbroadcast v4, $0x3  }
0x82: {  	v52 =	vbroadcast v4, $0x4;
	[tilespmem:$0x1FAD0] =	vst v29  }
0x83: {  	v53 =	vbroadcast v4, $0x5;
	[tilespmem:$0x1FDA0] =	vst v47  }
0x84: {  	[sflag:s10] =	ssyncset.done $0x0;
	v54 =	vbroadcast v4, $0x6;
	[tilespmem:$0x1FDB0] =	vst v52  }
0x85: {  	[sflag:s10] =	ssyncadd.s32 $0xFFFFFFC0;
	v55 =	vbroadcast v4, $0x7;
	[tilespmem:$0x1FDC0] =	vst v53  }
0x86: {  	v57 =	vld [tilespmem:$0x0];
	v56 =	vbroadcast v4, $0x8;
	[tilespmem:$0x1FDD0] =	vst v54  }
0x87: {  	v59 =	vld [tilespmem:$0x40];
	v58 =	vbroadcast v4, $0xA;
	[tilespmem:$0x1FDE0] =	vst v55  }
0x88: {  	v60 =	vbroadcast v4, $0xC;
	[tilespmem:$0x1FDF0] =	vst v56  }
0x89: {  	v61 =	vld [tilespmem:$0x10];
	v29 =	vbroadcast v0, $0xA;
	[tilespmem:$0x1FE10] =	vst v58  }
0x8a: {  	v8 =	vld [tilespmem:$0x50];
	[tilespmem:$0x1FE30] =	vst v60  }
0x8b: {  	v9 =	vld [tilespmem:$0x20];
	[tilespmem:$0x1FAE0] =	vst v29;
	v5 =	vshrl.u32 v57, $0x3  }
0x8c: {  	v10 =	vld [tilespmem:$0x60];
	v29 =	vbroadcast v1, $0xA;
	v62 =	vshrl.u32 v59, $0x3;
	[tilespmem:$0x80] =	vst v5  }
0x8d: {  	v63 =	vld [tilespmem:$0x30];
	[tilespmem:$0xC0] =	vst v62  }
0x8e: {  	v34 =	vld [tilespmem:$0x70];
	v32 =	vshrl.u32 v61, $0x3;
	[tilespmem:$0x1FAF0] =	vst v29  }
0x8f: {  	v37 =	vshrl.u32 v8, $0x3;
	[tilespmem:$0x90] =	vst v32  }
0x90: {  	v38 =	vshrl.u32 v9, $0x3;
	[tilespmem:$0xD0] =	vst v37  }
0x91: {  	v39 =	vshrl.u32 v10, $0x3;
	[tilespmem:$0xA0] =	vst v38  }
0x92: {  	v40 =	vshrl.u32 v63, $0x3;
	[tilespmem:$0xE0] =	vst v39  }
0x93: {  	v8 =	vbroadcast v1, $0xB;
	v42 =	vshrl.u32 v34, $0x3;
	[tilespmem:$0xB0] =	vst v40  }
0x94: {  	[tilespmem:$0xF0] =	vst v42  }
0x95: {  	s9 =	simm.s32 $0x100;
	s15 =	rddreg [dreg:$0x3];
	v57 =	vbroadcast v2, $0xD;
	[tilespmem:$0x1FB10] =	vst v8  }
0x96: {  	v59 =	vbroadcast v2, $0xF;
	[tilespmem:s9], [sflag:$0x1] =	stream.indirect.gather [hbm4b:s15+s8], $0x80, s11, s8, $0xb8;
	[tilespmem:$0x12390] =	vst v63  }
0x97: {  	v61 =	vbroadcast v3, $0x1;
	[tilespmem:$0x1FC40] =	vst v57  }
0x98: {  	v63 =	vbroadcast v3, $0x3;
	[tilespmem:$0x1FC60] =	vst v59  }
0x99: {  	v34 =	vbroadcast v3, $0x8;
	[tilespmem:$0x1FC80] =	vst v61  }
0x9a: {  	v29 =	vbroadcast v0, $0xB;
	[tilespmem:$0x1FCA0] =	vst v63  }
0x9b: {  	v62 =	vbroadcast v3, $0x2;
	[tilespmem:$0x1FCF0] =	vst v34  }
0x9c: {  	v5 =	vbroadcast v3, $0x4;
	[tilespmem:$0x1FB00] =	vst v29  }
0x9d: {  	v32 =	vbroadcast v3, $0x7;
	[tilespmem:$0x1FC90] =	vst v62  }
0x9e: {  	v37 =	vbroadcast v3, $0x9;
	[tilespmem:$0x1FCB0] =	vst v5  }
0x9f: {  	v38 =	vbroadcast v3, $0xA;
	[tilespmem:$0x1FCE0] =	vst v32  }
0xa0: {  	v39 =	vbroadcast v3, $0xB;
	[tilespmem:$0x1FD00] =	vst v37  }
0xa1: {  	v40 =	vbroadcast v3, $0xC;
	[tilespmem:$0x1FD10] =	vst v38  }
0xa2: {  	v42 =	vbroadcast v3, $0xE;
	[tilespmem:$0x1FD20] =	vst v39  }
0xa3: {  	v8 =	vbroadcast v0, $0xC;
	[tilespmem:$0x1FD30] =	vst v40  }
0xa4: {  	[tilespmem:$0x1FD50] =	vst v42  }
0xa5: {  	s23 =	simm.s32 $0x2100;
	s17 =	rddreg [dreg:$0x5];
	v57 =	vbroadcast v4, $0x9;
	[tilespmem:$0x1FB20] =	vst v8  }
0xa6: {  	v59 =	vbroadcast v4, $0xB;
	[tilespmem:s23], [sflag:$0x1] =	stream.indirect.gather [hbm4b:s17+s8], $0x100, s8, s8, $0xb8;
	[tilespmem:$0x12390] =	vst v63  }
0xa7: {  	v61 =	vbroadcast v4, $0xD;
	[tilespmem:$0x1FE00] =	vst v57  }
0xa8: {  	v63 =	vbroadcast v4, $0xF;
	[tilespmem:$0x1FE20] =	vst v59  }
0xa9: {  	[tilespmem:$0x1FE40] =	vst v61  }
0xaa: {  	s25 =	simm.s32 $0x6100;
	s24 =	rddreg [dreg:$0x12];
	v62 =	vbroadcast v4, $0xE;
	[tilespmem:$0x1FE60] =	vst v63  }
0xab: {  	[tilespmem:s25], [sflag:$0x1] =	stream.linear.gather [hbm4b:s24+s11], $0x2000, $0x38;
	[tilespmem:$0x12390] =	vst v63  }
0xac: {  	s9 =	rddreg [dreg:$0x8];
	v8 =	vbroadcast v1, $0xC;
	[tilespmem:$0x1FE50] =	vst v62;
	s11 =	simm.s32 $0x80  }
0xad: {  	[tilespmem:s31], [sflag:$0x1] =	stream.indirect.gather [hbm4b:s9+s8], $0x8, s11, s8, $0xb8;
	[tilespmem:$0x12390] =	vst v63  }
0xae: {  	s13 =	rddreg [dreg:$0x9];
	[tilespmem:$0x1FB30] =	vst v8;
	v8 =	vbroadcast v0, $0xD  }
0xaf: {  	[tilespmem:s1], [sflag:$0x1] =	stream.indirect.gather [hbm4b:s13+s8], $0x8, s11, s8, $0xb8;
	[tilespmem:$0x12390] =	vst v63  }
0xb0: {  	s14 =	rddreg [dreg:$0xa];
	[tilespmem:$0x1FB40] =	vst v8;
	v8 =	vbroadcast v1, $0xD  }
0xb1: {  	[tilespmem:s12], [sflag:$0x1] =	stream.indirect.gather [hbm4b:s14+s8], $0x8, s11, s8, $0xb8;
	[tilespmem:$0x12390] =	vst v63  }
0xb2: {  	s15 =	rddreg [dreg:$0x4];
	s17 =	simm.s32 $0xC0;
	v1 =	vbroadcast v1, $0xF;
	[tilespmem:$0x1FB50] =	vst v8  }
0xb3: {  	[tilespmem:s26], [sflag:$0x1] =	stream.indirect.gather [hbm4b:s15+s8], $0x8, s17, s8, $0xb8;
	[tilespmem:$0x12390] =	vst v63  }
0xb4: {  	s23 =	rddreg [dreg:$0xb];
	v8 =	vbroadcast v0, $0xE;
	[tilespmem:$0x1FB90] =	vst v1  }
0xb5: {  	[tilespmem:s28], [sflag:$0x1] =	stream.indirect.gather [hbm4b:s23+s8], $0x8, s17, s8, $0xb8;
	[tilespmem:$0x12390] =	vst v63  }
0xb6: {  	s24 =	rddreg [dreg:$0xc];
	v0 =	vbroadcast v0, $0xF;
	[tilespmem:$0x1FB60] =	vst v8  }
0xb7: {  	[tilespmem:s29], [sflag:$0x1] =	stream.indirect.gather [hbm4b:s24+s8], $0x8, s17, s8, $0xb8;
	[tilespmem:$0x12390] =	vst v63  }
0xb8: {  	s0 =	simm.s32 $0x0;
	s25 =	rddreg [dreg:$0xd];
	[tilespmem:$0x1FB70] =	vst v0  }
0xb9: {  	[tilespmem:s16], [sflag:$0x1] =	stream.indirect.gather [hbm4b:s25+s8], $0x8, s17, s8, $0xb8;
	[tilespmem:$0x12390] =	vst v63  }
.LBB2_2:
0xba: {  	[dreg:$0x16] =	wrdreg s0  }
0xbb: {  	s5 =	sshll.u32 s0, $0x7;
	s9 =	rddreg [dreg:$0xf]  }
0xbc: {  	s11 =	rddreg [dreg:$0x0];
	s0 =	sor.u32 s5, s9  }
0xbd: {  	[dreg:$0x19] =	wrdreg s0;
	s0 =	sor.u32 $0x40, s0  }
0xbe: {  	[dreg:$0x18] =	wrdreg s5;
	s8 =	sshrl.u32 s0, $0x3  }
0xbf: {  	s9 =	simm.s32 $0x0;
	s5 =	sadd.s32 s11, s8;
	s11 =	simm.s32 $0x8F40  }
0xc0: {  	[tilespmem:s11], [sflag:$0x3] =	stream.linear.gather [hbm4b:s5+s9], $0x40, $0x38;
	[tilespmem:$0x12390] =	vst v63  }
0xc1: {  	_ =	swait.ge [sflag:s10], $0x40  }
0xc2: {  	[sflag:s10] =	ssyncset.done $0x0  }
0xc3: {  	[sflag:s10] =	ssyncadd.s32 $0xFFFFFFC0  }
0xc4: {  	s13 =	rddreg [dreg:$0x1]  }
0xc5: {  	[dreg:$0x17] =	wrdreg s8;
	s5 =	sadd.s32 s13, s8;
	s13 =	simm.s32 $0x8F80  }
0xc6: {  	[tilespmem:s13], [sflag:$0x3] =	stream.linear.gather [hbm4b:s5+s9], $0x40, $0x38;
	[tilespmem:$0x12390] =	vst v63  }
0xc7: {  	_ =	swait.ge [sflag:s10], $0x40  }
0xc8: {  	[sflag:s10] =	ssyncset.done $0x0  }
0xc9: {  	[sflag:s10] =	ssyncadd.s32 $0xFFFFFFC0  }
0xca: {  	v0 =	vld [tilespmem:$0x8F40]  }
0xcb: {  	v1 =	vld [tilespmem:$0x8F80]  }
0xcc: {  	v2 =	vld [tilespmem:$0x8F50]  }
0xcd: {  	v3 =	vld [tilespmem:$0x8F90]  }
0xce: {  	v4 =	vld [tilespmem:$0x8F60]  }
0xcf: {  	v5 =	vld [tilespmem:$0x8FA0];
	v0 =	vshrl.u32 v0, $0x3  }
0xd0: {  	v56 =	vld [tilespmem:$0x8F70];
	v55 =	vshrl.u32 v1, $0x3;
	[tilespmem:$0x8FC0] =	vst v0  }
0xd1: {  	v58 =	vld [tilespmem:$0x8FB0];
	v57 =	vshrl.u32 v2, $0x3;
	[tilespmem:$0x9000] =	vst v55  }
0xd2: {  	v59 =	vshrl.u32 v3, $0x3;
	[tilespmem:$0x8FD0] =	vst v57  }
0xd3: {  	v60 =	vshrl.u32 v4, $0x3;
	[tilespmem:$0x9010] =	vst v59  }
0xd4: {  	v61 =	vshrl.u32 v5, $0x3;
	[tilespmem:$0x8FE0] =	vst v60  }
0xd5: {  	v62 =	vshrl.u32 v56, $0x3;
	[tilespmem:$0x9020] =	vst v61  }
0xd6: {  	s14 =	rddreg [dreg:$0x3];
	v63 =	vshrl.u32 v58, $0x3;
	[tilespmem:$0x8FF0] =	vst v62  }
0xd7: {  	s15 =	simm.s32 $0x9040;
	s8 =	simm.s32 $0x40;
	s17 =	rddreg [dreg:$0x5];
	[tilespmem:$0x9030] =	vst v63  }
0xd8: {  	[tilespmem:s15], [sflag:$0x2] =	stream.indirect.gather [hbm4b:s14+s8], $0x80, s11, s8, $0xb8;
	[tilespmem:$0x12390] =	vst v63  }
0xd9: {  	s23 =	simm.s32 $0xB040;
	s0 =	sshll.u32 s0, $0x4;
	s24 =	rddreg [dreg:$0x2]  }
0xda: {  	[tilespmem:s23], [sflag:$0x2] =	stream.indirect.gather [hbm4b:s17+s8], $0x100, s13, s8, $0xb8;
	[tilespmem:$0x12390] =	vst v63  }
0xdb: {  	s25 =	simm.s32 $0xF040;
	s0 =	sadd.s32 s24, s0  }
0xdc: {  	[tilespmem:s25], [sflag:$0x2] =	stream.linear.gather [hbm4b:s0+s9], $0x2000, $0x38;
	[tilespmem:$0x12390] =	vst v63  }
0xdd: {  	s5 =	rddreg [dreg:$0x8];
	s10 =	simm.s32 $0x8FC0  }
0xde: {  	[tilespmem:s20], [sflag:$0x2] =	stream.indirect.gather [hbm4b:s5+s8], $0x8, s10, s8, $0xb8;
	[tilespmem:$0x12390] =	vst v63  }
0xdf: {  	s11 =	rddreg [dreg:$0x9]  }
0xe0: {  	[tilespmem:s22], [sflag:$0x2] =	stream.indirect.gather [hbm4b:s11+s8], $0x8, s10, s8, $0xb8;
	[tilespmem:$0x12390] =	vst v63  }
0xe1: {  	s13 =	rddreg [dreg:$0xa]  }
0xe2: {  	[tilespmem:s30], [sflag:$0x2] =	stream.indirect.gather [hbm4b:s13+s8], $0x8, s10, s8, $0xb8;
	[tilespmem:$0x12390] =	vst v63  }
0xe3: {  	s14 =	rddreg [dreg:$0x4];
	s15 =	simm.s32 $0x9000  }
0xe4: {  	[tilespmem:s2], [sflag:$0x2] =	stream.indirect.gather [hbm4b:s14+s8], $0x8, s15, s8, $0xb8;
	[tilespmem:$0x12390] =	vst v63  }
0xe5: {  	s17 =	rddreg [dreg:$0xb]  }
0xe6: {  	[tilespmem:s3], [sflag:$0x2] =	stream.indirect.gather [hbm4b:s17+s8], $0x8, s15, s8, $0xb8;
	[tilespmem:$0x12390] =	vst v63  }
0xe7: {  	s23 =	rddreg [dreg:$0xc]  }
0xe8: {  	[tilespmem:s7], [sflag:$0x2] =	stream.indirect.gather [hbm4b:s23+s8], $0x8, s15, s8, $0xb8;
	[tilespmem:$0x12390] =	vst v63  }
0xe9: {  	s24 =	rddreg [dreg:$0xd];
	s25 =	simm.s32 $0x1  }
0xea: {  	[tilespmem:s21], [sflag:$0x2] =	stream.indirect.gather [hbm4b:s24+s8], $0x8, s15, s8, $0xb8;
	[tilespmem:$0x12390] =	vst v63  }
0xeb: {  	_ =	swait.ge [sflag:s25], $0x2000  }
0xec: {  	[sflag:s25] =	ssyncset.done $0x0  }
0xed: {  	[sflag:s25] =	ssyncadd.s32 $0xFFFFE000  }
0xee: {  	_ =	swait.ge [sflag:s25], $0x4000  }
0xef: {  	[sflag:s25] =	ssyncset.done $0x0  }
0xf0: {  	[sflag:s25] =	ssyncadd.s32 $0xFFFFC000  }
0xf1: {  	_ =	swait.ge [sflag:s25], $0x2000  }
0xf2: {  	[sflag:s25] =	ssyncset.done $0x0  }
0xf3: {  	[sflag:s25] =	ssyncadd.s32 $0xFFFFE000  }
0xf4: {  	_ =	swait.ge [sflag:s25], $0x200  }
0xf5: {  	[sflag:s25] =	ssyncset.done $0x0  }
0xf6: {  	[sflag:s25] =	ssyncadd.s32 $0xFFFFFE00  }
0xf7: {  	_ =	swait.ge [sflag:s25], $0x200  }
0xf8: {  	[sflag:s25] =	ssyncset.done $0x0  }
0xf9: {  	[sflag:s25] =	ssyncadd.s32 $0xFFFFFE00  }
0xfa: {  	_ =	swait.ge [sflag:s25], $0x200  }
0xfb: {  	[sflag:s25] =	ssyncset.done $0x0  }
0xfc: {  	[sflag:s25] =	ssyncadd.s32 $0xFFFFFE00  }
0xfd: {  	_ =	swait.ge [sflag:s25], $0x200  }
0xfe: {  	[sflag:s25] =	ssyncset.done $0x0  }
0xff: {  	[sflag:s25] =	ssyncadd.s32 $0xFFFFFE00  }
0x100: {  	_ =	swait.ge [sflag:s25], $0x200  }
0x101: {  	[sflag:s25] =	ssyncset.done $0x0  }
0x102: {  	[sflag:s25] =	ssyncadd.s32 $0xFFFFFE00  }
0x103: {  	_ =	swait.ge [sflag:s25], $0x200  }
0x104: {  	[sflag:s25] =	ssyncset.done $0x0  }
0x105: {  	[sflag:s25] =	ssyncadd.s32 $0xFFFFFE00  }
0x106: {  	_ =	swait.ge [sflag:s25], $0x200  }
0x107: {  	s0 =	simm.s32 $0x6180;
	s11 =	simm.s32 $0x180;
	[sflag:s25] =	ssyncset.done $0x0  }
0x108: {  	s13 =	simm.s32 $0x2200;
	s14 =	simm.s32 $0x0;
	[sflag:s25] =	ssyncadd.s32 $0xFFFFFE00  }
.LBB2_3:
0x109: {  	s15 =	sshll.u32 s14, $0x4;
	v2 =	vld [tilespmem:$0x1FFF0]  }
0x10a: {  	v0 =	vld [tilespmem:s15+$0x0];
	_ =	sdelay $0x2  }
0x10b: {  	v1 =	vmov s15  }
0x10c: {  	v1 =	vshll.u32 v1, $0x3  }
0x10d: {  	v1 =	vor.u32 v2, v1;
	v0 =	vand.u32 $0x7, v0  }
0x10e: {  	v0 =	vor.u32 v1, v0;
	_ =	sdelay $0x2  }
0x10f: {  	v3 =	vld [tilespmem:$0x1F970]  }
0x110: {  	v4 =	vld [tilespmem:$0x1F980]  }
0x111: {  	v2 =	vld.idx.msk [tilespmem:v0+s31+$0x0], $0xffff  }
0x112: {  	[tilespmem:$0x1F820] =	vst v1;
	v1 =	vld.idx.msk [tilespmem:v0+s1+$0x0], $0xffff;
	_ =	sdelay $0x4  }
0x113: {  	v3 =	vmul.f32 v2, v3;
	v4 =	vmul.f32 v1, v4  }
0x114: {  	v0 =	vld.idx.msk [tilespmem:v0+s12+$0x0], $0xffff  }
0x115: {  	v3 =	vadd.f32 v4, v3;
	v4 =	vld [tilespmem:$0x1F990];
	_ =	sdelay $0x4  }
0x116: {  	v4 =	vmul.f32 v0, v4;
	_ =	sdelay $0x1  }
0x117: {  	v3 =	vadd.f32 v4, v3;
	v4 =	vld [tilespmem:$0x1FC70];
	_ =	sdelay $0x4  }
0x118: {  	v3 =	vadd.f32 v3, v4;
	v4 =	vld [tilespmem:$0x1FD70];
	_ =	sdelay $0x3  }
0x119: {  	v5 =	vld [tilespmem:$0x1F9B0];
	v3 =	vmax.f32 v3, $0.0e+00  }
0x11a: {  	v3 =	vmul.f32 v3, v4;
	v4 =	vld [tilespmem:$0x1F9A0];
	_ =	sdelay $0x1  }
0x11b: {  	v6 =	vld [tilespmem:$0x1F9D0]  }
0x11c: {  	v7 =	vld [tilespmem:$0x1F9E0];
	_ =	sdelay $0x1  }
0x11d: {  	v5 =	vmul.f32 v1, v5;
	v4 =	vmul.f32 v2, v4  }
0x11e: {  	v8 =	vld [tilespmem:$0x1F9F0]  }
0x11f: {  	v4 =	vadd.f32 v5, v4;
	v5 =	vld [tilespmem:$0x1F9C0]  }
0x120: {  	v6 =	vmul.f32 v2, v6;
	v7 =	vmul.f32 v1, v7  }
0x121: {  	v9 =	vld [tilespmem:$0x1FA10]  }
0x122: {  	v6 =	vadd.f32 v7, v6;
	v7 =	vld [tilespmem:$0x1FA00];
	_ =	sdelay $0x1  }
0x123: {  	v8 =	vmul.f32 v0, v8;
	v5 =	vmul.f32 v0, v5;
	_ =	sdelay $0x1  }
0x124: {  	v4 =	vadd.f32 v5, v4;
	v5 =	vadd.f32 v8, v6;
	v8 =	vld [tilespmem:$0x1FC80]  }
0x125: {  	v9 =	vmul.f32 v1, v9;
	v7 =	vmul.f32 v2, v7;
	_ =	sdelay $0x1  }
0x126: {  	v6 =	vadd.f32 v9, v7;
	v7 =	vld [tilespmem:$0x1FBA0]  }
0x127: {  	v9 =	vld [tilespmem:$0x1FA30]  }
0x128: {  	v4 =	vadd.f32 v4, v8;
	v8 =	vld [tilespmem:$0x1FA20];
	_ =	sdelay $0x3  }
0x129: {  	v7 =	vmul.f32 v0, v7  }
0x12a: {  	v9 =	vmul.f32 v1, v9;
	v8 =	vmul.f32 v2, v8;
	_ =	sdelay $0x1  }
0x12b: {  	v6 =	vadd.f32 v7, v6;
	v7 =	vadd.f32 v9, v8;
	v9 =	vld [tilespmem:$0x1FD80];
	_ =	sdelay $0x3  }
0x12c: {  	v10 =	vld [tilespmem:$0x1FC90];
	v4 =	vmax.f32 v4, $0.0e+00  }
0x12d: {  	v3 =	vadd.f32 $0.0e+00, v3;
	v4 =	vmul.f32 v4, v9  }
0x12e: {  	v8 =	vld [tilespmem:$0x1FBB0]  }
0x12f: {  	v3 =	vadd.f32 v3, v4;
	v4 =	vld [tilespmem:$0x1FD90];
	_ =	sdelay $0x1  }
0x130: {  	v5 =	vadd.f32 v5, v10  }
0x131: {  	v9 =	vld [tilespmem:$0x1FCA0]  }
0x132: {  	v5 =	vmax.f32 v5, $0.0e+00;
	v8 =	vmul.f32 v0, v8  }
0x133: {  	v4 =	vmul.f32 v5, v4  }
0x134: {  	v7 =	vadd.f32 v8, v7;
	v8 =	vld [tilespmem:$0x1FA40]  }
0x135: {  	v3 =	vadd.f32 v3, v4;
	v4 =	vld [tilespmem:$0x1FDA0]  }
0x136: {  	v6 =	vadd.f32 v6, v9;
	v9 =	vld [tilespmem:$0x1FA50];
	_ =	sdelay $0x1  }
0x137: {  	v5 =	vmax.f32 v6, $0.0e+00;
	v6 =	vld [tilespmem:$0x1FCB0];
	_ =	sdelay $0x1  }
0x138: {  	v4 =	vmul.f32 v5, v4  }
0x139: {  	v8 =	vmul.f32 v2, v8;
	v9 =	vmul.f32 v1, v9  }
0x13a: {  	v3 =	vadd.f32 v3, v4;
	v4 =	vld [tilespmem:$0x1FDB0]  }
0x13b: {  	v6 =	vadd.f32 v7, v6;
	v7 =	vadd.f32 v9, v8;
	v8 =	vld [tilespmem:$0x1FBC0];
	_ =	sdelay $0x2  }
0x13c: {  	v5 =	vmax.f32 v6, $0.0e+00  }
0x13d: {  	v4 =	vmul.f32 v5, v4;
	v5 =	vld [tilespmem:$0x1FCC0]  }
0x13e: {  	v8 =	vmul.f32 v0, v8;
	_ =	sdelay $0x1  }
0x13f: {  	v6 =	vadd.f32 v8, v7  }
0x140: {  	v7 =	vld [tilespmem:$0x1FA70]  }
0x141: {  	v5 =	vadd.f32 v6, v5;
	v6 =	vld [tilespmem:$0x1FA60];
	_ =	sdelay $0x3  }
0x142: {  	v8 =	vld [tilespmem:$0x1FA90]  }
0x143: {  	v3 =	vadd.f32 v3, v4;
	v4 =	vld [tilespmem:$0x1FA80];
	v7 =	vmul.f32 v1, v7;
	v6 =	vmul.f32 v2, v6;
	_ =	sdelay $0x1  }
0x144: {  	v6 =	vadd.f32 v7, v6;
	v7 =	vld [tilespmem:$0x1FBD0]  }
0x145: {  	v9 =	vld [tilespmem:$0x1FDC0];
	_ =	sdelay $0x1  }
0x146: {  	v8 =	vmul.f32 v1, v8;
	v4 =	vmul.f32 v2, v4;
	_ =	sdelay $0x1  }
0x147: {  	v5 =	vmax.f32 v5, $0.0e+00;
	v4 =	vadd.f32 v8, v4;
	v8 =	vld [tilespmem:$0x1FBE0];
	v7 =	vmul.f32 v0, v7  }
0x148: {  	v5 =	vmul.f32 v5, v9;
	v9 =	vld [tilespmem:$0x1FAB0]  }
0x149: {  	v6 =	vadd.f32 v7, v6;
	v7 =	vld [tilespmem:$0x1FAA0];
	_ =	sdelay $0x2  }
0x14a: {  	v8 =	vmul.f32 v0, v8  }
0x14b: {  	v10 =	vld [tilespmem:$0x1FAD0]  }
0x14c: {  	v9 =	vmul.f32 v1, v9;
	v4 =	vadd.f32 v8, v4;
	v8 =	vld [tilespmem:$0x1FAC0];
	v7 =	vmul.f32 v2, v7  }
0x14d: {  	v29 =	vld [tilespmem:$0x1FCD0]  }
0x14e: {  	v7 =	vadd.f32 v9, v7;
	v9 =	vld [tilespmem:$0x1FBF0];
	_ =	sdelay $0x2  }
0x14f: {  	v10 =	vmul.f32 v1, v10;
	v8 =	vmul.f32 v2, v8;
	_ =	sdelay $0x1  }
0x150: {  	v6 =	vadd.f32 v6, v29;
	v8 =	vadd.f32 v10, v8;
	v10 =	vld [tilespmem:$0x1FC00];
	v9 =	vmul.f32 v0, v9;
	_ =	sdelay $0x1  }
0x151: {  	v3 =	vadd.f32 v3, v5;
	v5 =	vmax.f32 v6, $0.0e+00;
	v6 =	vadd.f32 v9, v7;
	v7 =	vld [tilespmem:$0x1FDD0];
	_ =	sdelay $0x2  }
0x152: {  	v10 =	vmul.f32 v0, v10  }
0x153: {  	v29 =	vld [tilespmem:$0x1FCE0]  }
0x154: {  	v5 =	vmul.f32 v5, v7;
	v7 =	vadd.f32 v10, v8;
	v8 =	vld [tilespmem:$0x1FCF0];
	_ =	sdelay $0x1  }
0x155: {  	v3 =	vadd.f32 v3, v5;
	v5 =	vld [tilespmem:$0x1FDE0];
	_ =	sdelay $0x1  }
0x156: {  	v4 =	vadd.f32 v4, v29;
	v9 =	vld [tilespmem:$0x1FAF0]  }
0x157: {  	v6 =	vadd.f32 v6, v8;
	v8 =	vld [tilespmem:$0x1FAE0]  }
0x158: {  	v4 =	vmax.f32 v4, $0.0e+00  }
0x159: {  	v4 =	vmul.f32 v4, v5;
	v5 =	vld [tilespmem:$0x1FD00];
	_ =	sdelay $0x1  }
0x15a: {  	v3 =	vadd.f32 v3, v4;
	v4 =	vld [tilespmem:$0x1FDF0]  }
0x15b: {  	v9 =	vmul.f32 v1, v9;
	v8 =	vmul.f32 v2, v8;
	_ =	sdelay $0x1  }
0x15c: {  	v5 =	vadd.f32 v7, v5;
	v7 =	vadd.f32 v9, v8;
	v8 =	vld [tilespmem:$0x1FC10]  }
0x15d: {  	v6 =	vmax.f32 v6, $0.0e+00  }
0x15e: {  	v4 =	vmul.f32 v6, v4;
	v6 =	vld [tilespmem:$0x1FE00];
	_ =	sdelay $0x2  }
0x15f: {  	v8 =	vmul.f32 v0, v8  }
0x160: {  	v5 =	vmax.f32 v5, $0.0e+00;
	v3 =	vadd.f32 v3, v4;
	v4 =	vld [tilespmem:$0x1FB00]  }
0x161: {  	v5 =	vmul.f32 v5, v6;
	v6 =	vadd.f32 v8, v7;
	v7 =	vld [tilespmem:$0x1FB10]  }
0x162: {  	v8 =	vld [tilespmem:$0x1FD10];
	_ =	sdelay $0x2  }
0x163: {  	v9 =	vld [tilespmem:$0x1FE10]  }
0x164: {  	v4 =	vmul.f32 v2, v4  }
0x165: {  	v3 =	vadd.f32 v3, v5;
	v5 =	vld [tilespmem:$0x1FC20];
	v7 =	vmul.f32 v1, v7;
	v6 =	vadd.f32 v6, v8  }
0x166: {  	v8 =	vld [tilespmem:$0x1FB30]  }
0x167: {  	v4 =	vadd.f32 v7, v4;
	v6 =	vmax.f32 v6, $0.0e+00;
	v7 =	vld [tilespmem:$0x1FB20]  }
0x168: {  	v6 =	vmul.f32 v6, v9;
	_ =	sdelay $0x1  }
0x169: {  	v5 =	vmul.f32 v0, v5;
	v3 =	vadd.f32 v3, v6;
	v6 =	vld [tilespmem:$0x1FD20]  }
0x16a: {  	v29 =	vld [tilespmem:$0x1FE20]  }
0x16b: {  	v4 =	vadd.f32 v5, v4;
	v5 =	vld [tilespmem:$0x1FC30];
	v8 =	vmul.f32 v1, v8;
	v7 =	vmul.f32 v2, v7  }
0x16c: {  	v9 =	vld [tilespmem:$0x1FB50]  }
0x16d: {  	v7 =	vadd.f32 v8, v7;
	v8 =	vld [tilespmem:$0x1FB40]  }
0x16e: {  	v4 =	vadd.f32 v4, v6;
	_ =	sdelay $0x1  }
0x16f: {  	v5 =	vmul.f32 v0, v5;
	v4 =	vmax.f32 v4, $0.0e+00  }
0x170: {  	v10 =	vld [tilespmem:$0x1FD30];
	v4 =	vmul.f32 v4, v29  }
0x171: {  	v9 =	vmul.f32 v1, v9;
	v5 =	vadd.f32 v5, v7;
	v7 =	vld [tilespmem:$0x1FC40];
	v8 =	vmul.f32 v2, v8  }
0x172: {  	v3 =	vadd.f32 v3, v4;
	v4 =	vld [tilespmem:$0x1FE30]  }
0x173: {  	v6 =	vadd.f32 v9, v8;
	v8 =	vld [tilespmem:$0x1FB60]  }
0x174: {  	v9 =	vld [tilespmem:$0x1FB80]  }
0x175: {  	v5 =	vadd.f32 v5, v10;
	_ =	sdelay $0x1  }
0x176: {  	v29 =	vld [tilespmem:$0x1FD40];
	v5 =	vmax.f32 v5, $0.0e+00;
	v7 =	vmul.f32 v0, v7  }
0x177: {  	v10 =	vld [tilespmem:$0x1FB90];
	v4 =	vmul.f32 v5, v4  }
0x178: {  	v6 =	vadd.f32 v7, v6;
	v7 =	vld [tilespmem:$0x1FC50];
	v8 =	vmul.f32 v2, v8;
	v9 =	vmul.f32 v1, v9  }
0x179: {  	v3 =	vadd.f32 v3, v4;
	v4 =	vld [tilespmem:$0x1FE40]  }
0x17a: {  	v8 =	vadd.f32 v9, v8;
	v9 =	vld [tilespmem:$0x1FB70]  }
0x17b: {  	v6 =	vadd.f32 v6, v29;
	_ =	sdelay $0x1  }
0x17c: {  	v5 =	vmax.f32 v6, $0.0e+00  }
0x17d: {  	v10 =	vmul.f32 v1, v10;
	v6 =	vld [tilespmem:$0x1FD50];
	v4 =	vmul.f32 v5, v4  }
0x17e: {  	v7 =	vmul.f32 v0, v7;
	v9 =	vmul.f32 v2, v9  }
0x17f: {  	v3 =	vadd.f32 v3, v4;
	v4 =	vld [tilespmem:$0x1FE50]  }
0x180: {  	v7 =	vadd.f32 v7, v8;
	v8 =	vadd.f32 v10, v9;
	v9 =	vld [tilespmem:$0x1FC60];
	_ =	sdelay $0x1  }
0x181: {  	v6 =	vadd.f32 v7, v6;
	_ =	sdelay $0x1  }
0x182: {  	v5 =	vmax.f32 v6, $0.0e+00;
	v6 =	vld [tilespmem:$0x1FD60]  }
0x183: {  	v4 =	vmul.f32 v5, v4;
	v9 =	vmul.f32 v0, v9;
	_ =	sdelay $0x1  }
0x184: {  	v3 =	vadd.f32 v3, v4;
	v4 =	vld [tilespmem:$0x1FE60];
	v7 =	vadd.f32 v9, v8;
	_ =	sdelay $0x1  }
0x185: {  	v6 =	vadd.f32 v7, v6;
	_ =	sdelay $0x1  }
0x186: {  	v5 =	vmax.f32 v6, $0.0e+00  }
0x187: {  	v4 =	vmul.f32 v5, v4;
	_ =	sdelay $0x1  }
0x188: {  	v3 =	vadd.f32 v3, v4;
	v4 =	vld [tilespmem:$0x1F960];
	_ =	sdelay $0x4  }
0x189: {  	v3 =	vadd.f32 v3, v4;
	_ =	sdelay $0x1  }
0x18a: {  	v3 =	vsub.f32 $0.0e+00, v3;
	_ =	sdelay $0x1  }
0x18b: {  	v3 =	vmul.f32 $1.442695020e+00, v3;
	_ =	sdelay $0x1  }
0x18c: {  	(erf) = vpow2.f32 v3;
	_ =	sdelay $0x8  }
0x18d: {  	v3 =	vpop (erf)  }
0x18e: {  	v3 =	vadd.f32 $1.000000000e+00, v3;
	_ =	sdelay $0x1  }
0x18f: {  	(erf) = vrcp.f32 v3;
	_ =	sdelay $0x5  }
0x190: {  	v5 =	vld [tilespmem:s15+$0x40];
	_ =	sdelay $0x2  }
0x191: {  	v3 =	vpop (erf)  }
0x192: {  	v4 =	vmov s9;
	v2 =	vmul.f32 v3, v2  }
0x193: {  	[tilespmem:$0x1F830] =	vst v5;
	v1 =	vmul.f32 v3, v1  }
0x194: {  	v0 =	vmul.f32 v3, v0;
	[tilespmem:$0x12360] =	vst v2  }
0x195: {  	[tilespmem:$0x12370] =	vst v1  }
0x196: {  	v1 =	vand.u32 $0xE, v4;
	[tilespmem:$0x12380] =	vst v0  }
0x197: {  	v0 =	vor.u32 $0x20, v1;
	v2 =	vld.idx.msk [tilespmem:v4+s18+$0x0], $0xffff;
	_ =	sdelay $0x4  }
0x198: {  	v4 =	vld.idx.msk [tilespmem:v0+s18+$0x0], $0xffff;
	v0 =	vmul.f32 v2, v14;
	_ =	sdelay $0x1  }
0x199: {  	[tilespmem:$0x1F890] =	vst v0;
	v0 =	vmul.f32 v2, v13;
	_ =	sdelay $0x1  }
0x19a: {  	[tilespmem:$0x1F860] =	vst v0;
	v0 =	vld [tilespmem:$0x1FE90]  }
0x19b: {  	v3 =	vor.u32 $0x10, v1;
	_ =	sdelay $0x3  }
0x19c: {  	v33 =	vmul.f32 v2, v0;
	v0 =	vmul.f32 v4, v28  }
0x19d: {  	v5 =	vld.idx.msk [tilespmem:v3+s18+$0x0], $0xffff  }
0x19e: {  	v6 =	vld [tilespmem:s13+$0x70];
	[tilespmem:$0x1F8C0] =	vst v0;
	v0 =	vmul.f32 v4, v26;
	_ =	sdelay $0x1  }
0x19f: {  	[tilespmem:$0x1F8A0] =	vst v0;
	v0 =	vmul.f32 v4, v27;
	_ =	sdelay $0x1  }
0x1a0: {  	v8 =	vld [tilespmem:s13+$0xF0];
	[tilespmem:$0x1F870] =	vst v0;
	v0 =	vmul.f32 v5, v20;
	_ =	sdelay $0x1  }
0x1a1: {  	[tilespmem:$0x1F8B0] =	vst v0;
	v0 =	vmul.f32 v4, v36;
	_ =	sdelay $0x1  }
0x1a2: {  	v9 =	vld [tilespmem:s13+$0x60];
	[tilespmem:$0x1F840] =	vst v0;
	v0 =	vmul.f32 v5, v19;
	_ =	sdelay $0x3  }
0x1a3: {  	s5 =	simm.s32 $0x1;
	v34 =	vmul.f32 v2, v12;
	v37 =	vmul.f32 v2, v11;
	[tilespmem:$0x1F880] =	vst v0;
	v0 =	vmov v35  }
0x1a4: {  	v7 =	vmov s5;
	v40 =	vmul.f32 v2, v49;
	v61 =	vmovc v0;
	v0 =	vmul.f32 v5, v18  }
0x1a5: {  	v56 =	vld [tilespmem:$0x1FE70];
	v42 =	vmul.f32 v2, v50;
	v43 =	vmul.f32 v2, v48  }
0x1a6: {  	v38 =	vmul.f32 v4, v22;
	v30 =	vmul.f32 v4, v21;
	v10 =	vld [tilespmem:s13+$0xE0];
	[tilespmem:$0x1F850] =	vst v0  }
0x1a7: {  	v47 =	vmov v11;
	v44 =	vmul.f32 v4, v51;
	v32 =	vmul.f32 v5, v17;
	v11 =	vld [tilespmem:s13+$0x50]  }
0x1a8: {  	v3 =	vmovc v12;
	v31 =	vmul.f32 v5, v16;
	v41 =	vmul.f32 v5, v15;
	v6 =	vsub.f32 $0.0e+00, v6;
	v12 =	vld [tilespmem:s13+$0xD0]  }
0x1a9: {  	v39 =	vmovc v26;
	v29 =	vmul.f32 v5, v24;
	v26 =	vmovc v21;
	v21 =	vmov v13;
	v8 =	vsub.f32 $0.0e+00, v8;
	v13 =	vld.idx.msk [tilespmem:v7+s18+$0x0], $0xffff  }
0x1aa: {  	v6 =	vmul.f32 $1.442695020e+00, v6;
	v35 =	vmul.f32 v4, v35;
	v9 =	vsub.f32 $0.0e+00, v9;
	v4 =	vld [tilespmem:s13+$0x40]  }
0x1ab: {  	v45 =	vmul.f32 v5, v23;
	v8 =	vmul.f32 $1.442695020e+00, v8;
	v5 =	vld [tilespmem:s13+$0xC0];
	v10 =	vsub.f32 $0.0e+00, v10  }
0x1ac: {  	v2 =	vmov v14;
	(erf) = vpow2.f32 v6;
	v9 =	vmul.f32 $1.442695020e+00, v9;
	v14 =	vld [tilespmem:s13+$0x30]  }
0x1ad: {  	v58 =	vmovc v36;
	v36 =	vmovc v16;
	(erf) = vpow2.f32 v8;
	v7 =	vand.u32 $0xF, v7;
	v16 =	vld [tilespmem:s13+$0xB0];
	v10 =	vmul.f32 $1.442695020e+00, v10  }
0x1ae: {  	v63 =	vmovc v15;
	v1 =	vmov v17;
	v17 =	vld [tilespmem:s13+$0x20];
	(erf) = vpow2.f32 v9;
	v15 =	vor.u32 $0x20, v7  }
0x1af: {  	v25 =	vmovc v24;
	v24 =	vld [tilespmem:s13+$0x90];
	v7 =	vor.u32 $0x10, v7;
	(erf) = vpow2.f32 v10;
	v11 =	vsub.f32 $0.0e+00, v11  }
0x1b0: {  	v60 =	vmovc v19;
	v59 =	vld [tilespmem:s13+$0x0];
	v12 =	vsub.f32 $0.0e+00, v12;
	v4 =	vsub.f32 $0.0e+00, v4;
	v19 =	vmul.f32 v13, v21  }
0x1b1: {  	v55 =	vmovc v27;
	v57 =	vmovc v20;
	v62 =	vld [tilespmem:s13+$0x80];
	v20 =	vmul.f32 v13, v2;
	v27 =	vmul.f32 v13, v3;
	v5 =	vsub.f32 $0.0e+00, v5  }
0x1b2: {  	v54 =	vmovc v28;
	v0 =	vmovc v18;
	v18 =	vld [tilespmem:s13+$0xA0];
	v28 =	vmul.f32 v13, v49;
	v46 =	vmul.f32 v13, v47;
	v14 =	vsub.f32 $0.0e+00, v14  }
0x1b3: {  	v47 =	vmul.f32 v13, v56;
	v16 =	vsub.f32 $0.0e+00, v16;
	v17 =	vsub.f32 $0.0e+00, v17  }
0x1b4: {  	v24 =	vsub.f32 $0.0e+00, v24;
	v11 =	vmul.f32 $1.442695020e+00, v11;
	v12 =	vmul.f32 $1.442695020e+00, v12  }
0x1b5: {  	v3 =	vmovc v23;
	v23 =	vld [tilespmem:$0x1FE90];
	v48 =	vsub.f32 $0.0e+00, v59;
	v4 =	vmul.f32 $1.442695020e+00, v4;
	v5 =	vmul.f32 $1.442695020e+00, v5  }
0x1b6: {  	v49 =	vsub.f32 $0.0e+00, v62;
	v15 =	vld.idx.msk [tilespmem:v15+s18+$0x0], $0xffff;
	v14 =	vmul.f32 $1.442695020e+00, v14;
	v16 =	vmul.f32 $1.442695020e+00, v16  }
0x1b7: {  	v18 =	vsub.f32 $0.0e+00, v18;
	v17 =	vmul.f32 $1.442695020e+00, v17;
	v24 =	vmul.f32 $1.442695020e+00, v24  }
0x1b8: {  	v7 =	vld.idx.msk [tilespmem:v7+s18+$0x0], $0xffff;
	v48 =	vmul.f32 $1.442695020e+00, v48;
	v49 =	vmul.f32 $1.442695020e+00, v49  }
0x1b9: {  	v6 =	vld [tilespmem:s11+$0x20];
	v18 =	vmul.f32 $1.442695020e+00, v18;
	(erf) = vpow2.f32 v11  }
0x1ba: {  	v2 =	vmov v51;
	v51 =	vld [tilespmem:s11+$0x60];
	v23 =	vmul.f32 v13, v23;
	v13 =	vmul.f32 v13, v50  }
0x1bb: {  	v8 =	vld [tilespmem:s11+$0x10];
	(erf) = vpow2.f32 v12;
	v52 =	vmul.f32 v15, v39  }
0x1bc: {  	v21 =	vld [tilespmem:s13+$0x10];
	v53 =	vmul.f32 v15, v54;
	v55 =	vmul.f32 v15, v55  }
0x1bd: {  	v9 =	vld [tilespmem:s11+$0x0];
	v56 =	vmul.f32 v7, v57;
	v58 =	vmul.f32 v15, v58  }
0x1be: {  	v50 =	vld [tilespmem:s11+$0x70];
	v59 =	vmul.f32 v7, v60;
	v61 =	vmul.f32 v15, v61  }
0x1bf: {  	v19 =	vadd.f32 v51, v19;
	v39 =	vmovc v54;
	v54 =	vld [tilespmem:s11+$0x50];
	v62 =	vmul.f32 v7, v0;
	v51 =	vmul.f32 v15, v22  }
0x1c0: {  	v6 =	vadd.f32 v6, v28;
	v57 =	vld [tilespmem:s11+$0x40];
	v10 =	vmul.f32 v15, v26;
	v11 =	vmul.f32 v15, v2  }
0x1c1: {  	v21 =	vsub.f32 $0.0e+00, v21;
	v60 =	vld [tilespmem:s11+$0x30];
	v12 =	vmul.f32 v7, v3;
	(erf) = vpow2.f32 v4  }
0x1c2: {  	v4 =	vadd.f32 v9, v47;
	(erf) = vpow2.f32 v5;
	v5 =	vadd.f32 v19, v59  }
0x1c3: {  	v21 =	vmul.f32 $1.442695020e+00, v21;
	v8 =	vadd.f32 v8, v13;
	(erf) = vpow2.f32 v14  }
0x1c4: {  	v20 =	vadd.f32 v50, v20;
	v50 =	vmul.f32 v7, v1;
	v5 =	vadd.f32 v5, v52  }
0x1c5: {  	v23 =	vadd.f32 v54, v23;
	v54 =	vmul.f32 v7, v36;
	v22 =	vadd.f32 v57, v27  }
0x1c6: {  	v46 =	vadd.f32 v60, v46;
	v57 =	vmul.f32 v7, v63;
	v9 =	vadd.f32 v20, v56  }
0x1c7: {  	v7 =	vmul.f32 v7, v25;
	v19 =	vsub.f32 $0.0e+00, v5;
	v13 =	vadd.f32 v22, v50  }
0x1c8: {  	(erf) = vpow2.f32 v16;
	v14 =	vadd.f32 v23, v62;
	v6 =	vadd.f32 v6, v57  }
0x1c9: {  	(erf) = vpow2.f32 v17;
	v15 =	vadd.f32 v46, v54;
	v4 =	vadd.f32 v4, v7  }
0x1ca: {  	v16 =	vpop (erf);
	(erf) = vpow2.f32 v18;
	v7 =	vadd.f32 v8, v12;
	v9 =	vadd.f32 v9, v53  }
0x1cb: {  	v8 =	vpop (erf);
	(erf) = vpow2.f32 v21;
	v13 =	vadd.f32 v13, v58;
	v14 =	vadd.f32 v14, v55  }
0x1cc: {  	v12 =	vpop (erf);
	(erf) = vpow2.f32 v24;
	v15 =	vadd.f32 v15, v61;
	v9 =	vsub.f32 $0.0e+00, v9  }
0x1cd: {  	v17 =	vpop (erf);
	(erf) = vpow2.f32 v48;
	v6 =	vadd.f32 v6, v51;
	v7 =	vadd.f32 v7, v10  }
0x1ce: {  	v4 =	vadd.f32 v4, v11;
	v18 =	vpop (erf);
	v10 =	vsub.f32 $0.0e+00, v14;
	v9 =	vmul.f32 $1.442695020e+00, v9  }
0x1cf: {  	(erf) = vpow2.f32 v49;
	v5 =	vpop (erf);
	v11 =	vsub.f32 $0.0e+00, v13;
	v13 =	vmul.f32 $1.442695020e+00, v19  }
0x1d0: {  	v14 =	vld [tilespmem:s13+$0xFFFFFF00];
	v15 =	vsub.f32 $0.0e+00, v15;
	v20 =	vpop (erf);
	v10 =	vmul.f32 $1.442695020e+00, v10;
	(erf) = vpow2.f32 v9  }
0x1d1: {  	v4 =	vsub.f32 $0.0e+00, v4;
	v21 =	vpop (erf);
	v11 =	vmul.f32 $1.442695020e+00, v11;
	v9 =	vld [tilespmem:s13+$0xFFFFFF10];
	(erf) = vpow2.f32 v13  }
0x1d2: {  	v6 =	vsub.f32 $0.0e+00, v6;
	v15 =	vmul.f32 $1.442695020e+00, v15;
	v22 =	vpop (erf);
	(erf) = vpow2.f32 v10;
	v10 =	vld [tilespmem:s11+$0xFFFFFF80]  }
0x1d3: {  	v4 =	vmul.f32 $1.442695020e+00, v4;
	v23 =	vpop (erf)  }
0x1d4: {  	v7 =	vsub.f32 $0.0e+00, v7;
	v6 =	vmul.f32 $1.442695020e+00, v6;
	v13 =	vld [tilespmem:s13+$0xFFFFFF90];
	v24 =	vpop (erf);
	(erf) = vpow2.f32 v11  }
0x1d5: {  	v46 =	vsub.f32 $0.0e+00, v14;
	v14 =	vpop (erf);
	(erf) = vpow2.f32 v15  }
0x1d6: {  	v16 =	vadd.f32 $1.000000000e+00, v16;
	v7 =	vmul.f32 $1.442695020e+00, v7;
	v15 =	vpop (erf);
	(erf) = vpow2.f32 v4  }
0x1d7: {  	v19 =	vld [tilespmem:s13+$0xFFFFFF80];
	v4 =	vsub.f32 $0.0e+00, v9;
	v9 =	vpop (erf);
	(erf) = vpow2.f32 v6;
	v10 =	vadd.f32 v10, v43  }
0x1d8: {  	v8 =	vadd.f32 $1.000000000e+00, v8;
	v6 =	vpop (erf);
	(erf) = vpow2.f32 v7  }
0x1d9: {  	v12 =	vadd.f32 $1.000000000e+00, v12;
	v11 =	vld [tilespmem:s11+$0xFFFFFF90];
	v50 =	vsub.f32 $0.0e+00, v13;
	v13 =	vpop (erf);
	(erf) = vrcp.f32 v16  }
0x1da: {  	v27 =	vmov v3;
	v16 =	vadd.f32 $1.000000000e+00, v17;
	v17 =	vpop (erf);
	(erf) = vrcp.f32 v8  }
0x1db: {  	v3 =	vadd.f32 v10, v29;
	v8 =	vadd.f32 $1.000000000e+00, v18;
	v10 =	vpop (erf);
	(erf) = vrcp.f32 v12  }
0x1dc: {  	v48 =	vsub.f32 $0.0e+00, v19;
	v18 =	vpop (erf);
	(erf) = vrcp.f32 v16  }
0x1dd: {  	v12 =	vadd.f32 $1.000000000e+00, v20;
	v20 =	vpop (erf);
	(erf) = vrcp.f32 v8;
	v8 =	vadd.f32 $1.000000000e+00, v24  }
0x1de: {  	v19 =	vadd.f32 $1.000000000e+00, v22;
	v11 =	vadd.f32 v11, v42;
	v22 =	vpop (erf)  }
0x1df: {  	(erf) = vrcp.f32 v12;
	v12 =	vadd.f32 $1.000000000e+00, v15;
	v15 =	vpop (erf)  }
0x1e0: {  	v11 =	vadd.f32 v11, v45;
	(erf) = vrcp.f32 v19;
	v2 =	vadd.f32 $1.000000000e+00, v15;
	v15 =	vpop (erf)  }
0x1e1: {  	v6 =	vadd.f32 $1.000000000e+00, v6;
	(erf) = vrcp.f32 v8;
	v8 =	vpop (erf)  }
0x1e2: {  	v11 =	vadd.f32 v11, v30;
	(erf) = vrcp.f32 v12;
	v8 =	vadd.f32 $1.000000000e+00, v8  }
0x1e3: {  	v13 =	vadd.f32 $1.000000000e+00, v13;
	(erf) = vrcp.f32 v2  }
0x1e4: {  	v12 =	vld [tilespmem:s11+$0xFFFFFFC0];
	v51 =	vpop (erf);
	(erf) = vrcp.f32 v6;
	v6 =	vsub.f32 $0.0e+00, v11;
	v11 =	vadd.f32 $1.000000000e+00, v15  }
0x1e5: {  	v15 =	vadd.f32 $1.000000000e+00, v22;
	v2 =	vpop (erf)  }
0x1e6: {  	v9 =	vadd.f32 $1.000000000e+00, v9;
	(erf) = vrcp.f32 v8;
	v8 =	vpop (erf)  }
0x1e7: {  	v7 =	vld [tilespmem:s11+$0xFFFFFFA0];
	(erf) = vrcp.f32 v13;
	v13 =	vpop (erf)  }
0x1e8: {  	v0 =	vld [tilespmem:$0x1F840];
	(erf) = vrcp.f32 v11;
	v11 =	vpop (erf)  }
0x1e9: {  	v20 =	vadd.f32 $1.000000000e+00, v20;
	v12 =	vadd.f32 v12, v34;
	(erf) = vrcp.f32 v15;
	v15 =	vpop (erf)  }
0x1ea: {  	v14 =	vadd.f32 $1.000000000e+00, v14;
	(erf) = vrcp.f32 v9;
	v9 =	vpop (erf)  }
0x1eb: {  	v18 =	vadd.f32 $1.000000000e+00, v18;
	v19 =	vld [tilespmem:s11+$0xFFFFFFD0];
	v12 =	vadd.f32 v12, v32;
	(erf) = vrcp.f32 v20;
	v22 =	vpop (erf)  }
0x1ec: {  	v7 =	vadd.f32 v7, v40;
	v20 =	vadd.f32 $1.000000000e+00, v23;
	(erf) = vrcp.f32 v14;
	v23 =	vpop (erf)  }
0x1ed: {  	v10 =	vadd.f32 $1.000000000e+00, v10;
	v12 =	vadd.f32 v12, v0;
	v0 =	vld [tilespmem:$0x1F850];
	(erf) = vrcp.f32 v18;
	v24 =	vpop (erf)  }
0x1ee: {  	v60 =	vmov v25;
	v21 =	vadd.f32 $1.000000000e+00, v21;
	v16 =	vld [tilespmem:s11+$0xFFFFFFB0];
	v25 =	vpop (erf);
	(erf) = vrcp.f32 v20  }
0x1ef: {  	v17 =	vadd.f32 $1.000000000e+00, v17;
	v7 =	vadd.f32 v7, v41;
	v14 =	vld [tilespmem:s0+$0x0];
	v54 =	vpop (erf);
	(erf) = vrcp.f32 v10  }
0x1f0: {  	v5 =	vadd.f32 $1.000000000e+00, v5;
	v18 =	vadd.f32 v19, v33;
	v19 =	vld [tilespmem:s0+$0x10];
	v55 =	vpop (erf);
	(erf) = vrcp.f32 v21  }
0x1f1: {  	v3 =	vadd.f32 v3, v44;
	v7 =	vadd.f32 v7, v38;
	v20 =	vld [tilespmem:s11+$0xFFFFFFE0];
	v57 =	vpop (erf);
	(erf) = vrcp.f32 v17  }
0x1f2: {  	(erf) = vrcp.f32 v5;
	v5 =	vadd.f32 v18, v0;
	v0 =	vld [tilespmem:$0x1F860]  }
0x1f3: {  	v3 =	vsub.f32 $0.0e+00, v3;
	v7 =	vsub.f32 $0.0e+00, v7  }
0x1f4: {  	v10 =	vadd.f32 $-5.000000000e-01, v24;
	v24 =	vld [tilespmem:s0+$0x20];
	v21 =	vadd.f32 $-5.000000000e-01, v54  }
0x1f5: {  	v56 =	vld [tilespmem:s0+$0x30];
	v3 =	vmul.f32 $1.442695020e+00, v3;
	v7 =	vmul.f32 $1.442695020e+00, v7  }
0x1f6: {  	v16 =	vadd.f32 v16, v37;
	v6 =	vmul.f32 $1.442695020e+00, v6;
	v10 =	vmul.f32 v10, v14  }
0x1f7: {  	v14 =	vpop (erf);
	v17 =	vmul.f32 v21, v19;
	v18 =	vadd.f32 $-5.000000000e-01, v57;
	v20 =	vadd.f32 v20, v0;
	v0 =	vld [tilespmem:$0x1F870]  }
0x1f8: {  	v25 =	vmul.f32 v10, v25;
	v10 =	vmul.f32 v10, v55;
	v14 =	vadd.f32 $-5.000000000e-01, v14;
	v21 =	vpop (erf)  }
0x1f9: {  	v16 =	vadd.f32 v16, v31;
	v19 =	vld [tilespmem:s0+$0x40];
	v23 =	vmul.f32 v17, v23;
	v18 =	vmul.f32 v18, v24;
	v31 =	vpop (erf)  }
0x1fa: {  	v17 =	vmul.f32 v17, v21;
	v14 =	vmul.f32 v14, v56;
	v21 =	vadd.f32 $-5.000000000e-01, v31  }
0x1fb: {  	v10 =	vadd.f32 $0.0e+00, v10;
	(erf) = vpow2.f32 v3;
	v24 =	vpop (erf);
	v31 =	vld [tilespmem:s0+$0x60];
	v22 =	vmul.f32 v18, v22  }
0x1fc: {  	(erf) = vpow2.f32 v6;
	v30 =	vpop (erf);
	v18 =	vmul.f32 v18, v24;
	v5 =	vadd.f32 v5, v0;
	v0 =	vld [tilespmem:$0x1F880]  }
0x1fd: {  	v9 =	vmul.f32 v14, v9;
	v10 =	vadd.f32 v17, v10;
	v24 =	vadd.f32 $-5.000000000e-01, v30;
	v30 =	vpop (erf)  }
0x1fe: {  	v25 =	vadd.f32 $0.0e+00, v25;
	v19 =	vmul.f32 v21, v19;
	v14 =	vmul.f32 v14, v30;
	v21 =	vpop (erf)  }
0x1ff: {  	v10 =	vadd.f32 v18, v10;
	v18 =	vmul.f32 $1.442695020e+00, v46;
	v21 =	vadd.f32 $-5.000000000e-01, v21;
	v30 =	vpop (erf)  }
0x200: {  	v23 =	vadd.f32 v23, v25;
	v25 =	vld [tilespmem:s11+$0xFFFFFFF0];
	(erf) = vpow2.f32 v7;
	v61 =	vpop (erf)  }
0x201: {  	v21 =	vmul.f32 v21, v31;
	v31 =	vpop (erf);
	(erf) = vpow2.f32 v18;
	v18 =	vadd.f32 v20, v0;
	v0 =	vld [tilespmem:$0x1F890];
	_ =	sdelay $0x3  }
0x202: {  	v16 =	vadd.f32 v16, v35  }
0x203: {  	v1 =	vadd.f32 v25, v0;
	v0 =	vld [tilespmem:$0x1F8A0]  }
0x204: {  	v58 =	vld [tilespmem:s0+$0x50];
	v16 =	vsub.f32 $0.0e+00, v16;
	v8 =	vmul.f32 v21, v8  }
0x205: {  	v3 =	vld [tilespmem:s13+$0xFFFFFF20];
	v13 =	vmul.f32 v21, v13;
	v21 =	vmul.f32 $1.442695020e+00, v48  }
0x206: {  	v16 =	vmul.f32 $1.442695020e+00, v16;
	v6 =	vld [tilespmem:s13+$0xFFFFFFA0]  }
0x207: {  	v4 =	vmul.f32 $1.442695020e+00, v4;
	v7 =	vsub.f32 $0.0e+00, v12;
	v12 =	vld [tilespmem:s13+$0xFFFFFF30];
	(erf) = vpow2.f32 v21  }
0x208: {  	v22 =	vadd.f32 v22, v23;
	(erf) = vpow2.f32 v16;
	v16 =	vadd.f32 v18, v0;
	v0 =	vld [tilespmem:$0x1F8B0]  }
0x209: {  	v7 =	vmul.f32 $1.442695020e+00, v7;
	v24 =	vmul.f32 v24, v58  }
0x20a: {  	v15 =	vmul.f32 v19, v15;
	v3 =	vsub.f32 $0.0e+00, v3;
	v9 =	vadd.f32 v9, v22  }
0x20b: {  	v6 =	vsub.f32 $0.0e+00, v6;
	v19 =	vmul.f32 v19, v30;
	v11 =	vmul.f32 v24, v11;
	v20 =	vld [tilespmem:s13+$0xFFFFFFB0]  }
0x20c: {  	v59 =	vld [tilespmem:s0+$0x70];
	v3 =	vmul.f32 $1.442695020e+00, v3;
	v12 =	vsub.f32 $0.0e+00, v12;
	v21 =	vmul.f32 $1.442695020e+00, v50  }
0x20d: {  	v6 =	vmul.f32 $1.442695020e+00, v6;
	(erf) = vpow2.f32 v4;
	v1 =	vadd.f32 v1, v0;
	v0 =	vld [tilespmem:$0x1F8C0]  }
0x20e: {  	v24 =	vmul.f32 v24, v31;
	v5 =	vsub.f32 $0.0e+00, v5;
	(erf) = vpow2.f32 v21;
	v18 =	vld [tilespmem:s13+$0xFFFFFFC0]  }
0x20f: {  	v30 =	vadd.f32 $-5.000000000e-01, v61;
	v12 =	vmul.f32 $1.442695020e+00, v12;
	v4 =	vld [tilespmem:s13+$0xFFFFFF40];
	(erf) = vpow2.f32 v7  }
0x210: {  	v5 =	vmul.f32 $1.442695020e+00, v5;
	v7 =	vpop (erf);
	v20 =	vsub.f32 $0.0e+00, v20;
	(erf) = vpow2.f32 v3  }
0x211: {  	v10 =	vadd.f32 v14, v10;
	v17 =	vmul.f32 v30, v59;
	v3 =	vpop (erf);
	(erf) = vpow2.f32 v6;
	v6 =	vld [tilespmem:s13+$0xFFFFFF50]  }
0x212: {  	v20 =	vmul.f32 $1.442695020e+00, v20;
	(erf) = vpow2.f32 v5;
	v0 =	vadd.f32 v1, v0;
	v1 =	vpop (erf)  }
0x213: {  	v5 =	vld [tilespmem:s13+$0xFFFFFFD0];
	v16 =	vsub.f32 $0.0e+00, v16;
	v21 =	vpop (erf);
	(erf) = vpow2.f32 v12;
	v12 =	vsub.f32 $0.0e+00, v18  }
0x214: {  	v2 =	vmul.f32 v17, v2;
	v7 =	vadd.f32 $1.000000000e+00, v7;
	v4 =	vsub.f32 $0.0e+00, v4  }
0x215: {  	v3 =	vadd.f32 $1.000000000e+00, v3;
	v16 =	vmul.f32 $1.442695020e+00, v16;
	v18 =	vpop (erf);
	(erf) = vpow2.f32 v20  }
0x216: {  	v4 =	vmul.f32 $1.442695020e+00, v4;
	v6 =	vsub.f32 $0.0e+00, v6;
	v14 =	vpop (erf);
	(erf) = vrcp.f32 v7  }
0x217: {  	v0 =	vsub.f32 $0.0e+00, v0;
	v7 =	vmul.f32 $1.442695020e+00, v12;
	v12 =	vpop (erf);
	(erf) = vpow2.f32 v16;
	v16 =	vld [tilespmem:s13+$0xFFFFFF60]  }
0x218: {  	v5 =	vsub.f32 $0.0e+00, v5;
	v6 =	vmul.f32 $1.442695020e+00, v6;
	v20 =	vpop (erf);
	(erf) = vpow2.f32 v4  }
0x219: {  	v0 =	vmul.f32 $1.442695020e+00, v0;
	v4 =	vld [tilespmem:s13+$0xFFFFFFE0];
	v22 =	vpop (erf);
	(erf) = vpow2.f32 v7  }
0x21a: {  	v5 =	vmul.f32 $1.442695020e+00, v5;
	v7 =	vadd.f32 v15, v9;
	v9 =	vpop (erf);
	(erf) = vrcp.f32 v3  }
0x21b: {  	v1 =	vadd.f32 $1.000000000e+00, v1;
	v3 =	vadd.f32 v19, v10;
	v10 =	vpop (erf);
	(erf) = vpow2.f32 v0  }
0x21c: {  	v18 =	vadd.f32 $1.000000000e+00, v18;
	v15 =	vpop (erf);
	(erf) = vpow2.f32 v6;
	v16 =	vsub.f32 $0.0e+00, v16  }
0x21d: {  	v19 =	vadd.f32 $1.000000000e+00, v21;
	v0 =	vmul.f32 v17, v51;
	(erf) = vpow2.f32 v5;
	v5 =	vld [tilespmem:s13+$0xFFFFFFF0]  }
0x21e: {  	v7 =	vadd.f32 v11, v7;
	v6 =	vld [tilespmem:s13+$0xFFFFFF70];
	v21 =	vpop (erf);
	v4 =	vsub.f32 $0.0e+00, v4;
	(erf) = vrcp.f32 v1  }
0x21f: {  	v3 =	vadd.f32 v24, v3;
	v1 =	vpop (erf);
	v11 =	vmul.f32 $1.442695020e+00, v16;
	(erf) = vrcp.f32 v19  }
0x220: {  	v14 =	vadd.f32 $1.000000000e+00, v14;
	v4 =	vmul.f32 $1.442695020e+00, v4;
	v16 =	vpop (erf);
	(erf) = vrcp.f32 v18  }
0x221: {  	v7 =	vadd.f32 v8, v7;
	v3 =	vadd.f32 v13, v3;
	v18 =	vpop (erf);
	(erf) = vpow2.f32 v11  }
0x222: {  	v17 =	vpop (erf);
	(erf) = vpow2.f32 v4;
	v4 =	vsub.f32 $0.0e+00, v5;
	v5 =	vadd.f32 $1.000000000e+00, v20  }
0x223: {  	v6 =	vsub.f32 $0.0e+00, v6;
	v11 =	vadd.f32 $1.000000000e+00, v12;
	v12 =	vpop (erf)  }
0x224: {  	v41 =	vadd.f32 v0, v7;
	v19 =	vpop (erf);
	(erf) = vrcp.f32 v14  }
0x225: {  	v2 =	vadd.f32 v2, v3;
	v6 =	vmul.f32 $1.442695020e+00, v6;
	(erf) = vrcp.f32 v11;
	v8 =	vpop (erf)  }
0x226: {  	v0 =	vadd.f32 $1.000000000e+00, v22;
	v4 =	vmul.f32 $1.442695020e+00, v4;
	(erf) = vrcp.f32 v5;
	v5 =	vpop (erf)  }
0x227: {  	v7 =	vpop (erf);
	(erf) = vpow2.f32 v6;
	v6 =	vld [tilespmem:s0+$0xFFFFFF80];
	[tilespmem:$0x1F950] =	vst v2;
	v2 =	vadd.f32 $1.000000000e+00, v9;
	v9 =	vadd.f32 $1.000000000e+00, v10  }
0x228: {  	v10 =	vadd.f32 $1.000000000e+00, v15;
	v3 =	vpop (erf);
	(erf) = vpow2.f32 v4  }
0x229: {  	v4 =	vld [tilespmem:s0+$0xFFFFFF90];
	v11 =	vpop (erf);
	(erf) = vrcp.f32 v0  }
0x22a: {  	v13 =	vpop (erf);
	(erf) = vrcp.f32 v2;
	v2 =	vadd.f32 $-5.000000000e-01, v16;
	v16 =	vadd.f32 $-5.000000000e-01, v19  }
0x22b: {  	v1 =	vadd.f32 $1.000000000e+00, v1;
	v0 =	vadd.f32 $1.000000000e+00, v21;
	(erf) = vrcp.f32 v9;
	v9 =	vpop (erf)  }
0x22c: {  	v14 =	vadd.f32 $1.000000000e+00, v18;
	v12 =	vadd.f32 $1.000000000e+00, v12;
	(erf) = vrcp.f32 v10;
	v10 =	vpop (erf)  }
0x22d: {  	s24 =	simm.s32 $0x2;
	v15 =	vadd.f32 $1.000000000e+00, v17;
	v2 =	vmul.f32 v2, v6;
	v6 =	vpop (erf);
	(erf) = vrcp.f32 v0  }
0x22e: {  	v17 =	vmov s24;
	v0 =	vld [tilespmem:s0+$0xFFFFFFA0];
	v4 =	vmul.f32 v16, v4;
	v16 =	vpop (erf);
	(erf) = vrcp.f32 v1  }
0x22f: {  	v1 =	vadd.f32 $1.000000000e+00, v5;
	v5 =	vadd.f32 $1.000000000e+00, v7;
	v7 =	vpop (erf);
	(erf) = vrcp.f32 v14  }
0x230: {  	v8 =	vadd.f32 $1.000000000e+00, v8;
	(erf) = vrcp.f32 v15  }
0x231: {  	v3 =	vadd.f32 $-5.000000000e-01, v3;
	v11 =	vmul.f32 v2, v11;
	v14 =	vld [tilespmem:s0+$0xFFFFFFB0];
	v15 =	vpop (erf);
	(erf) = vrcp.f32 v12  }
0x232: {  	v9 =	vadd.f32 $1.000000000e+00, v9;
	v2 =	vmul.f32 v2, v13;
	v12 =	vpop (erf);
	(erf) = vrcp.f32 v8  }
0x233: {  	v24 =	vld [tilespmem:$0x1FF60];
	v10 =	vadd.f32 $1.000000000e+00, v10;
	v13 =	vpop (erf);
	v0 =	vmul.f32 v3, v0;
	(erf) = vrcp.f32 v1  }
0x234: {  	v3 =	vadd.f32 $-5.000000000e-01, v6;
	v6 =	vpop (erf);
	v1 =	vmul.f32 v4, v16;
	v4 =	vmul.f32 v4, v7;
	v7 =	vld.idx.msk [tilespmem:v17+s18+$0x0], $0xffff  }
0x235: {  	v62 =	vld [tilespmem:$0x1FE90];
	v18 =	vpop (erf)  }
0x236: {  	v42 =	vld [tilespmem:$0x1FF90];
	(erf) = vrcp.f32 v5;
	v3 =	vmul.f32 v3, v14;
	v14 =	vpop (erf)  }
0x237: {  	v8 =	vld [tilespmem:s0+$0xFFFFFFC0];
	v5 =	vadd.f32 $1.000000000e+00, v15;
	(erf) = vrcp.f32 v9;
	v9 =	vpop (erf)  }
0x238: {  	v44 =	vld [tilespmem:$0x1FE70];
	v12 =	vadd.f32 $1.000000000e+00, v12;
	(erf) = vrcp.f32 v10;
	v10 =	vpop (erf);
	v9 =	vmul.f32 v3, v9  }
0x239: {  	v15 =	vld [tilespmem:s0+$0xFFFFFFD0];
	v3 =	vmul.f32 v3, v10;
	v10 =	vmul.f32 v7, v24  }
0x23a: {  	v37 =	vld [tilespmem:$0x1FF10];
	v16 =	vand.u32 $0xE, v17;
	v13 =	vadd.f32 $-5.000000000e-01, v13;
	v6 =	vmul.f32 v0, v6  }
0x23b: {  	v32 =	vld [tilespmem:$0x1FF00];
	v0 =	vmul.f32 v0, v18;
	v18 =	vor.u32 $0x20, v16;
	(erf) = vrcp.f32 v5;
	v5 =	vpop (erf)  }
0x23c: {  	v17 =	vld [tilespmem:s0+$0xFFFFFFE0];
	v8 =	vmul.f32 v13, v8;
	v13 =	vadd.f32 $-5.000000000e-01, v14;
	(erf) = vrcp.f32 v12;
	v12 =	vpop (erf)  }
0x23d: {  	v11 =	vadd.f32 $0.0e+00, v11;
	v14 =	vld [tilespmem:s0+$0xFFFFFFF0];
	[tilespmem:$0x1F8D0] =	vst v10;
	v10 =	vpop (erf)  }
0x23e: {  	v19 =	vld [tilespmem:$0x1FF40];
	v13 =	vmul.f32 v13, v15;
	v15 =	vpop (erf)  }
0x23f: {  	v56 =	vld [tilespmem:$0x1FFE0];
	v16 =	vor.u32 $0x10, v16;
	v1 =	vadd.f32 v1, v11;
	v15 =	vadd.f32 $-5.000000000e-01, v15  }
0x240: {  	v31 =	vld [tilespmem:$0x1FEC0];
	v2 =	vadd.f32 $0.0e+00, v2;
	v5 =	vadd.f32 $-5.000000000e-01, v5  }
0x241: {  	v1 =	vadd.f32 v6, v1;
	v12 =	vmul.f32 v8, v12;
	v11 =	vld.idx.msk [tilespmem:v18+s18+$0x0], $0xffff;
	v8 =	vmul.f32 v8, v10;
	v10 =	vpop (erf)  }
0x242: {  	v25 =	vld [tilespmem:$0x1FF30];
	v2 =	vadd.f32 v4, v2;
	v5 =	vmul.f32 v5, v17;
	v17 =	vpop (erf)  }
0x243: {  	v20 =	vld [tilespmem:$0x1FEA0];
	v34 =	vmul.f32 v7, v19;
	v1 =	vadd.f32 v9, v1;
	v14 =	vmul.f32 v15, v14;
	v15 =	vpop (erf)  }
0x244: {  	v0 =	vadd.f32 v0, v2;
	v35 =	vmul.f32 v7, v62;
	v4 =	vld.idx.msk [tilespmem:v16+s18+$0x0], $0xffff;
	v10 =	vmul.f32 v13, v10;
	v16 =	vpop (erf)  }
0x245: {  	v59 =	vld [tilespmem:$0x1FE80];
	v1 =	vadd.f32 v12, v1;
	v13 =	vmul.f32 v13, v17;
	v17 =	vmul.f32 v7, v37;
	v6 =	vpop (erf)  }
0x246: {  	v30 =	vld [tilespmem:$0x1FFA0];
	v23 =	vmul.f32 v14, v6;
	v6 =	vmul.f32 v11, v39  }
0x247: {  	s24 =	sadd.s32 $0x200, s13;
	v40 =	vmul.f32 v7, v25;
	v0 =	vadd.f32 v3, v0;
	v10 =	vadd.f32 v10, v1;
	v1 =	vld [tilespmem:$0x1FF70];
	[tilespmem:$0x1F8E0] =	vst v17;
	v2 =	vpop (erf)  }
0x248: {  	v55 =	vmul.f32 v14, v2;
	v2 =	vld [tilespmem:s24+$0x70];
	[tilespmem:$0x1F8F0] =	vst v6;
	v6 =	vmul.f32 v11, v20  }
0x249: {  	v47 =	vmul.f32 v7, v56;
	v8 =	vadd.f32 v8, v0;
	v0 =	vld [tilespmem:$0x1FF80];
	v3 =	vmul.f32 v11, v31  }
0x24a: {  	v33 =	vld [tilespmem:$0x1FEF0];
	v26 =	vmul.f32 v7, v59;
	v15 =	vmul.f32 v5, v15;
	[tilespmem:$0x1F900] =	vst v6  }
0x24b: {  	v50 =	vmul.f32 v7, v44;
	v7 =	vld [tilespmem:s24+$0xF0];
	[tilespmem:$0x1F910] =	vst v3;
	v3 =	vmul.f32 v4, v30  }
0x24c: {  	s25 =	simm.s32 $0x3;
	v9 =	vmul.f32 v4, v42;
	v10 =	vadd.f32 v15, v10;
	v15 =	vld [tilespmem:$0x1FFB0]  }
0x24d: {  	v46 =	vmul.f32 v4, v1;
	v1 =	vld [tilespmem:$0x1FEE0];
	v6 =	vmov s25;
	[tilespmem:$0x1F920] =	vst v3  }
0x24e: {  	v0 =	vmul.f32 v4, v0;
	v3 =	vld [tilespmem:s24+$0x60];
	[tilespmem:$0x1F930] =	vst v9  }
0x24f: {  	v9 =	vld [tilespmem:s24+$0xE0]  }
0x250: {  	[tilespmem:$0x1F940] =	vst v0;
	v0 =	vld [tilespmem:$0x1FED0]  }
0x251: {  	v38 =	vmul.f32 v11, v32;
	v45 =	vmul.f32 v11, v33;
	v12 =	vld [tilespmem:s24+$0x50]  }
0x252: {  	v49 =	vmul.f32 v4, v63;
	v8 =	vadd.f32 v13, v8;
	v5 =	vmul.f32 v5, v16;
	v13 =	vld.idx.msk [tilespmem:v6+s18+$0x0], $0xffff  }
0x253: {  	v53 =	vmul.f32 v4, v60;
	v52 =	vmul.f32 v4, v27;
	v14 =	vld [tilespmem:s24+$0xD0]  }
0x254: {  	v51 =	vmul.f32 v11, v15;
	v15 =	vadd.f32 v5, v8;
	v5 =	vand.u32 $0xF, v6;
	v6 =	vld [tilespmem:s24+$0x30]  }
0x255: {  	v48 =	vmul.f32 v11, v1;
	v1 =	vmul.f32 v4, v36;
	v16 =	vld [tilespmem:s24+$0xB0]  }
0x256: {  	v8 =	vsub.f32 $0.0e+00, v2;
	v21 =	vor.u32 $0x20, v5;
	v4 =	vld [tilespmem:s24+$0xC0];
	v0 =	vmul.f32 v11, v0  }
0x257: {  	v28 =	vld [tilespmem:s24+$0x0];
	v18 =	vsub.f32 $0.0e+00, v3;
	v58 =	vmul.f32 v13, v19;
	v19 =	vmul.f32 v13, v24  }
0x258: {  	v11 =	vld [tilespmem:s24+$0x40];
	v22 =	vsub.f32 $0.0e+00, v14;
	v43 =	vmul.f32 v13, v25;
	v60 =	vmul.f32 v13, v62  }
0x259: {  	v14 =	vld [tilespmem:s24+$0xA0];
	v3 =	vmul.f32 v13, v56;
	v57 =	vmul.f32 v13, v37;
	v6 =	vsub.f32 $0.0e+00, v6  }
0x25a: {  	v24 =	vld [tilespmem:s24+$0x10];
	v2 =	vmul.f32 v13, v44;
	v56 =	vmul.f32 v13, v59;
	v13 =	vsub.f32 $0.0e+00, v16  }
0x25b: {  	s23 =	sadd.s32 $0x100, s11;
	v5 =	vor.u32 $0x10, v5;
	v36 =	vmul.f32 $1.442695020e+00, v8;
	v25 =	vsub.f32 $0.0e+00, v4;
	v4 =	vld.idx.msk [tilespmem:v21+s18+$0x0], $0xffff  }
0x25c: {  	v8 =	vmul.f32 $1.442695020e+00, v6;
	v6 =	vmul.f32 $1.442695020e+00, v13;
	v13 =	vld [tilespmem:s23+$0x70]  }
0x25d: {  	v17 =	vld [tilespmem:s24+$0x20]  }
0x25e: {  	v27 =	vld [tilespmem:s24+$0x90];
	v11 =	vsub.f32 $0.0e+00, v11  }
0x25f: {  	s8 =	simm.s32 $0x12078;
	v29 =	vld [tilespmem:s24+$0x80];
	v59 =	vsub.f32 $0.0e+00, v14  }
0x260: {  	[tilespmem:s8+$0x0] =	vst v41;
	v62 =	vld.idx.msk [tilespmem:v5+s18+$0x0], $0xffff;
	v21 =	vsub.f32 $0.0e+00, v24;
	v5 =	vmul.f32 $1.442695020e+00, v11;
	v11 =	vsub.f32 $0.0e+00, v28  }
0x261: {  	v28 =	vadd.f32 v23, v10;
	v10 =	vmul.f32 v4, v20;
	v20 =	vadd.f32 v13, v19;
	v13 =	vld [tilespmem:$0x1F950]  }
0x262: {  	v7 =	vsub.f32 $0.0e+00, v7;
	v12 =	vsub.f32 $0.0e+00, v12  }
0x263: {  	v23 =	vld [tilespmem:s24+$0xFFFFFF90];
	v61 =	vmul.f32 $1.442695020e+00, v59;
	v59 =	vmul.f32 $1.442695020e+00, v21;
	v21 =	vadd.f32 v55, v15  }
0x264: {  	s25 =	simm.s32 $0x121F8;
	v9 =	vsub.f32 $0.0e+00, v9;
	v54 =	vsub.f32 $0.0e+00, v17;
	v17 =	vmul.f32 $1.442695020e+00, v7;
	v7 =	vld [tilespmem:s24+$0xFFFFFF00];
	[tilespmem:s8+$0xFFFFFFE8] =	vst v28  }
0x265: {  	v14 =	vmul.f32 $1.442695020e+00, v12;
	v12 =	vmul.f32 $1.442695020e+00, v22;
	v22 =	vsub.f32 $0.0e+00, v27;
	v27 =	vld [tilespmem:s24+$0xFFFFFF80];
	[tilespmem:s25+$0xFFFFFFE8] =	vst v21  }
0x266: {  	(erf) = vpow2.f32 v36;
	v18 =	vmul.f32 $1.442695020e+00, v18;
	v24 =	vsub.f32 $0.0e+00, v29;
	v29 =	vld [tilespmem:s24+$0xFFFFFF10];
	[tilespmem:s25+$0x0] =	vst v13  }
0x267: {  	v16 =	vmul.f32 $1.442695020e+00, v9;
	v9 =	vmul.f32 $1.442695020e+00, v25;
	v21 =	vld [tilespmem:$0x1FF80]  }
0x268: {  	v55 =	vmul.f32 $1.442695020e+00, v11;
	v11 =	vmul.f32 v4, v39;
	v39 =	vsub.f32 $0.0e+00, v23;
	v23 =	vld [tilespmem:$0x1FF70]  }
0x269: {  	v63 =	vmul.f32 $1.442695020e+00, v54;
	v25 =	vld [tilespmem:s23+$0x50];
	v37 =	vsub.f32 $0.0e+00, v7;
	v7 =	vmul.f32 v4, v31  }
0x26a: {  	v44 =	vmul.f32 $1.442695020e+00, v22;
	v54 =	vmul.f32 $1.442695020e+00, v24;
	v24 =	vld [tilespmem:s23+$0x60]  }
0x26b: {  	v19 =	vmul.f32 v62, v30;
	v15 =	vmul.f32 v4, v32;
	v28 =	vld [tilespmem:s23+$0x30]  }
0x26c: {  	v22 =	vmul.f32 v62, v42;
	v41 =	vsub.f32 $0.0e+00, v27;
	v27 =	vld [tilespmem:s23+$0x40];
	v13 =	vmul.f32 v4, v33  }
0x26d: {  	s10 =	smov.u32 s0;
	s5 =	simm.s32 $0x4;
	v36 =	vsub.f32 $0.0e+00, v29;
	v29 =	vld [tilespmem:s23+$0x20];
	v21 =	vmul.f32 v62, v21;
	v23 =	vmul.f32 v62, v23  }
.LBB2_4:
0x26e: {  	v30 =	vld [tilespmem:s23+$0x10]  }
0x26f: {  	v31 =	vld [tilespmem:$0x1FED0]  }
0x270: {  	v32 =	vld [tilespmem:$0x1FF20]  }
0x271: {  	(erf) = vpow2.f32 v17;
	v42 =	vld [tilespmem:$0x1FEE0]  }
0x272: {  	v33 =	vld [tilespmem:$0x1FF50];
	(erf) = vpow2.f32 v18  }
0x273: {  	v17 =	vld [tilespmem:s23+$0x0];
	(erf) = vpow2.f32 v16  }
0x274: {  	v19 =	vadd.f32 v20, v19;
	(erf) = vpow2.f32 v14;
	v24 =	vadd.f32 v24, v58  }
0x275: {  	v25 =	vadd.f32 v25, v60;
	v27 =	vadd.f32 v27, v43;
	v60 =	vld [tilespmem:$0x1FFB0];
	(erf) = vpow2.f32 v12  }
0x276: {  	v28 =	vadd.f32 v28, v57;
	v31 =	vmul.f32 v4, v31;
	v58 =	vmul.f32 v62, v32  }
0x277: {  	v3 =	vadd.f32 v29, v3;
	v32 =	vmul.f32 v4, v42;
	v43 =	vmul.f32 v62, v33  }
0x278: {  	v29 =	vadd.f32 v30, v56;
	(erf) = vpow2.f32 v5;
	v17 =	vadd.f32 v17, v2  }
0x279: {  	v2 =	vld [tilespmem:$0x1FFD0];
	(erf) = vpow2.f32 v9;
	v9 =	vadd.f32 v24, v22;
	v20 =	vadd.f32 v25, v21  }
0x27a: {  	(erf) = vpow2.f32 v8;
	v8 =	vadd.f32 v27, v23;
	v33 =	vmul.f32 v4, v60;
	v4 =	vld [tilespmem:$0x1FFC0]  }
0x27b: {  	(erf) = vpow2.f32 v6;
	v21 =	vpop (erf);
	v6 =	vadd.f32 v3, v43;
	v3 =	vadd.f32 v28, v58  }
0x27c: {  	v9 =	vadd.f32 v9, v10;
	v10 =	vadd.f32 v19, v11;
	(erf) = vpow2.f32 v63;
	v22 =	vpop (erf)  }
0x27d: {  	v7 =	vadd.f32 v20, v7;
	v8 =	vadd.f32 v8, v15;
	(erf) = vpow2.f32 v61;
	v24 =	vpop (erf)  }
0x27e: {  	v42 =	vmul.f32 v62, v2;
	v13 =	vadd.f32 v3, v13;
	(erf) = vpow2.f32 v59;
	v11 =	vpop (erf)  }
0x27f: {  	v10 =	vsub.f32 $0.0e+00, v10;
	(erf) = vpow2.f32 v44;
	v15 =	vpop (erf);
	v30 =	vmul.f32 v62, v4  }
0x280: {  	v19 =	vadd.f32 v6, v31;
	v9 =	vsub.f32 $0.0e+00, v9;
	(erf) = vpow2.f32 v55;
	v3 =	vpop (erf)  }
0x281: {  	v17 =	vadd.f32 v17, v42;
	(erf) = vpow2.f32 v54;
	v20 =	vpop (erf);
	v23 =	vadd.f32 v29, v30  }
0x282: {  	v7 =	vsub.f32 $0.0e+00, v7;
	v8 =	vsub.f32 $0.0e+00, v8;
	v28 =	vmul.f32 $1.442695020e+00, v10;
	v6 =	vpop (erf)  }
0x283: {  	v18 =	vld [tilespmem:s23+$0xFFFFFF80];
	v9 =	vmul.f32 $1.442695020e+00, v9;
	v17 =	vadd.f32 v17, v33;
	v27 =	vpop (erf);
	v23 =	vadd.f32 v23, v32  }
0x284: {  	v16 =	vld [tilespmem:s23+$0xFFFFFF90];
	v13 =	vsub.f32 $0.0e+00, v13;
	v7 =	vmul.f32 $1.442695020e+00, v7;
	v10 =	vpop (erf);
	(erf) = vpow2.f32 v28  }
0x285: {  	v8 =	vmul.f32 $1.442695020e+00, v8;
	v17 =	vsub.f32 $0.0e+00, v17;
	v25 =	vpop (erf);
	(erf) = vpow2.f32 v9  }
0x286: {  	v13 =	vmul.f32 $1.442695020e+00, v13;
	v9 =	vsub.f32 $0.0e+00, v19;
	v19 =	vpop (erf);
	(erf) = vpow2.f32 v7  }
0x287: {  	v28 =	vmul.f32 $1.442695020e+00, v17;
	v17 =	vsub.f32 $0.0e+00, v23;
	v23 =	vpop (erf);
	(erf) = vpow2.f32 v8  }
0x288: {  	v9 =	vmul.f32 $1.442695020e+00, v9;
	v8 =	vadd.f32 v18, v50;
	v18 =	vpop (erf);
	(erf) = vpow2.f32 v13  }
0x289: {  	v13 =	vadd.f32 v16, v26;
	v16 =	vmul.f32 $1.442695020e+00, v17;
	(erf) = vpow2.f32 v28;
	v7 =	vpop (erf)  }
0x28a: {  	v26 =	vadd.f32 $1.000000000e+00, v21;
	v21 =	vpop (erf);
	(erf) = vpow2.f32 v9  }
0x28b: {  	v9 =	vadd.f32 v13, v52;
	v13 =	vadd.f32 $1.000000000e+00, v22;
	(erf) = vpow2.f32 v16  }
0x28c: {  	v16 =	vadd.f32 $1.000000000e+00, v24;
	(erf) = vrcp.f32 v26  }
0x28d: {  	v14 =	vld [tilespmem:s23+$0xFFFFFFA0];
	v11 =	vadd.f32 $1.000000000e+00, v11;
	v17 =	vpop (erf);
	(erf) = vrcp.f32 v13  }
0x28e: {  	v13 =	vadd.f32 $1.000000000e+00, v15;
	v15 =	vpop (erf);
	(erf) = vrcp.f32 v16  }
0x28f: {  	v12 =	vld [tilespmem:s23+$0xFFFFFFB0];
	v8 =	vadd.f32 v8, v53;
	v26 =	vadd.f32 $1.000000000e+00, v20;
	v20 =	vpop (erf);
	(erf) = vrcp.f32 v11  }
0x290: {  	v22 =	vpop (erf);
	(erf) = vrcp.f32 v13;
	v13 =	vld [tilespmem:$0x1F8E0]  }
0x291: {  	v8 =	vadd.f32 v8, v51  }
0x292: {  	v14 =	vadd.f32 v14, v47  }
0x293: {  	v9 =	vadd.f32 v9, v48;
	v8 =	vsub.f32 $0.0e+00, v8  }
0x294: {  	v5 =	vld [tilespmem:s23+$0xFFFFFFC0];
	v11 =	vadd.f32 v14, v49;
	v14 =	vadd.f32 $1.000000000e+00, v27  }
0x295: {  	v24 =	vpop (erf);
	(erf) = vrcp.f32 v26;
	v12 =	vadd.f32 v12, v13;
	v13 =	vadd.f32 $1.000000000e+00, v25  }
0x296: {  	v42 =	vmul.f32 $1.442695020e+00, v8;
	v8 =	vadd.f32 $1.000000000e+00, v23;
	v16 =	vpop (erf);
	(erf) = vrcp.f32 v14  }
0x297: {  	v7 =	vadd.f32 $1.000000000e+00, v7;
	v14 =	vadd.f32 $1.000000000e+00, v16;
	v16 =	vpop (erf);
	(erf) = vrcp.f32 v13  }
0x298: {  	v9 =	vsub.f32 $0.0e+00, v9;
	v0 =	vadd.f32 v11, v0;
	v11 =	vpop (erf);
	(erf) = vrcp.f32 v8  }
0x299: {  	v23 =	vadd.f32 $1.000000000e+00, v11;
	v47 =	vpop (erf);
	v11 =	vadd.f32 v5, v40;
	(erf) = vrcp.f32 v14  }
0x29a: {  	v5 =	vpop (erf);
	v1 =	vadd.f32 v12, v1;
	v12 =	vadd.f32 $1.000000000e+00, v21;
	(erf) = vrcp.f32 v7  }
0x29b: {  	v16 =	vadd.f32 $1.000000000e+00, v16;
	v8 =	vpop (erf);
	(erf) = vrcp.f32 v23  }
0x29c: {  	v21 =	vadd.f32 $1.000000000e+00, v24;
	v7 =	vmul.f32 $1.442695020e+00, v9;
	v9 =	vpop (erf);
	(erf) = vrcp.f32 v12  }
0x29d: {  	v23 =	vadd.f32 $1.000000000e+00, v18;
	v13 =	vpop (erf);
	(erf) = vrcp.f32 v16  }
0x29e: {  	v14 =	vpop (erf);
	v16 =	vadd.f32 $1.000000000e+00, v22;
	(erf) = vrcp.f32 v21  }
0x29f: {  	v1 =	vadd.f32 v1, v45;
	v18 =	vadd.f32 $1.000000000e+00, v19;
	v12 =	vpop (erf);
	(erf) = vrcp.f32 v23  }
0x2a0: {  	v20 =	vadd.f32 $1.000000000e+00, v20;
	v21 =	vpop (erf);
	(erf) = vrcp.f32 v16  }
0x2a1: {  	v4 =	vld [tilespmem:s23+$0xFFFFFFD0];
	v16 =	vsub.f32 $0.0e+00, v1;
	v1 =	vadd.f32 $1.000000000e+00, v10;
	v10 =	vpop (erf);
	(erf) = vrcp.f32 v18  }
0x2a2: {  	v0 =	vsub.f32 $0.0e+00, v0;
	v22 =	vpop (erf);
	(erf) = vrcp.f32 v20  }
0x2a3: {  	s10 =	sadd.s32 $0x100, s10;
	v24 =	vadd.f32 $-5.000000000e-01, v22;
	v22 =	vpop (erf);
	(erf) = vrcp.f32 v1;
	v1 =	vld [tilespmem:$0x1F940]  }
0x2a4: {  	v19 =	vmul.f32 $1.442695020e+00, v0;
	v0 =	vld [tilespmem:s10+$0x0];
	_ =	sdelay $0x1  }
0x2a5: {  	v4 =	vadd.f32 v4, v35;
	v15 =	vadd.f32 $1.000000000e+00, v15;
	v18 =	vld [tilespmem:s10+$0x10]  }
0x2a6: {  	v6 =	vadd.f32 $1.000000000e+00, v6  }
0x2a7: {  	v17 =	vadd.f32 $1.000000000e+00, v17;
	v23 =	vpop (erf);
	(erf) = vrcp.f32 v15;
	v4 =	vadd.f32 v4, v1;
	v1 =	vld [tilespmem:s10+$0x20]  }
0x2a8: {  	v0 =	vmul.f32 v24, v0;
	v15 =	vadd.f32 $-5.000000000e-01, v23;
	v20 =	vpop (erf);
	(erf) = vrcp.f32 v6  }
0x2a9: {  	v3 =	vadd.f32 $1.000000000e+00, v3;
	v6 =	vld [tilespmem:s10+$0x30];
	v23 =	vpop (erf);
	(erf) = vrcp.f32 v17  }
0x2aa: {  	v26 =	vmul.f32 v0, v22;
	v15 =	vmul.f32 v15, v18;
	v18 =	vadd.f32 $-5.000000000e-01, v23;
	v22 =	vpop (erf)  }
0x2ab: {  	v0 =	vmul.f32 v0, v20;
	v25 =	vadd.f32 $-5.000000000e-01, v22;
	v22 =	vld [tilespmem:s10+$0x40];
	v23 =	vpop (erf);
	(erf) = vrcp.f32 v3  }
0x2ac: {  	v3 =	vadd.f32 $0.0e+00, v26;
	v10 =	vmul.f32 v15, v10;
	v17 =	vpop (erf);
	v1 =	vmul.f32 v18, v1  }
0x2ad: {  	v15 =	vmul.f32 v15, v23;
	v23 =	vld [tilespmem:s10+$0x50];
	v27 =	vadd.f32 $-5.000000000e-01, v17;
	v24 =	vpop (erf);
	v18 =	vadd.f32 $0.0e+00, v0  }
0x2ae: {  	v6 =	vmul.f32 v25, v6;
	v3 =	vadd.f32 v10, v3;
	v20 =	vpop (erf);
	v10 =	vmul.f32 v1, v21  }
0x2af: {  	v15 =	vadd.f32 v15, v18;
	v1 =	vmul.f32 v1, v24;
	v24 =	vadd.f32 $-5.000000000e-01, v20  }
0x2b0: {  	v20 =	vld [tilespmem:s10+$0x60];
	v21 =	vpop (erf);
	v3 =	vadd.f32 v10, v3;
	v10 =	vmul.f32 v6, v12;
	v12 =	vmul.f32 v27, v22  }
0x2b1: {  	v17 =	vpop (erf);
	v15 =	vadd.f32 v1, v15;
	v6 =	vmul.f32 v6, v21  }
0x2b2: {  	v21 =	vld [tilespmem:s10+$0x70];
	v22 =	vpop (erf);
	v3 =	vadd.f32 v10, v3;
	v10 =	vmul.f32 v12, v14;
	v14 =	vmul.f32 v24, v23  }
0x2b3: {  	v25 =	vadd.f32 $-5.000000000e-01, v17;
	v18 =	vpop (erf);
	v6 =	vadd.f32 v6, v15;
	v12 =	vmul.f32 v12, v22  }
0x2b4: {  	v15 =	vadd.f32 $-5.000000000e-01, v18;
	v17 =	vpop (erf);
	v3 =	vadd.f32 v10, v3;
	v10 =	vmul.f32 v14, v13  }
0x2b5: {  	v13 =	vmul.f32 v25, v20;
	v6 =	vadd.f32 v12, v6;
	v12 =	vmul.f32 v14, v17  }
0x2b6: {  	v3 =	vadd.f32 v10, v3  }
0x2b7: {  	v10 =	vmul.f32 v15, v21;
	v6 =	vadd.f32 v12, v6;
	v9 =	vmul.f32 v13, v9;
	_ =	sdelay $0x1  }
0x2b8: {  	(erf) = vpow2.f32 v42;
	v6 =	vadd.f32 v9, v6;
	v5 =	vmul.f32 v10, v5;
	_ =	sdelay $0x1  }
0x2b9: {  	v5 =	vadd.f32 v5, v6;
	v6 =	vld [tilespmem:$0x1F910]  }
0x2ba: {  	v11 =	vadd.f32 v11, v46;
	(erf) = vpow2.f32 v7  }
0x2bb: {  	v7 =	vmul.f32 $1.442695020e+00, v37;
	v8 =	vmul.f32 v13, v8  }
0x2bc: {  	v2 =	vld [tilespmem:s23+$0xFFFFFFE0];
	v11 =	vadd.f32 v11, v38;
	(erf) = vpow2.f32 v19  }
0x2bd: {  	(erf) = vpow2.f32 v7;
	v12 =	vmul.f32 $1.442695020e+00, v41;
	v3 =	vadd.f32 v8, v3  }
0x2be: {  	v8 =	vmul.f32 v10, v47;
	v9 =	vmul.f32 $1.442695020e+00, v16;
	v4 =	vadd.f32 v4, v6;
	v6 =	vld [tilespmem:$0x1F930]  }
0x2bf: {  	(erf) = vpow2.f32 v12  }
0x2c0: {  	v3 =	vadd.f32 v8, v3;
	v8 =	vsub.f32 $0.0e+00, v11;
	v11 =	vpop (erf);
	(erf) = vpow2.f32 v9;
	v9 =	vld [tilespmem:$0x1F900]  }
0x2c1: {  	v2 =	vadd.f32 v2, v34  }
0x2c2: {  	v43 =	vld [tilespmem:s23+$0xFFFFFFF0]  }
0x2c3: {  	v7 =	vld [tilespmem:$0x1F8D0];
	v2 =	vadd.f32 v2, v6;
	_ =	sdelay $0x1  }
0x2c4: {  	v2 =	vadd.f32 v2, v9;
	v9 =	vld [tilespmem:$0x1F920];
	_ =	sdelay $0x1  }
0x2c5: {  	s8 =	sadd.s32 $0x30, s8  }
0x2c6: {  	v57 =	vld [tilespmem:s24+$0xFFFFFF20];
	v7 =	vadd.f32 v43, v7;
	[tilespmem:s8+$0x0] =	vst v3;
	v3 =	vmul.f32 $1.442695020e+00, v36  }
0x2c7: {  	v63 =	vld [tilespmem:s24+$0xFFFFFFA0];
	v6 =	vmul.f32 $1.442695020e+00, v39  }
0x2c8: {  	v8 =	vmul.f32 $1.442695020e+00, v8;
	v7 =	vadd.f32 v7, v9;
	v9 =	vpop (erf);
	(erf) = vpow2.f32 v3  }
0x2c9: {  	v62 =	vld [tilespmem:s24+$0xFFFFFF30];
	(erf) = vpow2.f32 v6  }
0x2ca: {  	s25 =	sadd.s32 $0x30, s25;
	(erf) = vpow2.f32 v8;
	v8 =	vld [tilespmem:$0x1F8F0]  }
0x2cb: {  	v44 =	vld [tilespmem:s24+$0xFFFFFFB0];
	[tilespmem:s25+$0x0] =	vst v5;
	v5 =	vsub.f32 $0.0e+00, v57  }
0x2cc: {  	v10 =	vsub.f32 $0.0e+00, v63  }
0x2cd: {  	v5 =	vmul.f32 $1.442695020e+00, v5  }
0x2ce: {  	v60 =	vld [tilespmem:s24+$0xFFFFFF40];
	v4 =	vsub.f32 $0.0e+00, v4;
	v3 =	vmul.f32 $1.442695020e+00, v10  }
0x2cf: {  	v61 =	vld [tilespmem:s24+$0xFFFFFFC0];
	v10 =	vsub.f32 $0.0e+00, v62;
	v7 =	vadd.f32 v7, v8;
	v8 =	vpop (erf);
	(erf) = vpow2.f32 v5  }
0x2d0: {  	v4 =	vmul.f32 $1.442695020e+00, v4;
	v6 =	vsub.f32 $0.0e+00, v44  }
0x2d1: {  	v58 =	vld [tilespmem:s24+$0xFFFFFF50];
	v5 =	vmul.f32 $1.442695020e+00, v10;
	v12 =	vpop (erf);
	(erf) = vpow2.f32 v3;
	v3 =	vadd.f32 $1.000000000e+00, v11  }
0x2d2: {  	v59 =	vld [tilespmem:s24+$0xFFFFFFD0];
	v2 =	vsub.f32 $0.0e+00, v2;
	v6 =	vmul.f32 $1.442695020e+00, v6;
	v13 =	vpop (erf);
	(erf) = vpow2.f32 v4  }
0x2d3: {  	v10 =	vsub.f32 $0.0e+00, v60;
	v14 =	vpop (erf);
	(erf) = vpow2.f32 v5  }
0x2d4: {  	v2 =	vmul.f32 $1.442695020e+00, v2;
	v11 =	vsub.f32 $0.0e+00, v61;
	(erf) = vpow2.f32 v6  }
0x2d5: {  	v7 =	vsub.f32 $0.0e+00, v7;
	v4 =	vmul.f32 $1.442695020e+00, v10;
	(erf) = vrcp.f32 v3;
	v3 =	vpop (erf)  }
0x2d6: {  	v55 =	vld [tilespmem:s24+$0xFFFFFF60];
	v5 =	vmul.f32 $1.442695020e+00, v11;
	v6 =	vadd.f32 $1.000000000e+00, v9;
	v15 =	vpop (erf);
	(erf) = vpow2.f32 v2  }
0x2d7: {  	v10 =	vsub.f32 $0.0e+00, v58;
	v11 =	vsub.f32 $0.0e+00, v59;
	v16 =	vpop (erf);
	(erf) = vpow2.f32 v4  }
0x2d8: {  	v56 =	vld [tilespmem:s24+$0xFFFFFFE0];
	v7 =	vmul.f32 $1.442695020e+00, v7;
	v4 =	vadd.f32 $1.000000000e+00, v12;
	v12 =	vpop (erf);
	(erf) = vpow2.f32 v5  }
0x2d9: {  	v8 =	vadd.f32 $1.000000000e+00, v8;
	v9 =	vmul.f32 $1.442695020e+00, v10;
	(erf) = vrcp.f32 v6  }
0x2da: {  	v2 =	vmul.f32 $1.442695020e+00, v11;
	v6 =	vpop (erf);
	(erf) = vpow2.f32 v7  }
0x2db: {  	v10 =	vsub.f32 $0.0e+00, v55;
	v5 =	vadd.f32 $1.000000000e+00, v13;
	v17 =	vpop (erf);
	(erf) = vpow2.f32 v9  }
0x2dc: {  	v54 =	vld [tilespmem:s24+$0xFFFFFF70];
	v9 =	vadd.f32 $1.000000000e+00, v15;
	v15 =	vpop (erf);
	(erf) = vpow2.f32 v2  }
0x2dd: {  	v50 =	vld [tilespmem:s24+$0xFFFFFFF0];
	v11 =	vsub.f32 $0.0e+00, v56;
	v10 =	vmul.f32 $1.442695020e+00, v10;
	(erf) = vrcp.f32 v8;
	v8 =	vpop (erf)  }
0x2de: {  	v3 =	vadd.f32 $1.000000000e+00, v3;
	v2 =	vadd.f32 $1.000000000e+00, v16;
	v16 =	vpop (erf);
	(erf) = vrcp.f32 v4  }
0x2df: {  	v11 =	vmul.f32 $1.442695020e+00, v11;
	v7 =	vadd.f32 $1.000000000e+00, v14;
	(erf) = vrcp.f32 v5;
	v5 =	vpop (erf)  }
0x2e0: {  	v48 =	vld [tilespmem:s10+$0xFFFFFF80];
	v4 =	vadd.f32 $1.000000000e+00, v6;
	v6 =	vadd.f32 $1.000000000e+00, v17;
	v17 =	vpop (erf);
	(erf) = vpow2.f32 v10  }
0x2e1: {  	v13 =	vsub.f32 $0.0e+00, v54;
	v10 =	vadd.f32 $-5.000000000e-01, v16;
	v16 =	vpop (erf);
	(erf) = vpow2.f32 v11  }
0x2e2: {  	v14 =	vsub.f32 $0.0e+00, v50;
	v11 =	vadd.f32 $1.000000000e+00, v17;
	v17 =	vpop (erf);
	(erf) = vrcp.f32 v7  }
0x2e3: {  	v13 =	vmul.f32 $1.442695020e+00, v13;
	(erf) = vrcp.f32 v3;
	v3 =	vpop (erf)  }
0x2e4: {  	v12 =	vadd.f32 $1.000000000e+00, v12;
	v14 =	vmul.f32 $1.442695020e+00, v14;
	(erf) = vrcp.f32 v9;
	v9 =	vpop (erf)  }
0x2e5: {  	v49 =	vld [tilespmem:s10+$0xFFFFFF90];
	v7 =	vmul.f32 v10, v48;
	v10 =	vadd.f32 $-5.000000000e-01, v17;
	v17 =	vpop (erf);
	(erf) = vpow2.f32 v13  }
0x2e6: {  	v33 =	vld [tilespmem:$0x1FF70];
	v15 =	vadd.f32 $1.000000000e+00, v15;
	v13 =	vadd.f32 $1.000000000e+00, v17;
	v17 =	vpop (erf);
	(erf) = vpow2.f32 v14  }
0x2e7: {  	v34 =	vld [tilespmem:$0x1FF80];
	v8 =	vadd.f32 $1.000000000e+00, v8;
	v14 =	vadd.f32 $-5.000000000e-01, v17;
	v17 =	vpop (erf);
	(erf) = vrcp.f32 v2  }
0x2e8: {  	v30 =	vld [tilespmem:$0x1FE70];
	v5 =	vadd.f32 $1.000000000e+00, v5;
	v2 =	vmul.f32 v7, v17;
	v17 =	vpop (erf);
	(erf) = vrcp.f32 v12  }
0x2e9: {  	v29 =	vld [tilespmem:$0x1FEB0];
	v16 =	vadd.f32 $1.000000000e+00, v16;
	v3 =	vadd.f32 $1.000000000e+00, v3;
	(erf) = vrcp.f32 v4;
	v4 =	vpop (erf)  }
0x2ea: {  	v51 =	vld [tilespmem:s10+$0xFFFFFFA0];
	v10 =	vmul.f32 v10, v49;
	v9 =	vadd.f32 $1.000000000e+00, v9;
	(erf) = vrcp.f32 v6;
	v6 =	vpop (erf)  }
0x2eb: {  	v32 =	vld [tilespmem:$0x1FEF0];
	v12 =	vmov s5;
	v7 =	vmul.f32 v7, v17;
	v17 =	vpop (erf);
	(erf) = vrcp.f32 v15  }
0x2ec: {  	v52 =	vld [tilespmem:s10+$0xFFFFFFB0];
	v2 =	vadd.f32 $0.0e+00, v2;
	v15 =	vadd.f32 $-5.000000000e-01, v17;
	v17 =	vpop (erf);
	(erf) = vrcp.f32 v8  }
0x2ed: {  	v53 =	vld [tilespmem:s10+$0xFFFFFFC0];
	v4 =	vadd.f32 $1.000000000e+00, v4;
	v8 =	vmul.f32 v10, v17;
	v17 =	vpop (erf);
	(erf) = vrcp.f32 v5  }
0x2ee: {  	v24 =	vld [tilespmem:$0x1FE90];
	v7 =	vadd.f32 $0.0e+00, v7;
	v10 =	vmul.f32 v10, v17;
	(erf) = vrcp.f32 v11;
	v11 =	vpop (erf)  }
0x2ef: {  	v22 =	vld [tilespmem:$0x1FF30];
	v14 =	vmul.f32 v14, v51;
	v2 =	vadd.f32 v8, v2;
	v8 =	vadd.f32 $1.000000000e+00, v11;
	v11 =	vpop (erf)  }
0x2f0: {  	v21 =	vld [tilespmem:$0x1FF60];
	(erf) = vrcp.f32 v16;
	v7 =	vadd.f32 v10, v7;
	v10 =	vadd.f32 $1.000000000e+00, v11;
	v11 =	vpop (erf)  }
0x2f1: {  	v5 =	vand.u32 $0xE, v12;
	(erf) = vrcp.f32 v3;
	v3 =	vld.idx.msk [tilespmem:v12+s18+$0x0], $0xffff;
	v12 =	vmul.f32 v15, v52;
	v15 =	vpop (erf)  }
0x2f2: {  	v20 =	vld [tilespmem:$0x1FF40];
	v17 =	vadd.f32 $-5.000000000e-01, v11;
	(erf) = vrcp.f32 v9;
	v15 =	vmul.f32 v14, v15;
	v16 =	vpop (erf)  }
0x2f3: {  	v23 =	vld [tilespmem:$0x1FFE0];
	v6 =	vadd.f32 $1.000000000e+00, v6;
	(erf) = vrcp.f32 v13;
	v13 =	vmul.f32 v14, v16;
	v14 =	vpop (erf)  }
0x2f4: {  	v35 =	vld [tilespmem:$0x1FF90];
	(erf) = vrcp.f32 v4;
	v4 =	vmul.f32 v17, v53;
	v11 =	vpop (erf)  }
0x2f5: {  	v28 =	vld [tilespmem:$0x1FEA0];
	(erf) = vrcp.f32 v6;
	v6 =	vadd.f32 v13, v7;
	v7 =	vmul.f32 v12, v11  }
0x2f6: {  	v26 =	vld [tilespmem:s10+$0xFFFFFFE0];
	v11 =	vpop (erf);
	(erf) = vrcp.f32 v8;
	v13 =	vmul.f32 v3, v21  }
0x2f7: {  	v0 =	vld [tilespmem:s10+$0xFFFFFFD0];
	v9 =	vor.u32 $0x20, v5;
	v41 =	vmul.f32 v3, v20;
	v42 =	vmul.f32 v3, v24  }
0x2f8: {  	v25 =	vld [tilespmem:$0x1FE80];
	v2 =	vadd.f32 v15, v2;
	v40 =	vmul.f32 v3, v22;
	v47 =	vmul.f32 v3, v23  }
0x2f9: {  	v1 =	vld [tilespmem:s10+$0xFFFFFFF0];
	v8 =	vmul.f32 v12, v11;
	v12 =	vpop (erf);
	(erf) = vrcp.f32 v10  }
0x2fa: {  	v37 =	vld [tilespmem:$0x1FFA0];
	v50 =	vmul.f32 v3, v30;
	v11 =	vadd.f32 $-5.000000000e-01, v14;
	v2 =	vadd.f32 v7, v2;
	v10 =	vpop (erf)  }
0x2fb: {  	v17 =	vld [tilespmem:$0x1FF10];
	v7 =	vadd.f32 $-5.000000000e-01, v12;
	v6 =	vadd.f32 v8, v6;
	v8 =	vmul.f32 v4, v10;
	v10 =	vpop (erf)  }
0x2fc: {  	v5 =	vor.u32 $0x10, v5;
	v9 =	vld.idx.msk [tilespmem:v9+s18+$0x0], $0xffff;
	v0 =	vmul.f32 v11, v0;
	v4 =	vmul.f32 v4, v10;
	v10 =	vpop (erf)  }
0x2fd: {  	v12 =	vld [tilespmem:$0x1FFB0];
	v7 =	vmul.f32 v7, v26;
	v26 =	vmul.f32 v3, v25;
	v11 =	vadd.f32 $-5.000000000e-01, v10;
	v10 =	vpop (erf)  }
0x2fe: {  	s24 =	sadd.s32 $0x200, s24;
	v36 =	vld [tilespmem:$0x1FEC0];
	v2 =	vadd.f32 v8, v2;
	v4 =	vadd.f32 v4, v6;
	v6 =	vmul.f32 v0, v10;
	v10 =	vpop (erf)  }
0x2ff: {  	v18 =	vld [tilespmem:s24+$0xA0];
	v0 =	vmul.f32 v0, v10;
	v1 =	vmul.f32 v11, v1;
	v8 =	vpop (erf)  }
0x300: {  	v39 =	vld [tilespmem:$0x1FF00];
	v10 =	vmul.f32 v3, v17;
	v2 =	vadd.f32 v6, v2;
	v6 =	vmul.f32 v7, v8;
	v8 =	vpop (erf)  }
0x301: {  	v15 =	vld [tilespmem:s24+$0xB0];
	v3 =	vmul.f32 v9, v29;
	v0 =	vadd.f32 v0, v4;
	v4 =	vmul.f32 v7, v8;
	v7 =	vpop (erf)  }
0x302: {  	v5 =	vld.idx.msk [tilespmem:v5+s18+$0x0], $0xffff;
	v51 =	vmul.f32 v9, v12;
	v2 =	vadd.f32 v6, v2;
	v6 =	vmul.f32 v1, v7;
	v7 =	vpop (erf)  }
0x303: {  	v12 =	vld [tilespmem:$0x1FFD0];
	[tilespmem:$0x1F8E0] =	vst v10;
	v0 =	vadd.f32 v4, v0;
	v1 =	vmul.f32 v1, v7;
	v4 =	vmul.f32 v9, v28  }
0x304: {  	[tilespmem:$0x1F8F0] =	vst v3;
	v3 =	vld [tilespmem:s24+$0x70];
	v2 =	vadd.f32 v6, v2  }
0x305: {  	v8 =	vld [tilespmem:s24+$0x50];
	[tilespmem:$0x1F900] =	vst v4;
	v0 =	vadd.f32 v1, v0;
	v1 =	vmul.f32 v9, v36  }
0x306: {  	s17 =	sadd.s32 $0x1, s5;
	v10 =	vld [tilespmem:s24+$0xD0];
	[tilespmem:s8+$0xFFFFFFE8] =	vst v2  }
0x307: {  	v7 =	vld [tilespmem:s24+$0x60];
	v4 =	vmov s17;
	[tilespmem:$0x1F910] =	vst v1;
	v1 =	vmul.f32 v5, v37  }
0x308: {  	v6 =	vld [tilespmem:s24+$0xF0];
	[tilespmem:s25+$0xFFFFFFE8] =	vst v0;
	v0 =	vmul.f32 v5, v34  }
0x309: {  	v53 =	vmul.f32 v5, v12;
	v12 =	vld [tilespmem:$0x1FFC0];
	[tilespmem:$0x1F920] =	vst v1;
	v1 =	vmul.f32 v5, v35  }
0x30a: {  	[tilespmem:$0x1F940] =	vst v0;
	v0 =	vld [tilespmem:$0x1FED0]  }
0x30b: {  	[tilespmem:$0x1F930] =	vst v1;
	v1 =	vld [tilespmem:$0x1FEE0]  }
0x30c: {  	v11 =	vld.idx.msk [tilespmem:v4+s18+$0x0], $0xffff  }
0x30d: {  	v2 =	vld [tilespmem:s24+$0xE0]  }
0x30e: {  	v38 =	vmul.f32 v9, v39;
	v52 =	vmul.f32 v5, v12;
	v12 =	vld [tilespmem:s24+$0x30];
	v4 =	vand.u32 $0xF, v4  }
0x30f: {  	v45 =	vmul.f32 v9, v32;
	v14 =	vor.u32 $0x20, v4;
	v19 =	vor.u32 $0x10, v4;
	v4 =	vld [tilespmem:s24+$0x20]  }
0x310: {  	v0 =	vmul.f32 v9, v0;
	v48 =	vmul.f32 v9, v1;
	v1 =	vld [tilespmem:$0x1FF20]  }
0x311: {  	v58 =	vmul.f32 v11, v20;
	v20 =	vmul.f32 v11, v21;
	v9 =	vld [tilespmem:$0x1FF50]  }
0x312: {  	[tilespmem:$0x1F8D0] =	vst v13;
	v13 =	vsub.f32 $0.0e+00, v3;
	v21 =	vld [tilespmem:s24+$0x10];
	v43 =	vmul.f32 v11, v22;
	v60 =	vmul.f32 v11, v24  }
0x313: {  	v16 =	vsub.f32 $0.0e+00, v2;
	v3 =	vmul.f32 v11, v23;
	v57 =	vmul.f32 v11, v17;
	v24 =	vld [tilespmem:s24+$0x0]  }
0x314: {  	v2 =	vmul.f32 v11, v30;
	v56 =	vmul.f32 v11, v25;
	v11 =	vsub.f32 $0.0e+00, v15;
	v15 =	vld [tilespmem:s24+$0x80]  }
0x315: {  	v46 =	vmul.f32 v5, v33;
	v30 =	vmul.f32 $1.442695020e+00, v13;
	v13 =	vld [tilespmem:s24+$0xFFFFFF00]  }
0x316: {  	v27 =	vsub.f32 $0.0e+00, v18;
	v1 =	vmul.f32 v5, v1;
	v49 =	vmul.f32 v5, v9;
	v5 =	vld [tilespmem:s24+$0xC0]  }
0x317: {  	v8 =	vsub.f32 $0.0e+00, v8;
	v7 =	vsub.f32 $0.0e+00, v7;
	v62 =	vld.idx.msk [tilespmem:v19+s18+$0x0], $0xffff  }
0x318: {  	v61 =	vmul.f32 $1.442695020e+00, v27;
	v10 =	vsub.f32 $0.0e+00, v10;
	v6 =	vsub.f32 $0.0e+00, v6;
	v19 =	vld [tilespmem:s24+$0xFFFFFF80]  }
0x319: {  	v18 =	vmul.f32 $1.442695020e+00, v7;
	v16 =	vmul.f32 $1.442695020e+00, v16;
	v23 =	vsub.f32 $0.0e+00, v12;
	v9 =	vld [tilespmem:s24+$0x40]  }
0x31a: {  	v17 =	vmul.f32 $1.442695020e+00, v6;
	v12 =	vmul.f32 $1.442695020e+00, v10;
	v25 =	vsub.f32 $0.0e+00, v4;
	v4 =	vld.idx.msk [tilespmem:v14+s18+$0x0], $0xffff  }
0x31b: {  	v14 =	vmul.f32 $1.442695020e+00, v8;
	v8 =	vmul.f32 $1.442695020e+00, v23;
	v22 =	vsub.f32 $0.0e+00, v5;
	v5 =	vld [tilespmem:s24+$0x90]  }
0x31c: {  	s23 =	sadd.s32 $0x100, s23;
	v6 =	vmul.f32 $1.442695020e+00, v11;
	(erf) = vpow2.f32 v30;
	v7 =	vsub.f32 $0.0e+00, v21  }
0x31d: {  	v31 =	vld [tilespmem:s23+$0x70];
	v63 =	vmul.f32 $1.442695020e+00, v25;
	v21 =	vsub.f32 $0.0e+00, v24;
	v11 =	vsub.f32 $0.0e+00, v15  }
0x31e: {  	v23 =	vsub.f32 $0.0e+00, v19;
	v19 =	vmul.f32 v62, v37;
	v9 =	vsub.f32 $0.0e+00, v9  }
0x31f: {  	v15 =	vsub.f32 $0.0e+00, v13;
	v13 =	vld [tilespmem:s24+$0xFFFFFF90];
	v59 =	vmul.f32 $1.442695020e+00, v7;
	v55 =	vmul.f32 $1.442695020e+00, v21  }
0x320: {  	p0 =	slt.u32 s5, $0xE;
	v10 =	vsub.f32 $0.0e+00, v5;
	v5 =	vmul.f32 $1.442695020e+00, v9;
	v9 =	vmul.f32 $1.442695020e+00, v22;
	v22 =	vld [tilespmem:s24+$0xFFFFFF10]  }
.Ltmp0:
0x321: {  	v27 =	vld [tilespmem:s23+$0x40];
	v54 =	vmul.f32 $1.442695020e+00, v11;
	v11 =	vmul.f32 v4, v29;
	(pc) =	sbr.rel @p0 .LBB2_4-.Ltmp0, $4  }
0x322: {  	v20 =	vadd.f32 v31, v20;
	v25 =	vld [tilespmem:s23+$0x50];
	v7 =	vmul.f32 v4, v36;
	v37 =	vmovc v15;
	v15 =	vmul.f32 v4, v39  }
0x323: {  	v24 =	vld [tilespmem:s23+$0x60];
	v21 =	vmul.f32 v62, v34;
	v34 =	vmovc v41;
	v41 =	vmov v23;
	v23 =	vmul.f32 v62, v33  }
0x324: {  	v29 =	vld [tilespmem:s23+$0x20];
	v39 =	vsub.f32 $0.0e+00, v13;
	v13 =	vmul.f32 v4, v32;
	v44 =	vmul.f32 $1.442695020e+00, v10  }
0x325: {  	s5 =	sadd.s32 $0x2, s5;
	v10 =	vmul.f32 v4, v28;
	v28 =	vld [tilespmem:s23+$0x30];
	v36 =	vsub.f32 $0.0e+00, v22;
	v22 =	vmul.f32 v62, v35;
	v35 =	vmovc v42  }
0x326: {  	(erf) = vpow2.f32 v17;
	v17 =	vld [tilespmem:s23+$0x10];
	_ =	sdelay $0x1  }
0x327: {  	(erf) = vpow2.f32 v18;
	v18 =	vld [tilespmem:s23+$0x0]  }
0x328: {  	(erf) = vpow2.f32 v16;
	v16 =	vadd.f32 v24, v58;
	v24 =	vadd.f32 v25, v60  }
0x329: {  	v32 =	vld [tilespmem:$0x1FF20];
	(erf) = vpow2.f32 v14;
	v14 =	vadd.f32 v27, v43;
	v3 =	vadd.f32 v29, v3  }
0x32a: {  	v25 =	vadd.f32 v28, v57;
	(erf) = vpow2.f32 v12;
	v12 =	vadd.f32 v17, v56;
	v56 =	vld [tilespmem:$0x1FF50]  }
0x32b: {  	v43 =	vadd.f32 v16, v22;
	(erf) = vpow2.f32 v5;
	v14 =	vadd.f32 v14, v23;
	v23 =	vld [tilespmem:$0x1FFC0]  }
0x32c: {  	v27 =	vld [tilespmem:$0x1FED0];
	v16 =	vadd.f32 v24, v21;
	v2 =	vadd.f32 v18, v2;
	(erf) = vpow2.f32 v9  }
0x32d: {  	v24 =	vld [tilespmem:$0x1FFD0];
	v9 =	vadd.f32 v20, v19;
	v5 =	vadd.f32 v43, v10;
	(erf) = vpow2.f32 v8  }
0x32e: {  	v28 =	vld [tilespmem:$0x1FEE0];
	v7 =	vadd.f32 v16, v7;
	v8 =	vmul.f32 v62, v32;
	(erf) = vpow2.f32 v6  }
0x32f: {  	v9 =	vadd.f32 v9, v11;
	v11 =	vadd.f32 v14, v15;
	v6 =	vmul.f32 v62, v56  }
0x330: {  	v5 =	vsub.f32 $0.0e+00, v5;
	v7 =	vsub.f32 $0.0e+00, v7;
	v17 =	vmul.f32 v62, v23  }
0x331: {  	v14 =	vmul.f32 v4, v27;
	v3 =	vadd.f32 v3, v6;
	v6 =	vadd.f32 v25, v8;
	v25 =	vld [tilespmem:$0x1FFB0]  }
0x332: {  	v18 =	vmul.f32 v62, v24;
	(erf) = vpow2.f32 v63;
	v8 =	vadd.f32 v12, v17;
	v12 =	vpop (erf)  }
0x333: {  	v16 =	vmul.f32 v4, v28;
	(erf) = vpow2.f32 v61;
	v9 =	vsub.f32 $0.0e+00, v9;
	v10 =	vpop (erf)  }
0x334: {  	v60 =	vsub.f32 $0.0e+00, v11;
	v5 =	vmul.f32 $1.442695020e+00, v5;
	v7 =	vmul.f32 $1.442695020e+00, v7;
	v15 =	vpop (erf)  }
0x335: {  	(erf) = vpow2.f32 v59;
	v9 =	vmul.f32 $1.442695020e+00, v9;
	v6 =	vadd.f32 v6, v13;
	v13 =	vpop (erf)  }
0x336: {  	v2 =	vadd.f32 v2, v18;
	(erf) = vpow2.f32 v44;
	v17 =	vpop (erf);
	v58 =	vmul.f32 v4, v25  }
0x337: {  	(erf) = vpow2.f32 v55;
	v14 =	vadd.f32 v3, v14;
	v8 =	vadd.f32 v8, v16;
	v59 =	vpop (erf)  }
0x338: {  	(erf) = vpow2.f32 v54;
	v6 =	vsub.f32 $0.0e+00, v6;
	v16 =	vpop (erf);
	v2 =	vadd.f32 v2, v58  }
0x339: {  	(erf) = vpow2.f32 v9;
	v14 =	vsub.f32 $0.0e+00, v14;
	v4 =	vmul.f32 $1.442695020e+00, v60;
	v11 =	vpop (erf)  }
0x33a: {  	(erf) = vpow2.f32 v5;
	v6 =	vmul.f32 $1.442695020e+00, v6;
	v9 =	vpop (erf);
	v2 =	vsub.f32 $0.0e+00, v2  }
0x33b: {  	(erf) = vpow2.f32 v7;
	v14 =	vmul.f32 $1.442695020e+00, v14;
	v61 =	vpop (erf)  }
0x33c: {  	v8 =	vsub.f32 $0.0e+00, v8;
	(erf) = vpow2.f32 v4;
	v7 =	vpop (erf);
	v2 =	vmul.f32 $1.442695020e+00, v2  }
0x33d: {  	(erf) = vpow2.f32 v6;
	v62 =	vpop (erf)  }
0x33e: {  	v10 =	vadd.f32 $1.000000000e+00, v10;
	v8 =	vmul.f32 $1.442695020e+00, v8;
	v6 =	vpop (erf);
	(erf) = vpow2.f32 v2  }
0x33f: {  	v63 =	vadd.f32 $1.000000000e+00, v12;
	v15 =	vadd.f32 $1.000000000e+00, v15;
	v18 =	vpop (erf);
	(erf) = vpow2.f32 v14  }
0x340: {  	v13 =	vadd.f32 $1.000000000e+00, v13;
	v14 =	vpop (erf);
	(erf) = vpow2.f32 v8  }
0x341: {  	v17 =	vadd.f32 $1.000000000e+00, v17;
	v33 =	vpop (erf);
	(erf) = vrcp.f32 v63  }
0x342: {  	v16 =	vadd.f32 $1.000000000e+00, v16;
	(erf) = vrcp.f32 v10;
	v10 =	vpop (erf)  }
0x343: {  	v19 =	vld [tilespmem:s23+$0xFFFFFFA0];
	v9 =	vadd.f32 $1.000000000e+00, v9;
	(erf) = vrcp.f32 v15;
	v15 =	vpop (erf)  }
0x344: {  	v12 =	vld [tilespmem:s23+$0xFFFFFF80];
	v7 =	vadd.f32 $1.000000000e+00, v7;
	(erf) = vrcp.f32 v13;
	v13 =	vpop (erf)  }
0x345: {  	v6 =	vadd.f32 $1.000000000e+00, v6;
	(erf) = vrcp.f32 v17;
	v17 =	vpop (erf)  }
0x346: {  	(erf) = vrcp.f32 v16;
	v16 =	vpop (erf)  }
0x347: {  	(erf) = vrcp.f32 v9;
	v9 =	vpop (erf)  }
0x348: {  	v19 =	vadd.f32 v19, v47;
	v8 =	vld [tilespmem:s23+$0xFFFFFF90];
	(erf) = vrcp.f32 v7;
	v7 =	vpop (erf)  }
0x349: {  	v12 =	vadd.f32 v12, v50;
	v9 =	vadd.f32 $1.000000000e+00, v9;
	(erf) = vrcp.f32 v6;
	v6 =	vpop (erf)  }
0x34a: {  	v14 =	vadd.f32 $1.000000000e+00, v14;
	v6 =	vadd.f32 $1.000000000e+00, v6  }
0x34b: {  	v20 =	vld [tilespmem:s23+$0xFFFFFFB0];
	v12 =	vadd.f32 v12, v53;
	v2 =	vadd.f32 $1.000000000e+00, v33;
	(erf) = vrcp.f32 v9  }
0x34c: {  	v7 =	vadd.f32 $1.000000000e+00, v7;
	v50 =	vpop (erf);
	(erf) = vrcp.f32 v14;
	v14 =	vadd.f32 v19, v49;
	v19 =	vld [tilespmem:$0x1F8E0]  }
0x34d: {  	v8 =	vadd.f32 v8, v26;
	v16 =	vadd.f32 $1.000000000e+00, v16;
	v26 =	vpop (erf)  }
0x34e: {  	v18 =	vadd.f32 $1.000000000e+00, v18;
	(erf) = vrcp.f32 v6;
	v6 =	vpop (erf)  }
0x34f: {  	v12 =	vadd.f32 v12, v51;
	v17 =	vadd.f32 $1.000000000e+00, v17;
	(erf) = vrcp.f32 v2;
	v51 =	vpop (erf)  }
0x350: {  	(erf) = vrcp.f32 v7;
	v7 =	vpop (erf)  }
0x351: {  	v19 =	vadd.f32 v20, v19;
	(erf) = vrcp.f32 v16;
	v16 =	vpop (erf)  }
0x352: {  	s5 =	sadd.s32 $0x100, s10;
	v0 =	vadd.f32 v14, v0;
	v14 =	vld [tilespmem:s23+$0xFFFFFFD0];
	(erf) = vrcp.f32 v18;
	v18 =	vpop (erf)  }
0x353: {  	v11 =	vadd.f32 $1.000000000e+00, v11;
	v1 =	vadd.f32 v19, v1;
	v19 =	vld [tilespmem:s5+$0x0];
	(erf) = vrcp.f32 v17;
	v17 =	vpop (erf)  }
0x354: {  	v5 =	vadd.f32 $1.000000000e+00, v61;
	v4 =	vadd.f32 $1.000000000e+00, v62;
	v20 =	vpop (erf)  }
0x355: {  	v15 =	vadd.f32 $1.000000000e+00, v15;
	v13 =	vadd.f32 $1.000000000e+00, v13;
	v21 =	vpop (erf)  }
0x356: {  	v10 =	vadd.f32 $1.000000000e+00, v10;
	(erf) = vrcp.f32 v4;
	v21 =	vadd.f32 $-5.000000000e-01, v21  }
0x357: {  	v8 =	vadd.f32 v8, v52;
	v52 =	vadd.f32 v14, v35;
	v14 =	vld [tilespmem:s5+$0x10];
	(erf) = vrcp.f32 v13  }
0x358: {  	(erf) = vrcp.f32 v5;
	v53 =	vpop (erf);
	v19 =	vmul.f32 v21, v19;
	v21 =	vld [tilespmem:$0x1F940]  }
0x359: {  	v22 =	vld [tilespmem:s5+$0x20];
	v12 =	vsub.f32 $0.0e+00, v12;
	(erf) = vrcp.f32 v15;
	v15 =	vpop (erf)  }
0x35a: {  	v8 =	vadd.f32 v8, v48;
	(erf) = vrcp.f32 v11;
	v15 =	vadd.f32 $-5.000000000e-01, v15;
	v11 =	vpop (erf)  }
0x35b: {  	v3 =	vadd.f32 $1.000000000e+00, v59;
	v12 =	vmul.f32 $1.442695020e+00, v12;
	(erf) = vrcp.f32 v10;
	v10 =	vpop (erf)  }
0x35c: {  	v8 =	vsub.f32 $0.0e+00, v8;
	v14 =	vmul.f32 v15, v14;
	v15 =	vld [tilespmem:s5+$0x30];
	v10 =	vadd.f32 $-5.000000000e-01, v10  }
0x35d: {  	v5 =	vmul.f32 v19, v53;
	v11 =	vmul.f32 v19, v11;
	v4 =	vadd.f32 v52, v21;
	v21 =	vpop (erf)  }
0x35e: {  	v0 =	vsub.f32 $0.0e+00, v0;
	v10 =	vmul.f32 v10, v22;
	v20 =	vmul.f32 v14, v20;
	v22 =	vpop (erf)  }
0x35f: {  	v54 =	vld [tilespmem:s5+$0x40];
	v8 =	vmul.f32 $1.442695020e+00, v8;
	v5 =	vadd.f32 $0.0e+00, v5;
	v19 =	vadd.f32 $-5.000000000e-01, v21;
	v21 =	vpop (erf)  }
0x360: {  	v11 =	vadd.f32 $0.0e+00, v11;
	v17 =	vmul.f32 v10, v17;
	v21 =	vadd.f32 $-5.000000000e-01, v21  }
0x361: {  	v5 =	vadd.f32 v20, v5;
	v14 =	vmul.f32 v14, v22;
	v15 =	vmul.f32 v19, v15  }
0x362: {  	v0 =	vmul.f32 $1.442695020e+00, v0;
	(erf) = vrcp.f32 v3;
	v20 =	vpop (erf)  }
0x363: {  	v5 =	vadd.f32 v17, v5;
	v11 =	vadd.f32 v14, v11;
	v19 =	vpop (erf);
	v14 =	vmul.f32 v15, v18  }
0x364: {  	v3 =	vmul.f32 v21, v54;
	(erf) = vpow2.f32 v12;
	v21 =	vpop (erf)  }
0x365: {  	v13 =	vld [tilespmem:s23+$0xFFFFFFE0];
	v5 =	vadd.f32 v14, v5;
	(erf) = vpow2.f32 v8;
	v14 =	vmul.f32 $1.442695020e+00, v37;
	v18 =	vpop (erf)  }
0x366: {  	v15 =	vmul.f32 v15, v21;
	v21 =	vpop (erf);
	(erf) = vpow2.f32 v0  }
0x367: {  	v17 =	vpop (erf);
	(erf) = vpow2.f32 v14;
	v14 =	vld [tilespmem:$0x1F930];
	_ =	sdelay $0x2  }
0x368: {  	v13 =	vadd.f32 v13, v34  }
0x369: {  	v9 =	vld [tilespmem:s23+$0xFFFFFFC0]  }
0x36a: {  	v13 =	vadd.f32 v13, v14;
	v14 =	vld [tilespmem:$0x1F910];
	_ =	sdelay $0x1  }
0x36b: {  	v22 =	vld [tilespmem:s5+$0x50]  }
0x36c: {  	v10 =	vmul.f32 v10, v20;
	v20 =	vld [tilespmem:s5+$0x60]  }
0x36d: {  	v9 =	vadd.f32 v9, v40;
	v12 =	vld [tilespmem:s23+$0xFFFFFFF0]  }
0x36e: {  	v1 =	vadd.f32 v1, v45;
	v4 =	vadd.f32 v4, v14;
	v14 =	vld [tilespmem:$0x1F8D0]  }
0x36f: {  	v19 =	vadd.f32 $-5.000000000e-01, v19  }
0x370: {  	v9 =	vadd.f32 v9, v46;
	v1 =	vsub.f32 $0.0e+00, v1  }
0x371: {  	v19 =	vmul.f32 v19, v22;
	v18 =	vadd.f32 $-5.000000000e-01, v18  }
0x372: {  	v9 =	vadd.f32 v9, v38;
	v1 =	vmul.f32 $1.442695020e+00, v1;
	v10 =	vadd.f32 v10, v11;
	v8 =	vld [tilespmem:s24+$0xFFFFFF20]  }
0x373: {  	v7 =	vmul.f32 v19, v7;
	v18 =	vmul.f32 v18, v20;
	v20 =	vpop (erf);
	v12 =	vadd.f32 v12, v14;
	v14 =	vld [tilespmem:$0x1F900]  }
0x374: {  	v55 =	vadd.f32 $-5.000000000e-01, v17;
	v17 =	vmul.f32 $1.442695020e+00, v41;
	v11 =	vmul.f32 v19, v20;
	v19 =	vld [tilespmem:s5+$0x70]  }
0x375: {  	v9 =	vsub.f32 $0.0e+00, v9;
	v16 =	vmul.f32 v3, v16;
	v3 =	vmul.f32 v3, v21;
	v20 =	vld [tilespmem:s24+$0xFFFFFFA0]  }
0x376: {  	v21 =	vld [tilespmem:$0x1F920];
	(erf) = vpow2.f32 v17;
	v17 =	vmul.f32 $1.442695020e+00, v36  }
0x377: {  	v57 =	vld [tilespmem:s24+$0xFFFFFF30];
	v9 =	vmul.f32 $1.442695020e+00, v9;
	(erf) = vpow2.f32 v1  }
0x378: {  	v8 =	vsub.f32 $0.0e+00, v8;
	(erf) = vpow2.f32 v17;
	v13 =	vadd.f32 v13, v14;
	v14 =	vld [tilespmem:s24+$0xFFFFFFB0]  }
0x379: {  	v5 =	vadd.f32 v16, v5;
	v17 =	vld [tilespmem:s24+$0xFFFFFF40];
	v0 =	vmul.f32 v55, v19;
	v19 =	vmul.f32 $1.442695020e+00, v39  }
0x37a: {  	v10 =	vadd.f32 v15, v10;
	v8 =	vmul.f32 $1.442695020e+00, v8;
	v20 =	vsub.f32 $0.0e+00, v20  }
0x37b: {  	(erf) = vpow2.f32 v19;
	v4 =	vsub.f32 $0.0e+00, v4;
	v12 =	vadd.f32 v12, v21;
	v21 =	vld [tilespmem:$0x1F8F0]  }
0x37c: {  	v1 =	vsub.f32 $0.0e+00, v57;
	v19 =	vld [tilespmem:s24+$0xFFFFFFC0];
	v20 =	vmul.f32 $1.442695020e+00, v20;
	(erf) = vpow2.f32 v9  }
0x37d: {  	(erf) = vpow2.f32 v8;
	v4 =	vmul.f32 $1.442695020e+00, v4;
	v14 =	vsub.f32 $0.0e+00, v14  }
0x37e: {  	v1 =	vmul.f32 $1.442695020e+00, v1;
	v9 =	vpop (erf);
	v17 =	vsub.f32 $0.0e+00, v17;
	(erf) = vpow2.f32 v20  }
0x37f: {  	v8 =	vpop (erf);
	v20 =	vld [tilespmem:s24+$0xFFFFFF50];
	(erf) = vpow2.f32 v4;
	v13 =	vsub.f32 $0.0e+00, v13;
	v14 =	vmul.f32 $1.442695020e+00, v14  }
0x380: {  	v58 =	vld [tilespmem:s24+$0xFFFFFFD0];
	v9 =	vadd.f32 $1.000000000e+00, v9;
	v12 =	vadd.f32 v12, v21;
	v21 =	vpop (erf);
	(erf) = vpow2.f32 v1  }
0x381: {  	v59 =	vsub.f32 $0.0e+00, v19;
	v22 =	vpop (erf);
	v13 =	vmul.f32 $1.442695020e+00, v13;
	(erf) = vpow2.f32 v14  }
0x382: {  	v8 =	vadd.f32 $1.000000000e+00, v8;
	v19 =	vpop (erf);
	v14 =	vmul.f32 $1.442695020e+00, v17;
	(erf) = vrcp.f32 v9  }
0x383: {  	v1 =	vmul.f32 $1.442695020e+00, v59;
	v15 =	vpop (erf);
	v9 =	vsub.f32 $0.0e+00, v12;
	(erf) = vpow2.f32 v13;
	v13 =	vld [tilespmem:s24+$0xFFFFFF60]  }
0x384: {  	v6 =	vmul.f32 v18, v6;
	v17 =	vsub.f32 $0.0e+00, v20;
	v12 =	vpop (erf);
	(erf) = vpow2.f32 v14;
	v14 =	vld [tilespmem:s24+$0xFFFFFFE0]  }
0x385: {  	v4 =	vsub.f32 $0.0e+00, v58;
	v20 =	vpop (erf);
	v9 =	vmul.f32 $1.442695020e+00, v9;
	(erf) = vpow2.f32 v1  }
0x386: {  	v3 =	vadd.f32 v3, v10;
	v16 =	vmul.f32 $1.442695020e+00, v17;
	v60 =	vpop (erf);
	(erf) = vrcp.f32 v8  }
0x387: {  	v4 =	vmul.f32 $1.442695020e+00, v4;
	v8 =	vpop (erf);
	(erf) = vpow2.f32 v9;
	v9 =	vadd.f32 $1.000000000e+00, v21  }
0x388: {  	v2 =	vmul.f32 v18, v51;
	v10 =	vpop (erf);
	(erf) = vpow2.f32 v16;
	v16 =	vld [tilespmem:s24+$0xFFFFFF70];
	v13 =	vsub.f32 $0.0e+00, v13  }
0x389: {  	v18 =	vadd.f32 $1.000000000e+00, v22;
	v17 =	vpop (erf);
	(erf) = vpow2.f32 v4;
	v14 =	vsub.f32 $0.0e+00, v14  }
0x38a: {  	v19 =	vadd.f32 $1.000000000e+00, v19;
	v21 =	vpop (erf);
	(erf) = vrcp.f32 v9  }
0x38b: {  	v61 =	vld [tilespmem:s24+$0xFFFFFFF0];
	v5 =	vadd.f32 v7, v5;
	v7 =	vmul.f32 $1.442695020e+00, v13;
	v9 =	vpop (erf);
	(erf) = vrcp.f32 v18  }
0x38c: {  	v3 =	vadd.f32 v11, v3;
	v13 =	vpop (erf);
	(erf) = vrcp.f32 v19  }
0x38d: {  	v11 =	vmul.f32 $1.442695020e+00, v14;
	v14 =	vpop (erf);
	(erf) = vpow2.f32 v7;
	v7 =	vsub.f32 $0.0e+00, v16  }
0x38e: {  	v15 =	vadd.f32 $1.000000000e+00, v15;
	v19 =	vpop (erf)  }
0x38f: {  	v12 =	vadd.f32 $1.000000000e+00, v12;
	(erf) = vpow2.f32 v11;
	v16 =	vpop (erf)  }
0x390: {  	v4 =	vsub.f32 $0.0e+00, v61;
	v11 =	vadd.f32 $1.000000000e+00, v20;
	v20 =	vpop (erf);
	(erf) = vrcp.f32 v15  }
0x391: {  	v5 =	vadd.f32 v6, v5;
	v6 =	vmul.f32 $1.442695020e+00, v7;
	(erf) = vrcp.f32 v12;
	v7 =	vpop (erf)  }
0x392: {  	v1 =	vadd.f32 $1.000000000e+00, v60;
	v62 =	vmul.f32 $1.442695020e+00, v4;
	(erf) = vrcp.f32 v11;
	v63 =	vpop (erf);
	v11 =	vld [tilespmem:s5+$0xFFFFFF80]  }
0x393: {  	v8 =	vadd.f32 $1.000000000e+00, v8;
	v10 =	vadd.f32 $1.000000000e+00, v10;
	v12 =	vpop (erf);
	(erf) = vpow2.f32 v6;
	v6 =	vld [tilespmem:s5+$0xFFFFFF90]  }
0x394: {  	v33 =	vadd.f32 $1.000000000e+00, v21;
	v15 =	vadd.f32 $1.000000000e+00, v17;
	v17 =	vpop (erf);
	(erf) = vpow2.f32 v62  }
0x395: {  	v34 =	vadd.f32 $-5.000000000e-01, v13;
	v13 =	vadd.f32 $1.000000000e+00, v14;
	v21 =	vpop (erf);
	(erf) = vrcp.f32 v1  }
0x396: {  	v14 =	vpop (erf);
	(erf) = vrcp.f32 v8;
	v8 =	vadd.f32 $1.000000000e+00, v19;
	v19 =	vadd.f32 $-5.000000000e-01, v20  }
0x397: {  	v9 =	vadd.f32 $1.000000000e+00, v9;
	(erf) = vrcp.f32 v10;
	v10 =	vpop (erf);
	v1 =	vmul.f32 v34, v11  }
0x398: {  	v16 =	vadd.f32 $1.000000000e+00, v16;
	(erf) = vrcp.f32 v15;
	v11 =	vpop (erf);
	v6 =	vmul.f32 v19, v6  }
0x399: {  	v7 =	vadd.f32 $1.000000000e+00, v7;
	v15 =	vpop (erf);
	(erf) = vrcp.f32 v33;
	v36 =	vmul.f32 v1, v21  }
0x39a: {  	v35 =	vadd.f32 $1.000000000e+00, v63;
	v20 =	vld [tilespmem:s5+$0xFFFFFFA0];
	v1 =	vmul.f32 v1, v14;
	v19 =	vpop (erf);
	(erf) = vrcp.f32 v9  }
0x39b: {  	v14 =	vld [tilespmem:s5+$0xFFFFFFB0];
	v9 =	vadd.f32 $1.000000000e+00, v12;
	v12 =	vadd.f32 $-5.000000000e-01, v17;
	v17 =	vpop (erf);
	(erf) = vrcp.f32 v13  }
0x39c: {  	v10 =	vadd.f32 $1.000000000e+00, v10;
	v15 =	vadd.f32 $-5.000000000e-01, v15;
	(erf) = vrcp.f32 v8  }
0x39d: {  	v4 =	vadd.f32 $0.0e+00, v36;
	v8 =	vpop (erf);
	(erf) = vrcp.f32 v16;
	v16 =	vmul.f32 v6, v19  }
0x39e: {  	v1 =	vadd.f32 $0.0e+00, v1;
	v13 =	vpop (erf);
	v6 =	vmul.f32 v6, v17;
	(erf) = vrcp.f32 v7  }
0x39f: {  	v37 =	vld [tilespmem:s5+$0xFFFFFFC0];
	v12 =	vmul.f32 v12, v20;
	v8 =	vadd.f32 $1.000000000e+00, v8;
	v19 =	vpop (erf);
	(erf) = vrcp.f32 v35  }
0x3a0: {  	v7 =	vadd.f32 $1.000000000e+00, v11;
	v14 =	vmul.f32 v15, v14;
	v11 =	vpop (erf);
	(erf) = vrcp.f32 v9  }
0x3a1: {  	v4 =	vadd.f32 v16, v4;
	v11 =	vmul.f32 v12, v11;
	v16 =	vpop (erf);
	(erf) = vrcp.f32 v10  }
0x3a2: {  	v1 =	vadd.f32 v6, v1;
	v15 =	vadd.f32 $-5.000000000e-01, v19;
	v6 =	vpop (erf);
	(erf) = vrcp.f32 v7  }
0x3a3: {  	v9 =	vld [tilespmem:s5+$0xFFFFFFD0];
	v10 =	vadd.f32 $1.000000000e+00, v13;
	v13 =	vpop (erf);
	(erf) = vrcp.f32 v8;
	v8 =	vmul.f32 v12, v16  }
0x3a4: {  	v2 =	vadd.f32 v2, v3;
	v3 =	vmul.f32 v15, v37;
	v17 =	vpop (erf)  }
0x3a5: {  	v4 =	vadd.f32 v11, v4;
	v11 =	vpop (erf);
	v1 =	vadd.f32 v8, v1;
	v8 =	vmul.f32 v14, v17  }
0x3a6: {  	v7 =	vld [tilespmem:s5+$0xFFFFFFE0];
	v6 =	vadd.f32 $-5.000000000e-01, v6;
	(erf) = vrcp.f32 v10;
	v10 =	vmul.f32 v14, v13;
	v12 =	vpop (erf)  }
0x3a7: {  	v14 =	vpop (erf)  }
0x3a8: {  	v6 =	vmul.f32 v6, v9;
	v4 =	vadd.f32 v10, v4;
	v10 =	vmul.f32 v3, v12;
	v9 =	vpop (erf)  }
0x3a9: {  	v13 =	vld [tilespmem:s5+$0xFFFFFFF0];
	v11 =	vadd.f32 $-5.000000000e-01, v11;
	v1 =	vadd.f32 v8, v1;
	v8 =	vpop (erf)  }
0x3aa: {  	v18 =	vmul.f32 v0, v50;
	v8 =	vmul.f32 v6, v8  }
0x3ab: {  	v3 =	vmul.f32 v3, v14;
	v7 =	vmul.f32 v11, v7  }
0x3ac: {  	v0 =	vmul.f32 v0, v26;
	v4 =	vadd.f32 v10, v4;
	v9 =	vadd.f32 $-5.000000000e-01, v9;
	v10 =	vpop (erf)  }
0x3ad: {  	v5 =	vadd.f32 v18, v5;
	v1 =	vadd.f32 v3, v1;
	v38 =	vmul.f32 v6, v10;
	v6 =	vpop (erf)  }
0x3ae: {  	v9 =	vmul.f32 v9, v13;
	v4 =	vadd.f32 v8, v4;
	v6 =	vmul.f32 v7, v6;
	v8 =	vpop (erf)  }
0x3af: {  	v1 =	vadd.f32 v38, v1;
	v39 =	vmul.f32 v7, v8;
	v7 =	vpop (erf);
	v8 =	vlaneseq.u32  }
0x3b0: {  	v4 =	vadd.f32 v6, v4;
	v6 =	vmul.f32 v9, v7;
	v7 =	vpop (erf);
	v8 =	vmul.u32 $0x18, v8  }
0x3b1: {  	s24 =	sadd.s32 $0x30, s8;
	v0 =	vadd.f32 v0, v2;
	v1 =	vadd.f32 v39, v1;
	v40 =	vmul.f32 v9, v7  }
0x3b2: {  	s25 =	sadd.s32 $0x30, s25;
	[tilespmem:s24+$0x0] =	vst v5;
	v41 =	vadd.f32 v6, v4  }
0x3b3: {  	[tilespmem:s25+$0x0] =	vst v0;
	v9 =	vor.u32 $0x1, v8;
	v42 =	vadd.f32 v40, v1  }
0x3b4: {  	[tilespmem:s24+$0xFFFFFFE8] =	vst v41  }
0x3b5: {  	v10 =	vor.u32 $0x2, v8;
	[tilespmem:s25+$0xFFFFFFE8] =	vst v42  }
0x3b6: {  	v0 =	vld.idx.msk [tilespmem:v8+s19+$0x0], $0xffff  }
0x3b7: {  	v29 =	vor.u32 $0x3, v8  }
0x3b8: {  	v43 =	vld.idx.msk [tilespmem:v9+s19+$0x0], $0xffff  }
0x3b9: {  	v30 =	vor.u32 $0x4, v8  }
0x3ba: {  	v44 =	vld.idx.msk [tilespmem:v10+s19+$0x0], $0xffff  }
0x3bb: {  	v31 =	vor.u32 $0x5, v8;
	v0 =	vadd.f32 $0.0e+00, v0  }
0x3bc: {  	v3 =	vld.idx.msk [tilespmem:v29+s19+$0x0], $0xffff  }
0x3bd: {  	v34 =	vor.u32 $0x6, v8;
	v0 =	vadd.f32 v43, v0  }
0x3be: {  	v45 =	vld.idx.msk [tilespmem:v30+s19+$0x0], $0xffff  }
0x3bf: {  	v37 =	vor.u32 $0x7, v8;
	v0 =	vadd.f32 v44, v0  }
0x3c0: {  	v46 =	vld.idx.msk [tilespmem:v31+s19+$0x0], $0xffff  }
0x3c1: {  	v38 =	vadd.s32 $0x8, v8;
	v0 =	vadd.f32 v3, v0  }
0x3c2: {  	v47 =	vld.idx.msk [tilespmem:v34+s19+$0x0], $0xffff  }
0x3c3: {  	v39 =	vadd.s32 $0x9, v8;
	v48 =	vld.idx.msk [tilespmem:v8+s4+$0x0], $0xffff;
	v0 =	vadd.f32 v45, v0  }
0x3c4: {  	v49 =	vld.idx.msk [tilespmem:v37+s19+$0x0], $0xffff  }
0x3c5: {  	v40 =	vadd.s32 $0xA, v8;
	v5 =	vld.idx.msk [tilespmem:v9+s4+$0x0], $0xffff;
	v0 =	vadd.f32 v46, v0  }
0x3c6: {  	v50 =	vld.idx.msk [tilespmem:v38+s19+$0x0], $0xffff  }
0x3c7: {  	v41 =	vadd.s32 $0xB, v8;
	v6 =	vld.idx.msk [tilespmem:v10+s4+$0x0], $0xffff;
	v0 =	vadd.f32 v47, v0  }
0x3c8: {  	v52 =	vld.idx.msk [tilespmem:v39+s19+$0x0], $0xffff;
	v51 =	vadd.f32 $0.0e+00, v48  }
0x3c9: {  	v42 =	vadd.s32 $0xC, v8;
	v7 =	vld.idx.msk [tilespmem:v29+s4+$0x0], $0xffff;
	v0 =	vadd.f32 v49, v0  }
0x3ca: {  	v54 =	vld.idx.msk [tilespmem:v40+s19+$0x0], $0xffff;
	v53 =	vadd.f32 v5, v51  }
0x3cb: {  	v55 =	vld.idx.msk [tilespmem:v30+s4+$0x0], $0xffff;
	v43 =	vadd.s32 $0xD, v8;
	v0 =	vadd.f32 v50, v0  }
0x3cc: {  	v57 =	vld.idx.msk [tilespmem:v41+s19+$0x0], $0xffff;
	v1 =	vadd.f32 v6, v53  }
0x3cd: {  	v6 =	vld.idx.msk [tilespmem:v31+s4+$0x0], $0xffff;
	v44 =	vadd.s32 $0xE, v8;
	v0 =	vadd.f32 v52, v0  }
0x3ce: {  	v58 =	vld.idx.msk [tilespmem:v42+s19+$0x0], $0xffff;
	v1 =	vadd.f32 v7, v1  }
0x3cf: {  	v7 =	vld.idx.msk [tilespmem:v34+s4+$0x0], $0xffff;
	v45 =	vadd.s32 $0xF, v8;
	v0 =	vadd.f32 v54, v0  }
0x3d0: {  	v59 =	vld.idx.msk [tilespmem:v43+s19+$0x0], $0xffff;
	v1 =	vadd.f32 v55, v1  }
0x3d1: {  	v60 =	vld.idx.msk [tilespmem:v37+s4+$0x0], $0xffff;
	v0 =	vadd.f32 v57, v0  }
0x3d2: {  	v61 =	vld.idx.msk [tilespmem:v44+s19+$0x0], $0xffff;
	v1 =	vadd.f32 v6, v1  }
0x3d3: {  	v62 =	vld.idx.msk [tilespmem:v38+s4+$0x0], $0xffff;
	v0 =	vadd.f32 v58, v0  }
0x3d4: {  	v1 =	vadd.f32 v7, v1;
	v6 =	vld.idx.msk [tilespmem:v45+s19+$0x0], $0xffff  }
0x3d5: {  	v63 =	vld.idx.msk [tilespmem:v39+s4+$0x0], $0xffff;
	v0 =	vadd.f32 v59, v0  }
0x3d6: {  	v1 =	vadd.f32 v60, v1  }
0x3d7: {  	v33 =	vld.idx.msk [tilespmem:v40+s4+$0x0], $0xffff;
	v0 =	vadd.f32 v61, v0  }
0x3d8: {  	v1 =	vadd.f32 v62, v1  }
0x3d9: {  	v35 =	vld.idx.msk [tilespmem:v41+s4+$0x0], $0xffff;
	v0 =	vadd.f32 v6, v0  }
0x3da: {  	v1 =	vadd.f32 v63, v1  }
0x3db: {  	v36 =	vld.idx.msk [tilespmem:v42+s4+$0x0], $0xffff;
	v0 =	vmul.f32 $1.999999960e-02, v0  }
0x3dc: {  	v1 =	vadd.f32 v33, v1  }
0x3dd: {  	v46 =	vld.idx.msk [tilespmem:v43+s4+$0x0], $0xffff;
	v0 =	vsub.f32 $0.0e+00, v0  }
0x3de: {  	v1 =	vadd.f32 v35, v1  }
0x3df: {  	v47 =	vld.idx.msk [tilespmem:v44+s4+$0x0], $0xffff;
	v0 =	vmul.f32 $1.442695020e+00, v0  }
0x3e0: {  	v1 =	vadd.f32 v36, v1  }
0x3e1: {  	v48 =	vld.idx.msk [tilespmem:v45+s4+$0x0], $0xffff;
	(erf) = vpow2.f32 v0  }
0x3e2: {  	v1 =	vadd.f32 v46, v1;
	_ =	sdelay $0x1  }
0x3e3: {  	v1 =	vadd.f32 v47, v1;
	_ =	sdelay $0x1  }
0x3e4: {  	v0 =	vadd.f32 v48, v1  }
0x3e5: {  	v50 =	vld [tilespmem:$0x1F830]  }
0x3e6: {  	v51 =	vld [tilespmem:$0x1F820];
	v0 =	vmul.f32 $1.999999960e-02, v0;
	_ =	sdelay $0x1  }
0x3e7: {  	v0 =	vsub.f32 $0.0e+00, v0;
	v49 =	vpop (erf)  }
0x3e8: {  	v1 =	vadd.f32 $1.000000000e+00, v49  }
0x3e9: {  	v2 =	vand.u32 $0x7, v50;
	v0 =	vmul.f32 $1.442695020e+00, v0  }
0x3ea: {  	(erf) = vrcp.f32 v1;
	v1 =	vor.u32 v51, v2  }
0x3eb: {  	(erf) = vpow2.f32 v0;
	_ =	sdelay $0x3  }
0x3ec: {  	v52 =	vld.idx.msk [tilespmem:v1+s26+$0x0], $0xffff;
	_ =	sdelay $0x3  }
0x3ed: {  	v53 =	vpop (erf)  }
0x3ee: {  	v54 =	vpop (erf);
	v0 =	vsub.f32 $0.0e+00, v52  }
0x3ef: {  	v3 =	vadd.f32 $1.000000000e+00, v54  }
0x3f0: {  	v0 =	vmul.f32 $1.442695020e+00, v0  }
0x3f1: {  	(erf) = vrcp.f32 v3  }
0x3f2: {  	(erf) = vpow2.f32 v0;
	_ =	sdelay $0x3  }
0x3f3: {  	v55 =	vld.idx.msk [tilespmem:v1+s28+$0x0], $0xffff;
	_ =	sdelay $0x3  }
0x3f4: {  	v3 =	vpop (erf)  }
0x3f5: {  	v0 =	vsub.f32 $0.0e+00, v55;
	v57 =	vpop (erf)  }
0x3f6: {  	v4 =	vadd.f32 $1.000000000e+00, v57  }
0x3f7: {  	v0 =	vmul.f32 $1.442695020e+00, v0  }
0x3f8: {  	(erf) = vrcp.f32 v4  }
0x3f9: {  	(erf) = vpow2.f32 v0  }
0x3fa: {  	v58 =	vld.idx.msk [tilespmem:v1+s29+$0x0], $0xffff  }
0x3fb: {  	v1 =	vld.idx.msk [tilespmem:v1+s16+$0x0], $0xffff;
	_ =	sdelay $0x4  }
0x3fc: {  	v0 =	vsub.f32 v1, v58  }
0x3fd: {  	v59 =	vpop (erf)  }
0x3fe: {  	v0 =	vadd.f32 $0.0e+00, v0;
	v60 =	vpop (erf)  }
0x3ff: {  	v4 =	vadd.f32 $1.000000000e+00, v60  }
0x400: {  	v0 =	vmul.f32 $1.442695020e+00, v0  }
0x401: {  	(erf) = vrcp.f32 v4  }
0x402: {  	(erf) = vpow2.f32 v0;
	_ =	sdelay $0x7  }
0x403: {  	v61 =	vpop (erf)  }
0x404: {  	v62 =	vpop (erf)  }
0x405: {  	v11 =	vld [tilespmem:$0x1FF10];
	v1 =	vmul.f32 $4.000000060e-01, v59;
	v4 =	vadd.f32 $1.000000000e+00, v62  }
0x406: {  	v12 =	vld [tilespmem:$0x1FF30]  }
0x407: {  	v13 =	vld [tilespmem:$0x1FF40];
	v1 =	vsub.f32 $1.000000000e+00, v1;
	v0 =	vmul.f32 $4.000000060e-01, v61;
	(erf) = vrcp.f32 v4  }
0x408: {  	v14 =	vld [tilespmem:$0x1FF60]  }
0x409: {  	v17 =	vld [tilespmem:$0x1FF70];
	v1 =	vsub.f32 v1, v0  }
0x40a: {  	v18 =	vld [tilespmem:$0x1FF80]  }
0x40b: {  	v19 =	vld [tilespmem:$0x1FF90];
	v2 =	vmul.f32 v1, v53;
	v1 =	vmul.f32 v1, v3  }
0x40c: {  	v20 =	vld [tilespmem:$0x1FFA0]  }
0x40d: {  	v22 =	vmov v27;
	v27 =	vld [tilespmem:$0x1FEC0];
	v2 =	vadd.f32 v2, v0;
	v0 =	vadd.f32 v1, v0  }
0x40e: {  	v26 =	vld [tilespmem:$0x1FEA0]  }
0x40f: {  	s14 =	sadd.s32 $0x1, s14;
	v21 =	vmov v28;
	v28 =	vld [tilespmem:$0x1FEB0];
	v1 =	vsub.f32 v2, v0  }
0x410: {  	p0 =	sne.s32 s14, $0x4;
	v33 =	vld [tilespmem:$0x1FE90];
	v63 =	vpop (erf)  }
.Ltmp1:
0x411: {  	v50 =	vld [tilespmem:$0x1FE80];
	v1 =	vmul.f32 v1, v63;
	(pc) =	sbr.rel @p0 .LBB2_3-.Ltmp1, $4  }
0x412: {  	v35 =	vld [tilespmem:$0x1FEF0]  }
0x413: {  	v36 =	vld [tilespmem:$0x1FF00];
	v0 =	vadd.f32 v1, v0  }
0x414: {  	v48 =	vld [tilespmem:$0x1FE70]  }
0x415: {  	s0 =	sadd.s32 $0x800, s0;
	s11 =	sadd.s32 $0x800, s11;
	s13 =	sadd.s32 $0x1000, s13;
	v15 =	vmov v56;
	v16 =	vmov v32;
	v49 =	vld [tilespmem:$0x1FFE0];
	v51 =	vmov v25;
	[tilespmem:s15+$0x8F00] =	vst v0  }
0x416: {  	s0 =	rddreg [dreg:$0x19]  }
0x417: {  	s5 =	rddreg [dreg:$0x6];
	s23 =	simm.s32 $0x0;
	s0 =	sshrl.u32 s0, $0x3  }
0x418: {  	s8 =	simm.s32 $0x8F00;
	s25 =	simm.s32 $0x3;
	s0 =	sadd.s32 s5, s0  }
0x419: {  	[hbm4b:s0+s23] =	stream.linear.scatter [tilespmem:s8], [sflag:$0x3], $0x40, $0x38;
	[tilespmem:$0x12390] =	vst v63  }
0x41a: {  	s24 =	rddreg [dreg:$0x16];
	_ =	swait.ge [sflag:s25], $0x40  }
0x41b: {  	s0 =	rddreg [dreg:$0x13]  }
0x41c: {  	p0 =	seq.s32 s24, $0x3;
	s5 =	rddreg [dreg:$0x18];
	[sflag:s25] =	ssyncset.done $0x0  }
0x41d: {  	s0 =	sadd.s32 @!p0 s5, s0;
	[sflag:s25] =	ssyncadd.s32 $0xFFFFFFC0  }
0x41e: {  	s5 =	sshrl.u32 @!p0 s0, $0x3;
	s8 =	rddreg [dreg:$0x0]  }
0x41f: {  	s9 =	simm.s32 @!p0 $0x0;
	s8 =	sadd.s32 @!p0 s8, s5  }
0x420: {  	[tilespmem:s9], [sflag:$0x3] =	stream.linear.gather @!p0 [hbm4b:s8+s9], $0x40, $0x38;
	[tilespmem:$0x12390] =	vst v63  }
0x421: {  	s8 =	simm.s32 @!p0 $0x3  }
0x422: {  	_ =	swait.ge @!p0 [sflag:s8], $0x40  }
0x423: {  	[sflag:s8] =	ssyncset.done @!p0 $0x0  }
0x424: {  	[sflag:s8] =	ssyncadd.s32 @!p0 $0xFFFFFFC0  }
0x425: {  	s10 =	rddreg [dreg:$0x1]  }
0x426: {  	s5 =	sadd.s32 @!p0 s10, s5;
	s10 =	simm.s32 @!p0 $0x40  }
0x427: {  	[tilespmem:s10], [sflag:$0x3] =	stream.linear.gather @!p0 [hbm4b:s5+s9], $0x40, $0x38;
	[tilespmem:$0x12390] =	vst v63  }
0x428: {  	_ =	swait.ge @!p0 [sflag:s8], $0x40  }
0x429: {  	[sflag:s8] =	ssyncset.done @!p0 $0x0  }
0x42a: {  	[sflag:s8] =	ssyncadd.s32 @!p0 $0xFFFFFFC0  }
0x42b: {  	v0 =	vld @!p0 [tilespmem:$0x0]  }
0x42c: {  	v1 =	vld @!p0 [tilespmem:$0x40]  }
0x42d: {  	v2 =	vld @!p0 [tilespmem:$0x10]  }
0x42e: {  	v3 =	vld @!p0 [tilespmem:$0x50]  }
0x42f: {  	v4 =	vld @!p0 [tilespmem:$0x20]  }
0x430: {  	v5 =	vld @!p0 [tilespmem:$0x60];
	v0 =	vshrl.u32 @!p0 v0, $0x3  }
0x431: {  	[tilespmem:$0x80] =	vst @!p0 v0;
	v0 =	vshrl.u32 @!p0 v1, $0x3;
	v1 =	vld @!p0 [tilespmem:$0x30]  }
0x432: {  	[tilespmem:$0xC0] =	vst @!p0 v0;
	v0 =	vshrl.u32 @!p0 v2, $0x3;
	v2 =	vld @!p0 [tilespmem:$0x70]  }
0x433: {  	[tilespmem:$0x90] =	vst @!p0 v0;
	v0 =	vshrl.u32 @!p0 v3, $0x3  }
0x434: {  	[tilespmem:$0xD0] =	vst @!p0 v0;
	v0 =	vshrl.u32 @!p0 v4, $0x3  }
0x435: {  	[tilespmem:$0xA0] =	vst @!p0 v0;
	v0 =	vshrl.u32 @!p0 v5, $0x3  }
0x436: {  	[tilespmem:$0xE0] =	vst @!p0 v0;
	v0 =	vshrl.u32 @!p0 v1, $0x3  }
0x437: {  	[tilespmem:$0xB0] =	vst @!p0 v0;
	v0 =	vshrl.u32 @!p0 v2, $0x3  }
0x438: {  	s5 =	simm.s32 @!p0 $0x100;
	s8 =	rddreg [dreg:$0x3];
	[tilespmem:$0xF0] =	vst @!p0 v0  }
0x439: {  	[tilespmem:s5], [sflag:$0x1] =	stream.indirect.gather @!p0 [hbm4b:s8+s10], $0x80, s9, s10, $0xb8;
	[tilespmem:$0x12390] =	vst v63  }
0x43a: {  	s5 =	simm.s32 @!p0 $0x2100;
	s8 =	rddreg [dreg:$0x5]  }
0x43b: {  	[tilespmem:s5], [sflag:$0x1] =	stream.indirect.gather @!p0 [hbm4b:s8+s10], $0x100, s10, s10, $0xb8;
	[tilespmem:$0x12390] =	vst v63  }
0x43c: {  	s0 =	sshll.u32 @!p0 s0, $0x4;
	s5 =	rddreg [dreg:$0x2]  }
0x43d: {  	s0 =	sadd.s32 @!p0 s5, s0;
	s5 =	simm.s32 @!p0 $0x6100  }
0x43e: {  	[tilespmem:s5], [sflag:$0x1] =	stream.linear.gather @!p0 [hbm4b:s0+s9], $0x2000, $0x38;
	[tilespmem:$0x12390] =	vst v63  }
0x43f: {  	s8 =	rddreg [dreg:$0x8];
	s0 =	simm.s32 @!p0 $0x80;
	s5 =	simm.s32 @!p0 $0x8100  }
0x440: {  	[tilespmem:s5], [sflag:$0x1] =	stream.indirect.gather @!p0 [hbm4b:s8+s10], $0x8, s0, s10, $0xb8;
	[tilespmem:$0x12390] =	vst v63  }
0x441: {  	s5 =	simm.s32 @!p0 $0x8300;
	s8 =	rddreg [dreg:$0x9]  }
0x442: {  	[tilespmem:s5], [sflag:$0x1] =	stream.indirect.gather @!p0 [hbm4b:s8+s10], $0x8, s0, s10, $0xb8;
	[tilespmem:$0x12390] =	vst v63  }
0x443: {  	s5 =	simm.s32 @!p0 $0x8500;
	s8 =	rddreg [dreg:$0xa]  }
0x444: {  	[tilespmem:s5], [sflag:$0x1] =	stream.indirect.gather @!p0 [hbm4b:s8+s10], $0x8, s0, s10, $0xb8;
	[tilespmem:$0x12390] =	vst v63  }
0x445: {  	s0 =	simm.s32 @!p0 $0xC0;
	s5 =	simm.s32 @!p0 $0x8700;
	s8 =	rddreg [dreg:$0x4]  }
0x446: {  	[tilespmem:s5], [sflag:$0x1] =	stream.indirect.gather @!p0 [hbm4b:s8+s10], $0x8, s0, s10, $0xb8;
	[tilespmem:$0x12390] =	vst v63  }
0x447: {  	s5 =	simm.s32 @!p0 $0x8900;
	s8 =	rddreg [dreg:$0xb]  }
0x448: {  	[tilespmem:s5], [sflag:$0x1] =	stream.indirect.gather @!p0 [hbm4b:s8+s10], $0x8, s0, s10, $0xb8;
	[tilespmem:$0x12390] =	vst v63  }
0x449: {  	s5 =	simm.s32 @!p0 $0x8B00;
	s8 =	rddreg [dreg:$0xc]  }
0x44a: {  	[tilespmem:s5], [sflag:$0x1] =	stream.indirect.gather @!p0 [hbm4b:s8+s10], $0x8, s0, s10, $0xb8;
	[tilespmem:$0x12390] =	vst v63  }
0x44b: {  	s5 =	simm.s32 @!p0 $0x8D00;
	s8 =	rddreg [dreg:$0xd]  }
0x44c: {  	[tilespmem:s5], [sflag:$0x1] =	stream.indirect.gather @!p0 [hbm4b:s8+s10], $0x8, s0, s10, $0xb8;
	[tilespmem:$0x12390] =	vst v63  }
0x44d: {  	_ =	swait.ge [sflag:s6], $0x2000  }
0x44e: {  	[sflag:s6] =	ssyncset.done $0x0  }
0x44f: {  	[sflag:s6] =	ssyncadd.s32 $0xFFFFE000  }
0x450: {  	_ =	swait.ge [sflag:s6], $0x4000  }
0x451: {  	[sflag:s6] =	ssyncset.done $0x0  }
0x452: {  	[sflag:s6] =	ssyncadd.s32 $0xFFFFC000  }
0x453: {  	_ =	swait.ge [sflag:s6], $0x2000  }
0x454: {  	[sflag:s6] =	ssyncset.done $0x0  }
0x455: {  	[sflag:s6] =	ssyncadd.s32 $0xFFFFE000  }
0x456: {  	_ =	swait.ge [sflag:s6], $0x200  }
0x457: {  	[sflag:s6] =	ssyncset.done $0x0  }
0x458: {  	[sflag:s6] =	ssyncadd.s32 $0xFFFFFE00  }
0x459: {  	_ =	swait.ge [sflag:s6], $0x200  }
0x45a: {  	[sflag:s6] =	ssyncset.done $0x0  }
0x45b: {  	[sflag:s6] =	ssyncadd.s32 $0xFFFFFE00  }
0x45c: {  	_ =	swait.ge [sflag:s6], $0x200  }
0x45d: {  	[sflag:s6] =	ssyncset.done $0x0  }
0x45e: {  	[sflag:s6] =	ssyncadd.s32 $0xFFFFFE00  }
0x45f: {  	_ =	swait.ge [sflag:s6], $0x200  }
0x460: {  	[sflag:s6] =	ssyncset.done $0x0  }
0x461: {  	[sflag:s6] =	ssyncadd.s32 $0xFFFFFE00  }
0x462: {  	_ =	swait.ge [sflag:s6], $0x200  }
0x463: {  	[sflag:s6] =	ssyncset.done $0x0  }
0x464: {  	[sflag:s6] =	ssyncadd.s32 $0xFFFFFE00  }
0x465: {  	_ =	swait.ge [sflag:s6], $0x200  }
0x466: {  	[sflag:s6] =	ssyncset.done $0x0  }
0x467: {  	[sflag:s6] =	ssyncadd.s32 $0xFFFFFE00  }
0x468: {  	_ =	swait.ge [sflag:s6], $0x200  }
0x469: {  	[tilespmem:$0x1F720] =	vst v8  }
0x46a: {  	[tilespmem:$0x1F730] =	vst v9  }
0x46b: {  	[tilespmem:$0x1F740] =	vst v10  }
0x46c: {  	[tilespmem:$0x1F750] =	vst v29  }
0x46d: {  	[tilespmem:$0x1F760] =	vst v30  }
0x46e: {  	[tilespmem:$0x1F770] =	vst v31  }
0x46f: {  	[tilespmem:$0x1F780] =	vst v34  }
0x470: {  	[tilespmem:$0x1F790] =	vst v37  }
0x471: {  	[tilespmem:$0x1F7A0] =	vst v38  }
0x472: {  	[tilespmem:$0x1F7B0] =	vst v39  }
0x473: {  	[tilespmem:$0x1F7C0] =	vst v40  }
0x474: {  	[tilespmem:$0x1F7D0] =	vst v41  }
0x475: {  	[tilespmem:$0x1F7E0] =	vst v42  }
0x476: {  	s11 =	simm.s32 $0xB140;
	[tilespmem:$0x1F7F0] =	vst v43  }
0x477: {  	s13 =	simm.s32 $0x0;
	s9 =	simm.s32 $0xF0C0;
	[sflag:s6] =	ssyncset.done $0x0;
	[tilespmem:$0x1F800] =	vst v44  }
0x478: {  	s0 =	simm.s32 $0x0;
	s10 =	simm.s32 $0x90C0;
	[tilespmem:$0x1F810] =	vst v45;
	[sflag:s6] =	ssyncadd.s32 $0xFFFFFE00  }
.LBB2_7:
0x479: {  	s14 =	sshll.u32 s13, $0x4;
	v2 =	vld [tilespmem:$0x1FFF0]  }
0x47a: {  	v0 =	vld [tilespmem:s14+$0x8F40];
	_ =	sdelay $0x2  }
0x47b: {  	v1 =	vmov s14  }
0x47c: {  	v1 =	vshll.u32 v1, $0x3  }
0x47d: {  	v1 =	vor.u32 v2, v1;
	v0 =	vand.u32 $0x7, v0  }
0x47e: {  	v0 =	vor.u32 v1, v0;
	_ =	sdelay $0x2  }
0x47f: {  	v3 =	vld [tilespmem:$0x1F970]  }
0x480: {  	v4 =	vld [tilespmem:$0x1F980]  }
0x481: {  	v2 =	vld.idx.msk [tilespmem:v0+s20+$0x0], $0xffff  }
0x482: {  	[tilespmem:$0x1F5E0] =	vst v1;
	v1 =	vld.idx.msk [tilespmem:v0+s22+$0x0], $0xffff;
	_ =	sdelay $0x4  }
0x483: {  	v3 =	vmul.f32 v2, v3;
	v4 =	vmul.f32 v1, v4  }
0x484: {  	v0 =	vld.idx.msk [tilespmem:v0+s30+$0x0], $0xffff  }
0x485: {  	v3 =	vadd.f32 v4, v3;
	v4 =	vld [tilespmem:$0x1F990];
	_ =	sdelay $0x4  }
0x486: {  	v4 =	vmul.f32 v0, v4;
	_ =	sdelay $0x1  }
0x487: {  	v3 =	vadd.f32 v4, v3;
	v4 =	vld [tilespmem:$0x1FC70];
	_ =	sdelay $0x4  }
0x488: {  	v3 =	vadd.f32 v3, v4;
	v4 =	vld [tilespmem:$0x1FD70];
	_ =	sdelay $0x3  }
0x489: {  	v5 =	vld [tilespmem:$0x1F9B0];
	v3 =	vmax.f32 v3, $0.0e+00  }
0x48a: {  	v3 =	vmul.f32 v3, v4;
	v4 =	vld [tilespmem:$0x1F9A0];
	_ =	sdelay $0x1  }
0x48b: {  	v6 =	vld [tilespmem:$0x1F9D0]  }
0x48c: {  	v7 =	vld [tilespmem:$0x1F9E0];
	_ =	sdelay $0x1  }
0x48d: {  	v5 =	vmul.f32 v1, v5;
	v4 =	vmul.f32 v2, v4  }
0x48e: {  	v8 =	vld [tilespmem:$0x1F9F0]  }
0x48f: {  	v4 =	vadd.f32 v5, v4;
	v5 =	vld [tilespmem:$0x1F9C0]  }
0x490: {  	v6 =	vmul.f32 v2, v6;
	v7 =	vmul.f32 v1, v7  }
0x491: {  	v9 =	vld [tilespmem:$0x1FA10]  }
0x492: {  	v6 =	vadd.f32 v7, v6;
	v7 =	vld [tilespmem:$0x1FA00];
	_ =	sdelay $0x1  }
0x493: {  	v8 =	vmul.f32 v0, v8;
	v5 =	vmul.f32 v0, v5;
	_ =	sdelay $0x1  }
0x494: {  	v4 =	vadd.f32 v5, v4;
	v5 =	vadd.f32 v8, v6;
	v8 =	vld [tilespmem:$0x1FC80]  }
0x495: {  	v9 =	vmul.f32 v1, v9;
	v7 =	vmul.f32 v2, v7;
	_ =	sdelay $0x1  }
0x496: {  	v6 =	vadd.f32 v9, v7;
	v7 =	vld [tilespmem:$0x1FBA0]  }
0x497: {  	v9 =	vld [tilespmem:$0x1FA30]  }
0x498: {  	v4 =	vadd.f32 v4, v8;
	v8 =	vld [tilespmem:$0x1FA20];
	_ =	sdelay $0x3  }
0x499: {  	v7 =	vmul.f32 v0, v7  }
0x49a: {  	v9 =	vmul.f32 v1, v9;
	v8 =	vmul.f32 v2, v8;
	_ =	sdelay $0x1  }
0x49b: {  	v6 =	vadd.f32 v7, v6;
	v7 =	vadd.f32 v9, v8;
	v9 =	vld [tilespmem:$0x1FD80];
	_ =	sdelay $0x3  }
0x49c: {  	v10 =	vld [tilespmem:$0x1FC90];
	v4 =	vmax.f32 v4, $0.0e+00  }
0x49d: {  	v3 =	vadd.f32 $0.0e+00, v3;
	v4 =	vmul.f32 v4, v9  }
0x49e: {  	v8 =	vld [tilespmem:$0x1FBB0]  }
0x49f: {  	v3 =	vadd.f32 v3, v4;
	v4 =	vld [tilespmem:$0x1FD90];
	_ =	sdelay $0x1  }
0x4a0: {  	v5 =	vadd.f32 v5, v10  }
0x4a1: {  	v9 =	vld [tilespmem:$0x1FCA0]  }
0x4a2: {  	v5 =	vmax.f32 v5, $0.0e+00;
	v8 =	vmul.f32 v0, v8  }
0x4a3: {  	v4 =	vmul.f32 v5, v4  }
0x4a4: {  	v7 =	vadd.f32 v8, v7;
	v8 =	vld [tilespmem:$0x1FA40]  }
0x4a5: {  	v3 =	vadd.f32 v3, v4;
	v4 =	vld [tilespmem:$0x1FDA0]  }
0x4a6: {  	v6 =	vadd.f32 v6, v9;
	v9 =	vld [tilespmem:$0x1FA50];
	_ =	sdelay $0x1  }
0x4a7: {  	v5 =	vmax.f32 v6, $0.0e+00;
	v6 =	vld [tilespmem:$0x1FCB0];
	_ =	sdelay $0x1  }
0x4a8: {  	v4 =	vmul.f32 v5, v4  }
0x4a9: {  	v8 =	vmul.f32 v2, v8;
	v9 =	vmul.f32 v1, v9  }
0x4aa: {  	v3 =	vadd.f32 v3, v4;
	v4 =	vld [tilespmem:$0x1FDB0]  }
0x4ab: {  	v6 =	vadd.f32 v7, v6;
	v7 =	vadd.f32 v9, v8;
	v8 =	vld [tilespmem:$0x1FBC0];
	_ =	sdelay $0x2  }
0x4ac: {  	v5 =	vmax.f32 v6, $0.0e+00  }
0x4ad: {  	v4 =	vmul.f32 v5, v4;
	v5 =	vld [tilespmem:$0x1FCC0]  }
0x4ae: {  	v8 =	vmul.f32 v0, v8;
	_ =	sdelay $0x1  }
0x4af: {  	v6 =	vadd.f32 v8, v7  }
0x4b0: {  	v7 =	vld [tilespmem:$0x1FA70]  }
0x4b1: {  	v5 =	vadd.f32 v6, v5;
	v6 =	vld [tilespmem:$0x1FA60];
	_ =	sdelay $0x3  }
0x4b2: {  	v8 =	vld [tilespmem:$0x1FA90]  }
0x4b3: {  	v3 =	vadd.f32 v3, v4;
	v4 =	vld [tilespmem:$0x1FA80];
	v7 =	vmul.f32 v1, v7;
	v6 =	vmul.f32 v2, v6;
	_ =	sdelay $0x1  }
0x4b4: {  	v6 =	vadd.f32 v7, v6;
	v7 =	vld [tilespmem:$0x1FBD0]  }
0x4b5: {  	v9 =	vld [tilespmem:$0x1FDC0];
	_ =	sdelay $0x1  }
0x4b6: {  	v8 =	vmul.f32 v1, v8;
	v4 =	vmul.f32 v2, v4;
	_ =	sdelay $0x1  }
0x4b7: {  	v5 =	vmax.f32 v5, $0.0e+00;
	v4 =	vadd.f32 v8, v4;
	v8 =	vld [tilespmem:$0x1FBE0];
	v7 =	vmul.f32 v0, v7  }
0x4b8: {  	v5 =	vmul.f32 v5, v9;
	v9 =	vld [tilespmem:$0x1FAB0]  }
0x4b9: {  	v6 =	vadd.f32 v7, v6;
	v7 =	vld [tilespmem:$0x1FAA0];
	_ =	sdelay $0x2  }
0x4ba: {  	v8 =	vmul.f32 v0, v8  }
0x4bb: {  	v10 =	vld [tilespmem:$0x1FAD0]  }
0x4bc: {  	v9 =	vmul.f32 v1, v9;
	v4 =	vadd.f32 v8, v4;
	v8 =	vld [tilespmem:$0x1FAC0];
	v7 =	vmul.f32 v2, v7  }
0x4bd: {  	v29 =	vld [tilespmem:$0x1FCD0]  }
0x4be: {  	v7 =	vadd.f32 v9, v7;
	v9 =	vld [tilespmem:$0x1FBF0];
	_ =	sdelay $0x2  }
0x4bf: {  	v10 =	vmul.f32 v1, v10;
	v8 =	vmul.f32 v2, v8;
	_ =	sdelay $0x1  }
0x4c0: {  	v6 =	vadd.f32 v6, v29;
	v8 =	vadd.f32 v10, v8;
	v10 =	vld [tilespmem:$0x1FC00];
	v9 =	vmul.f32 v0, v9;
	_ =	sdelay $0x1  }
0x4c1: {  	v3 =	vadd.f32 v3, v5;
	v5 =	vmax.f32 v6, $0.0e+00;
	v6 =	vadd.f32 v9, v7;
	v7 =	vld [tilespmem:$0x1FDD0];
	_ =	sdelay $0x2  }
0x4c2: {  	v10 =	vmul.f32 v0, v10  }
0x4c3: {  	v29 =	vld [tilespmem:$0x1FCE0]  }
0x4c4: {  	v5 =	vmul.f32 v5, v7;
	v7 =	vadd.f32 v10, v8;
	v8 =	vld [tilespmem:$0x1FCF0];
	_ =	sdelay $0x1  }
0x4c5: {  	v3 =	vadd.f32 v3, v5;
	v5 =	vld [tilespmem:$0x1FDE0];
	_ =	sdelay $0x1  }
0x4c6: {  	v4 =	vadd.f32 v4, v29;
	v9 =	vld [tilespmem:$0x1FAF0]  }
0x4c7: {  	v6 =	vadd.f32 v6, v8;
	v8 =	vld [tilespmem:$0x1FAE0]  }
0x4c8: {  	v4 =	vmax.f32 v4, $0.0e+00  }
0x4c9: {  	v4 =	vmul.f32 v4, v5;
	v5 =	vld [tilespmem:$0x1FD00];
	_ =	sdelay $0x1  }
0x4ca: {  	v3 =	vadd.f32 v3, v4;
	v4 =	vld [tilespmem:$0x1FDF0]  }
0x4cb: {  	v9 =	vmul.f32 v1, v9;
	v8 =	vmul.f32 v2, v8;
	_ =	sdelay $0x1  }
0x4cc: {  	v5 =	vadd.f32 v7, v5;
	v7 =	vadd.f32 v9, v8;
	v8 =	vld [tilespmem:$0x1FC10]  }
0x4cd: {  	v6 =	vmax.f32 v6, $0.0e+00  }
0x4ce: {  	v4 =	vmul.f32 v6, v4;
	v6 =	vld [tilespmem:$0x1FE00];
	_ =	sdelay $0x2  }
0x4cf: {  	v8 =	vmul.f32 v0, v8  }
0x4d0: {  	v5 =	vmax.f32 v5, $0.0e+00;
	v3 =	vadd.f32 v3, v4;
	v4 =	vld [tilespmem:$0x1FB00]  }
0x4d1: {  	v5 =	vmul.f32 v5, v6;
	v6 =	vadd.f32 v8, v7;
	v7 =	vld [tilespmem:$0x1FB10]  }
0x4d2: {  	v8 =	vld [tilespmem:$0x1FD10];
	_ =	sdelay $0x2  }
0x4d3: {  	v9 =	vld [tilespmem:$0x1FE10]  }
0x4d4: {  	v4 =	vmul.f32 v2, v4  }
0x4d5: {  	v3 =	vadd.f32 v3, v5;
	v5 =	vld [tilespmem:$0x1FC20];
	v7 =	vmul.f32 v1, v7;
	v6 =	vadd.f32 v6, v8  }
0x4d6: {  	v8 =	vld [tilespmem:$0x1FB30]  }
0x4d7: {  	v4 =	vadd.f32 v7, v4;
	v6 =	vmax.f32 v6, $0.0e+00;
	v7 =	vld [tilespmem:$0x1FB20]  }
0x4d8: {  	v6 =	vmul.f32 v6, v9;
	_ =	sdelay $0x1  }
0x4d9: {  	v5 =	vmul.f32 v0, v5;
	v3 =	vadd.f32 v3, v6;
	v6 =	vld [tilespmem:$0x1FD20]  }
0x4da: {  	v29 =	vld [tilespmem:$0x1FE20]  }
0x4db: {  	v4 =	vadd.f32 v5, v4;
	v5 =	vld [tilespmem:$0x1FC30];
	v8 =	vmul.f32 v1, v8;
	v7 =	vmul.f32 v2, v7  }
0x4dc: {  	v9 =	vld [tilespmem:$0x1FB50]  }
0x4dd: {  	v7 =	vadd.f32 v8, v7;
	v8 =	vld [tilespmem:$0x1FB40]  }
0x4de: {  	v4 =	vadd.f32 v4, v6;
	_ =	sdelay $0x1  }
0x4df: {  	v5 =	vmul.f32 v0, v5;
	v4 =	vmax.f32 v4, $0.0e+00  }
0x4e0: {  	v10 =	vld [tilespmem:$0x1FD30];
	v4 =	vmul.f32 v4, v29  }
0x4e1: {  	v9 =	vmul.f32 v1, v9;
	v5 =	vadd.f32 v5, v7;
	v7 =	vld [tilespmem:$0x1FC40];
	v8 =	vmul.f32 v2, v8  }
0x4e2: {  	v3 =	vadd.f32 v3, v4;
	v4 =	vld [tilespmem:$0x1FE30]  }
0x4e3: {  	v6 =	vadd.f32 v9, v8;
	v8 =	vld [tilespmem:$0x1FB60]  }
0x4e4: {  	v9 =	vld [tilespmem:$0x1FB80]  }
0x4e5: {  	v5 =	vadd.f32 v5, v10;
	_ =	sdelay $0x1  }
0x4e6: {  	v29 =	vld [tilespmem:$0x1FD40];
	v5 =	vmax.f32 v5, $0.0e+00;
	v7 =	vmul.f32 v0, v7  }
0x4e7: {  	v10 =	vld [tilespmem:$0x1FB90];
	v4 =	vmul.f32 v5, v4  }
0x4e8: {  	v6 =	vadd.f32 v7, v6;
	v7 =	vld [tilespmem:$0x1FC50];
	v8 =	vmul.f32 v2, v8;
	v9 =	vmul.f32 v1, v9  }
0x4e9: {  	v3 =	vadd.f32 v3, v4;
	v4 =	vld [tilespmem:$0x1FE40]  }
0x4ea: {  	v8 =	vadd.f32 v9, v8;
	v9 =	vld [tilespmem:$0x1FB70]  }
0x4eb: {  	v6 =	vadd.f32 v6, v29;
	_ =	sdelay $0x1  }
0x4ec: {  	v5 =	vmax.f32 v6, $0.0e+00  }
0x4ed: {  	v10 =	vmul.f32 v1, v10;
	v6 =	vld [tilespmem:$0x1FD50];
	v4 =	vmul.f32 v5, v4  }
0x4ee: {  	v7 =	vmul.f32 v0, v7;
	v9 =	vmul.f32 v2, v9  }
0x4ef: {  	v3 =	vadd.f32 v3, v4;
	v4 =	vld [tilespmem:$0x1FE50]  }
0x4f0: {  	v7 =	vadd.f32 v7, v8;
	v8 =	vadd.f32 v10, v9;
	v9 =	vld [tilespmem:$0x1FC60];
	_ =	sdelay $0x1  }
0x4f1: {  	v6 =	vadd.f32 v7, v6;
	_ =	sdelay $0x1  }
0x4f2: {  	v5 =	vmax.f32 v6, $0.0e+00;
	v6 =	vld [tilespmem:$0x1FD60]  }
0x4f3: {  	v4 =	vmul.f32 v5, v4;
	v9 =	vmul.f32 v0, v9;
	_ =	sdelay $0x1  }
0x4f4: {  	v3 =	vadd.f32 v3, v4;
	v4 =	vld [tilespmem:$0x1FE60];
	v7 =	vadd.f32 v9, v8;
	_ =	sdelay $0x1  }
0x4f5: {  	v6 =	vadd.f32 v7, v6;
	_ =	sdelay $0x1  }
0x4f6: {  	v5 =	vmax.f32 v6, $0.0e+00  }
0x4f7: {  	v4 =	vmul.f32 v5, v4;
	_ =	sdelay $0x1  }
0x4f8: {  	v3 =	vadd.f32 v3, v4;
	v4 =	vld [tilespmem:$0x1F960];
	_ =	sdelay $0x4  }
0x4f9: {  	v3 =	vadd.f32 v3, v4;
	_ =	sdelay $0x1  }
0x4fa: {  	v3 =	vsub.f32 $0.0e+00, v3;
	_ =	sdelay $0x1  }
0x4fb: {  	v3 =	vmul.f32 $1.442695020e+00, v3;
	_ =	sdelay $0x1  }
0x4fc: {  	(erf) = vpow2.f32 v3;
	_ =	sdelay $0x8  }
0x4fd: {  	v3 =	vpop (erf)  }
0x4fe: {  	v3 =	vadd.f32 $1.000000000e+00, v3;
	_ =	sdelay $0x1  }
0x4ff: {  	(erf) = vrcp.f32 v3;
	_ =	sdelay $0x5  }
0x500: {  	v5 =	vld [tilespmem:s14+$0x8F80];
	_ =	sdelay $0x2  }
0x501: {  	v3 =	vpop (erf)  }
0x502: {  	v4 =	vmov s0;
	v2 =	vmul.f32 v3, v2  }
0x503: {  	[tilespmem:$0x1F5F0] =	vst v5;
	v1 =	vmul.f32 v3, v1  }
0x504: {  	v0 =	vmul.f32 v3, v0;
	[tilespmem:$0x12360] =	vst v2  }
0x505: {  	[tilespmem:$0x12370] =	vst v1;
	v1 =	vand.u32 $0xE, v4  }
0x506: {  	[tilespmem:$0x12380] =	vst v0;
	v0 =	vor.u32 $0x20, v1  }
0x507: {  	v2 =	vld.idx.msk [tilespmem:v4+s18+$0x0], $0xffff;
	_ =	sdelay $0x3  }
0x508: {  	v4 =	vld.idx.msk [tilespmem:v0+s18+$0x0], $0xffff  }
0x509: {  	v3 =	vor.u32 $0x10, v1;
	v0 =	vmul.f32 v2, v14;
	_ =	sdelay $0x1  }
0x50a: {  	[tilespmem:$0x1F650] =	vst v0;
	v0 =	vmul.f32 v2, v13;
	_ =	sdelay $0x1  }
0x50b: {  	[tilespmem:$0x1F620] =	vst v0;
	v0 =	vmul.f32 v4, v28  }
0x50c: {  	v5 =	vld.idx.msk [tilespmem:v3+s18+$0x0], $0xffff  }
0x50d: {  	v6 =	vld [tilespmem:s11+$0x70];
	[tilespmem:$0x1F680] =	vst v0;
	v0 =	vmul.f32 v4, v26;
	_ =	sdelay $0x1  }
0x50e: {  	[tilespmem:$0x1F660] =	vst v0;
	v0 =	vmul.f32 v4, v27;
	_ =	sdelay $0x1  }
0x50f: {  	v8 =	vld [tilespmem:s11+$0xF0];
	[tilespmem:$0x1F630] =	vst v0;
	v0 =	vmul.f32 v5, v20;
	_ =	sdelay $0x1  }
0x510: {  	[tilespmem:$0x1F670] =	vst v0;
	v0 =	vmul.f32 v4, v36;
	_ =	sdelay $0x1  }
0x511: {  	v9 =	vld [tilespmem:s11+$0x60];
	[tilespmem:$0x1F600] =	vst v0;
	v0 =	vmul.f32 v5, v19;
	_ =	sdelay $0x2  }
0x512: {  	v63 =	vmul.f32 v2, v33;
	v34 =	vmul.f32 v2, v12  }
0x513: {  	s5 =	simm.s32 $0x1;
	v37 =	vmul.f32 v2, v11;
	v40 =	vmul.f32 v2, v49;
	[tilespmem:$0x1F640] =	vst v0;
	v0 =	vmov v35  }
0x514: {  	v7 =	vmov s5;
	v42 =	vmul.f32 v2, v50;
	v61 =	vmovc v0;
	v0 =	vmul.f32 v5, v18  }
0x515: {  	v43 =	vmul.f32 v2, v48;
	v32 =	vmul.f32 v4, v22;
	v10 =	vld [tilespmem:s11+$0xE0]  }
0x516: {  	v38 =	vmov v33;
	v29 =	vmul.f32 v4, v21;
	v44 =	vmul.f32 v4, v51;
	[tilespmem:$0x1F610] =	vst v0  }
0x517: {  	v52 =	vmovc v26;
	v47 =	vmovc v11;
	v33 =	vmul.f32 v5, v17;
	v31 =	vmul.f32 v5, v16;
	v6 =	vsub.f32 $0.0e+00, v6;
	v11 =	vld [tilespmem:s11+$0x50]  }
0x518: {  	v53 =	vmovc v28;
	v3 =	vmovc v12;
	v41 =	vmul.f32 v5, v15;
	v28 =	vmul.f32 v5, v24;
	v8 =	vsub.f32 $0.0e+00, v8;
	v12 =	vld [tilespmem:s11+$0xD0]  }
0x519: {  	v26 =	vmovc v21;
	v21 =	vmovc v13;
	v45 =	vmul.f32 v5, v23;
	v6 =	vmul.f32 $1.442695020e+00, v6;
	v9 =	vsub.f32 $0.0e+00, v9;
	v13 =	vld.idx.msk [tilespmem:v7+s18+$0x0], $0xffff  }
0x51a: {  	v8 =	vmul.f32 $1.442695020e+00, v8;
	v35 =	vmul.f32 v4, v35;
	v4 =	vld [tilespmem:s11+$0x40];
	v10 =	vsub.f32 $0.0e+00, v10  }
0x51b: {  	(erf) = vpow2.f32 v6;
	v9 =	vmul.f32 $1.442695020e+00, v9;
	v5 =	vld [tilespmem:s11+$0xC0]  }
0x51c: {  	v2 =	vmov v14;
	(erf) = vpow2.f32 v8;
	v14 =	vld [tilespmem:s11+$0x30];
	v10 =	vmul.f32 $1.442695020e+00, v10  }
0x51d: {  	v58 =	vmovc v36;
	v30 =	vmov v16;
	v7 =	vand.u32 $0xF, v7;
	v16 =	vld [tilespmem:s11+$0xB0];
	(erf) = vpow2.f32 v9  }
0x51e: {  	v1 =	vmovc v17;
	v36 =	vmovc v15;
	v17 =	vld [tilespmem:s11+$0x20];
	v15 =	vor.u32 $0x20, v7;
	v7 =	vor.u32 $0x10, v7;
	(erf) = vpow2.f32 v10  }
0x51f: {  	v60 =	vmovc v19;
	v25 =	vmovc v24;
	v24 =	vld [tilespmem:s11+$0x90];
	v11 =	vsub.f32 $0.0e+00, v11;
	v12 =	vsub.f32 $0.0e+00, v12;
	v19 =	vmul.f32 v13, v21  }
0x520: {  	v39 =	vmovc v22;
	v56 =	vmovc v20;
	v57 =	vld [tilespmem:s11+$0x0];
	v4 =	vsub.f32 $0.0e+00, v4;
	v20 =	vmul.f32 v13, v2;
	v22 =	vmul.f32 v13, v3  }
0x521: {  	v55 =	vmovc v27;
	v59 =	vld [tilespmem:s11+$0x80];
	v5 =	vsub.f32 $0.0e+00, v5;
	v3 =	vmovc v23;
	v23 =	vmul.f32 v13, v38;
	v27 =	vmul.f32 v13, v49  }
0x522: {  	v0 =	vmovc v18;
	v18 =	vld [tilespmem:s11+$0xA0];
	v46 =	vmul.f32 v13, v47;
	v14 =	vsub.f32 $0.0e+00, v14;
	v47 =	vmul.f32 v13, v48  }
0x523: {  	v13 =	vmul.f32 v13, v50;
	v16 =	vsub.f32 $0.0e+00, v16;
	v17 =	vsub.f32 $0.0e+00, v17  }
0x524: {  	v54 =	vld [tilespmem:s10+$0x50];
	v24 =	vsub.f32 $0.0e+00, v24;
	v11 =	vmul.f32 $1.442695020e+00, v11;
	v12 =	vmul.f32 $1.442695020e+00, v12  }
0x525: {  	v48 =	vsub.f32 $0.0e+00, v57;
	v15 =	vld.idx.msk [tilespmem:v15+s18+$0x0], $0xffff;
	v4 =	vmul.f32 $1.442695020e+00, v4;
	v5 =	vmul.f32 $1.442695020e+00, v5  }
0x526: {  	v6 =	vld [tilespmem:s10+$0x20];
	v49 =	vsub.f32 $0.0e+00, v59;
	v14 =	vmul.f32 $1.442695020e+00, v14;
	v16 =	vmul.f32 $1.442695020e+00, v16  }
0x527: {  	v18 =	vsub.f32 $0.0e+00, v18;
	v7 =	vld.idx.msk [tilespmem:v7+s18+$0x0], $0xffff;
	v17 =	vmul.f32 $1.442695020e+00, v17;
	v24 =	vmul.f32 $1.442695020e+00, v24  }
0x528: {  	v8 =	vld [tilespmem:s10+$0x10];
	v48 =	vmul.f32 $1.442695020e+00, v48;
	v49 =	vmul.f32 $1.442695020e+00, v49  }
0x529: {  	v50 =	vld [tilespmem:s10+$0x70];
	v18 =	vmul.f32 $1.442695020e+00, v18;
	(erf) = vpow2.f32 v11  }
0x52a: {  	v2 =	vmov v51;
	v51 =	vld [tilespmem:s10+$0x60];
	(erf) = vpow2.f32 v12;
	v52 =	vmul.f32 v15, v52  }
0x52b: {  	v21 =	vld [tilespmem:s11+$0x10];
	v23 =	vadd.f32 v54, v23;
	v53 =	vmul.f32 v15, v53;
	v55 =	vmul.f32 v15, v55  }
0x52c: {  	v57 =	vld [tilespmem:s10+$0x40];
	v6 =	vadd.f32 v6, v27;
	v56 =	vmul.f32 v7, v56;
	v58 =	vmul.f32 v15, v58  }
0x52d: {  	v9 =	vld [tilespmem:s10+$0x0];
	v8 =	vadd.f32 v8, v13;
	v59 =	vmul.f32 v7, v60;
	v61 =	vmul.f32 v15, v61  }
0x52e: {  	v20 =	vadd.f32 v50, v20;
	v62 =	vmul.f32 v7, v0;
	v50 =	vmul.f32 v7, v1  }
0x52f: {  	v19 =	vadd.f32 v51, v19;
	v51 =	vmul.f32 v15, v39;
	v54 =	vmul.f32 v7, v30  }
0x530: {  	v21 =	vsub.f32 $0.0e+00, v21;
	v10 =	vmul.f32 v15, v26;
	v11 =	vmul.f32 v15, v2  }
0x531: {  	v22 =	vadd.f32 v57, v22;
	v60 =	vld [tilespmem:s10+$0x30];
	v12 =	vmul.f32 v7, v3;
	(erf) = vpow2.f32 v4  }
0x532: {  	v4 =	vadd.f32 v9, v47;
	v21 =	vmul.f32 $1.442695020e+00, v21;
	(erf) = vpow2.f32 v5  }
0x533: {  	v5 =	vadd.f32 v19, v59;
	v9 =	vadd.f32 v20, v56;
	(erf) = vpow2.f32 v14  }
0x534: {  	v13 =	vadd.f32 v22, v50;
	v14 =	vadd.f32 v23, v62;
	(erf) = vpow2.f32 v16  }
0x535: {  	(erf) = vpow2.f32 v17;
	v5 =	vadd.f32 v5, v52;
	v9 =	vadd.f32 v9, v53  }
0x536: {  	v13 =	vadd.f32 v13, v58;
	v46 =	vadd.f32 v60, v46;
	v60 =	vmul.f32 v7, v36  }
0x537: {  	v14 =	vadd.f32 v14, v55;
	v7 =	vmul.f32 v7, v25;
	v9 =	vsub.f32 $0.0e+00, v9  }
0x538: {  	v16 =	vpop (erf);
	(erf) = vpow2.f32 v18;
	v6 =	vadd.f32 v6, v60;
	v15 =	vadd.f32 v46, v54  }
0x539: {  	v4 =	vadd.f32 v4, v7;
	v7 =	vadd.f32 v8, v12;
	v8 =	vpop (erf);
	(erf) = vpow2.f32 v21  }
0x53a: {  	v19 =	vsub.f32 $0.0e+00, v5;
	v12 =	vpop (erf);
	(erf) = vpow2.f32 v24;
	v15 =	vadd.f32 v15, v61  }
0x53b: {  	v9 =	vmul.f32 $1.442695020e+00, v9;
	v17 =	vpop (erf);
	v6 =	vadd.f32 v6, v51;
	v7 =	vadd.f32 v7, v10  }
0x53c: {  	(erf) = vpow2.f32 v48;
	v10 =	vsub.f32 $0.0e+00, v14;
	v4 =	vadd.f32 v4, v11;
	v18 =	vpop (erf)  }
0x53d: {  	v11 =	vsub.f32 $0.0e+00, v13;
	v13 =	vmul.f32 $1.442695020e+00, v19;
	(erf) = vpow2.f32 v49;
	v5 =	vpop (erf)  }
0x53e: {  	v14 =	vld [tilespmem:s11+$0xFFFFFF00];
	v15 =	vsub.f32 $0.0e+00, v15;
	v10 =	vmul.f32 $1.442695020e+00, v10;
	(erf) = vpow2.f32 v9;
	v20 =	vpop (erf)  }
0x53f: {  	v9 =	vld [tilespmem:s11+$0xFFFFFF10];
	v4 =	vsub.f32 $0.0e+00, v4;
	v11 =	vmul.f32 $1.442695020e+00, v11;
	(erf) = vpow2.f32 v13;
	v21 =	vpop (erf)  }
0x540: {  	v6 =	vsub.f32 $0.0e+00, v6;
	v15 =	vmul.f32 $1.442695020e+00, v15;
	(erf) = vpow2.f32 v10;
	v10 =	vld [tilespmem:s10+$0xFFFFFF80];
	v22 =	vpop (erf)  }
0x541: {  	v4 =	vmul.f32 $1.442695020e+00, v4;
	v23 =	vpop (erf)  }
0x542: {  	v7 =	vsub.f32 $0.0e+00, v7;
	v13 =	vld [tilespmem:s11+$0xFFFFFF90];
	v6 =	vmul.f32 $1.442695020e+00, v6;
	(erf) = vpow2.f32 v11;
	v24 =	vpop (erf)  }
0x543: {  	v60 =	vsub.f32 $0.0e+00, v14;
	v14 =	vpop (erf);
	(erf) = vpow2.f32 v15  }
0x544: {  	v16 =	vadd.f32 $1.000000000e+00, v16;
	v7 =	vmul.f32 $1.442695020e+00, v7;
	v15 =	vpop (erf);
	(erf) = vpow2.f32 v4  }
0x545: {  	v19 =	vld [tilespmem:s11+$0xFFFFFF80];
	v4 =	vsub.f32 $0.0e+00, v9;
	v10 =	vadd.f32 v10, v43;
	v9 =	vpop (erf);
	(erf) = vpow2.f32 v6  }
0x546: {  	v8 =	vadd.f32 $1.000000000e+00, v8;
	v6 =	vpop (erf);
	(erf) = vpow2.f32 v7  }
0x547: {  	v12 =	vadd.f32 $1.000000000e+00, v12;
	v11 =	vld [tilespmem:s10+$0xFFFFFF90];
	v62 =	vsub.f32 $0.0e+00, v13;
	v13 =	vpop (erf);
	(erf) = vrcp.f32 v16  }
0x548: {  	v16 =	vadd.f32 $1.000000000e+00, v17;
	v17 =	vpop (erf);
	(erf) = vrcp.f32 v8  }
0x549: {  	v3 =	vadd.f32 v10, v28;
	v8 =	vadd.f32 $1.000000000e+00, v18;
	v10 =	vpop (erf);
	(erf) = vrcp.f32 v12  }
0x54a: {  	v61 =	vsub.f32 $0.0e+00, v19;
	v18 =	vpop (erf);
	(erf) = vrcp.f32 v16  }
0x54b: {  	v12 =	vadd.f32 $1.000000000e+00, v20;
	v20 =	vpop (erf);
	(erf) = vrcp.f32 v8;
	v8 =	vadd.f32 $1.000000000e+00, v24  }
0x54c: {  	v19 =	vadd.f32 $1.000000000e+00, v22;
	v11 =	vadd.f32 v11, v42;
	v22 =	vpop (erf)  }
0x54d: {  	(erf) = vrcp.f32 v12;
	v12 =	vadd.f32 $1.000000000e+00, v15;
	v15 =	vpop (erf)  }
0x54e: {  	v11 =	vadd.f32 v11, v45;
	(erf) = vrcp.f32 v19;
	v2 =	vadd.f32 $1.000000000e+00, v15;
	v15 =	vpop (erf)  }
0x54f: {  	v6 =	vadd.f32 $1.000000000e+00, v6;
	(erf) = vrcp.f32 v8;
	v8 =	vpop (erf)  }
0x550: {  	v11 =	vadd.f32 v11, v29;
	(erf) = vrcp.f32 v12;
	v8 =	vadd.f32 $1.000000000e+00, v8  }
0x551: {  	v3 =	vadd.f32 v3, v44;
	v13 =	vadd.f32 $1.000000000e+00, v13;
	(erf) = vrcp.f32 v2  }
0x552: {  	v12 =	vld [tilespmem:s10+$0xFFFFFFC0];
	v44 =	vpop (erf);
	(erf) = vrcp.f32 v6;
	v6 =	vsub.f32 $0.0e+00, v11;
	v11 =	vadd.f32 $1.000000000e+00, v15  }
0x553: {  	v15 =	vadd.f32 $1.000000000e+00, v22;
	v2 =	vpop (erf)  }
0x554: {  	v9 =	vadd.f32 $1.000000000e+00, v9;
	(erf) = vrcp.f32 v8;
	v8 =	vpop (erf)  }
0x555: {  	v0 =	vld [tilespmem:$0x1F600];
	(erf) = vrcp.f32 v13;
	v13 =	vpop (erf)  }
0x556: {  	v7 =	vld [tilespmem:s10+$0xFFFFFFA0];
	(erf) = vrcp.f32 v11;
	v11 =	vpop (erf)  }
0x557: {  	v20 =	vadd.f32 $1.000000000e+00, v20;
	v12 =	vadd.f32 v12, v34;
	(erf) = vrcp.f32 v15;
	v15 =	vpop (erf)  }
0x558: {  	v14 =	vadd.f32 $1.000000000e+00, v14;
	(erf) = vrcp.f32 v9;
	v9 =	vpop (erf)  }
0x559: {  	v18 =	vadd.f32 $1.000000000e+00, v18;
	v19 =	vld [tilespmem:s10+$0xFFFFFFD0];
	v12 =	vadd.f32 v12, v33;
	(erf) = vrcp.f32 v20;
	v22 =	vpop (erf)  }
0x55a: {  	v10 =	vadd.f32 $1.000000000e+00, v10;
	v20 =	vadd.f32 $1.000000000e+00, v23;
	(erf) = vrcp.f32 v14;
	v23 =	vpop (erf)  }
0x55b: {  	v7 =	vadd.f32 v7, v40;
	v12 =	vadd.f32 v12, v0;
	v0 =	vld [tilespmem:$0x1F610];
	(erf) = vrcp.f32 v18;
	v24 =	vpop (erf)  }
0x55c: {  	v21 =	vadd.f32 $1.000000000e+00, v21;
	v16 =	vld [tilespmem:s10+$0xFFFFFFB0];
	v25 =	vpop (erf);
	(erf) = vrcp.f32 v20  }
0x55d: {  	v17 =	vadd.f32 $1.000000000e+00, v17;
	v7 =	vadd.f32 v7, v41;
	v14 =	vld [tilespmem:s9+$0x0];
	v45 =	vpop (erf);
	(erf) = vrcp.f32 v10  }
0x55e: {  	v5 =	vadd.f32 $1.000000000e+00, v5;
	v18 =	vadd.f32 v19, v63;
	v19 =	vld [tilespmem:s9+$0x10];
	v49 =	vpop (erf);
	(erf) = vrcp.f32 v21  }
0x55f: {  	v7 =	vadd.f32 v7, v32;
	v20 =	vld [tilespmem:s10+$0xFFFFFFE0];
	v51 =	vpop (erf);
	(erf) = vrcp.f32 v17  }
0x560: {  	(erf) = vrcp.f32 v5;
	v5 =	vadd.f32 v18, v0;
	v0 =	vld [tilespmem:$0x1F620]  }
0x561: {  	v3 =	vsub.f32 $0.0e+00, v3;
	v7 =	vsub.f32 $0.0e+00, v7  }
0x562: {  	v10 =	vadd.f32 $-5.000000000e-01, v24;
	v24 =	vld [tilespmem:s9+$0x20];
	v21 =	vadd.f32 $-5.000000000e-01, v45  }
0x563: {  	v50 =	vld [tilespmem:s9+$0x30];
	v3 =	vmul.f32 $1.442695020e+00, v3;
	v6 =	vmul.f32 $1.442695020e+00, v6  }
0x564: {  	v16 =	vadd.f32 v16, v37;
	v7 =	vmul.f32 $1.442695020e+00, v7;
	v10 =	vmul.f32 v10, v14  }
0x565: {  	v14 =	vpop (erf);
	v17 =	vmul.f32 v21, v19;
	v18 =	vadd.f32 $-5.000000000e-01, v51;
	v20 =	vadd.f32 v20, v0;
	v0 =	vld [tilespmem:$0x1F630]  }
0x566: {  	v25 =	vmul.f32 v10, v25;
	v10 =	vmul.f32 v10, v49;
	v14 =	vadd.f32 $-5.000000000e-01, v14;
	v21 =	vpop (erf)  }
0x567: {  	v16 =	vadd.f32 v16, v31;
	v19 =	vld [tilespmem:s9+$0x40];
	v23 =	vmul.f32 v17, v23;
	v18 =	vmul.f32 v18, v24;
	v27 =	vpop (erf)  }
0x568: {  	v17 =	vmul.f32 v17, v21;
	v14 =	vmul.f32 v14, v50;
	v21 =	vadd.f32 $-5.000000000e-01, v27  }
0x569: {  	v31 =	vld [tilespmem:s9+$0x60];
	v10 =	vadd.f32 $0.0e+00, v10;
	(erf) = vpow2.f32 v3;
	v24 =	vpop (erf);
	v22 =	vmul.f32 v18, v22  }
0x56a: {  	(erf) = vpow2.f32 v6;
	v27 =	vpop (erf);
	v18 =	vmul.f32 v18, v24;
	v5 =	vadd.f32 v5, v0;
	v0 =	vld [tilespmem:$0x1F640]  }
0x56b: {  	v9 =	vmul.f32 v14, v9;
	v10 =	vadd.f32 v17, v10;
	v24 =	vadd.f32 $-5.000000000e-01, v27;
	v27 =	vpop (erf)  }
0x56c: {  	v25 =	vadd.f32 $0.0e+00, v25;
	v19 =	vmul.f32 v21, v19;
	v14 =	vmul.f32 v14, v27;
	v21 =	vpop (erf)  }
0x56d: {  	v10 =	vadd.f32 v18, v10;
	v18 =	vmul.f32 $1.442695020e+00, v60;
	v21 =	vadd.f32 $-5.000000000e-01, v21;
	v27 =	vpop (erf)  }
0x56e: {  	v23 =	vadd.f32 v23, v25;
	v25 =	vld [tilespmem:s10+$0xFFFFFFF0];
	(erf) = vpow2.f32 v7;
	v54 =	vpop (erf)  }
0x56f: {  	v21 =	vmul.f32 v21, v31;
	v31 =	vpop (erf);
	(erf) = vpow2.f32 v18;
	v18 =	vadd.f32 v20, v0;
	v0 =	vld [tilespmem:$0x1F650];
	_ =	sdelay $0x3  }
0x570: {  	v16 =	vadd.f32 v16, v35  }
0x571: {  	v1 =	vadd.f32 v25, v0;
	v0 =	vld [tilespmem:$0x1F660]  }
0x572: {  	v52 =	vld [tilespmem:s9+$0x50];
	v16 =	vsub.f32 $0.0e+00, v16;
	v8 =	vmul.f32 v21, v8  }
0x573: {  	v3 =	vld [tilespmem:s11+$0xFFFFFF20];
	v13 =	vmul.f32 v21, v13;
	v21 =	vmul.f32 $1.442695020e+00, v61  }
0x574: {  	v16 =	vmul.f32 $1.442695020e+00, v16;
	v6 =	vld [tilespmem:s11+$0xFFFFFFA0]  }
0x575: {  	v7 =	vsub.f32 $0.0e+00, v12;
	(erf) = vpow2.f32 v21  }
0x576: {  	(erf) = vpow2.f32 v16;
	v16 =	vadd.f32 v18, v0;
	v0 =	vld [tilespmem:$0x1F670]  }
0x577: {  	v4 =	vmul.f32 $1.442695020e+00, v4;
	v22 =	vadd.f32 v22, v23;
	v7 =	vmul.f32 $1.442695020e+00, v7  }
0x578: {  	v12 =	vld [tilespmem:s11+$0xFFFFFF30];
	v24 =	vmul.f32 v24, v52;
	v15 =	vmul.f32 v19, v15;
	v3 =	vsub.f32 $0.0e+00, v3  }
0x579: {  	v9 =	vadd.f32 v9, v22;
	v6 =	vsub.f32 $0.0e+00, v6;
	v19 =	vmul.f32 v19, v27;
	v20 =	vld [tilespmem:s11+$0xFFFFFFB0]  }
0x57a: {  	v53 =	vld [tilespmem:s9+$0x70];
	v10 =	vadd.f32 v14, v10;
	v11 =	vmul.f32 v24, v11;
	v21 =	vmul.f32 $1.442695020e+00, v62  }
0x57b: {  	v3 =	vmul.f32 $1.442695020e+00, v3;
	(erf) = vpow2.f32 v4;
	v1 =	vadd.f32 v1, v0;
	v0 =	vld [tilespmem:$0x1F680]  }
0x57c: {  	v6 =	vmul.f32 $1.442695020e+00, v6;
	v5 =	vsub.f32 $0.0e+00, v5;
	(erf) = vpow2.f32 v21;
	v18 =	vld [tilespmem:s11+$0xFFFFFFC0]  }
0x57d: {  	v12 =	vsub.f32 $0.0e+00, v12;
	v24 =	vmul.f32 v24, v31;
	v4 =	vld [tilespmem:s11+$0xFFFFFF40];
	(erf) = vpow2.f32 v7  }
0x57e: {  	v5 =	vmul.f32 $1.442695020e+00, v5;
	v7 =	vpop (erf);
	v20 =	vsub.f32 $0.0e+00, v20;
	(erf) = vpow2.f32 v3  }
0x57f: {  	v27 =	vadd.f32 $-5.000000000e-01, v54;
	v12 =	vmul.f32 $1.442695020e+00, v12;
	v3 =	vpop (erf);
	(erf) = vpow2.f32 v6;
	v6 =	vld [tilespmem:s11+$0xFFFFFF50]  }
0x580: {  	v20 =	vmul.f32 $1.442695020e+00, v20;
	(erf) = vpow2.f32 v5;
	v0 =	vadd.f32 v1, v0;
	v1 =	vpop (erf)  }
0x581: {  	v5 =	vld [tilespmem:s11+$0xFFFFFFD0];
	v16 =	vsub.f32 $0.0e+00, v16;
	v21 =	vpop (erf);
	(erf) = vpow2.f32 v12;
	v12 =	vsub.f32 $0.0e+00, v18  }
0x582: {  	v17 =	vmul.f32 v27, v53;
	v7 =	vadd.f32 $1.000000000e+00, v7;
	v4 =	vsub.f32 $0.0e+00, v4  }
0x583: {  	v3 =	vadd.f32 $1.000000000e+00, v3;
	v16 =	vmul.f32 $1.442695020e+00, v16;
	v18 =	vpop (erf);
	(erf) = vpow2.f32 v20  }
0x584: {  	v4 =	vmul.f32 $1.442695020e+00, v4;
	v6 =	vsub.f32 $0.0e+00, v6;
	v14 =	vpop (erf);
	(erf) = vrcp.f32 v7  }
0x585: {  	v0 =	vsub.f32 $0.0e+00, v0;
	v7 =	vmul.f32 $1.442695020e+00, v12;
	v12 =	vpop (erf);
	(erf) = vpow2.f32 v16;
	v16 =	vld [tilespmem:s11+$0xFFFFFF60]  }
0x586: {  	v5 =	vsub.f32 $0.0e+00, v5;
	v6 =	vmul.f32 $1.442695020e+00, v6;
	v20 =	vpop (erf);
	(erf) = vpow2.f32 v4  }
0x587: {  	v0 =	vmul.f32 $1.442695020e+00, v0;
	v4 =	vld [tilespmem:s11+$0xFFFFFFE0];
	v22 =	vpop (erf);
	(erf) = vpow2.f32 v7  }
0x588: {  	v5 =	vmul.f32 $1.442695020e+00, v5;
	v7 =	vadd.f32 v15, v9;
	v9 =	vpop (erf);
	(erf) = vrcp.f32 v3  }
0x589: {  	v1 =	vadd.f32 $1.000000000e+00, v1;
	v3 =	vadd.f32 v19, v10;
	v10 =	vpop (erf);
	(erf) = vpow2.f32 v0  }
0x58a: {  	v2 =	vmul.f32 v17, v2;
	v15 =	vpop (erf);
	(erf) = vpow2.f32 v6;
	v16 =	vsub.f32 $0.0e+00, v16  }
0x58b: {  	v18 =	vadd.f32 $1.000000000e+00, v18;
	v19 =	vadd.f32 $1.000000000e+00, v21;
	(erf) = vpow2.f32 v5;
	v5 =	vld [tilespmem:s11+$0xFFFFFFF0]  }
0x58c: {  	v0 =	vmul.f32 v17, v44;
	v6 =	vld [tilespmem:s11+$0xFFFFFF70];
	v21 =	vpop (erf);
	v4 =	vsub.f32 $0.0e+00, v4;
	(erf) = vrcp.f32 v1  }
0x58d: {  	v7 =	vadd.f32 v11, v7;
	v1 =	vpop (erf);
	v11 =	vmul.f32 $1.442695020e+00, v16;
	(erf) = vrcp.f32 v19  }
0x58e: {  	v14 =	vadd.f32 $1.000000000e+00, v14;
	v4 =	vmul.f32 $1.442695020e+00, v4;
	v16 =	vpop (erf);
	(erf) = vrcp.f32 v18  }
0x58f: {  	v3 =	vadd.f32 v24, v3;
	v7 =	vadd.f32 v8, v7;
	v18 =	vpop (erf);
	(erf) = vpow2.f32 v11  }
0x590: {  	v17 =	vpop (erf);
	(erf) = vpow2.f32 v4;
	v4 =	vsub.f32 $0.0e+00, v5;
	v5 =	vadd.f32 $1.000000000e+00, v20  }
0x591: {  	v6 =	vsub.f32 $0.0e+00, v6;
	v11 =	vadd.f32 $1.000000000e+00, v12;
	v12 =	vpop (erf)  }
0x592: {  	v3 =	vadd.f32 v13, v3;
	v59 =	vadd.f32 v0, v7;
	v19 =	vpop (erf);
	(erf) = vrcp.f32 v14  }
0x593: {  	v0 =	vadd.f32 $1.000000000e+00, v22;
	v6 =	vmul.f32 $1.442695020e+00, v6;
	(erf) = vrcp.f32 v11;
	v8 =	vpop (erf)  }
0x594: {  	v58 =	vadd.f32 v2, v3;
	v4 =	vmul.f32 $1.442695020e+00, v4;
	(erf) = vrcp.f32 v5;
	v5 =	vpop (erf)  }
0x595: {  	v2 =	vadd.f32 $1.000000000e+00, v9;
	v9 =	vadd.f32 $1.000000000e+00, v10;
	v7 =	vpop (erf);
	(erf) = vpow2.f32 v6  }
0x596: {  	v10 =	vadd.f32 $1.000000000e+00, v15;
	v6 =	vld [tilespmem:s9+$0xFFFFFF80];
	v3 =	vpop (erf);
	(erf) = vpow2.f32 v4  }
0x597: {  	v4 =	vld [tilespmem:s9+$0xFFFFFF90];
	v11 =	vpop (erf);
	(erf) = vrcp.f32 v0  }
0x598: {  	v13 =	vpop (erf);
	(erf) = vrcp.f32 v2;
	v2 =	vadd.f32 $-5.000000000e-01, v16;
	v16 =	vadd.f32 $-5.000000000e-01, v19  }
0x599: {  	v1 =	vadd.f32 $1.000000000e+00, v1;
	v0 =	vadd.f32 $1.000000000e+00, v21;
	(erf) = vrcp.f32 v9;
	v9 =	vpop (erf)  }
0x59a: {  	v15 =	vadd.f32 $1.000000000e+00, v17;
	v14 =	vadd.f32 $1.000000000e+00, v18;
	(erf) = vrcp.f32 v10;
	v10 =	vpop (erf)  }
0x59b: {  	s24 =	simm.s32 $0x2;
	v12 =	vadd.f32 $1.000000000e+00, v12;
	v2 =	vmul.f32 v2, v6;
	v6 =	vpop (erf);
	(erf) = vrcp.f32 v0  }
0x59c: {  	v17 =	vmov s24;
	v0 =	vld [tilespmem:s9+$0xFFFFFFA0];
	v4 =	vmul.f32 v16, v4;
	v16 =	vpop (erf);
	(erf) = vrcp.f32 v1  }
0x59d: {  	v1 =	vadd.f32 $1.000000000e+00, v5;
	v5 =	vadd.f32 $1.000000000e+00, v7;
	v7 =	vpop (erf);
	(erf) = vrcp.f32 v14  }
0x59e: {  	v8 =	vadd.f32 $1.000000000e+00, v8;
	v3 =	vadd.f32 $-5.000000000e-01, v3;
	v14 =	vld [tilespmem:s9+$0xFFFFFFB0];
	(erf) = vrcp.f32 v15;
	v15 =	vpop (erf)  }
0x59f: {  	v9 =	vadd.f32 $1.000000000e+00, v9;
	v11 =	vmul.f32 v2, v11;
	(erf) = vrcp.f32 v12;
	v12 =	vpop (erf)  }
0x5a0: {  	v10 =	vadd.f32 $1.000000000e+00, v10;
	v2 =	vmul.f32 v2, v13;
	v13 =	vpop (erf);
	(erf) = vrcp.f32 v8  }
0x5a1: {  	v0 =	vmul.f32 v3, v0;
	v3 =	vadd.f32 $-5.000000000e-01, v6;
	v6 =	vpop (erf);
	(erf) = vrcp.f32 v1  }
0x5a2: {  	v11 =	vadd.f32 $0.0e+00, v11;
	v8 =	vld [tilespmem:s9+$0xFFFFFFC0];
	v18 =	vpop (erf);
	(erf) = vrcp.f32 v5;
	v5 =	vadd.f32 $1.000000000e+00, v15  }
0x5a3: {  	v26 =	vld [tilespmem:$0x1FE80];
	v12 =	vadd.f32 $1.000000000e+00, v12;
	v1 =	vmul.f32 v4, v16;
	v3 =	vmul.f32 v3, v14;
	v14 =	vpop (erf)  }
0x5a4: {  	v16 =	vand.u32 $0xE, v17;
	v4 =	vmul.f32 v4, v7;
	v15 =	vld [tilespmem:s9+$0xFFFFFFD0];
	(erf) = vrcp.f32 v9;
	v9 =	vpop (erf)  }
0x5a5: {  	v7 =	vld.idx.msk [tilespmem:v17+s18+$0x0], $0xffff;
	v13 =	vadd.f32 $-5.000000000e-01, v13;
	v6 =	vmul.f32 v0, v6;
	(erf) = vrcp.f32 v10;
	v10 =	vpop (erf)  }
0x5a6: {  	v17 =	vld [tilespmem:s9+$0xFFFFFFE0];
	v0 =	vmul.f32 v0, v18;
	v18 =	vor.u32 $0x20, v16;
	(erf) = vrcp.f32 v5;
	v5 =	vpop (erf)  }
0x5a7: {  	v25 =	vld [tilespmem:$0x1FF30];
	v8 =	vmul.f32 v13, v8;
	v13 =	vadd.f32 $-5.000000000e-01, v14;
	(erf) = vrcp.f32 v12;
	v12 =	vpop (erf)  }
0x5a8: {  	v34 =	vld [tilespmem:$0x1FF10];
	v16 =	vor.u32 $0x10, v16;
	v9 =	vmul.f32 v3, v9;
	v3 =	vmul.f32 v3, v10;
	v10 =	vpop (erf)  }
0x5a9: {  	v1 =	vadd.f32 v1, v11;
	v14 =	vld [tilespmem:s9+$0xFFFFFFF0];
	v5 =	vadd.f32 $-5.000000000e-01, v5;
	v13 =	vmul.f32 v13, v15;
	v15 =	vpop (erf)  }
0x5aa: {  	v49 =	vld [tilespmem:$0x1FF00];
	v12 =	vmul.f32 v8, v12;
	v8 =	vmul.f32 v8, v10;
	v10 =	vpop (erf);
	v15 =	vadd.f32 $-5.000000000e-01, v15  }
0x5ab: {  	v27 =	vld [tilespmem:$0x1FFE0];
	v1 =	vadd.f32 v6, v1;
	v5 =	vmul.f32 v5, v17;
	v17 =	vpop (erf);
	v10 =	vmul.f32 v13, v10  }
0x5ac: {  	v24 =	vld [tilespmem:$0x1FF60];
	v2 =	vadd.f32 $0.0e+00, v2;
	v13 =	vmul.f32 v13, v17;
	v17 =	vmul.f32 v7, v25  }
0x5ad: {  	v19 =	vld [tilespmem:$0x1FF40];
	v1 =	vadd.f32 v9, v1  }
0x5ae: {  	v2 =	vadd.f32 v4, v2;
	v11 =	vld.idx.msk [tilespmem:v18+s18+$0x0], $0xffff;
	v14 =	vmul.f32 v15, v14;
	v15 =	vpop (erf);
	[tilespmem:$0x1F690] =	vst v17  }
0x5af: {  	v1 =	vadd.f32 v12, v1;
	v17 =	vmul.f32 v7, v34;
	v4 =	vld.idx.msk [tilespmem:v16+s18+$0x0], $0xffff;
	v15 =	vmul.f32 v5, v15;
	v16 =	vpop (erf)  }
0x5b0: {  	v33 =	vld [tilespmem:$0x1FE70];
	v5 =	vmul.f32 v5, v16;
	v6 =	vpop (erf);
	v16 =	vmul.f32 v7, v27  }
0x5b1: {  	v50 =	vld [tilespmem:$0x1FEF0];
	v10 =	vadd.f32 v10, v1;
	[tilespmem:$0x1F6A0] =	vst v17;
	v47 =	vmul.f32 v14, v6;
	v6 =	vmul.f32 v7, v26  }
0x5b2: {  	v48 =	vld [tilespmem:$0x1FEB0];
	v0 =	vadd.f32 v0, v2;
	[tilespmem:$0x1F6B0] =	vst v16  }
0x5b3: {  	s23 =	sadd.s32 $0x200, s11;
	v51 =	vmul.f32 v7, v24;
	v61 =	vmul.f32 v7, v19;
	v2 =	vpop (erf);
	v10 =	vadd.f32 v15, v10;
	v15 =	vld [tilespmem:$0x1FFB0];
	[tilespmem:$0x1F6C0] =	vst v6  }
0x5b4: {  	v0 =	vadd.f32 v3, v0;
	v9 =	vmul.f32 v11, v49;
	v23 =	vmul.f32 v14, v2;
	v2 =	vld [tilespmem:s23+$0x70]  }
0x5b5: {  	v62 =	vmul.f32 v7, v38;
	v28 =	vmul.f32 v7, v33;
	v7 =	vld [tilespmem:s23+$0xF0]  }
0x5b6: {  	v8 =	vadd.f32 v8, v0;
	v0 =	vmul.f32 v11, v50;
	v3 =	vld [tilespmem:s23+$0x60];
	[tilespmem:$0x1F6D0] =	vst v9  }
0x5b7: {  	v9 =	vld [tilespmem:s23+$0xE0]  }
0x5b8: {  	v8 =	vadd.f32 v13, v8;
	[tilespmem:$0x1F6E0] =	vst v0;
	v0 =	vld [tilespmem:$0x1FF80]  }
0x5b9: {  	v1 =	vld [tilespmem:$0x1FF70]  }
0x5ba: {  	v29 =	vmul.f32 v11, v15;
	v15 =	vadd.f32 v5, v8;
	v5 =	vld [tilespmem:$0x1FFD0]  }
0x5bb: {  	v63 =	vld [tilespmem:$0x1FFA0]  }
0x5bc: {  	v60 =	vld [tilespmem:$0x1FF90]  }
0x5bd: {  	s25 =	simm.s32 $0x3;
	v20 =	vld [tilespmem:$0x1FEA0];
	v0 =	vmul.f32 v4, v0  }
0x5be: {  	v37 =	vmov v26;
	v26 =	vld [tilespmem:$0x1FEC0];
	v6 =	vmov s25  }
0x5bf: {  	v1 =	vmul.f32 v4, v1;
	v31 =	vmul.f32 v4, v5;
	v5 =	vld [tilespmem:$0x1FFC0];
	[tilespmem:$0x1F6F0] =	vst v0  }
0x5c0: {  	v12 =	vld [tilespmem:s23+$0x50]  }
0x5c1: {  	[tilespmem:$0x1F700] =	vst v1;
	v1 =	vld [tilespmem:$0x1FEE0]  }
0x5c2: {  	v14 =	vld [tilespmem:s23+$0xD0]  }
0x5c3: {  	v13 =	vld.idx.msk [tilespmem:v6+s18+$0x0], $0xffff  }
0x5c4: {  	v16 =	vld [tilespmem:s23+$0xB0]  }
0x5c5: {  	v52 =	vmul.f32 v11, v48;
	v53 =	vmul.f32 v11, v20;
	v17 =	vld [tilespmem:s23+$0x20]  }
0x5c6: {  	v54 =	vmul.f32 v4, v63;
	v57 =	vmul.f32 v4, v60;
	v32 =	vld [tilespmem:s23+$0x90]  }
0x5c7: {  	v43 =	vmul.f32 v4, v36;
	v56 =	vmul.f32 v11, v26;
	v46 =	vld [tilespmem:s23+$0xFFFFFF80]  }
0x5c8: {  	v0 =	vmul.f32 v11, v39;
	v44 =	vmul.f32 v11, v1;
	v11 =	vld [tilespmem:s23+$0x40]  }
0x5c9: {  	v1 =	vmul.f32 v4, v30;
	v30 =	vmul.f32 v4, v5;
	v4 =	vld [tilespmem:s23+$0xC0]  }
0x5ca: {  	v8 =	vsub.f32 $0.0e+00, v2;
	v7 =	vsub.f32 $0.0e+00, v7;
	v5 =	vand.u32 $0xF, v6;
	v6 =	vld [tilespmem:s23+$0x30]  }
0x5cb: {  	v21 =	vor.u32 $0x20, v5;
	v22 =	vsub.f32 $0.0e+00, v14;
	v14 =	vld [tilespmem:s23+$0xA0];
	v39 =	vmul.f32 v13, v19  }
0x5cc: {  	v5 =	vor.u32 $0x10, v5;
	v19 =	vmul.f32 v13, v24;
	v24 =	vld [tilespmem:s23+$0x10];
	v35 =	vmul.f32 v13, v25  }
0x5cd: {  	v41 =	vmul.f32 v13, v38;
	v36 =	vsub.f32 $0.0e+00, v17;
	v17 =	vmul.f32 $1.442695020e+00, v7;
	v7 =	vld [tilespmem:s23+$0xFFFFFF00]  }
0x5ce: {  	v18 =	vsub.f32 $0.0e+00, v3;
	v3 =	vmul.f32 v13, v27;
	v2 =	vmul.f32 v13, v33;
	v33 =	vld [tilespmem:s23+$0x0]  }
0x5cf: {  	v38 =	vmul.f32 v13, v34;
	v37 =	vmul.f32 v13, v37;
	v13 =	vsub.f32 $0.0e+00, v16;
	v34 =	vld [tilespmem:s23+$0x80]  }
0x5d0: {  	v25 =	vsub.f32 $0.0e+00, v4;
	v6 =	vsub.f32 $0.0e+00, v6;
	v4 =	vld.idx.msk [tilespmem:v21+s18+$0x0], $0xffff  }
0x5d1: {  	s24 =	sadd.s32 $0x100, s10;
	v45 =	vmul.f32 $1.442695020e+00, v8;
	v55 =	vsub.f32 $0.0e+00, v14;
	v21 =	vsub.f32 $0.0e+00, v24;
	v27 =	vld.idx.msk [tilespmem:v5+s18+$0x0], $0xffff  }
0x5d2: {  	v7 =	vsub.f32 $0.0e+00, v7;
	v8 =	vmul.f32 $1.442695020e+00, v6;
	v6 =	vmul.f32 $1.442695020e+00, v13;
	v13 =	vld [tilespmem:s24+$0x70]  }
0x5d3: {  	v47 =	vadd.f32 v47, v10;
	v42 =	vmul.f32 $1.442695020e+00, v55;
	v55 =	vld [tilespmem:s23+$0xFFFFFF10]  }
0x5d4: {  	s8 =	simm.s32 $0x12078;
	v9 =	vsub.f32 $0.0e+00, v9;
	v40 =	vmul.f32 $1.442695020e+00, v21;
	v21 =	vadd.f32 v23, v15;
	v23 =	vld [tilespmem:s23+$0xFFFFFF90];
	[tilespmem:$0x1F710] =	vst v7  }
0x5d5: {  	v18 =	vmul.f32 $1.442695020e+00, v18;
	v12 =	vsub.f32 $0.0e+00, v12;
	[tilespmem:s8+$0x0] =	vst v59  }
0x5d6: {  	s15 =	simm.s32 $0x121F8;
	(erf) = vpow2.f32 v45;
	v16 =	vmul.f32 $1.442695020e+00, v9;
	[tilespmem:s8+$0xFFFFFFE8] =	vst v47  }
0x5d7: {  	v11 =	vsub.f32 $0.0e+00, v11;
	v14 =	vmul.f32 $1.442695020e+00, v12;
	v12 =	vmul.f32 $1.442695020e+00, v22;
	[tilespmem:s15+$0x0] =	vst v58  }
0x5d8: {  	v22 =	vsub.f32 $0.0e+00, v32;
	v24 =	vsub.f32 $0.0e+00, v34;
	v32 =	vmul.f32 $1.442695020e+00, v36;
	[tilespmem:s15+$0xFFFFFFE8] =	vst v21  }
0x5d9: {  	v5 =	vmul.f32 $1.442695020e+00, v11;
	v9 =	vmul.f32 $1.442695020e+00, v25;
	v11 =	vsub.f32 $0.0e+00, v33;
	v21 =	vld [tilespmem:$0x1FF80]  }
0x5da: {  	v36 =	vmul.f32 $1.442695020e+00, v22;
	v33 =	vmul.f32 $1.442695020e+00, v24;
	v58 =	vsub.f32 $0.0e+00, v23;
	v23 =	vld [tilespmem:$0x1FF70]  }
0x5db: {  	v34 =	vmul.f32 $1.442695020e+00, v11;
	v24 =	vld [tilespmem:s24+$0x60];
	v10 =	vmul.f32 v4, v20  }
0x5dc: {  	v25 =	vld [tilespmem:s24+$0x50];
	v11 =	vmul.f32 v4, v48;
	v7 =	vmul.f32 v4, v26  }
0x5dd: {  	v59 =	vsub.f32 $0.0e+00, v46;
	v45 =	vld [tilespmem:s24+$0x40];
	v15 =	vmul.f32 v4, v49;
	v22 =	vmul.f32 v27, v60  }
0x5de: {  	v46 =	vld [tilespmem:s24+$0x30];
	v20 =	vadd.f32 v13, v19;
	v19 =	vmul.f32 v27, v63;
	v13 =	vmul.f32 v4, v50  }
0x5df: {  	s5 =	simm.s32 $0x4;
	s25 =	smov.u32 s9;
	v47 =	vld [tilespmem:s24+$0x20];
	v55 =	vsub.f32 $0.0e+00, v55;
	v21 =	vmul.f32 v27, v21;
	v23 =	vmul.f32 v27, v23  }
.LBB2_8:
0x5e0: {  	v48 =	vld [tilespmem:s24+$0x10]  }
0x5e1: {  	v60 =	vld [tilespmem:$0x1FF20]  }
0x5e2: {  	v49 =	vld [tilespmem:$0x1FED0];
	(erf) = vpow2.f32 v17  }
0x5e3: {  	v63 =	vld [tilespmem:$0x1FEE0];
	(erf) = vpow2.f32 v18  }
0x5e4: {  	v17 =	vld [tilespmem:s24+$0x0];
	v19 =	vadd.f32 v20, v19;
	(erf) = vpow2.f32 v16  }
0x5e5: {  	(erf) = vpow2.f32 v14;
	v24 =	vadd.f32 v24, v39;
	v35 =	vadd.f32 v45, v35;
	v45 =	vld [tilespmem:$0x1FF50]  }
0x5e6: {  	v25 =	vadd.f32 v25, v41;
	(erf) = vpow2.f32 v12;
	v39 =	vmul.f32 v27, v60;
	v60 =	vld [tilespmem:$0x1FFB0]  }
0x5e7: {  	v38 =	vadd.f32 v46, v38;
	v49 =	vmul.f32 v4, v49;
	(erf) = vpow2.f32 v5  }
0x5e8: {  	v3 =	vadd.f32 v47, v3;
	v50 =	vmul.f32 v4, v63;
	(erf) = vpow2.f32 v9  }
0x5e9: {  	v37 =	vadd.f32 v48, v37;
	v17 =	vadd.f32 v17, v2;
	(erf) = vpow2.f32 v8  }
0x5ea: {  	v48 =	vld [tilespmem:$0x1FFD0];
	v9 =	vadd.f32 v24, v22;
	v20 =	vadd.f32 v25, v21;
	(erf) = vpow2.f32 v6  }
0x5eb: {  	v8 =	vadd.f32 v35, v23;
	v41 =	vmul.f32 v27, v45;
	v45 =	vmul.f32 v4, v60;
	v4 =	vld [tilespmem:$0x1FFC0]  }
0x5ec: {  	v21 =	vpop (erf);
	v9 =	vadd.f32 v9, v10;
	v10 =	vadd.f32 v19, v11;
	(erf) = vpow2.f32 v32  }
0x5ed: {  	v22 =	vpop (erf);
	(erf) = vpow2.f32 v42;
	v6 =	vadd.f32 v3, v41;
	v3 =	vadd.f32 v38, v39  }
0x5ee: {  	v7 =	vadd.f32 v20, v7;
	v8 =	vadd.f32 v8, v15;
	v24 =	vpop (erf);
	(erf) = vpow2.f32 v40  }
0x5ef: {  	v10 =	vsub.f32 $0.0e+00, v10;
	v9 =	vsub.f32 $0.0e+00, v9;
	v11 =	vpop (erf);
	(erf) = vpow2.f32 v36  }
0x5f0: {  	v7 =	vsub.f32 $0.0e+00, v7;
	v15 =	vpop (erf);
	v63 =	vmul.f32 v27, v4;
	v27 =	vmul.f32 v27, v48  }
0x5f1: {  	v8 =	vsub.f32 $0.0e+00, v8;
	v13 =	vadd.f32 v3, v13;
	v3 =	vpop (erf)  }
0x5f2: {  	v26 =	vmul.f32 $1.442695020e+00, v10;
	v20 =	vpop (erf);
	v17 =	vadd.f32 v17, v27;
	v23 =	vadd.f32 v37, v63  }
0x5f3: {  	v9 =	vmul.f32 $1.442695020e+00, v9;
	(erf) = vpow2.f32 v34;
	v19 =	vadd.f32 v6, v49;
	v6 =	vpop (erf)  }
0x5f4: {  	v18 =	vld [tilespmem:s24+$0xFFFFFF80];
	(erf) = vpow2.f32 v33;
	v60 =	vpop (erf);
	v23 =	vadd.f32 v23, v50;
	v17 =	vadd.f32 v17, v45  }
0x5f5: {  	v7 =	vmul.f32 $1.442695020e+00, v7;
	v13 =	vsub.f32 $0.0e+00, v13;
	v10 =	vpop (erf);
	(erf) = vpow2.f32 v26  }
0x5f6: {  	v8 =	vmul.f32 $1.442695020e+00, v8;
	v25 =	vpop (erf);
	(erf) = vpow2.f32 v9;
	v17 =	vsub.f32 $0.0e+00, v17  }
0x5f7: {  	v13 =	vmul.f32 $1.442695020e+00, v13;
	v9 =	vsub.f32 $0.0e+00, v19;
	v19 =	vpop (erf);
	(erf) = vpow2.f32 v7  }
0x5f8: {  	v16 =	vld [tilespmem:s24+$0xFFFFFF90];
	v26 =	vmul.f32 $1.442695020e+00, v17;
	v17 =	vsub.f32 $0.0e+00, v23;
	v23 =	vpop (erf);
	(erf) = vpow2.f32 v8  }
0x5f9: {  	v8 =	vadd.f32 v18, v28;
	v18 =	vpop (erf);
	(erf) = vpow2.f32 v13;
	v13 =	vld [tilespmem:$0x1F6C0];
	_ =	sdelay $0x3  }
0x5fa: {  	v9 =	vmul.f32 $1.442695020e+00, v9  }
0x5fb: {  	(erf) = vpow2.f32 v26;
	v7 =	vpop (erf);
	v13 =	vadd.f32 v16, v13;
	v16 =	vmul.f32 $1.442695020e+00, v17  }
0x5fc: {  	v17 =	vadd.f32 $1.000000000e+00, v21;
	v21 =	vpop (erf);
	(erf) = vpow2.f32 v9  }
0x5fd: {  	v14 =	vld [tilespmem:s24+$0xFFFFFFA0];
	(erf) = vpow2.f32 v16  }
0x5fe: {  	(erf) = vrcp.f32 v17;
	v17 =	vld [tilespmem:$0x1F6B0];
	_ =	sdelay $0x2  }
0x5ff: {  	v9 =	vadd.f32 v13, v30;
	v13 =	vadd.f32 $1.000000000e+00, v22  }
0x600: {  	v16 =	vadd.f32 $1.000000000e+00, v24  }
0x601: {  	v11 =	vadd.f32 $1.000000000e+00, v11;
	v14 =	vadd.f32 v14, v17;
	v17 =	vpop (erf);
	(erf) = vrcp.f32 v13  }
0x602: {  	v13 =	vadd.f32 $1.000000000e+00, v15;
	v15 =	vpop (erf);
	(erf) = vrcp.f32 v16  }
0x603: {  	v12 =	vld [tilespmem:s24+$0xFFFFFFB0];
	v8 =	vadd.f32 v8, v31;
	v26 =	vadd.f32 $1.000000000e+00, v20;
	v20 =	vpop (erf);
	(erf) = vrcp.f32 v11  }
0x604: {  	v22 =	vpop (erf);
	(erf) = vrcp.f32 v13;
	v13 =	vld [tilespmem:$0x1F6A0]  }
0x605: {  	v8 =	vadd.f32 v8, v29;
	v11 =	vadd.f32 v14, v43  }
0x606: {  	v14 =	vadd.f32 $1.000000000e+00, v60;
	v24 =	vpop (erf)  }
0x607: {  	v8 =	vsub.f32 $0.0e+00, v8;
	(erf) = vrcp.f32 v26;
	v16 =	vpop (erf)  }
0x608: {  	v0 =	vadd.f32 v11, v0;
	(erf) = vrcp.f32 v14;
	v14 =	vadd.f32 $1.000000000e+00, v16;
	v16 =	vpop (erf)  }
0x609: {  	v5 =	vld [tilespmem:s24+$0xFFFFFFC0];
	v11 =	vpop (erf);
	v12 =	vadd.f32 v12, v13;
	v13 =	vadd.f32 $1.000000000e+00, v25  }
0x60a: {  	v60 =	vmul.f32 $1.442695020e+00, v8;
	v8 =	vadd.f32 $1.000000000e+00, v23;
	v23 =	vadd.f32 $1.000000000e+00, v11;
	v11 =	vld [tilespmem:$0x1F690]  }
0x60b: {  	v9 =	vadd.f32 v9, v44;
	(erf) = vrcp.f32 v13  }
0x60c: {  	v7 =	vadd.f32 $1.000000000e+00, v7;
	(erf) = vrcp.f32 v8  }
0x60d: {  	v9 =	vsub.f32 $0.0e+00, v9;
	(erf) = vrcp.f32 v14  }
0x60e: {  	v63 =	vpop (erf);
	v1 =	vadd.f32 v12, v1;
	v12 =	vadd.f32 $1.000000000e+00, v21;
	(erf) = vrcp.f32 v7  }
0x60f: {  	v16 =	vadd.f32 $1.000000000e+00, v16;
	v11 =	vadd.f32 v5, v11;
	v5 =	vpop (erf);
	(erf) = vrcp.f32 v23  }
0x610: {  	v8 =	vpop (erf);
	(erf) = vrcp.f32 v12  }
0x611: {  	v7 =	vmul.f32 $1.442695020e+00, v9;
	v9 =	vpop (erf);
	(erf) = vrcp.f32 v16;
	v16 =	vld [tilespmem:$0x1F700]  }
0x612: {  	v12 =	vld [tilespmem:$0x1F6E0];
	_ =	sdelay $0x1  }
0x613: {  	v21 =	vadd.f32 $1.000000000e+00, v24  }
0x614: {  	v23 =	vadd.f32 $1.000000000e+00, v18;
	v13 =	vpop (erf)  }
0x615: {  	(erf) = vrcp.f32 v21;
	v14 =	vpop (erf);
	v11 =	vadd.f32 v11, v16;
	v16 =	vadd.f32 $1.000000000e+00, v22  }
0x616: {  	v18 =	vadd.f32 $1.000000000e+00, v19;
	(erf) = vrcp.f32 v23;
	v1 =	vadd.f32 v1, v12;
	v12 =	vpop (erf)  }
0x617: {  	v4 =	vld [tilespmem:s24+$0xFFFFFFD0];
	v20 =	vadd.f32 $1.000000000e+00, v20;
	v0 =	vsub.f32 $0.0e+00, v0;
	v21 =	vpop (erf);
	(erf) = vrcp.f32 v16  }
0x618: {  	s25 =	sadd.s32 $0x100, s25;
	v16 =	vsub.f32 $0.0e+00, v1;
	v1 =	vadd.f32 $1.000000000e+00, v10;
	v10 =	vpop (erf);
	(erf) = vrcp.f32 v18;
	v18 =	vld [tilespmem:$0x1F6D0]  }
0x619: {  	v19 =	vmul.f32 $1.442695020e+00, v0;
	v0 =	vld [tilespmem:s25+$0x0];
	v22 =	vpop (erf);
	(erf) = vrcp.f32 v20  }
0x61a: {  	v24 =	vadd.f32 $-5.000000000e-01, v22;
	v22 =	vpop (erf);
	(erf) = vrcp.f32 v1;
	v1 =	vld [tilespmem:$0x1F6F0];
	_ =	sdelay $0x1  }
0x61b: {  	v4 =	vadd.f32 v4, v62  }
0x61c: {  	v15 =	vadd.f32 $1.000000000e+00, v15;
	v11 =	vadd.f32 v11, v18;
	v18 =	vld [tilespmem:s25+$0x10]  }
0x61d: {  	v6 =	vadd.f32 $1.000000000e+00, v6;
	v17 =	vadd.f32 $1.000000000e+00, v17;
	v23 =	vpop (erf)  }
0x61e: {  	(erf) = vrcp.f32 v15;
	v0 =	vmul.f32 v24, v0;
	v20 =	vpop (erf);
	v4 =	vadd.f32 v4, v1;
	v1 =	vld [tilespmem:s25+$0x20]  }
0x61f: {  	v3 =	vadd.f32 $1.000000000e+00, v3;
	v15 =	vadd.f32 $-5.000000000e-01, v23;
	(erf) = vrcp.f32 v6;
	v6 =	vld [tilespmem:s25+$0x30];
	v23 =	vpop (erf)  }
0x620: {  	(erf) = vrcp.f32 v17;
	v50 =	vmul.f32 v0, v22;
	v22 =	vpop (erf)  }
0x621: {  	v15 =	vmul.f32 v15, v18;
	v18 =	vadd.f32 $-5.000000000e-01, v23;
	v23 =	vpop (erf);
	(erf) = vrcp.f32 v3  }
0x622: {  	v0 =	vmul.f32 v0, v20;
	v25 =	vadd.f32 $-5.000000000e-01, v22;
	v22 =	vld [tilespmem:s25+$0x40]  }
0x623: {  	v3 =	vadd.f32 $0.0e+00, v50;
	v17 =	vpop (erf);
	v10 =	vmul.f32 v15, v10;
	v1 =	vmul.f32 v18, v1  }
0x624: {  	v6 =	vmul.f32 v25, v6;
	v18 =	vadd.f32 $0.0e+00, v0;
	v15 =	vmul.f32 v15, v23;
	v24 =	vpop (erf)  }
0x625: {  	v26 =	vadd.f32 $-5.000000000e-01, v17;
	v23 =	vld [tilespmem:s25+$0x50];
	v20 =	vpop (erf);
	v3 =	vadd.f32 v10, v3;
	v10 =	vmul.f32 v1, v21  }
0x626: {  	v15 =	vadd.f32 v15, v18;
	v1 =	vmul.f32 v1, v24;
	v25 =	vadd.f32 $-5.000000000e-01, v20;
	v21 =	vpop (erf)  }
0x627: {  	v20 =	vld [tilespmem:s25+$0x60];
	v17 =	vpop (erf);
	v3 =	vadd.f32 v10, v3;
	v10 =	vmul.f32 v6, v12;
	v12 =	vmul.f32 v26, v22  }
0x628: {  	v2 =	vld [tilespmem:s24+$0xFFFFFFE0];
	v15 =	vadd.f32 v1, v15;
	v6 =	vmul.f32 v6, v21;
	v22 =	vpop (erf)  }
0x629: {  	v26 =	vadd.f32 $-5.000000000e-01, v17;
	v21 =	vld [tilespmem:s25+$0x70];
	v18 =	vpop (erf);
	v3 =	vadd.f32 v10, v3;
	v10 =	vmul.f32 v12, v14  }
0x62a: {  	v14 =	vmul.f32 v25, v23;
	v6 =	vadd.f32 v6, v15;
	v17 =	vpop (erf);
	(erf) = vpow2.f32 v60  }
0x62b: {  	v12 =	vmul.f32 v12, v22;
	v15 =	vadd.f32 $-5.000000000e-01, v18;
	(erf) = vpow2.f32 v7;
	v7 =	vld [tilespmem:$0x1F710]  }
0x62c: {  	v3 =	vadd.f32 v10, v3;
	v10 =	vmul.f32 v14, v13;
	v13 =	vmul.f32 v26, v20  }
0x62d: {  	v2 =	vadd.f32 v2, v61;
	v6 =	vadd.f32 v12, v6;
	v12 =	vmul.f32 v14, v17  }
0x62e: {  	v3 =	vadd.f32 v10, v3;
	v8 =	vmul.f32 v13, v8;
	v10 =	vmul.f32 v15, v21  }
0x62f: {  	(erf) = vpow2.f32 v19;
	v6 =	vadd.f32 v12, v6;
	v9 =	vmul.f32 v13, v9  }
0x630: {  	v35 =	vld [tilespmem:s23+$0xFFFFFF20];
	v3 =	vadd.f32 v8, v3;
	v8 =	vmul.f32 v10, v63;
	v7 =	vmul.f32 $1.442695020e+00, v7  }
0x631: {  	v12 =	vmul.f32 $1.442695020e+00, v59;
	v6 =	vadd.f32 v9, v6;
	v5 =	vmul.f32 v10, v5  }
0x632: {  	v41 =	vld [tilespmem:s23+$0xFFFFFFA0];
	v9 =	vmul.f32 $1.442695020e+00, v16;
	v3 =	vadd.f32 v8, v3;
	(erf) = vpow2.f32 v7  }
0x633: {  	s8 =	sadd.s32 $0x30, s8;
	v27 =	vld [tilespmem:s24+$0xFFFFFFF0];
	v8 =	vsub.f32 $0.0e+00, v11;
	v5 =	vadd.f32 v5, v6;
	(erf) = vpow2.f32 v12  }
0x634: {  	s15 =	sadd.s32 $0x30, s15;
	v40 =	vld [tilespmem:s23+$0xFFFFFF30];
	v2 =	vadd.f32 v2, v57;
	[tilespmem:s8+$0x0] =	vst v3;
	v3 =	vmul.f32 $1.442695020e+00, v55;
	v11 =	vpop (erf);
	(erf) = vpow2.f32 v9  }
0x635: {  	v42 =	vld [tilespmem:s23+$0xFFFFFFB0];
	v6 =	vmul.f32 $1.442695020e+00, v58;
	v8 =	vmul.f32 $1.442695020e+00, v8;
	[tilespmem:s15+$0x0] =	vst v5;
	v5 =	vsub.f32 $0.0e+00, v35  }
0x636: {  	v2 =	vadd.f32 v2, v53;
	v4 =	vadd.f32 v4, v56;
	v9 =	vpop (erf);
	(erf) = vpow2.f32 v3  }
0x637: {  	v10 =	vsub.f32 $0.0e+00, v41;
	v5 =	vmul.f32 $1.442695020e+00, v5;
	(erf) = vpow2.f32 v6  }
0x638: {  	v38 =	vld [tilespmem:s23+$0xFFFFFF40];
	v4 =	vsub.f32 $0.0e+00, v4;
	v7 =	vadd.f32 v27, v51;
	(erf) = vpow2.f32 v8  }
0x639: {  	v39 =	vld [tilespmem:s23+$0xFFFFFFC0];
	v3 =	vmul.f32 $1.442695020e+00, v10;
	v10 =	vsub.f32 $0.0e+00, v40;
	v8 =	vpop (erf);
	(erf) = vpow2.f32 v5  }
0x63a: {  	v4 =	vmul.f32 $1.442695020e+00, v4;
	v7 =	vadd.f32 v7, v54;
	v6 =	vsub.f32 $0.0e+00, v42  }
0x63b: {  	v5 =	vmul.f32 $1.442695020e+00, v10;
	v12 =	vpop (erf);
	(erf) = vpow2.f32 v3;
	v3 =	vadd.f32 $1.000000000e+00, v11  }
0x63c: {  	v36 =	vld [tilespmem:s23+$0xFFFFFF50];
	v2 =	vsub.f32 $0.0e+00, v2;
	v6 =	vmul.f32 $1.442695020e+00, v6;
	v13 =	vpop (erf);
	(erf) = vpow2.f32 v4  }
0x63d: {  	v37 =	vld [tilespmem:s23+$0xFFFFFFD0];
	v7 =	vadd.f32 v7, v52;
	v10 =	vsub.f32 $0.0e+00, v38;
	v14 =	vpop (erf);
	(erf) = vpow2.f32 v5  }
0x63e: {  	v2 =	vmul.f32 $1.442695020e+00, v2;
	v11 =	vsub.f32 $0.0e+00, v39;
	(erf) = vpow2.f32 v6  }
0x63f: {  	v7 =	vsub.f32 $0.0e+00, v7;
	v4 =	vmul.f32 $1.442695020e+00, v10;
	(erf) = vrcp.f32 v3;
	v3 =	vpop (erf)  }
0x640: {  	v33 =	vld [tilespmem:s23+$0xFFFFFF60];
	v5 =	vmul.f32 $1.442695020e+00, v11;
	v6 =	vadd.f32 $1.000000000e+00, v9;
	v15 =	vpop (erf);
	(erf) = vpow2.f32 v2  }
0x641: {  	v7 =	vmul.f32 $1.442695020e+00, v7;
	v10 =	vsub.f32 $0.0e+00, v36;
	v16 =	vpop (erf);
	(erf) = vpow2.f32 v4  }
0x642: {  	v34 =	vld [tilespmem:s23+$0xFFFFFFE0];
	v11 =	vsub.f32 $0.0e+00, v37;
	v4 =	vadd.f32 $1.000000000e+00, v12;
	v12 =	vpop (erf);
	(erf) = vpow2.f32 v5  }
0x643: {  	v8 =	vadd.f32 $1.000000000e+00, v8;
	v9 =	vmul.f32 $1.442695020e+00, v10;
	(erf) = vrcp.f32 v6  }
0x644: {  	v2 =	vmul.f32 $1.442695020e+00, v11;
	v6 =	vpop (erf);
	(erf) = vpow2.f32 v7  }
0x645: {  	v10 =	vsub.f32 $0.0e+00, v33;
	v5 =	vadd.f32 $1.000000000e+00, v13;
	v17 =	vpop (erf);
	(erf) = vpow2.f32 v9  }
0x646: {  	v32 =	vld [tilespmem:s23+$0xFFFFFF70];
	v9 =	vadd.f32 $1.000000000e+00, v15;
	v15 =	vpop (erf);
	(erf) = vpow2.f32 v2  }
0x647: {  	v28 =	vld [tilespmem:s23+$0xFFFFFFF0];
	v11 =	vsub.f32 $0.0e+00, v34;
	v10 =	vmul.f32 $1.442695020e+00, v10;
	(erf) = vrcp.f32 v8;
	v8 =	vpop (erf)  }
0x648: {  	v3 =	vadd.f32 $1.000000000e+00, v3;
	v2 =	vadd.f32 $1.000000000e+00, v16;
	v16 =	vpop (erf);
	(erf) = vrcp.f32 v4  }
0x649: {  	v11 =	vmul.f32 $1.442695020e+00, v11;
	v7 =	vadd.f32 $1.000000000e+00, v14;
	(erf) = vrcp.f32 v5;
	v5 =	vpop (erf)  }
0x64a: {  	v43 =	vld [tilespmem:s25+$0xFFFFFF80];
	v4 =	vadd.f32 $1.000000000e+00, v6;
	v6 =	vadd.f32 $1.000000000e+00, v17;
	v17 =	vpop (erf);
	(erf) = vpow2.f32 v10  }
0x64b: {  	v13 =	vsub.f32 $0.0e+00, v32;
	v10 =	vadd.f32 $-5.000000000e-01, v16;
	v16 =	vpop (erf);
	(erf) = vpow2.f32 v11  }
0x64c: {  	v14 =	vsub.f32 $0.0e+00, v28;
	v11 =	vadd.f32 $1.000000000e+00, v17;
	v17 =	vpop (erf);
	(erf) = vrcp.f32 v7  }
0x64d: {  	v46 =	vld [tilespmem:$0x1FEB0];
	v12 =	vadd.f32 $1.000000000e+00, v12;
	v13 =	vmul.f32 $1.442695020e+00, v13;
	(erf) = vrcp.f32 v3;
	v3 =	vpop (erf)  }
0x64e: {  	v62 =	vld [tilespmem:s25+$0xFFFFFF90];
	v14 =	vmul.f32 $1.442695020e+00, v14;
	v15 =	vadd.f32 $1.000000000e+00, v15;
	(erf) = vrcp.f32 v9;
	v9 =	vpop (erf)  }
0x64f: {  	v47 =	vld [tilespmem:$0x1FEC0];
	v7 =	vmul.f32 v10, v43;
	v10 =	vadd.f32 $-5.000000000e-01, v17;
	v17 =	vpop (erf);
	(erf) = vpow2.f32 v13  }
0x650: {  	v31 =	vld [tilespmem:s25+$0xFFFFFFA0];
	v8 =	vadd.f32 $1.000000000e+00, v8;
	v13 =	vadd.f32 $1.000000000e+00, v17;
	v17 =	vpop (erf);
	(erf) = vpow2.f32 v14  }
0x651: {  	v49 =	vld [tilespmem:$0x1FE80];
	v5 =	vadd.f32 $1.000000000e+00, v5;
	v14 =	vadd.f32 $-5.000000000e-01, v17;
	v17 =	vpop (erf);
	(erf) = vrcp.f32 v2  }
0x652: {  	v53 =	vld [tilespmem:$0x1FF90];
	v16 =	vadd.f32 $1.000000000e+00, v16;
	v2 =	vmul.f32 v7, v17;
	v17 =	vpop (erf);
	(erf) = vrcp.f32 v12  }
0x653: {  	v45 =	vld [tilespmem:$0x1FEA0];
	v3 =	vadd.f32 $1.000000000e+00, v3;
	v10 =	vmul.f32 v10, v62;
	(erf) = vrcp.f32 v4;
	v4 =	vpop (erf)  }
0x654: {  	v29 =	vld [tilespmem:s25+$0xFFFFFFC0];
	v9 =	vadd.f32 $1.000000000e+00, v9;
	v7 =	vmul.f32 v7, v17;
	(erf) = vrcp.f32 v6;
	v6 =	vpop (erf)  }
0x655: {  	v30 =	vld [tilespmem:s25+$0xFFFFFFB0];
	v12 =	vmov s5;
	v14 =	vmul.f32 v14, v31;
	v17 =	vpop (erf);
	(erf) = vrcp.f32 v15  }
0x656: {  	v50 =	vld [tilespmem:$0x1FEF0];
	v2 =	vadd.f32 $0.0e+00, v2;
	v15 =	vadd.f32 $-5.000000000e-01, v17;
	v17 =	vpop (erf);
	(erf) = vrcp.f32 v8  }
0x657: {  	v0 =	vld [tilespmem:s25+$0xFFFFFFD0];
	v4 =	vadd.f32 $1.000000000e+00, v4;
	v8 =	vmul.f32 v10, v17;
	v17 =	vpop (erf);
	(erf) = vrcp.f32 v5  }
0x658: {  	v24 =	vld [tilespmem:s25+$0xFFFFFFE0];
	v7 =	vadd.f32 $0.0e+00, v7;
	v10 =	vmul.f32 v10, v17;
	(erf) = vrcp.f32 v11;
	v11 =	vpop (erf)  }
0x659: {  	v1 =	vld [tilespmem:s25+$0xFFFFFFF0];
	v2 =	vadd.f32 v8, v2;
	v8 =	vadd.f32 $1.000000000e+00, v11;
	(erf) = vrcp.f32 v16;
	v11 =	vpop (erf)  }
0x65a: {  	v22 =	vld [tilespmem:$0x1FF30];
	v7 =	vadd.f32 v10, v7;
	v10 =	vadd.f32 $1.000000000e+00, v11;
	v11 =	vpop (erf);
	(erf) = vrcp.f32 v3  }
0x65b: {  	v5 =	vand.u32 $0xE, v12;
	v3 =	vld.idx.msk [tilespmem:v12+s18+$0x0], $0xffff;
	v12 =	vmul.f32 v15, v30;
	v15 =	vpop (erf);
	(erf) = vrcp.f32 v9  }
0x65c: {  	v23 =	vld [tilespmem:$0x1FF10];
	v6 =	vadd.f32 $1.000000000e+00, v6;
	v17 =	vadd.f32 $-5.000000000e-01, v11;
	v16 =	vpop (erf);
	(erf) = vrcp.f32 v13  }
0x65d: {  	v25 =	vld [tilespmem:$0x1FFE0];
	v9 =	vor.u32 $0x20, v5;
	v15 =	vmul.f32 v14, v15;
	v13 =	vmul.f32 v14, v16;
	v14 =	vpop (erf)  }
0x65e: {  	v20 =	vld [tilespmem:$0x1FF40];
	(erf) = vrcp.f32 v4;
	v4 =	vmul.f32 v17, v29;
	v11 =	vpop (erf)  }
0x65f: {  	v21 =	vld [tilespmem:$0x1FF60];
	(erf) = vrcp.f32 v6;
	v6 =	vadd.f32 v13, v7;
	v7 =	vmul.f32 v12, v11;
	v11 =	vpop (erf)  }
0x660: {  	v58 =	vld [tilespmem:$0x1FF00];
	v2 =	vadd.f32 v15, v2;
	(erf) = vrcp.f32 v8;
	v8 =	vmul.f32 v12, v11;
	v12 =	vpop (erf)  }
0x661: {  	v51 =	vld [tilespmem:$0x1FF70];
	v11 =	vadd.f32 $-5.000000000e-01, v14;
	(erf) = vrcp.f32 v10;
	v10 =	vpop (erf)  }
0x662: {  	v9 =	vld.idx.msk [tilespmem:v9+s18+$0x0], $0xffff;
	v2 =	vadd.f32 v7, v2;
	v6 =	vadd.f32 v8, v6;
	v8 =	vmul.f32 v4, v10;
	v10 =	vpop (erf)  }
0x663: {  	v7 =	vadd.f32 $-5.000000000e-01, v12;
	v12 =	vld [tilespmem:$0x1FFB0];
	v0 =	vmul.f32 v11, v0;
	v4 =	vmul.f32 v4, v10;
	v10 =	vpop (erf)  }
0x664: {  	s23 =	sadd.s32 $0x200, s23;
	v55 =	vld [tilespmem:$0x1FFA0];
	v5 =	vor.u32 $0x10, v5;
	v26 =	vmul.f32 v3, v21;
	v11 =	vadd.f32 $-5.000000000e-01, v10;
	v10 =	vpop (erf)  }
0x665: {  	v18 =	vld [tilespmem:s23+$0xA0];
	v7 =	vmul.f32 v7, v24;
	v4 =	vadd.f32 v4, v6;
	v6 =	vmul.f32 v0, v10;
	v10 =	vpop (erf)  }
0x666: {  	v17 =	vld [tilespmem:$0x1FE90];
	v63 =	vmul.f32 v3, v20;
	v2 =	vadd.f32 v8, v2;
	v0 =	vmul.f32 v0, v10  }
0x667: {  	v24 =	vld [tilespmem:$0x1FE70];
	v1 =	vmul.f32 v11, v1;
	v8 =	vpop (erf);
	v10 =	vmul.f32 v3, v22  }
0x668: {  	v52 =	vld [tilespmem:$0x1FF80];
	v29 =	vmul.f32 v9, v12;
	v2 =	vadd.f32 v6, v2;
	v6 =	vmul.f32 v7, v8;
	v8 =	vpop (erf)  }
0x669: {  	v5 =	vld.idx.msk [tilespmem:v5+s18+$0x0], $0xffff;
	v0 =	vadd.f32 v0, v4;
	v4 =	vmul.f32 v7, v8;
	v7 =	vpop (erf);
	v8 =	vmul.f32 v3, v25  }
0x66a: {  	v15 =	vld [tilespmem:s23+$0xB0];
	[tilespmem:$0x1F690] =	vst v10;
	v10 =	vmul.f32 v3, v23;
	v2 =	vadd.f32 v6, v2;
	v6 =	vmul.f32 v1, v7;
	v7 =	vpop (erf)  }
0x66b: {  	v12 =	vld [tilespmem:$0x1FFC0];
	[tilespmem:$0x1F6B0] =	vst v8;
	v8 =	vmul.f32 v3, v49;
	v0 =	vadd.f32 v4, v0;
	v1 =	vmul.f32 v1, v7  }
0x66c: {  	v62 =	vmul.f32 v3, v17;
	v28 =	vmul.f32 v3, v24;
	[tilespmem:$0x1F6A0] =	vst v10;
	v3 =	vld [tilespmem:s23+$0x70];
	v2 =	vadd.f32 v6, v2  }
0x66d: {  	v7 =	vld [tilespmem:s23+$0x60];
	[tilespmem:$0x1F6C0] =	vst v8;
	v0 =	vadd.f32 v1, v0  }
0x66e: {  	s17 =	sadd.s32 $0x1, s5;
	v10 =	vld [tilespmem:s23+$0xD0];
	v1 =	vmul.f32 v9, v58;
	[tilespmem:s8+$0xFFFFFFE8] =	vst v2  }
0x66f: {  	v4 =	vmov s17;
	v6 =	vld [tilespmem:s23+$0xF0];
	[tilespmem:s15+$0xFFFFFFE8] =	vst v0;
	v0 =	vmul.f32 v9, v50  }
0x670: {  	v30 =	vmul.f32 v5, v12;
	v12 =	vld [tilespmem:s23+$0x30];
	[tilespmem:$0x1F6D0] =	vst v1;
	v1 =	vmul.f32 v5, v51  }
0x671: {  	v8 =	vld [tilespmem:s23+$0x50];
	[tilespmem:$0x1F6E0] =	vst v0;
	v0 =	vmul.f32 v5, v52  }
0x672: {  	[tilespmem:$0x1F700] =	vst v1;
	v1 =	vld [tilespmem:$0x1FEE0]  }
0x673: {  	v60 =	vmul.f32 v9, v46;
	[tilespmem:$0x1F6F0] =	vst v0;
	v0 =	vld [tilespmem:$0x1FED0]  }
0x674: {  	v61 =	vmul.f32 v9, v45;
	v56 =	vmul.f32 v9, v47;
	v11 =	vld.idx.msk [tilespmem:v4+s18+$0x0], $0xffff  }
0x675: {  	v54 =	vmul.f32 v5, v55;
	v57 =	vmul.f32 v5, v53;
	v2 =	vld [tilespmem:s23+$0xE0];
	v4 =	vand.u32 $0xF, v4  }
0x676: {  	v13 =	vsub.f32 $0.0e+00, v3;
	v14 =	vor.u32 $0x20, v4;
	v19 =	vor.u32 $0x10, v4;
	v4 =	vld [tilespmem:s23+$0x20]  }
0x677: {  	v31 =	vmul.f32 v5, v48;
	v44 =	vmul.f32 v9, v1;
	v1 =	vld [tilespmem:$0x1FF20]  }
0x678: {  	v48 =	vmul.f32 $1.442695020e+00, v13;
	v0 =	vmul.f32 v9, v0;
	v9 =	vld [tilespmem:$0x1FF50]  }
0x679: {  	v13 =	vld [tilespmem:s23+$0xFFFFFF00];
	v39 =	vmul.f32 v11, v20;
	v20 =	vmul.f32 v11, v21  }
0x67a: {  	v21 =	vld [tilespmem:s23+$0x10];
	v35 =	vmul.f32 v11, v22;
	v41 =	vmul.f32 v11, v17  }
0x67b: {  	v16 =	vsub.f32 $0.0e+00, v2;
	v3 =	vmul.f32 v11, v25;
	v2 =	vmul.f32 v11, v24;
	v24 =	vld [tilespmem:s23+$0x0]  }
0x67c: {  	v38 =	vmul.f32 v11, v23;
	v37 =	vmul.f32 v11, v49;
	v11 =	vsub.f32 $0.0e+00, v15;
	v15 =	vld [tilespmem:s23+$0x80]  }
0x67d: {  	v59 =	vsub.f32 $0.0e+00, v18;
	v1 =	vmul.f32 v5, v1;
	v43 =	vmul.f32 v5, v9;
	v5 =	vld [tilespmem:s23+$0xC0]  }
0x67e: {  	v7 =	vsub.f32 $0.0e+00, v7;
	v10 =	vsub.f32 $0.0e+00, v10;
	v27 =	vld.idx.msk [tilespmem:v19+s18+$0x0], $0xffff  }
0x67f: {  	v42 =	vmul.f32 $1.442695020e+00, v59;
	v6 =	vsub.f32 $0.0e+00, v6;
	v8 =	vsub.f32 $0.0e+00, v8;
	v19 =	vld [tilespmem:s23+$0xFFFFFF80]  }
0x680: {  	v18 =	vmul.f32 $1.442695020e+00, v7;
	(erf) = vpow2.f32 v48;
	v23 =	vsub.f32 $0.0e+00, v12;
	v9 =	vld [tilespmem:s23+$0x40]  }
0x681: {  	v17 =	vmul.f32 $1.442695020e+00, v6;
	v16 =	vmul.f32 $1.442695020e+00, v16;
	v25 =	vsub.f32 $0.0e+00, v4;
	v4 =	vld.idx.msk [tilespmem:v14+s18+$0x0], $0xffff  }
0x682: {  	v12 =	vmul.f32 $1.442695020e+00, v10;
	v14 =	vmul.f32 $1.442695020e+00, v8;
	v22 =	vsub.f32 $0.0e+00, v5;
	v5 =	vld [tilespmem:s23+$0x90]  }
0x683: {  	v8 =	vmul.f32 $1.442695020e+00, v23;
	v6 =	vmul.f32 $1.442695020e+00, v11;
	v13 =	vsub.f32 $0.0e+00, v13  }
0x684: {  	s24 =	sadd.s32 $0x100, s24;
	v32 =	vmul.f32 $1.442695020e+00, v25;
	v7 =	vsub.f32 $0.0e+00, v21;
	v21 =	vsub.f32 $0.0e+00, v24  }
0x685: {  	v49 =	vld [tilespmem:s24+$0x70];
	v59 =	vsub.f32 $0.0e+00, v19;
	v19 =	vmul.f32 v27, v55;
	v9 =	vsub.f32 $0.0e+00, v9  }
0x686: {  	[tilespmem:$0x1F710] =	vst v13;
	v13 =	vld [tilespmem:s23+$0xFFFFFF90];
	v11 =	vsub.f32 $0.0e+00, v15;
	v15 =	vmul.f32 v4, v58;
	v23 =	vmul.f32 v27, v51  }
0x687: {  	p0 =	slt.u32 s5, $0xE;
	v10 =	vsub.f32 $0.0e+00, v5;
	v5 =	vmul.f32 $1.442695020e+00, v9;
	v9 =	vmul.f32 $1.442695020e+00, v22;
	v22 =	vld [tilespmem:s23+$0xFFFFFF10]  }
.Ltmp2:
0x688: {  	v25 =	vld [tilespmem:s24+$0x50];
	v40 =	vmul.f32 $1.442695020e+00, v7;
	v34 =	vmul.f32 $1.442695020e+00, v21;
	(pc) =	sbr.rel @p0 .LBB2_8-.Ltmp2, $4  }
0x689: {  	v24 =	vld [tilespmem:s24+$0x60];
	v33 =	vmul.f32 $1.442695020e+00, v11;
	v11 =	vmul.f32 v4, v46  }
0x68a: {  	v20 =	vadd.f32 v49, v20;
	v7 =	vmul.f32 v4, v47;
	v46 =	vld [tilespmem:s24+$0x30];
	v21 =	vmul.f32 v27, v52  }
0x68b: {  	v51 =	vmovc v26;
	v52 =	vmovc v60;
	v47 =	vld [tilespmem:s24+$0x20];
	v58 =	vsub.f32 $0.0e+00, v13;
	v13 =	vmul.f32 v4, v50;
	v36 =	vmul.f32 $1.442695020e+00, v10  }
0x68c: {  	s5 =	sadd.s32 $0x2, s5;
	v10 =	vmul.f32 v4, v45;
	v45 =	vld [tilespmem:s24+$0x40];
	v55 =	vsub.f32 $0.0e+00, v22;
	v22 =	vmul.f32 v27, v53;
	v53 =	vmovc v61;
	v61 =	vmovc v63  }
0x68d: {  	(erf) = vpow2.f32 v17  }
0x68e: {  	v17 =	vld [tilespmem:s24+$0x10];
	(erf) = vpow2.f32 v18  }
0x68f: {  	v18 =	vld [tilespmem:s24+$0x0];
	(erf) = vpow2.f32 v16;
	v16 =	vadd.f32 v24, v39  }
0x690: {  	v24 =	vadd.f32 v25, v41;
	v25 =	vadd.f32 v46, v38;
	v46 =	vld [tilespmem:$0x1FF50]  }
0x691: {  	v3 =	vadd.f32 v47, v3;
	v47 =	vld [tilespmem:$0x1FFC0]  }
0x692: {  	(erf) = vpow2.f32 v14;
	v14 =	vadd.f32 v45, v35;
	v35 =	vld [tilespmem:$0x1FF20]  }
0x693: {  	(erf) = vpow2.f32 v12;
	v41 =	vadd.f32 v16, v22;
	v16 =	vadd.f32 v24, v21;
	v24 =	vld [tilespmem:$0x1FFD0]  }
0x694: {  	(erf) = vpow2.f32 v5  }
0x695: {  	v12 =	vadd.f32 v17, v37;
	v2 =	vadd.f32 v18, v2;
	(erf) = vpow2.f32 v9  }
0x696: {  	v9 =	vadd.f32 v20, v19;
	v14 =	vadd.f32 v14, v23;
	(erf) = vpow2.f32 v8  }
0x697: {  	v5 =	vadd.f32 v41, v10;
	v48 =	vmul.f32 v27, v46;
	v17 =	vmul.f32 v27, v47  }
0x698: {  	v7 =	vadd.f32 v16, v7;
	v8 =	vmul.f32 v27, v35;
	v18 =	vmul.f32 v27, v24;
	v27 =	vld [tilespmem:$0x1FEE0]  }
0x699: {  	v9 =	vadd.f32 v9, v11;
	v11 =	vadd.f32 v14, v15  }
0x69a: {  	(erf) = vpow2.f32 v6;
	v5 =	vsub.f32 $0.0e+00, v5;
	v49 =	vadd.f32 v25, v8;
	v25 =	vld [tilespmem:$0x1FFB0]  }
0x69b: {  	v7 =	vsub.f32 $0.0e+00, v7;
	(erf) = vpow2.f32 v32;
	v32 =	vld [tilespmem:$0x1FED0];
	v8 =	vadd.f32 v12, v17;
	v12 =	vpop (erf)  }
0x69c: {  	v3 =	vadd.f32 v3, v48;
	(erf) = vpow2.f32 v42;
	v5 =	vmul.f32 $1.442695020e+00, v5;
	v10 =	vpop (erf)  }
0x69d: {  	v9 =	vsub.f32 $0.0e+00, v9;
	(erf) = vpow2.f32 v40;
	v15 =	vpop (erf);
	v16 =	vmul.f32 v4, v27  }
0x69e: {  	v7 =	vmul.f32 $1.442695020e+00, v7;
	(erf) = vpow2.f32 v36;
	v6 =	vadd.f32 v49, v13;
	v13 =	vpop (erf)  }
0x69f: {  	v2 =	vadd.f32 v2, v18;
	v9 =	vmul.f32 $1.442695020e+00, v9;
	v17 =	vpop (erf);
	v50 =	vmul.f32 v4, v25  }
0x6a0: {  	v63 =	vsub.f32 $0.0e+00, v11;
	(erf) = vpow2.f32 v34;
	v14 =	vmul.f32 v4, v32;
	v60 =	vpop (erf)  }
0x6a1: {  	(erf) = vpow2.f32 v33;
	v8 =	vadd.f32 v8, v16;
	v16 =	vpop (erf);
	v2 =	vadd.f32 v2, v50  }
0x6a2: {  	v6 =	vsub.f32 $0.0e+00, v6;
	(erf) = vpow2.f32 v9;
	v14 =	vadd.f32 v3, v14;
	v11 =	vpop (erf)  }
0x6a3: {  	v4 =	vmul.f32 $1.442695020e+00, v63;
	(erf) = vpow2.f32 v5;
	v9 =	vpop (erf);
	v2 =	vsub.f32 $0.0e+00, v2  }
0x6a4: {  	v6 =	vmul.f32 $1.442695020e+00, v6;
	v14 =	vsub.f32 $0.0e+00, v14;
	(erf) = vpow2.f32 v7;
	v33 =	vpop (erf)  }
0x6a5: {  	v8 =	vsub.f32 $0.0e+00, v8;
	(erf) = vpow2.f32 v4;
	v34 =	vpop (erf);
	v2 =	vmul.f32 $1.442695020e+00, v2  }
0x6a6: {  	v14 =	vmul.f32 $1.442695020e+00, v14;
	(erf) = vpow2.f32 v6;
	v36 =	vpop (erf)  }
0x6a7: {  	v10 =	vadd.f32 $1.000000000e+00, v10;
	v8 =	vmul.f32 $1.442695020e+00, v8;
	v37 =	vpop (erf);
	(erf) = vpow2.f32 v2  }
0x6a8: {  	v38 =	vadd.f32 $1.000000000e+00, v12;
	v15 =	vadd.f32 $1.000000000e+00, v15;
	v18 =	vpop (erf);
	(erf) = vpow2.f32 v14  }
0x6a9: {  	v13 =	vadd.f32 $1.000000000e+00, v13;
	v12 =	vpop (erf);
	(erf) = vpow2.f32 v8  }
0x6aa: {  	v17 =	vadd.f32 $1.000000000e+00, v17;
	v14 =	vpop (erf);
	(erf) = vrcp.f32 v38  }
0x6ab: {  	v16 =	vadd.f32 $1.000000000e+00, v16;
	(erf) = vrcp.f32 v10;
	v10 =	vpop (erf)  }
0x6ac: {  	v9 =	vadd.f32 $1.000000000e+00, v9;
	(erf) = vrcp.f32 v15;
	v15 =	vpop (erf)  }
0x6ad: {  	(erf) = vrcp.f32 v13;
	v13 =	vpop (erf)  }
0x6ae: {  	(erf) = vrcp.f32 v17;
	v17 =	vpop (erf)  }
0x6af: {  	v39 =	vld [tilespmem:s24+$0xFFFFFF90];
	v7 =	vadd.f32 $1.000000000e+00, v34;
	(erf) = vrcp.f32 v16;
	v16 =	vpop (erf)  }
0x6b0: {  	v20 =	vld [tilespmem:$0x1F6C0];
	v6 =	vadd.f32 $1.000000000e+00, v37;
	(erf) = vrcp.f32 v9;
	v9 =	vpop (erf)  }
0x6b1: {  	v8 =	vld [tilespmem:s24+$0xFFFFFF80];
	v9 =	vadd.f32 $1.000000000e+00, v9;
	(erf) = vrcp.f32 v7  }
0x6b2: {  	v19 =	vld [tilespmem:s24+$0xFFFFFFA0];
	v40 =	vpop (erf);
	(erf) = vrcp.f32 v6  }
0x6b3: {  	v12 =	vadd.f32 $1.000000000e+00, v12;
	v41 =	vpop (erf);
	(erf) = vrcp.f32 v9;
	v9 =	vld [tilespmem:$0x1F6B0]  }
0x6b4: {  	v6 =	vadd.f32 $1.000000000e+00, v41  }
0x6b5: {  	v14 =	vadd.f32 $1.000000000e+00, v14;
	v26 =	vpop (erf);
	(erf) = vrcp.f32 v12  }
0x6b6: {  	v2 =	vadd.f32 v39, v20;
	v20 =	vld [tilespmem:s24+$0xFFFFFFB0];
	v8 =	vadd.f32 v8, v28;
	v28 =	vpop (erf);
	(erf) = vrcp.f32 v6  }
0x6b7: {  	v16 =	vadd.f32 $1.000000000e+00, v16;
	v42 =	vpop (erf);
	(erf) = vrcp.f32 v14;
	v14 =	vld [tilespmem:$0x1F6A0]  }
0x6b8: {  	v7 =	vadd.f32 $1.000000000e+00, v40;
	v9 =	vadd.f32 v19, v9  }
0x6b9: {  	v2 =	vadd.f32 v2, v30  }
0x6ba: {  	v18 =	vadd.f32 $1.000000000e+00, v18;
	v9 =	vadd.f32 v9, v43;
	v43 =	vpop (erf);
	(erf) = vrcp.f32 v7  }
0x6bb: {  	v12 =	vadd.f32 v2, v44;
	v19 =	vld [tilespmem:s24+$0xFFFFFFC0];
	v44 =	vpop (erf);
	(erf) = vrcp.f32 v16  }
0x6bc: {  	v14 =	vadd.f32 v20, v14;
	v16 =	vpop (erf);
	(erf) = vrcp.f32 v18;
	v18 =	vld [tilespmem:$0x1F690]  }
0x6bd: {  	v20 =	vld [tilespmem:$0x1F6E0];
	v0 =	vadd.f32 v9, v0;
	v9 =	vadd.f32 $1.000000000e+00, v17;
	_ =	sdelay $0x2  }
0x6be: {  	s5 =	sadd.s32 $0x100, s25;
	v1 =	vadd.f32 v14, v1;
	v17 =	vpop (erf)  }
0x6bf: {  	(erf) = vrcp.f32 v9;
	v9 =	vpop (erf);
	v18 =	vadd.f32 v19, v18;
	v19 =	vld [tilespmem:s5+$0x0]  }
0x6c0: {  	v1 =	vadd.f32 v1, v20;
	v20 =	vpop (erf)  }
0x6c1: {  	v4 =	vadd.f32 $1.000000000e+00, v36;
	v21 =	vpop (erf)  }
0x6c2: {  	v45 =	vld [tilespmem:$0x1F700];
	v8 =	vadd.f32 v8, v31;
	v21 =	vadd.f32 $-5.000000000e-01, v21  }
0x6c3: {  	v3 =	vadd.f32 $1.000000000e+00, v60;
	v13 =	vadd.f32 $1.000000000e+00, v13  }
0x6c4: {  	v8 =	vadd.f32 v8, v29;
	(erf) = vrcp.f32 v4;
	v19 =	vmul.f32 v21, v19;
	v21 =	vld [tilespmem:$0x1F6D0]  }
0x6c5: {  	v11 =	vadd.f32 $1.000000000e+00, v11;
	v5 =	vadd.f32 $1.000000000e+00, v33;
	(erf) = vrcp.f32 v13;
	v13 =	vld [tilespmem:s24+$0xFFFFFFE0]  }
0x6c6: {  	v15 =	vadd.f32 $1.000000000e+00, v15;
	v8 =	vsub.f32 $0.0e+00, v8;
	v14 =	vld [tilespmem:s24+$0xFFFFFFD0]  }
0x6c7: {  	v12 =	vsub.f32 $0.0e+00, v12;
	v4 =	vadd.f32 v18, v45  }
0x6c8: {  	v10 =	vadd.f32 $1.000000000e+00, v10;
	v8 =	vmul.f32 $1.442695020e+00, v8;
	v0 =	vsub.f32 $0.0e+00, v0;
	v18 =	vld [tilespmem:s5+$0x10]  }
0x6c9: {  	v12 =	vmul.f32 $1.442695020e+00, v12;
	(erf) = vrcp.f32 v5;
	v48 =	vpop (erf);
	v4 =	vadd.f32 v4, v21;
	v21 =	vld [tilespmem:$0x1F6F0]  }
0x6ca: {  	v22 =	vld [tilespmem:s5+$0x20];
	v0 =	vmul.f32 $1.442695020e+00, v0;
	(erf) = vrcp.f32 v15;
	v15 =	vpop (erf);
	v13 =	vadd.f32 v13, v61  }
0x6cb: {  	v14 =	vadd.f32 v14, v62;
	(erf) = vrcp.f32 v11;
	v15 =	vadd.f32 $-5.000000000e-01, v15;
	v11 =	vpop (erf)  }
0x6cc: {  	v1 =	vsub.f32 $0.0e+00, v1;
	(erf) = vrcp.f32 v10;
	v10 =	vpop (erf);
	v13 =	vadd.f32 v13, v57  }
0x6cd: {  	v10 =	vadd.f32 $-5.000000000e-01, v10;
	v15 =	vmul.f32 v15, v18;
	v5 =	vmul.f32 v19, v48  }
0x6ce: {  	v18 =	vld [tilespmem:s5+$0x30];
	v11 =	vmul.f32 v19, v11;
	v13 =	vadd.f32 v13, v53;
	v14 =	vadd.f32 v14, v21;
	v21 =	vpop (erf)  }
0x6cf: {  	v49 =	vld [tilespmem:s5+$0x40];
	v10 =	vmul.f32 v10, v22;
	v5 =	vadd.f32 $0.0e+00, v5;
	v20 =	vmul.f32 v15, v20;
	v22 =	vpop (erf)  }
0x6d0: {  	v1 =	vmul.f32 $1.442695020e+00, v1;
	v13 =	vsub.f32 $0.0e+00, v13;
	v19 =	vadd.f32 $-5.000000000e-01, v21;
	v21 =	vpop (erf)  }
0x6d1: {  	v11 =	vadd.f32 $0.0e+00, v11;
	v9 =	vmul.f32 v10, v9;
	v21 =	vadd.f32 $-5.000000000e-01, v21  }
0x6d2: {  	v5 =	vadd.f32 v20, v5;
	v13 =	vmul.f32 $1.442695020e+00, v13;
	(erf) = vrcp.f32 v3  }
0x6d3: {  	v4 =	vsub.f32 $0.0e+00, v4;
	v15 =	vmul.f32 v15, v22;
	v22 =	vld [tilespmem:s5+$0x50];
	v20 =	vpop (erf);
	v18 =	vmul.f32 v19, v18  }
0x6d4: {  	v50 =	vld [tilespmem:s23+$0xFFFFFFA0];
	v5 =	vadd.f32 v9, v5;
	v19 =	vpop (erf);
	v3 =	vmul.f32 v21, v49;
	(erf) = vpow2.f32 v8  }
0x6d5: {  	v11 =	vadd.f32 v15, v11;
	v15 =	vmul.f32 v18, v17;
	v21 =	vpop (erf);
	(erf) = vpow2.f32 v12;
	v12 =	vld [tilespmem:$0x1F710]  }
0x6d6: {  	v4 =	vmul.f32 $1.442695020e+00, v4;
	v10 =	vmul.f32 v10, v20;
	v19 =	vadd.f32 $-5.000000000e-01, v19  }
0x6d7: {  	v8 =	vld [tilespmem:s23+$0xFFFFFF20];
	v16 =	vmul.f32 v3, v16;
	v5 =	vadd.f32 v15, v5;
	v15 =	vmul.f32 $1.442695020e+00, v59  }
0x6d8: {  	v20 =	vld [tilespmem:s5+$0x60];
	v10 =	vadd.f32 v10, v11;
	v17 =	vmul.f32 v18, v21;
	v18 =	vpop (erf);
	v19 =	vmul.f32 v19, v22  }
0x6d9: {  	v11 =	vld [tilespmem:s24+$0xFFFFFFF0];
	(erf) = vpow2.f32 v0;
	v0 =	vsub.f32 $0.0e+00, v50;
	v18 =	vadd.f32 $-5.000000000e-01, v18;
	v21 =	vpop (erf)  }
0x6da: {  	v5 =	vadd.f32 v16, v5;
	v3 =	vmul.f32 v3, v21;
	v12 =	vmul.f32 $1.442695020e+00, v12  }
0x6db: {  	v7 =	vmul.f32 v19, v44;
	v10 =	vadd.f32 v17, v10;
	v17 =	vmul.f32 $1.442695020e+00, v58  }
0x6dc: {  	v59 =	vld [tilespmem:s23+$0xFFFFFF30];
	v21 =	vpop (erf);
	v8 =	vsub.f32 $0.0e+00, v8;
	v0 =	vmul.f32 $1.442695020e+00, v0;
	(erf) = vpow2.f32 v12  }
0x6dd: {  	v12 =	vadd.f32 v14, v56;
	v14 =	vld [tilespmem:s23+$0xFFFFFFB0];
	(erf) = vpow2.f32 v15;
	v15 =	vmul.f32 $1.442695020e+00, v55  }
0x6de: {  	v18 =	vmul.f32 v18, v20;
	v20 =	vpop (erf);
	v11 =	vadd.f32 v11, v51;
	(erf) = vpow2.f32 v1  }
0x6df: {  	v21 =	vadd.f32 $-5.000000000e-01, v21;
	v9 =	vmul.f32 v19, v20;
	(erf) = vpow2.f32 v15;
	v15 =	vld [tilespmem:s23+$0xFFFFFF40]  }
0x6e0: {  	v63 =	vld [tilespmem:s5+$0x70];
	v8 =	vmul.f32 $1.442695020e+00, v8;
	v12 =	vsub.f32 $0.0e+00, v12;
	(erf) = vpow2.f32 v17  }
0x6e1: {  	v6 =	vmul.f32 v18, v42;
	v1 =	vsub.f32 $0.0e+00, v59;
	v17 =	vld [tilespmem:s23+$0xFFFFFFC0];
	(erf) = vpow2.f32 v4  }
0x6e2: {  	v12 =	vmul.f32 $1.442695020e+00, v12;
	v14 =	vsub.f32 $0.0e+00, v14;
	(erf) = vpow2.f32 v8  }
0x6e3: {  	v61 =	vld [tilespmem:s23+$0xFFFFFF50];
	v11 =	vadd.f32 v11, v54;
	v60 =	vpop (erf);
	v1 =	vmul.f32 $1.442695020e+00, v1;
	(erf) = vpow2.f32 v0  }
0x6e4: {  	v8 =	vpop (erf);
	v14 =	vmul.f32 $1.442695020e+00, v14;
	(erf) = vpow2.f32 v12;
	v12 =	vld [tilespmem:s23+$0xFFFFFFD0];
	v15 =	vsub.f32 $0.0e+00, v15  }
0x6e5: {  	v11 =	vadd.f32 v11, v52;
	v4 =	vadd.f32 $1.000000000e+00, v60;
	v19 =	vpop (erf);
	(erf) = vpow2.f32 v1  }
0x6e6: {  	v34 =	vmul.f32 v21, v63;
	v20 =	vpop (erf);
	v62 =	vsub.f32 $0.0e+00, v17;
	(erf) = vpow2.f32 v14  }
0x6e7: {  	v11 =	vsub.f32 $0.0e+00, v11;
	v17 =	vpop (erf);
	v14 =	vmul.f32 $1.442695020e+00, v15;
	(erf) = vrcp.f32 v4  }
0x6e8: {  	v8 =	vadd.f32 $1.000000000e+00, v8;
	v1 =	vmul.f32 $1.442695020e+00, v62;
	v15 =	vpop (erf);
	(erf) = vpow2.f32 v13;
	v13 =	vld [tilespmem:s23+$0xFFFFFF60]  }
0x6e9: {  	v0 =	vsub.f32 $0.0e+00, v61;
	v16 =	vpop (erf);
	(erf) = vpow2.f32 v14;
	v14 =	vld [tilespmem:s23+$0xFFFFFFE0];
	v12 =	vsub.f32 $0.0e+00, v12  }
0x6ea: {  	v11 =	vmul.f32 $1.442695020e+00, v11;
	v22 =	vpop (erf);
	(erf) = vpow2.f32 v1  }
0x6eb: {  	v23 =	vmul.f32 $1.442695020e+00, v0;
	v33 =	vpop (erf);
	(erf) = vrcp.f32 v8  }
0x6ec: {  	v3 =	vadd.f32 v3, v10;
	v10 =	vmul.f32 $1.442695020e+00, v12;
	v8 =	vpop (erf);
	(erf) = vpow2.f32 v11  }
0x6ed: {  	v36 =	vadd.f32 $1.000000000e+00, v19;
	v19 =	vld [tilespmem:s23+$0xFFFFFF70];
	v12 =	vpop (erf);
	(erf) = vpow2.f32 v23;
	v13 =	vsub.f32 $0.0e+00, v13  }
0x6ee: {  	v20 =	vadd.f32 $1.000000000e+00, v20;
	v11 =	vpop (erf);
	(erf) = vpow2.f32 v10;
	v10 =	vld [tilespmem:s23+$0xFFFFFFF0];
	v14 =	vsub.f32 $0.0e+00, v14  }
0x6ef: {  	v2 =	vmul.f32 v18, v43;
	v17 =	vadd.f32 $1.000000000e+00, v17;
	v21 =	vpop (erf);
	(erf) = vrcp.f32 v36  }
0x6f0: {  	v3 =	vadd.f32 v9, v3;
	v38 =	vmul.f32 $1.442695020e+00, v13;
	v37 =	vpop (erf);
	(erf) = vrcp.f32 v20  }
0x6f1: {  	v15 =	vadd.f32 $1.000000000e+00, v15;
	v9 =	vmul.f32 $1.442695020e+00, v14;
	v13 =	vpop (erf);
	(erf) = vrcp.f32 v17  }
0x6f2: {  	v18 =	vsub.f32 $0.0e+00, v19;
	v16 =	vadd.f32 $1.000000000e+00, v16;
	v14 =	vpop (erf);
	(erf) = vpow2.f32 v38  }
0x6f3: {  	v17 =	vpop (erf);
	(erf) = vpow2.f32 v9;
	v10 =	vsub.f32 $0.0e+00, v10  }
0x6f4: {  	v39 =	vld [tilespmem:s5+$0xFFFFFF80];
	v40 =	vmul.f32 $1.442695020e+00, v18;
	v20 =	vadd.f32 $1.000000000e+00, v22;
	v19 =	vpop (erf);
	(erf) = vrcp.f32 v15  }
0x6f5: {  	v15 =	vpop (erf);
	(erf) = vrcp.f32 v16;
	v10 =	vmul.f32 $1.442695020e+00, v10  }
0x6f6: {  	v1 =	vadd.f32 $1.000000000e+00, v33;
	v9 =	vld [tilespmem:s5+$0xFFFFFF90];
	v16 =	vpop (erf);
	(erf) = vrcp.f32 v20  }
0x6f7: {  	v8 =	vadd.f32 $1.000000000e+00, v8;
	v13 =	vadd.f32 $-5.000000000e-01, v13;
	v18 =	vpop (erf);
	(erf) = vpow2.f32 v40  }
0x6f8: {  	v5 =	vadd.f32 v7, v5;
	v12 =	vadd.f32 $1.000000000e+00, v12;
	v41 =	vpop (erf);
	(erf) = vpow2.f32 v10  }
0x6f9: {  	v7 =	vmul.f32 v13, v39;
	v13 =	vld [tilespmem:s5+$0xFFFFFFA0];
	v15 =	vadd.f32 $-5.000000000e-01, v15;
	v10 =	vpop (erf);
	(erf) = vrcp.f32 v1  }
0x6fa: {  	v11 =	vadd.f32 $1.000000000e+00, v11;
	v4 =	vadd.f32 $1.000000000e+00, v37;
	v42 =	vpop (erf);
	(erf) = vrcp.f32 v8  }
0x6fb: {  	v9 =	vmul.f32 v15, v9;
	v15 =	vadd.f32 $1.000000000e+00, v21;
	v8 =	vpop (erf);
	(erf) = vrcp.f32 v12  }
0x6fc: {  	v10 =	vadd.f32 $-5.000000000e-01, v10;
	v12 =	vpop (erf);
	(erf) = vrcp.f32 v11;
	v11 =	vadd.f32 $1.000000000e+00, v14  }
0x6fd: {  	v1 =	vmul.f32 v7, v42;
	v7 =	vmul.f32 v7, v8;
	v14 =	vadd.f32 $1.000000000e+00, v17;
	v8 =	vpop (erf)  }
0x6fe: {  	v10 =	vmul.f32 v10, v13;
	(erf) = vrcp.f32 v15;
	v15 =	vadd.f32 $1.000000000e+00, v19;
	v13 =	vpop (erf)  }
0x6ff: {  	v16 =	vadd.f32 $1.000000000e+00, v16;
	(erf) = vrcp.f32 v4;
	v43 =	vpop (erf)  }
0x700: {  	v5 =	vadd.f32 v6, v5;
	(erf) = vrcp.f32 v11;
	v4 =	vmul.f32 v9, v43;
	v11 =	vpop (erf)  }
0x701: {  	v44 =	vadd.f32 $1.000000000e+00, v18;
	(erf) = vrcp.f32 v14;
	v9 =	vmul.f32 v9, v11;
	v11 =	vld [tilespmem:s5+$0xFFFFFFB0];
	v14 =	vpop (erf)  }
0x702: {  	v6 =	vadd.f32 $1.000000000e+00, v41;
	v13 =	vadd.f32 $-5.000000000e-01, v13;
	(erf) = vrcp.f32 v15;
	v15 =	vpop (erf)  }
0x703: {  	v7 =	vadd.f32 $0.0e+00, v7;
	v8 =	vadd.f32 $1.000000000e+00, v8;
	(erf) = vrcp.f32 v16;
	v16 =	vpop (erf)  }
0x704: {  	v1 =	vadd.f32 $0.0e+00, v1;
	v12 =	vadd.f32 $1.000000000e+00, v12;
	(erf) = vrcp.f32 v44;
	v45 =	vpop (erf)  }
0x705: {  	v14 =	vadd.f32 $1.000000000e+00, v14;
	v7 =	vadd.f32 v9, v7;
	(erf) = vrcp.f32 v6;
	v48 =	vpop (erf)  }
0x706: {  	v9 =	vld [tilespmem:s5+$0xFFFFFFC0];
	v15 =	vadd.f32 $1.000000000e+00, v15;
	(erf) = vrcp.f32 v12;
	v11 =	vmul.f32 v13, v11;
	v13 =	vpop (erf)  }
0x707: {  	(erf) = vrcp.f32 v8;
	v8 =	vpop (erf)  }
0x708: {  	v1 =	vadd.f32 v4, v1;
	v12 =	vld [tilespmem:s5+$0xFFFFFFD0];
	v4 =	vmul.f32 v10, v45;
	v8 =	vmul.f32 v11, v8  }
0x709: {  	v6 =	vmul.f32 v10, v48;
	v10 =	vadd.f32 $-5.000000000e-01, v16;
	(erf) = vrcp.f32 v14;
	v14 =	vpop (erf)  }
0x70a: {  	v1 =	vadd.f32 v4, v1;
	(erf) = vrcp.f32 v15;
	v15 =	vpop (erf)  }
0x70b: {  	v9 =	vmul.f32 v10, v9;
	v10 =	vadd.f32 $-5.000000000e-01, v13;
	v13 =	vpop (erf)  }
0x70c: {  	v49 =	vld [tilespmem:s5+$0xFFFFFFE0];
	v1 =	vadd.f32 v8, v1;
	v8 =	vpop (erf)  }
0x70d: {  	v50 =	vld [tilespmem:s5+$0xFFFFFFF0];
	v51 =	vmul.f32 v11, v14;
	v11 =	vadd.f32 $-5.000000000e-01, v15;
	v10 =	vmul.f32 v10, v12;
	v12 =	vpop (erf)  }
0x70e: {  	v52 =	vmul.f32 v9, v8;
	v8 =	vadd.f32 $-5.000000000e-01, v12;
	_ =	sdelay $0x1  }
0x70f: {  	v6 =	vadd.f32 v6, v7;
	v13 =	vmul.f32 v9, v13;
	v9 =	vpop (erf)  }
0x710: {  	v4 =	vmul.f32 v11, v49;
	v9 =	vmul.f32 v10, v9;
	v11 =	vpop (erf)  }
0x711: {  	v2 =	vadd.f32 v2, v3;
	v6 =	vadd.f32 v51, v6;
	v3 =	vmul.f32 v8, v50;
	v8 =	vpop (erf)  }
0x712: {  	v1 =	vadd.f32 v13, v1;
	v8 =	vmul.f32 v4, v8  }
0x713: {  	v6 =	vadd.f32 v52, v6;
	v53 =	vmul.f32 v10, v11  }
0x714: {  	v10 =	vmul.f32 v34, v26;
	v1 =	vadd.f32 v9, v1;
	v9 =	vpop (erf)  }
0x715: {  	v0 =	vmul.f32 v34, v28;
	v6 =	vadd.f32 v53, v6;
	v4 =	vmul.f32 v4, v9;
	v54 =	vpop (erf)  }
0x716: {  	v5 =	vadd.f32 v10, v5;
	v1 =	vadd.f32 v8, v1;
	v7 =	vmul.f32 v3, v54;
	v8 =	vpop (erf)  }
0x717: {  	s24 =	sadd.s32 $0x30, s8;
	v0 =	vadd.f32 v0, v2;
	v55 =	vadd.f32 v4, v6;
	v3 =	vmul.f32 v3, v8  }
0x718: {  	s25 =	sadd.s32 $0x30, s15;
	[tilespmem:s24+$0x0] =	vst v5;
	v1 =	vadd.f32 v7, v1  }
0x719: {  	[tilespmem:s25+$0x0] =	vst v0;
	v56 =	vadd.f32 v3, v55  }
0x71a: {  	[tilespmem:s24+$0xFFFFFFE8] =	vst v1  }
0x71b: {  	[tilespmem:s25+$0xFFFFFFE8] =	vst v56  }
0x71c: {  	v8 =	vld [tilespmem:$0x1F720]  }
0x71d: {  	v9 =	vld [tilespmem:$0x1F730]  }
0x71e: {  	v10 =	vld [tilespmem:$0x1F740]  }
0x71f: {  	v29 =	vld [tilespmem:$0x1F750]  }
0x720: {  	v30 =	vld [tilespmem:$0x1F760]  }
0x721: {  	v31 =	vld [tilespmem:$0x1F770]  }
0x722: {  	v61 =	vld [tilespmem:$0x1F780]  }
0x723: {  	v33 =	vld [tilespmem:$0x1F790]  }
0x724: {  	v38 =	vld [tilespmem:$0x1F7A0]  }
0x725: {  	v49 =	vld [tilespmem:$0x1F7B0]  }
0x726: {  	v52 =	vld [tilespmem:$0x1F7C0]  }
0x727: {  	v55 =	vld [tilespmem:$0x1F7D0]  }
0x728: {  	v0 =	vld.idx.msk [tilespmem:v8+s19+$0x0], $0xffff  }
0x729: {  	v37 =	vld [tilespmem:$0x1F810]  }
0x72a: {  	v1 =	vld.idx.msk [tilespmem:v9+s19+$0x0], $0xffff  }
0x72b: {  	v57 =	vld.idx.msk [tilespmem:v10+s19+$0x0], $0xffff  }
0x72c: {  	v58 =	vld.idx.msk [tilespmem:v29+s19+$0x0], $0xffff  }
0x72d: {  	v59 =	vld.idx.msk [tilespmem:v30+s19+$0x0], $0xffff;
	v0 =	vadd.f32 $0.0e+00, v0  }
0x72e: {  	v60 =	vld.idx.msk [tilespmem:v31+s19+$0x0], $0xffff  }
0x72f: {  	v62 =	vld.idx.msk [tilespmem:v61+s19+$0x0], $0xffff;
	v0 =	vadd.f32 v1, v0  }
0x730: {  	v63 =	vld.idx.msk [tilespmem:v8+s4+$0x0], $0xffff  }
0x731: {  	v43 =	vld.idx.msk [tilespmem:v33+s19+$0x0], $0xffff;
	v0 =	vadd.f32 v57, v0  }
0x732: {  	v5 =	vld.idx.msk [tilespmem:v9+s4+$0x0], $0xffff  }
0x733: {  	v44 =	vld.idx.msk [tilespmem:v38+s19+$0x0], $0xffff;
	v0 =	vadd.f32 v58, v0  }
0x734: {  	v45 =	vld.idx.msk [tilespmem:v10+s4+$0x0], $0xffff  }
0x735: {  	v50 =	vld.idx.msk [tilespmem:v49+s19+$0x0], $0xffff;
	v0 =	vadd.f32 v59, v0  }
0x736: {  	v51 =	vld.idx.msk [tilespmem:v29+s4+$0x0], $0xffff  }
0x737: {  	v53 =	vld.idx.msk [tilespmem:v52+s19+$0x0], $0xffff;
	v0 =	vadd.f32 v60, v0  }
0x738: {  	v58 =	vld [tilespmem:$0x1F7E0]  }
0x739: {  	v60 =	vld.idx.msk [tilespmem:v61+s4+$0x0], $0xffff;
	v0 =	vadd.f32 v62, v0  }
0x73a: {  	v48 =	vadd.f32 $0.0e+00, v63;
	v61 =	vld [tilespmem:$0x1F7F0]  }
0x73b: {  	v63 =	vld.idx.msk [tilespmem:v33+s4+$0x0], $0xffff;
	v0 =	vadd.f32 v43, v0  }
0x73c: {  	v33 =	vld [tilespmem:$0x1F800];
	v3 =	vadd.f32 v5, v48  }
0x73d: {  	v54 =	vld.idx.msk [tilespmem:v30+s4+$0x0], $0xffff;
	v0 =	vadd.f32 v44, v0  }
0x73e: {  	v56 =	vld.idx.msk [tilespmem:v55+s19+$0x0], $0xffff;
	v3 =	vadd.f32 v45, v3  }
0x73f: {  	v57 =	vld.idx.msk [tilespmem:v31+s4+$0x0], $0xffff;
	v0 =	vadd.f32 v50, v0  }
0x740: {  	v1 =	vadd.f32 v51, v3;
	v59 =	vld.idx.msk [tilespmem:v58+s19+$0x0], $0xffff  }
0x741: {  	v0 =	vadd.f32 v53, v0  }
0x742: {  	v1 =	vadd.f32 v54, v1;
	v62 =	vld.idx.msk [tilespmem:v61+s19+$0x0], $0xffff  }
0x743: {  	v0 =	vadd.f32 v56, v0  }
0x744: {  	v34 =	vld.idx.msk [tilespmem:v33+s19+$0x0], $0xffff;
	v1 =	vadd.f32 v57, v1  }
0x745: {  	v36 =	vld.idx.msk [tilespmem:v38+s4+$0x0], $0xffff;
	v0 =	vadd.f32 v59, v0  }
0x746: {  	v38 =	vld.idx.msk [tilespmem:v37+s19+$0x0], $0xffff;
	v1 =	vadd.f32 v60, v1  }
0x747: {  	v39 =	vld.idx.msk [tilespmem:v49+s4+$0x0], $0xffff;
	v0 =	vadd.f32 v62, v0  }
0x748: {  	v1 =	vadd.f32 v63, v1  }
0x749: {  	v40 =	vld.idx.msk [tilespmem:v52+s4+$0x0], $0xffff;
	v0 =	vadd.f32 v34, v0  }
0x74a: {  	v1 =	vadd.f32 v36, v1  }
0x74b: {  	v41 =	vld.idx.msk [tilespmem:v55+s4+$0x0], $0xffff;
	v0 =	vadd.f32 v38, v0  }
0x74c: {  	v1 =	vadd.f32 v39, v1  }
0x74d: {  	v42 =	vld.idx.msk [tilespmem:v58+s4+$0x0], $0xffff;
	v0 =	vmul.f32 $1.999999960e-02, v0  }
0x74e: {  	v1 =	vadd.f32 v40, v1  }
0x74f: {  	v43 =	vld.idx.msk [tilespmem:v61+s4+$0x0], $0xffff;
	v0 =	vsub.f32 $0.0e+00, v0  }
0x750: {  	v1 =	vadd.f32 v41, v1  }
0x751: {  	v48 =	vld.idx.msk [tilespmem:v33+s4+$0x0], $0xffff;
	v0 =	vmul.f32 $1.442695020e+00, v0  }
0x752: {  	v1 =	vadd.f32 v42, v1  }
0x753: {  	v49 =	vld.idx.msk [tilespmem:v37+s4+$0x0], $0xffff;
	(erf) = vpow2.f32 v0  }
0x754: {  	v1 =	vadd.f32 v43, v1;
	_ =	sdelay $0x1  }
0x755: {  	v1 =	vadd.f32 v48, v1;
	_ =	sdelay $0x1  }
0x756: {  	v0 =	vadd.f32 v49, v1  }
0x757: {  	v51 =	vld [tilespmem:$0x1F5F0]  }
0x758: {  	v52 =	vld [tilespmem:$0x1F5E0];
	v0 =	vmul.f32 $1.999999960e-02, v0;
	_ =	sdelay $0x1  }
0x759: {  	v0 =	vsub.f32 $0.0e+00, v0;
	v50 =	vpop (erf)  }
0x75a: {  	v1 =	vadd.f32 $1.000000000e+00, v50  }
0x75b: {  	v2 =	vand.u32 $0x7, v51;
	v0 =	vmul.f32 $1.442695020e+00, v0  }
0x75c: {  	(erf) = vrcp.f32 v1;
	v1 =	vor.u32 v52, v2  }
0x75d: {  	(erf) = vpow2.f32 v0;
	_ =	sdelay $0x3  }
0x75e: {  	v53 =	vld.idx.msk [tilespmem:v1+s2+$0x0], $0xffff;
	_ =	sdelay $0x3  }
0x75f: {  	v54 =	vpop (erf)  }
0x760: {  	v55 =	vpop (erf);
	v0 =	vsub.f32 $0.0e+00, v53  }
0x761: {  	v3 =	vadd.f32 $1.000000000e+00, v55  }
0x762: {  	v0 =	vmul.f32 $1.442695020e+00, v0  }
0x763: {  	(erf) = vrcp.f32 v3  }
0x764: {  	(erf) = vpow2.f32 v0;
	_ =	sdelay $0x3  }
0x765: {  	v56 =	vld.idx.msk [tilespmem:v1+s3+$0x0], $0xffff;
	_ =	sdelay $0x3  }
0x766: {  	v3 =	vpop (erf)  }
0x767: {  	v0 =	vsub.f32 $0.0e+00, v56;
	v57 =	vpop (erf)  }
0x768: {  	v4 =	vadd.f32 $1.000000000e+00, v57  }
0x769: {  	v0 =	vmul.f32 $1.442695020e+00, v0  }
0x76a: {  	(erf) = vrcp.f32 v4  }
0x76b: {  	(erf) = vpow2.f32 v0  }
0x76c: {  	v58 =	vld.idx.msk [tilespmem:v1+s7+$0x0], $0xffff  }
0x76d: {  	v1 =	vld.idx.msk [tilespmem:v1+s21+$0x0], $0xffff;
	_ =	sdelay $0x4  }
0x76e: {  	v0 =	vsub.f32 v1, v58  }
0x76f: {  	v59 =	vpop (erf)  }
0x770: {  	v0 =	vadd.f32 $0.0e+00, v0;
	v60 =	vpop (erf)  }
0x771: {  	v4 =	vadd.f32 $1.000000000e+00, v60  }
0x772: {  	v0 =	vmul.f32 $1.442695020e+00, v0  }
0x773: {  	(erf) = vrcp.f32 v4  }
0x774: {  	(erf) = vpow2.f32 v0;
	_ =	sdelay $0x7  }
0x775: {  	v61 =	vpop (erf)  }
0x776: {  	v62 =	vpop (erf)  }
0x777: {  	v11 =	vld [tilespmem:$0x1FF10];
	v1 =	vmul.f32 $4.000000060e-01, v59;
	v4 =	vadd.f32 $1.000000000e+00, v62  }
0x778: {  	v12 =	vld [tilespmem:$0x1FF30]  }
0x779: {  	v13 =	vld [tilespmem:$0x1FF40];
	v1 =	vsub.f32 $1.000000000e+00, v1;
	v0 =	vmul.f32 $4.000000060e-01, v61;
	(erf) = vrcp.f32 v4  }
0x77a: {  	v14 =	vld [tilespmem:$0x1FF60]  }
0x77b: {  	v17 =	vld [tilespmem:$0x1FF70];
	v1 =	vsub.f32 v1, v0  }
0x77c: {  	v18 =	vld [tilespmem:$0x1FF80]  }
0x77d: {  	v19 =	vld [tilespmem:$0x1FF90];
	v2 =	vmul.f32 v1, v54;
	v1 =	vmul.f32 v1, v3  }
0x77e: {  	v20 =	vld [tilespmem:$0x1FFA0]  }
0x77f: {  	v16 =	vmov v35;
	v35 =	vld [tilespmem:$0x1FEF0];
	v2 =	vadd.f32 v2, v0;
	v0 =	vadd.f32 v1, v0  }
0x780: {  	v21 =	vmov v27;
	v27 =	vld [tilespmem:$0x1FEC0]  }
0x781: {  	s13 =	sadd.s32 $0x1, s13;
	v26 =	vld [tilespmem:$0x1FEA0];
	v1 =	vsub.f32 v2, v0  }
0x782: {  	p0 =	sne.s32 s13, $0x4;
	v28 =	vld [tilespmem:$0x1FEB0];
	v63 =	vpop (erf)  }
.Ltmp3:
0x783: {  	v33 =	vld [tilespmem:$0x1FE90];
	v1 =	vmul.f32 v1, v63;
	(pc) =	sbr.rel @p0 .LBB2_7-.Ltmp3, $4  }
0x784: {  	v36 =	vld [tilespmem:$0x1FF00]  }
0x785: {  	v48 =	vld [tilespmem:$0x1FE70];
	v0 =	vadd.f32 v1, v0  }
0x786: {  	v49 =	vld [tilespmem:$0x1FFE0]  }
0x787: {  	s9 =	sadd.s32 $0x800, s9;
	s10 =	sadd.s32 $0x800, s10;
	s11 =	sadd.s32 $0x1000, s11;
	v23 =	vmovc v47;
	v22 =	vmov v32;
	v15 =	vmov v46;
	v51 =	vmov v25;
	v50 =	vld [tilespmem:$0x1FE80];
	[tilespmem:s14+$0x11E40] =	vst v0  }
0x788: {  	s0 =	rddreg [dreg:$0x6]  }
0x789: {  	s5 =	rddreg [dreg:$0x17];
	s24 =	simm.s32 $0x0  }
0x78a: {  	s8 =	simm.s32 $0x11E40;
	s10 =	simm.s32 $0x3;
	s0 =	sadd.s32 s0, s5  }
0x78b: {  	[hbm4b:s0+s24] =	stream.linear.scatter [tilespmem:s8], [sflag:$0x3], $0x40, $0x38;
	[tilespmem:$0x12390] =	vst v63  }
0x78c: {  	_ =	swait.ge [sflag:s10], $0x40  }
0x78d: {  	s25 =	rddreg [dreg:$0x16]  }
0x78e: {  	s0 =	sadd.s32 $0x1, s25  }
0x78f: {  	p0 =	sne.s32 s0, $0x4  }
.Ltmp4:
0x790: {  	_ = 	snop;
	(pc) =	sbr.rel @p0 .LBB2_2-.Ltmp4, $3  }
0x791: {  	_ =	sdelay $0x1  }
0x792: {  	[sflag:s10] =	ssyncset.done $0x0  }
0x793: {  	[sflag:s10] =	ssyncadd.s32 $0xFFFFFFC0  }
0x794: {  	s5 =	rddreg [dreg:$0x15]  }
0x795: {  	s0 =	rddreg [dreg:$0x14];
	s5 =	sadd.s32 $0x1, s5  }
0x796: {  	p0 =	sne.s32 s5, s0  }
.Ltmp5:
0x797: {  	_ = 	snop;
	(pc) =	sbr.rel @p0 .LBB2_1-.Ltmp5, $1  }
0x798: {  	_ =	sdelay $0x3  }
0x799: {  	_ =	sfence.sel $0x180000  }
0x79a: {  	[bflag:$0x0] =	sbarrier.arrive $0xFFFF  }
0x79b: {  	_ =	strace $0x90000047  }
0x79c: {  	s0 =	stileid.u32;
	[bflag:$0x2] =	sbarrier.arrive $0xFFFF  }
0x79d: {  	p0 =	sne.s32 s0, $0x0;
	s0 =	rddreg [dreg:$0x7]  }
0x79e: {  	s0 =	sadd.s32 @!p0 $0x100000, s0  }
0x79f: {  	[sflag:s0] =	ssyncadd.tile.s32 @!p0 $0x1;
	_ =	shalt  }
.Lfunc_end2:
_tile_overlayer_lowered:
.L_overlay_start_2:
0x7a0: {  	(tag) =	ssettag $0x2  }
0x7a1: {  	s0 =	rddreg [dreg:$0x0];
	s2 =	stileid.u32  }
0x7a2: {  	s1 =	rddreg [dreg:$0x1];
	p0 =	sne.s32 s2, $0x0  }
0x7a3: {  	s3 =	rddreg [dreg:$0x2];
	[bflag:$0x3] =	sbarrier.arrive $0xFFFF;
	s2 =	simm.s32 @!p0 $0x1C03  }
0x7a4: {  	[timem:s3], [sflag:s2] =	dma.local @!p0 [hbm:s0], s1  }
0x7a5: {  	s0 =	simm.s32 @!p0 $0x3  }
0x7a6: {  	_ =	swait.ge @!p0 [sflag:s0], s1  }
0x7a7: {  	s1 =	ssub.s32 @!p0 $0x0, s1;
	[sflag:s0] =	ssyncset.done @!p0 $0x0  }
0x7a8: {  	[sflag:s0] =	ssyncadd.s32 @!p0 s1  }
0x7a9: {  	[bflag:$0x3] =	sbarrier.arrive $0xFFFF  }
0x7aa: {  	_ =	shalt  }

</sc_bundles>
